<compile_context>
chip_gen: v7x
topology: tpu7x:2x2x1
jax: 0.10.2.dev20260603
libtpu: 0.0.44.dev20260713+nightly
codegen_flags: <defaults>
</compile_context>

<pallas_src>
import functools

import jax
import jax.numpy as jnp
from jax import lax
from jax.experimental import pallas as pl
from jax.experimental.pallas import tpu as pltpu, tpu_sc as plsc

N = 10000
D = 128
H = 8
DH = 16
E = 320000
EPS = 1e-5

NC = 2
NS = 16
NW = NC * NS
CHUNK = 32
CPW = 316
EPAD = NW * CPW * CHUNK
NROWS = 10112
DROWS = 640
ACC_ROWS = NROWS + DROWS
RPT = ACC_ROWS // NS


def _qkv_body(h_ref, wq_ref, wk_ref, wv_ref, g_ref, b_ref,
              q_ref, k_ref, v_ref):
    x = h_ref[...]
    mean = jnp.mean(x, axis=0, keepdims=True)
    var = jnp.mean((x - mean) ** 2, axis=0, keepdims=True)
    hn = (x - mean) * lax.rsqrt(var + EPS) * g_ref[...] + b_ref[...]
    q_ref[...] = jnp.dot(hn, wq_ref[...], preferred_element_type=jnp.float32)
    k_ref[...] = jnp.dot(hn, wk_ref[...],
                         preferred_element_type=jnp.float32) * 0.25
    v_ref[...] = jnp.dot(hn, wv_ref[...], preferred_element_type=jnp.float32)


def _tail_body(acc_ref, den_ref, h_ref, exp_ref, wo_ref, bo_ref, g_ref, b_ref,
               w1_ref, b1_ref, w2_ref, b2_ref, out_ref):
    wvun = acc_ref[0, :N, :] + acc_ref[1, :N, :]
    den = den_ref[0, :N, :] + den_ref[1, :N, :]
    recip = 1.0 / (den + 1e-16)
    rep = jnp.dot(recip, exp_ref[...],
                  preferred_element_type=jnp.float32)
    wv = wvun * rep
    h2 = (jnp.dot(wv, wo_ref[...], preferred_element_type=jnp.float32)
          + bo_ref[...] + h_ref[...])
    mean = jnp.mean(h2, axis=0, keepdims=True)
    var = jnp.mean((h2 - mean) ** 2, axis=0, keepdims=True)
    h3n = (h2 - mean) * lax.rsqrt(var + EPS) * g_ref[...] + b_ref[...]
    hid = jnp.maximum(
        jnp.dot(h3n, w1_ref[...], preferred_element_type=jnp.float32)
        + b1_ref[...], 0.0)
    h3 = jnp.dot(hid, w2_ref[...], preferred_element_type=jnp.float32) \
        + b2_ref[...]
    out_ref[...] = h2 + h3


def _edge_kernel_body(k_hbm, q_hbm, v_hbm, src_hbm, dst_hbm, dst2_hbm,
                      zeros_hbm, out_hbm,
                      src_v0, dst_v0, dst2_v0, src_v1, dst_v1, dst2_v1,
                      kv0, qv0, vv0, kv1, qv1, vv1, ovc0, ovc1, sci0, sci1,
                      acc, isem0, isem1, gsem0, gsem1, ssem0, ssem1):
    c = lax.axis_index("c")
    s = lax.axis_index("s")
    wid = c * NS + s
    base = wid * (CPW * CHUNK)

    idxb = [(src_v0, dst_v0, dst2_v0, isem0),
            (src_v1, dst_v1, dst2_v1, isem1)]
    rowb = [(kv0, qv0, vv0, gsem0), (kv1, qv1, vv1, gsem1)]
    outb = [(ovc0, sci0, ssem0), (ovc1, sci1, ssem1)]

    lanes = lax.iota(jnp.int32, 16)
    zeros16 = jnp.zeros((16,), jnp.float32)
    ones16 = zeros16 + 1.0
    zi16 = jnp.zeros((16,), jnp.int32)
    onehot = [jnp.where(lanes == hh, ones16, zeros16) for hh in range(H)]

    pltpu.sync_copy(zeros_hbm, acc.at[pl.ds(s * RPT, RPT)])
    plsc.subcore_barrier()

    def fire_idx(ci, b):
        src_v, dst_v, dst2_v, isem = idxb[b]
        off = base + ci * CHUNK
        pltpu.async_copy(src_hbm.at[pl.ds(off, CHUNK)], src_v, isem)
        pltpu.async_copy(dst_hbm.at[pl.ds(off, CHUNK)], dst_v, isem)
        pltpu.async_copy(dst2_hbm.at[pl.ds(off, CHUNK)], dst2_v, isem)

    def wait_idx(b):
        src_v, dst_v, dst2_v, isem = idxb[b]
        pltpu.make_async_copy(src_hbm.at[pl.ds(0, CHUNK)], src_v, isem).wait()
        pltpu.make_async_copy(dst_hbm.at[pl.ds(0, CHUNK)], dst_v, isem).wait()
        pltpu.make_async_copy(dst2_hbm.at[pl.ds(0, CHUNK)], dst2_v,
                              isem).wait()

    def fire_gather(b):
        src_v, dst_v, dst2_v, _ = idxb[b]
        kv, qv, vv, gsem = rowb[b]
        pltpu.async_copy(k_hbm.at[src_v], kv, gsem)
        pltpu.async_copy(q_hbm.at[dst_v], qv, gsem)
        pltpu.async_copy(v_hbm.at[src_v], vv, gsem)

    def wait_gather(b):
        src_v, dst_v, dst2_v, _ = idxb[b]
        kv, qv, vv, gsem = rowb[b]
        pltpu.make_async_copy(k_hbm.at[src_v], kv, gsem).wait()
        pltpu.make_async_copy(q_hbm.at[dst_v], qv, gsem).wait()
        pltpu.make_async_copy(v_hbm.at[src_v], vv, gsem).wait()

    def wait_scatter(b):
        ovc, sci, ssem = outb[b]
        pltpu.make_async_copy(ovc, acc.at[sci], ssem).wait()

    for b in (0, 1):
        fire_idx(b, b)
    for b in (0, 1):
        wait_idx(b)
        fire_gather(b)

    def pair_body(cp, carry):
        for b in (0, 1):
            ci = cp * 2 + b
            kv, qv, vv, _ = rowb[b]
            dst_v = idxb[b][1]
            dst2_v = idxb[b][2]
            ovc, sci, ssem = outb[b]

            wait_gather(b)

            @pl.when(ci >= 2)
            def _():
                wait_scatter(b)

            for g in range(CHUNK // 16):
                sci[pl.ds(g * 16, 16)] = dst_v[pl.ds(g * 16, 16)]
                sci[pl.ds(CHUNK + g * 16, 16)] = dst2_v[pl.ds(g * 16, 16)]

            @pl.when(ci + 2 < CPW)
            def _():
                fire_idx(ci + 2, b)

            @plsc.parallel_loop(0, CHUNK, unroll=8)
            def edge_body(e):
                pden = zeros16
                for hh in range(H):
                    col = hh * DH
                    kk = kv[e, pl.ds(col, DH)]
                    qq = qv[e, pl.ds(col, DH)]
                    prod = kk * qq
                    for sh in (8, 4, 2, 1):
                        prod = prod + prod.at[lanes ^ sh].get(
                            mode="promise_in_bounds")
                    pvec = jnp.exp(jnp.clip(prod, -5.0, 5.0))
                    ovc[e, pl.ds(col, DH)] = pvec * vv[e, pl.ds(col, DH)]
                    pden = pden + pvec * onehot[hh]
                g = e // 16
                ee = e - g * 16
                dgrp = sci[pl.ds(g * 16, 16)]
                dstb = dgrp.at[zi16 + ee].get(mode="promise_in_bounds")
                shift = (dstb & 1) * 8
                u = lanes - shift
                inb = (1 - jnp.minimum(jnp.abs(u >> 3), 1)).astype(
                    jnp.float32)
                sseg = pden.at[u & 15].get(mode="promise_in_bounds") * inb
                jstar = (dstb >> 1) & 7
                de = CHUNK + e
                for j in range(8):
                    mj = (1 - jnp.minimum(jnp.abs(jstar - j), 1)).astype(
                        jnp.float32)
                    ovc[de, pl.ds(j * DH, DH)] = sseg * mj

            pltpu.async_copy(ovc, acc.at[sci], ssem, add=True)

            @pl.when(ci + 2 < CPW)
            def _():
                wait_idx(b)
                fire_gather(b)
        return carry

    lax.fori_loop(0, CPW // 2, pair_body, 0)
    wait_scatter(0)
    wait_scatter(1)
    plsc.subcore_barrier()
    pltpu.sync_copy(acc.at[pl.ds(s * RPT, RPT)],
                    out_hbm.at[c].at[pl.ds(s * RPT, RPT)])


_edge_kernel = functools.partial(
    pl.kernel,
    out_type=jax.ShapeDtypeStruct((NC, ACC_ROWS, D), jnp.float32),
    mesh=plsc.VectorSubcoreMesh(core_axis_name="c", subcore_axis_name="s"),
    scratch_types=[
        pltpu.VMEM((CHUNK,), jnp.int32),
        pltpu.VMEM((CHUNK,), jnp.int32),
        pltpu.VMEM((CHUNK,), jnp.int32),
        pltpu.VMEM((CHUNK,), jnp.int32),
        pltpu.VMEM((CHUNK,), jnp.int32),
        pltpu.VMEM((CHUNK,), jnp.int32),
        pltpu.VMEM((CHUNK, D), jnp.float32),
        pltpu.VMEM((CHUNK, D), jnp.float32),
        pltpu.VMEM((CHUNK, D), jnp.float32),
        pltpu.VMEM((CHUNK, D), jnp.float32),
        pltpu.VMEM((CHUNK, D), jnp.float32),
        pltpu.VMEM((CHUNK, D), jnp.float32),
        pltpu.VMEM((2 * CHUNK, D), jnp.float32),
        pltpu.VMEM((2 * CHUNK, D), jnp.float32),
        pltpu.VMEM((2 * CHUNK,), jnp.int32),
        pltpu.VMEM((2 * CHUNK,), jnp.int32),
        pltpu.VMEM_SHARED((ACC_ROWS, D), jnp.float32),
        pltpu.SemaphoreType.DMA,
        pltpu.SemaphoreType.DMA,
        pltpu.SemaphoreType.DMA,
        pltpu.SemaphoreType.DMA,
        pltpu.SemaphoreType.DMA,
        pltpu.SemaphoreType.DMA,
    ],
)(_edge_kernel_body)


def kernel(h, edge_index, WQ, WK, WV, WO, bO, bn1_g, bn1_b, bn2_g, bn2_b,
           W1, b1, W2, b2):
    src = edge_index[0].astype(jnp.int32)
    dst = edge_index[1].astype(jnp.int32)
    src_p = jnp.concatenate([src, jnp.zeros((EPAD - E,), jnp.int32)])
    dst_p = jnp.concatenate([dst, jnp.full((EPAD - E,), N, jnp.int32)])
    dst2_p = NROWS + (dst_p >> 4)
    zeros_blk = jnp.zeros((RPT, D), jnp.float32)
    expand = jnp.kron(jnp.eye(H, dtype=jnp.float32),
                      jnp.ones((1, DH), jnp.float32))

    q, k, v = pl.pallas_call(
        _qkv_body,
        out_shape=[jax.ShapeDtypeStruct((N, D), jnp.float32)] * 3,
    )(h, WQ, WK, WV, bn1_g.reshape(1, D), bn1_b.reshape(1, D))

    acc = _edge_kernel(k, q, v, src_p, dst_p, dst2_p, zeros_blk)

    den = acc[:, NROWS:, :].reshape(NC, DROWS * 16, H)

    out = pl.pallas_call(
        _tail_body,
        out_shape=jax.ShapeDtypeStruct((N, D), jnp.float32),
    )(acc, den, h, expand, WO, bO.reshape(1, D), bn2_g.reshape(1, D),
      bn2_b.reshape(1, D), W1, b1.reshape(1, 2 * D), W2, b2.reshape(1, D))
    return out

# --- scband reference (transcript-rebuilt; emitter-appended) ---
"""Pipeline reference for scband-graph-transformer-layer-75453985456264 (READ-ONLY COPY).

The authoritative reference and input builder live on the scoring server;
editing this copy changes nothing except your own understanding.
"""

import jax, jax.numpy as jnp
import numpy as np

N_NODES = 10000
N_EDGES = 320000
D = 128
H = 8
DH = D // H
EPS = 1e-5


def setup_inputs(seed: int = 0) -> dict:
    key = jax.random.key(seed)
    ks = jax.random.split(key, 16)
    s = 0.05
    inp = {}
    inp['h'] = jax.random.normal(ks[0], (N_NODES, D), dtype=jnp.float32)
    inp['edge_index'] = jax.random.randint(ks[1], (2, N_EDGES), 0, N_NODES, dtype=jnp.int64)
    inp['WQ'] = jax.random.normal(ks[2], (D, D), dtype=jnp.float32) * s
    inp['WK'] = jax.random.normal(ks[3], (D, D), dtype=jnp.float32) * s
    inp['WV'] = jax.random.normal(ks[4], (D, D), dtype=jnp.float32) * s
    inp['WO'] = jax.random.normal(ks[5], (D, D), dtype=jnp.float32) * s
    inp['bO'] = jnp.zeros((D,), dtype=jnp.float32)
    inp['bn1_g'] = jnp.ones((D,), dtype=jnp.float32)
    inp['bn1_b'] = jnp.zeros((D,), dtype=jnp.float32)
    inp['bn2_g'] = jnp.ones((D,), dtype=jnp.float32)
    inp['bn2_b'] = jnp.zeros((D,), dtype=jnp.float32)
    inp['W1'] = jax.random.normal(ks[6], (D, 2 * D), dtype=jnp.float32) * s
    inp['b1'] = jnp.zeros((2 * D,), dtype=jnp.float32)
    inp['W2'] = jax.random.normal(ks[7], (2 * D, D), dtype=jnp.float32) * s
    inp['b2'] = jnp.zeros((D,), dtype=jnp.float32)
    return inp


def _batch_norm(x, gamma, beta):
    mean = jnp.mean(x, axis=0, keepdims=True)
    var = jnp.var(x, axis=0, keepdims=True)
    return (x - mean) / jnp.sqrt(var + EPS) * gamma + beta


def reference(h, edge_index, WQ, WK, WV, WO, bO, bn1_g, bn1_b, bn2_g, bn2_b, W1, b1, W2, b2):
    src = edge_index[0]
    dst = edge_index[1]

    h_in1 = h
    hn = _batch_norm(h, bn1_g, bn1_b)

    Q_h = (hn @ WQ).reshape(-1, H, DH)
    K_h = (hn @ WK).reshape(-1, H, DH)
    V_h = (hn @ WV).reshape(-1, H, DH)

    # u_mul_v('K','Q') -> per-edge elementwise product, summed over feature dim
    score = (K_h[src] * Q_h[dst]) / np.sqrt(DH)  # [E, H, DH]
    attn_score = jnp.sum(score, axis=-1)  # [E, H]
    attn_score = jnp.clip(attn_score, -5.0, 5.0)

    # edge softmax grouped by destination node
    seg_max = jax.ops.segment_max(attn_score, dst, num_segments=N_NODES)  # [N, H]
    seg_max = jnp.where(jnp.isfinite(seg_max), seg_max, 0.0)
    exp_s = jnp.exp(attn_score - seg_max[dst])  # [E, H]
    denom = jax.ops.segment_sum(exp_s, dst, num_segments=N_NODES)  # [N, H]
    alpha = exp_s / (denom[dst] + 1e-16)  # [E, H]

    # u_mul_e('V','a') + sum reduce at dst
    msg = V_h[src] * alpha[:, :, None]  # [E, H, DH]
    wV = jax.ops.segment_sum(msg, dst, num_segments=N_NODES)  # [N, H, DH]
    h_attn = wV.reshape(-1, H * DH)

    h2 = h_attn @ WO + bO
    h2 = h_in1 + h2  # residual (dropout p=0.0 is identity)

    h_in2 = h2
    h3 = _batch_norm(h2, bn2_g, bn2_b)
    h3 = jax.nn.relu(h3 @ W1 + b1) @ W2 + b2
    h_out = h_in2 + h3
    return h_out

if __name__ == "__main__":
    import jax
    _d = setup_inputs()
    print(jax.jit(kernel)(*tuple(_d.values())))

</pallas_src>

<mosaic_0001>
#map = affine_map<(d0, d1) -> (0, 0)>
#map1 = affine_map<(d0, d1) -> (0)>
#map2 = affine_map<(d0, d1) -> (0, 0, 0)>
module attributes {stable_mosaic.version = 14 : i64} {
  func.func @_edge_kernel_body(%arg0: i32, %arg1: i32, %arg2: memref<10000x128xf32, #tpu.memory_space<hbm>>, %arg3: memref<10000x128xf32, #tpu.memory_space<hbm>>, %arg4: memref<10000x128xf32, #tpu.memory_space<hbm>>, %arg5: memref<323584xi32, #tpu.memory_space<hbm>>, %arg6: memref<323584xi32, #tpu.memory_space<hbm>>, %arg7: memref<323584xi32, #tpu.memory_space<hbm>>, %arg8: memref<672x128xf32, #tpu.memory_space<hbm>>, %arg9: memref<2x10752x128xf32, #tpu.memory_space<hbm>>, %arg10: memref<32xi32, #tpu.memory_space<vmem>>, %arg11: memref<32xi32, #tpu.memory_space<vmem>>, %arg12: memref<32xi32, #tpu.memory_space<vmem>>, %arg13: memref<32xi32, #tpu.memory_space<vmem>>, %arg14: memref<32xi32, #tpu.memory_space<vmem>>, %arg15: memref<32xi32, #tpu.memory_space<vmem>>, %arg16: memref<32x128xf32, #tpu.memory_space<vmem>>, %arg17: memref<32x128xf32, #tpu.memory_space<vmem>>, %arg18: memref<32x128xf32, #tpu.memory_space<vmem>>, %arg19: memref<32x128xf32, #tpu.memory_space<vmem>>, %arg20: memref<32x128xf32, #tpu.memory_space<vmem>>, %arg21: memref<32x128xf32, #tpu.memory_space<vmem>>, %arg22: memref<64x128xf32, #tpu.memory_space<vmem>>, %arg23: memref<64x128xf32, #tpu.memory_space<vmem>>, %arg24: memref<64xi32, #tpu.memory_space<vmem>>, %arg25: memref<64xi32, #tpu.memory_space<vmem>>, %arg26: memref<10752x128xf32, #tpu.memory_space<vmem_shared>>, %arg27: memref<!tpu.dma_semaphore, #tpu.memory_space<semaphore_mem>>, %arg28: memref<!tpu.dma_semaphore, #tpu.memory_space<semaphore_mem>>, %arg29: memref<!tpu.dma_semaphore, #tpu.memory_space<semaphore_mem>>, %arg30: memref<!tpu.dma_semaphore, #tpu.memory_space<semaphore_mem>>, %arg31: memref<!tpu.dma_semaphore, #tpu.memory_space<semaphore_mem>>, %arg32: memref<!tpu.dma_semaphore, #tpu.memory_space<semaphore_mem>>) attributes {dimension_semantics = [#tpu.dimension_semantics<core_parallel>, #tpu.dimension_semantics<subcore_parallel>], iteration_bounds = array<i64: 2, 16>, scalar_prefetch = 0 : i64, scratch_operands = 23 : i64, tpu.core_type = #tpu.core_type<sc_vector_subcore>, window_params = [{transform_indices = #map}, {transform_indices = #map}, {transform_indices = #map}, {transform_indices = #map1}, {transform_indices = #map1}, {transform_indices = #map1}, {transform_indices = #map}, {transform_indices = #map2}]} {
    %mul3A = arith.constant 16 : i32
    %mul3A_0 = arith.muli %arg0, %mul3A : i32
    %add3A = arith.addi %mul3A_0, %arg1 : i32
    %mul3A_1 = arith.constant 10112 : i32
    %mul3A_2 = arith.muli %add3A, %mul3A_1 : i32
    %iota3A = tpu.iota {dimensions = array<i32: 0>} : vector<16xi32>
    %broadcast_in_dim3A = arith.constant 0.000000e+00 : f32
    %broadcast_in_dim3A_3 = vector.broadcast %broadcast_in_dim3A : f32 to vector<16xf32>
    %add3A_4 = arith.constant 1.000000e+00 : f32
    %add3A_5 = vector.broadcast %add3A_4 : f32 to vector<16xf32>
    %add3A_6 = arith.addf %broadcast_in_dim3A_3, %add3A_5 : vector<16xf32>
    %broadcast_in_dim3A_7 = arith.constant 0 : i32
    %broadcast_in_dim3A_8 = vector.broadcast %broadcast_in_dim3A_7 : i32 to vector<16xi32>
    %eq3A = arith.constant 0 : i32
    %eq3A_9 = vector.broadcast %eq3A : i32 to vector<16xi32>
    %eq3A_10 = arith.cmpi eq, %iota3A, %eq3A_9 : vector<16xi32>
    %select_n3A = arith.select %eq3A_10, %add3A_6, %broadcast_in_dim3A_3 : vector<16xi1>, vector<16xf32>
    %eq3A_11 = arith.constant 1 : i32
    %eq3A_12 = vector.broadcast %eq3A_11 : i32 to vector<16xi32>
    %eq3A_13 = arith.cmpi eq, %iota3A, %eq3A_12 : vector<16xi32>
    %select_n3A_14 = arith.select %eq3A_13, %add3A_6, %broadcast_in_dim3A_3 : vector<16xi1>, vector<16xf32>
    %eq3A_15 = arith.constant 2 : i32
    %eq3A_16 = vector.broadcast %eq3A_15 : i32 to vector<16xi32>
    %eq3A_17 = arith.cmpi eq, %iota3A, %eq3A_16 : vector<16xi32>
    %select_n3A_18 = arith.select %eq3A_17, %add3A_6, %broadcast_in_dim3A_3 : vector<16xi1>, vector<16xf32>
    %eq3A_19 = arith.constant 3 : i32
    %eq3A_20 = vector.broadcast %eq3A_19 : i32 to vector<16xi32>
    %eq3A_21 = arith.cmpi eq, %iota3A, %eq3A_20 : vector<16xi32>
    %select_n3A_22 = arith.select %eq3A_21, %add3A_6, %broadcast_in_dim3A_3 : vector<16xi1>, vector<16xf32>
    %eq3A_23 = arith.constant 4 : i32
    %eq3A_24 = vector.broadcast %eq3A_23 : i32 to vector<16xi32>
    %eq3A_25 = arith.cmpi eq, %iota3A, %eq3A_24 : vector<16xi32>
    %select_n3A_26 = arith.select %eq3A_25, %add3A_6, %broadcast_in_dim3A_3 : vector<16xi1>, vector<16xf32>
    %eq3A_27 = arith.constant 5 : i32
    %eq3A_28 = vector.broadcast %eq3A_27 : i32 to vector<16xi32>
    %eq3A_29 = arith.cmpi eq, %iota3A, %eq3A_28 : vector<16xi32>
    %select_n3A_30 = arith.select %eq3A_29, %add3A_6, %broadcast_in_dim3A_3 : vector<16xi1>, vector<16xf32>
    %eq3A_31 = arith.constant 6 : i32
    %eq3A_32 = vector.broadcast %eq3A_31 : i32 to vector<16xi32>
    %eq3A_33 = arith.cmpi eq, %iota3A, %eq3A_32 : vector<16xi32>
    %select_n3A_34 = arith.select %eq3A_33, %add3A_6, %broadcast_in_dim3A_3 : vector<16xi1>, vector<16xf32>
    %eq3A_35 = arith.constant 7 : i32
    %eq3A_36 = vector.broadcast %eq3A_35 : i32 to vector<16xi32>
    %eq3A_37 = arith.cmpi eq, %iota3A, %eq3A_36 : vector<16xi32>
    %select_n3A_38 = arith.select %eq3A_37, %add3A_6, %broadcast_in_dim3A_3 : vector<16xi1>, vector<16xf32>
    %mul3A_39 = arith.constant 672 : i32
    %mul3A_40 = arith.muli %arg1, %mul3A_39 : i32
    "tpu.region"() ({
      %run_scoped3A = tpu.sem_alloc : memref<!tpu.dma_semaphore, #tpu.memory_space<semaphore_mem>>
      %dma_start3A_113 = arith.constant 0 : i32
      %dma_start3A_114 = tpu.memref_slice %arg26[%mul3A_40, %dma_start3A_113] : memref<10752x128xf32, #tpu.memory_space<vmem_shared>> -> memref<672x128xf32, #tpu.memory_space<vmem_shared>>
      tpu.enqueue_dma source(%arg8 : memref<672x128xf32, #tpu.memory_space<hbm>>) target(%dma_start3A_114 : memref<672x128xf32, #tpu.memory_space<vmem_shared>>) target_semaphore(%run_scoped3A : memref<!tpu.dma_semaphore, #tpu.memory_space<semaphore_mem>>)
      %dma_wait3A_115 = arith.constant 0 : i32
      %dma_wait3A_116 = tpu.memref_slice %arg26[%mul3A_40, %dma_wait3A_115] : memref<10752x128xf32, #tpu.memory_space<vmem_shared>> -> memref<672x128xf32, #tpu.memory_space<vmem_shared>>
      tpu.wait_dma2 semaphore(%run_scoped3A : memref<!tpu.dma_semaphore, #tpu.memory_space<semaphore_mem>>) src(%arg8 : memref<672x128xf32, #tpu.memory_space<hbm>>) dst(%dma_wait3A_116 : memref<672x128xf32, #tpu.memory_space<vmem_shared>>)
      tpu.yield
    }) : () -> ()
    %barrier3A = arith.constant 0 : index
    tpu.barrier barrier_id(%barrier3A)
    %add3A_41 = arith.constant 0 : i32
    %add3A_42 = arith.addi %mul3A_2, %add3A_41 : i32
    %dma_start3A = tpu.memref_slice %arg5[%add3A_42] : memref<323584xi32, #tpu.memory_space<hbm>> -> memref<32xi32, #tpu.memory_space<hbm>>
    %dma_start3A_43 = tpu.memref_slice %arg5[%add3A_42] : memref<323584xi32, #tpu.memory_space<hbm>> -> memref<32xi32, #tpu.memory_space<hbm>>
    tpu.enqueue_dma source(%dma_start3A_43 : memref<32xi32, #tpu.memory_space<hbm>>) target(%arg10 : memref<32xi32, #tpu.memory_space<vmem>>) target_semaphore(%arg27 : memref<!tpu.dma_semaphore, #tpu.memory_space<semaphore_mem>>)
    %dma_start3A_44 = tpu.memref_slice %arg6[%add3A_42] : memref<323584xi32, #tpu.memory_space<hbm>> -> memref<32xi32, #tpu.memory_space<hbm>>
    %dma_start3A_45 = tpu.memref_slice %arg6[%add3A_42] : memref<323584xi32, #tpu.memory_space<hbm>> -> memref<32xi32, #tpu.memory_space<hbm>>
    tpu.enqueue_dma source(%dma_start3A_45 : memref<32xi32, #tpu.memory_space<hbm>>) target(%arg11 : memref<32xi32, #tpu.memory_space<vmem>>) target_semaphore(%arg27 : memref<!tpu.dma_semaphore, #tpu.memory_space<semaphore_mem>>)
    %dma_start3A_46 = tpu.memref_slice %arg7[%add3A_42] : memref<323584xi32, #tpu.memory_space<hbm>> -> memref<32xi32, #tpu.memory_space<hbm>>
    %dma_start3A_47 = tpu.memref_slice %arg7[%add3A_42] : memref<323584xi32, #tpu.memory_space<hbm>> -> memref<32xi32, #tpu.memory_space<hbm>>
    tpu.enqueue_dma source(%dma_start3A_47 : memref<32xi32, #tpu.memory_space<hbm>>) target(%arg12 : memref<32xi32, #tpu.memory_space<vmem>>) target_semaphore(%arg27 : memref<!tpu.dma_semaphore, #tpu.memory_space<semaphore_mem>>)
    %add3A_48 = arith.constant 32 : i32
    %add3A_49 = arith.addi %mul3A_2, %add3A_48 : i32
    %dma_start3A_50 = tpu.memref_slice %arg5[%add3A_49] : memref<323584xi32, #tpu.memory_space<hbm>> -> memref<32xi32, #tpu.memory_space<hbm>>
    %dma_start3A_51 = tpu.memref_slice %arg5[%add3A_49] : memref<323584xi32, #tpu.memory_space<hbm>> -> memref<32xi32, #tpu.memory_space<hbm>>
    tpu.enqueue_dma source(%dma_start3A_51 : memref<32xi32, #tpu.memory_space<hbm>>) target(%arg13 : memref<32xi32, #tpu.memory_space<vmem>>) target_semaphore(%arg28 : memref<!tpu.dma_semaphore, #tpu.memory_space<semaphore_mem>>)
    %dma_start3A_52 = tpu.memref_slice %arg6[%add3A_49] : memref<323584xi32, #tpu.memory_space<hbm>> -> memref<32xi32, #tpu.memory_space<hbm>>
    %dma_start3A_53 = tpu.memref_slice %arg6[%add3A_49] : memref<323584xi32, #tpu.memory_space<hbm>> -> memref<32xi32, #tpu.memory_space<hbm>>
    tpu.enqueue_dma source(%dma_start3A_53 : memref<32xi32, #tpu.memory_space<hbm>>) target(%arg14 : memref<32xi32, #tpu.memory_space<vmem>>) target_semaphore(%arg28 : memref<!tpu.dma_semaphore, #tpu.memory_space<semaphore_mem>>)
    %dma_start3A_54 = tpu.memref_slice %arg7[%add3A_49] : memref<323584xi32, #tpu.memory_space<hbm>> -> memref<32xi32, #tpu.memory_space<hbm>>
    %dma_start3A_55 = tpu.memref_slice %arg7[%add3A_49] : memref<323584xi32, #tpu.memory_space<hbm>> -> memref<32xi32, #tpu.memory_space<hbm>>
    tpu.enqueue_dma source(%dma_start3A_55 : memref<32xi32, #tpu.memory_space<hbm>>) target(%arg15 : memref<32xi32, #tpu.memory_space<vmem>>) target_semaphore(%arg28 : memref<!tpu.dma_semaphore, #tpu.memory_space<semaphore_mem>>)
    %dma_wait3A = arith.constant 0 : i32
    %dma_wait3A_56 = tpu.memref_slice %arg5[%dma_wait3A] : memref<323584xi32, #tpu.memory_space<hbm>> -> memref<32xi32, #tpu.memory_space<hbm>>
    %dma_wait3A_57 = arith.constant 0 : i32
    %dma_wait3A_58 = tpu.memref_slice %arg5[%dma_wait3A_57] : memref<323584xi32, #tpu.memory_space<hbm>> -> memref<32xi32, #tpu.memory_space<hbm>>
    tpu.wait_dma2 semaphore(%arg27 : memref<!tpu.dma_semaphore, #tpu.memory_space<semaphore_mem>>) src(%dma_wait3A_58 : memref<32xi32, #tpu.memory_space<hbm>>) dst(%arg10 : memref<32xi32, #tpu.memory_space<vmem>>)
    %dma_wait3A_59 = arith.constant 0 : i32
    %dma_wait3A_60 = tpu.memref_slice %arg6[%dma_wait3A_59] : memref<323584xi32, #tpu.memory_space<hbm>> -> memref<32xi32, #tpu.memory_space<hbm>>
    %dma_wait3A_61 = arith.constant 0 : i32
    %dma_wait3A_62 = tpu.memref_slice %arg6[%dma_wait3A_61] : memref<323584xi32, #tpu.memory_space<hbm>> -> memref<32xi32, #tpu.memory_space<hbm>>
    tpu.wait_dma2 semaphore(%arg27 : memref<!tpu.dma_semaphore, #tpu.memory_space<semaphore_mem>>) src(%dma_wait3A_62 : memref<32xi32, #tpu.memory_space<hbm>>) dst(%arg11 : memref<32xi32, #tpu.memory_space<vmem>>)
    %dma_wait3A_63 = arith.constant 0 : i32
    %dma_wait3A_64 = tpu.memref_slice %arg7[%dma_wait3A_63] : memref<323584xi32, #tpu.memory_space<hbm>> -> memref<32xi32, #tpu.memory_space<hbm>>
    %dma_wait3A_65 = arith.constant 0 : i32
    %dma_wait3A_66 = tpu.memref_slice %arg7[%dma_wait3A_65] : memref<323584xi32, #tpu.memory_space<hbm>> -> memref<32xi32, #tpu.memory_space<hbm>>
    tpu.wait_dma2 semaphore(%arg27 : memref<!tpu.dma_semaphore, #tpu.memory_space<semaphore_mem>>) src(%dma_wait3A_66 : memref<32xi32, #tpu.memory_space<hbm>>) dst(%arg12 : memref<32xi32, #tpu.memory_space<vmem>>)
    %dma_start3A_67 = arith.constant 0 : i32
    %dma_start3A_68 = arith.constant 0 : i32
    %dma_start3A_69 = tpu.memref_slice %arg2[%dma_start3A_67, %dma_start3A_68] : memref<10000x128xf32, #tpu.memory_space<hbm>> -> memref<10000x128xf32, #tpu.memory_space<hbm>>
    tpu.enqueue_indirect_dma source(%dma_start3A_69 : memref<10000x128xf32, #tpu.memory_space<hbm>>) target(%arg16 : memref<32x128xf32, #tpu.memory_space<vmem>>) offsets(%arg10 : memref<32xi32, #tpu.memory_space<vmem>>) semaphore(%arg29 : memref<!tpu.dma_semaphore, #tpu.memory_space<semaphore_mem>>)
    %dma_start3A_70 = arith.constant 0 : i32
    %dma_start3A_71 = arith.constant 0 : i32
    %dma_start3A_72 = tpu.memref_slice %arg3[%dma_start3A_70, %dma_start3A_71] : memref<10000x128xf32, #tpu.memory_space<hbm>> -> memref<10000x128xf32, #tpu.memory_space<hbm>>
    tpu.enqueue_indirect_dma source(%dma_start3A_72 : memref<10000x128xf32, #tpu.memory_space<hbm>>) target(%arg17 : memref<32x128xf32, #tpu.memory_space<vmem>>) offsets(%arg11 : memref<32xi32, #tpu.memory_space<vmem>>) semaphore(%arg29 : memref<!tpu.dma_semaphore, #tpu.memory_space<semaphore_mem>>)
    %dma_start3A_73 = arith.constant 0 : i32
    %dma_start3A_74 = arith.constant 0 : i32
    %dma_start3A_75 = tpu.memref_slice %arg4[%dma_start3A_73, %dma_start3A_74] : memref<10000x128xf32, #tpu.memory_space<hbm>> -> memref<10000x128xf32, #tpu.memory_space<hbm>>
    tpu.enqueue_indirect_dma source(%dma_start3A_75 : memref<10000x128xf32, #tpu.memory_space<hbm>>) target(%arg18 : memref<32x128xf32, #tpu.memory_space<vmem>>) offsets(%arg10 : memref<32xi32, #tpu.memory_space<vmem>>) semaphore(%arg29 : memref<!tpu.dma_semaphore, #tpu.memory_space<semaphore_mem>>)
    %dma_wait3A_76 = arith.constant 0 : i32
    %dma_wait3A_77 = tpu.memref_slice %arg5[%dma_wait3A_76] : memref<323584xi32, #tpu.memory_space<hbm>> -> memref<32xi32, #tpu.memory_space<hbm>>
    %dma_wait3A_78 = arith.constant 0 : i32
    %dma_wait3A_79 = tpu.memref_slice %arg5[%dma_wait3A_78] : memref<323584xi32, #tpu.memory_space<hbm>> -> memref<32xi32, #tpu.memory_space<hbm>>
    tpu.wait_dma2 semaphore(%arg28 : memref<!tpu.dma_semaphore, #tpu.memory_space<semaphore_mem>>) src(%dma_wait3A_79 : memref<32xi32, #tpu.memory_space<hbm>>) dst(%arg13 : memref<32xi32, #tpu.memory_space<vmem>>)
    %dma_wait3A_80 = arith.constant 0 : i32
    %dma_wait3A_81 = tpu.memref_slice %arg6[%dma_wait3A_80] : memref<323584xi32, #tpu.memory_space<hbm>> -> memref<32xi32, #tpu.memory_space<hbm>>
    %dma_wait3A_82 = arith.constant 0 : i32
    %dma_wait3A_83 = tpu.memref_slice %arg6[%dma_wait3A_82] : memref<323584xi32, #tpu.memory_space<hbm>> -> memref<32xi32, #tpu.memory_space<hbm>>
    tpu.wait_dma2 semaphore(%arg28 : memref<!tpu.dma_semaphore, #tpu.memory_space<semaphore_mem>>) src(%dma_wait3A_83 : memref<32xi32, #tpu.memory_space<hbm>>) dst(%arg14 : memref<32xi32, #tpu.memory_space<vmem>>)
    %dma_wait3A_84 = arith.constant 0 : i32
    %dma_wait3A_85 = tpu.memref_slice %arg7[%dma_wait3A_84] : memref<323584xi32, #tpu.memory_space<hbm>> -> memref<32xi32, #tpu.memory_space<hbm>>
    %dma_wait3A_86 = arith.constant 0 : i32
    %dma_wait3A_87 = tpu.memref_slice %arg7[%dma_wait3A_86] : memref<323584xi32, #tpu.memory_space<hbm>> -> memref<32xi32, #tpu.memory_space<hbm>>
    tpu.wait_dma2 semaphore(%arg28 : memref<!tpu.dma_semaphore, #tpu.memory_space<semaphore_mem>>) src(%dma_wait3A_87 : memref<32xi32, #tpu.memory_space<hbm>>) dst(%arg15 : memref<32xi32, #tpu.memory_space<vmem>>)
    %dma_start3A_88 = arith.constant 0 : i32
    %dma_start3A_89 = arith.constant 0 : i32
    %dma_start3A_90 = tpu.memref_slice %arg2[%dma_start3A_88, %dma_start3A_89] : memref<10000x128xf32, #tpu.memory_space<hbm>> -> memref<10000x128xf32, #tpu.memory_space<hbm>>
    tpu.enqueue_indirect_dma source(%dma_start3A_90 : memref<10000x128xf32, #tpu.memory_space<hbm>>) target(%arg19 : memref<32x128xf32, #tpu.memory_space<vmem>>) offsets(%arg13 : memref<32xi32, #tpu.memory_space<vmem>>) semaphore(%arg30 : memref<!tpu.dma_semaphore, #tpu.memory_space<semaphore_mem>>)
    %dma_start3A_91 = arith.constant 0 : i32
    %dma_start3A_92 = arith.constant 0 : i32
    %dma_start3A_93 = tpu.memref_slice %arg3[%dma_start3A_91, %dma_start3A_92] : memref<10000x128xf32, #tpu.memory_space<hbm>> -> memref<10000x128xf32, #tpu.memory_space<hbm>>
    tpu.enqueue_indirect_dma source(%dma_start3A_93 : memref<10000x128xf32, #tpu.memory_space<hbm>>) target(%arg20 : memref<32x128xf32, #tpu.memory_space<vmem>>) offsets(%arg14 : memref<32xi32, #tpu.memory_space<vmem>>) semaphore(%arg30 : memref<!tpu.dma_semaphore, #tpu.memory_space<semaphore_mem>>)
    %dma_start3A_94 = arith.constant 0 : i32
    %dma_start3A_95 = arith.constant 0 : i32
    %dma_start3A_96 = tpu.memref_slice %arg4[%dma_start3A_94, %dma_start3A_95] : memref<10000x128xf32, #tpu.memory_space<hbm>> -> memref<10000x128xf32, #tpu.memory_space<hbm>>
    tpu.enqueue_indirect_dma source(%dma_start3A_96 : memref<10000x128xf32, #tpu.memory_space<hbm>>) target(%arg21 : memref<32x128xf32, #tpu.memory_space<vmem>>) offsets(%arg13 : memref<32xi32, #tpu.memory_space<vmem>>) semaphore(%arg30 : memref<!tpu.dma_semaphore, #tpu.memory_space<semaphore_mem>>)
    %scan3A = arith.constant 0 : i32
    %scan3A_97 = arith.constant 0 : i32
    %scan3A_98 = arith.constant 158 : i32
    %scan3A_99 = arith.addi %scan3A_97, %scan3A_98 : i32
    %scan3A_100 = arith.constant 1 : i32
    scf.for %scan3A_113 = %scan3A_97 to %scan3A_99 step %scan3A_100  : i32 {
      %mul3A_114 = arith.constant 2 : i32
      %mul3A_115 = arith.muli %scan3A_113, %mul3A_114 : i32
      %add3A_116 = arith.constant 0 : i32
      %add3A_117 = arith.addi %mul3A_115, %add3A_116 : i32
      %dma_wait3A_118 = arith.constant 0 : i32
      %dma_wait3A_119 = arith.constant 0 : i32
      %dma_wait3A_120 = tpu.memref_slice %arg2[%dma_wait3A_118, %dma_wait3A_119] : memref<10000x128xf32, #tpu.memory_space<hbm>> -> memref<10000x128xf32, #tpu.memory_space<hbm>>
      tpu.wait_indirect_dma semaphore(%arg29 : memref<!tpu.dma_semaphore, #tpu.memory_space<semaphore_mem>>) src(%dma_wait3A_120 : memref<10000x128xf32, #tpu.memory_space<hbm>>) dst(%arg16 : memref<32x128xf32, #tpu.memory_space<vmem>>)
      %dma_wait3A_121 = arith.constant 0 : i32
      %dma_wait3A_122 = arith.constant 0 : i32
      %dma_wait3A_123 = tpu.memref_slice %arg3[%dma_wait3A_121, %dma_wait3A_122] : memref<10000x128xf32, #tpu.memory_space<hbm>> -> memref<10000x128xf32, #tpu.memory_space<hbm>>
      tpu.wait_indirect_dma semaphore(%arg29 : memref<!tpu.dma_semaphore, #tpu.memory_space<semaphore_mem>>) src(%dma_wait3A_123 : memref<10000x128xf32, #tpu.memory_space<hbm>>) dst(%arg17 : memref<32x128xf32, #tpu.memory_space<vmem>>)
      %dma_wait3A_124 = arith.constant 0 : i32
      %dma_wait3A_125 = arith.constant 0 : i32
      %dma_wait3A_126 = tpu.memref_slice %arg4[%dma_wait3A_124, %dma_wait3A_125] : memref<10000x128xf32, #tpu.memory_space<hbm>> -> memref<10000x128xf32, #tpu.memory_space<hbm>>
      tpu.wait_indirect_dma semaphore(%arg29 : memref<!tpu.dma_semaphore, #tpu.memory_space<semaphore_mem>>) src(%dma_wait3A_126 : memref<10000x128xf32, #tpu.memory_space<hbm>>) dst(%arg18 : memref<32x128xf32, #tpu.memory_space<vmem>>)
      %ge3A = arith.constant 2 : i32
      %ge3A_127 = arith.cmpi sge, %add3A_117, %ge3A : i32
      %convert_element_type3A = arith.extui %ge3A_127 : i1 to i32
      %cond3A = arith.constant 0 : i32
      %cond3A_128 = arith.cmpi ne, %convert_element_type3A, %cond3A : i32
      scf.if %cond3A_128 {
        %dma_wait3A_239 = arith.constant 0 : i32
        %dma_wait3A_240 = arith.constant 0 : i32
        %dma_wait3A_241 = tpu.memref_slice %arg26[%dma_wait3A_239, %dma_wait3A_240] : memref<10752x128xf32, #tpu.memory_space<vmem_shared>> -> memref<10752x128xf32, #tpu.memory_space<vmem_shared>>
        tpu.wait_indirect_dma semaphore(%arg31 : memref<!tpu.dma_semaphore, #tpu.memory_space<semaphore_mem>>) src(%arg22 : memref<64x128xf32, #tpu.memory_space<vmem>>) dst(%dma_wait3A_241 : memref<10752x128xf32, #tpu.memory_space<vmem_shared>>)
      } else {
      }
      %get3A = arith.constant 0 : index
      %get3A_129 = tpu.vector_load %arg11[%get3A] {strides = array<i32>} : memref<32xi32, #tpu.memory_space<vmem>>, vector<16xi32>,
      %get3A_130 = vector.shape_cast %get3A_129 : vector<16xi32> to vector<16xi32>
      %swap3A = arith.constant 0 : index
      %swap3A_131 = tpu.vector_load %arg24[%swap3A] {strides = array<i32>} : memref<64xi32, #tpu.memory_space<vmem>>, vector<16xi32>,
      %swap3A_132 = vector.shape_cast %swap3A_131 : vector<16xi32> to vector<16xi32>
      %swap3A_133 = vector.shape_cast %get3A_130 : vector<16xi32> to vector<16xi32>
      tpu.vector_store %arg24[%swap3A], %swap3A_133 {strides = array<i32>} : memref<64xi32, #tpu.memory_space<vmem>>, vector<16xi32>,
      %get3A_134 = arith.constant 0 : index
      %get3A_135 = tpu.vector_load %arg12[%get3A_134] {strides = array<i32>} : memref<32xi32, #tpu.memory_space<vmem>>, vector<16xi32>,
      %get3A_136 = vector.shape_cast %get3A_135 : vector<16xi32> to vector<16xi32>
      %swap3A_137 = arith.constant 32 : index
      %swap3A_138 = tpu.vector_load %arg24[%swap3A_137] {strides = array<i32>} : memref<64xi32, #tpu.memory_space<vmem>>, vector<16xi32>,
      %swap3A_139 = vector.shape_cast %swap3A_138 : vector<16xi32> to vector<16xi32>
      %swap3A_140 = vector.shape_cast %get3A_136 : vector<16xi32> to vector<16xi32>
      tpu.vector_store %arg24[%swap3A_137], %swap3A_140 {strides = array<i32>} : memref<64xi32, #tpu.memory_space<vmem>>, vector<16xi32>,
      %get3A_141 = arith.constant 16 : index
      %get3A_142 = tpu.vector_load %arg11[%get3A_141] {strides = array<i32>} : memref<32xi32, #tpu.memory_space<vmem>>, vector<16xi32>,
      %get3A_143 = vector.shape_cast %get3A_142 : vector<16xi32> to vector<16xi32>
      %swap3A_144 = arith.constant 16 : index
      %swap3A_145 = tpu.vector_load %arg24[%swap3A_144] {strides = array<i32>} : memref<64xi32, #tpu.memory_space<vmem>>, vector<16xi32>,
      %swap3A_146 = vector.shape_cast %swap3A_145 : vector<16xi32> to vector<16xi32>
      %swap3A_147 = vector.shape_cast %get3A_143 : vector<16xi32> to vector<16xi32>
      tpu.vector_store %arg24[%swap3A_144], %swap3A_147 {strides = array<i32>} : memref<64xi32, #tpu.memory_space<vmem>>, vector<16xi32>,
      %get3A_148 = arith.constant 16 : index
      %get3A_149 = tpu.vector_load %arg12[%get3A_148] {strides = array<i32>} : memref<32xi32, #tpu.memory_space<vmem>>, vector<16xi32>,
      %get3A_150 = vector.shape_cast %get3A_149 : vector<16xi32> to vector<16xi32>
      %swap3A_151 = arith.constant 48 : index
      %swap3A_152 = tpu.vector_load %arg24[%swap3A_151] {strides = array<i32>} : memref<64xi32, #tpu.memory_space<vmem>>, vector<16xi32>,
      %swap3A_153 = vector.shape_cast %swap3A_152 : vector<16xi32> to vector<16xi32>
      %swap3A_154 = vector.shape_cast %get3A_150 : vector<16xi32> to vector<16xi32>
      tpu.vector_store %arg24[%swap3A_151], %swap3A_154 {strides = array<i32>} : memref<64xi32, #tpu.memory_space<vmem>>, vector<16xi32>,
      %add3A_155 = arith.constant 2 : i32
      %add3A_156 = arith.addi %add3A_117, %add3A_155 : i32
      %lt3A = arith.constant 316 : i32
      %lt3A_157 = arith.cmpi slt, %add3A_156, %lt3A : i32
      %convert_element_type3A_158 = arith.extui %lt3A_157 : i1 to i32
      %cond3A_159 = arith.constant 0 : i32
      %cond3A_160 = arith.cmpi ne, %convert_element_type3A_158, %cond3A_159 : i32
      scf.if %cond3A_160 {
        %add3A_239 = arith.constant 2 : i32
        %add3A_240 = arith.addi %add3A_117, %add3A_239 : i32
        %mul3A_241 = arith.constant 32 : i32
        %mul3A_242 = arith.muli %add3A_240, %mul3A_241 : i32
        %add3A_243 = arith.addi %mul3A_2, %mul3A_242 : i32
        %dma_start3A_244 = tpu.memref_slice %arg5[%add3A_243] : memref<323584xi32, #tpu.memory_space<hbm>> -> memref<32xi32, #tpu.memory_space<hbm>>
        %dma_start3A_245 = tpu.memref_slice %arg5[%add3A_243] : memref<323584xi32, #tpu.memory_space<hbm>> -> memref<32xi32, #tpu.memory_space<hbm>>
        tpu.enqueue_dma source(%dma_start3A_245 : memref<32xi32, #tpu.memory_space<hbm>>) target(%arg10 : memref<32xi32, #tpu.memory_space<vmem>>) target_semaphore(%arg27 : memref<!tpu.dma_semaphore, #tpu.memory_space<semaphore_mem>>)
        %dma_start3A_246 = tpu.memref_slice %arg6[%add3A_243] : memref<323584xi32, #tpu.memory_space<hbm>> -> memref<32xi32, #tpu.memory_space<hbm>>
        %dma_start3A_247 = tpu.memref_slice %arg6[%add3A_243] : memref<323584xi32, #tpu.memory_space<hbm>> -> memref<32xi32, #tpu.memory_space<hbm>>
        tpu.enqueue_dma source(%dma_start3A_247 : memref<32xi32, #tpu.memory_space<hbm>>) target(%arg11 : memref<32xi32, #tpu.memory_space<vmem>>) target_semaphore(%arg27 : memref<!tpu.dma_semaphore, #tpu.memory_space<semaphore_mem>>)
        %dma_start3A_248 = tpu.memref_slice %arg7[%add3A_243] : memref<323584xi32, #tpu.memory_space<hbm>> -> memref<32xi32, #tpu.memory_space<hbm>>
        %dma_start3A_249 = tpu.memref_slice %arg7[%add3A_243] : memref<323584xi32, #tpu.memory_space<hbm>> -> memref<32xi32, #tpu.memory_space<hbm>>
        tpu.enqueue_dma source(%dma_start3A_249 : memref<32xi32, #tpu.memory_space<hbm>>) target(%arg12 : memref<32xi32, #tpu.memory_space<vmem>>) target_semaphore(%arg27 : memref<!tpu.dma_semaphore, #tpu.memory_space<semaphore_mem>>)
      } else {
      }
      %parallel_loop3A = arith.constant 0 : i32
      %parallel_loop3A_161 = arith.constant 32 : i32
      %parallel_loop3A_162 = arith.constant 1 : i32
      scf.for %parallel_loop3A_239 = %parallel_loop3A to %parallel_loop3A_161 step %parallel_loop3A_162  : i32 {
        %parallel_loop3A_240 = arith.index_cast %parallel_loop3A_239 : i32 to index
        %parallel_loop3A_241 = arith.constant 0 : index
        %parallel_loop3A_242 = tpu.vector_load %arg16[%parallel_loop3A_240, %parallel_loop3A_241] {strides = array<i32>} : memref<32x128xf32, #tpu.memory_space<vmem>>, vector<1x16xf32>,
        %parallel_loop3A_243 = vector.shape_cast %parallel_loop3A_242 : vector<1x16xf32> to vector<16xf32>
        %parallel_loop3A_244 = arith.index_cast %parallel_loop3A_239 : i32 to index
        %parallel_loop3A_245 = arith.constant 0 : index
        %parallel_loop3A_246 = tpu.vector_load %arg17[%parallel_loop3A_244, %parallel_loop3A_245] {strides = array<i32>} : memref<32x128xf32, #tpu.memory_space<vmem>>, vector<1x16xf32>,
        %parallel_loop3A_247 = vector.shape_cast %parallel_loop3A_246 : vector<1x16xf32> to vector<16xf32>
        %parallel_loop3A_248 = arith.mulf %parallel_loop3A_243, %parallel_loop3A_247 : vector<16xf32>
        %parallel_loop3A_249 = arith.constant 8 : i32
        %parallel_loop3A_250 = vector.broadcast %parallel_loop3A_249 : i32 to vector<16xi32>
        %parallel_loop3A_251 = arith.xori %iota3A, %parallel_loop3A_250 : vector<16xi32>
        %parallel_loop3A_252 = arith.constant 0 : i32
        %parallel_loop3A_253 = vector.broadcast %parallel_loop3A_252 : i32 to vector<16xi32>
        %parallel_loop3A_254 = arith.cmpi slt, %parallel_loop3A_251, %parallel_loop3A_253 : vector<16xi32>
        %parallel_loop3A_255 = arith.constant 16 : i32
        %parallel_loop3A_256 = vector.broadcast %parallel_loop3A_255 : i32 to vector<16xi32>
        %parallel_loop3A_257 = arith.addi %parallel_loop3A_251, %parallel_loop3A_256 : vector<16xi32>
        %parallel_loop3A_258 = arith.select %parallel_loop3A_254, %parallel_loop3A_257, %parallel_loop3A_251 : vector<16xi1>, vector<16xi32>
        %parallel_loop3A_259 = vector.shape_cast %parallel_loop3A_258 : vector<16xi32> to vector<16x1xi32>
        %parallel_loop3A_260 = vector.shape_cast %parallel_loop3A_259 : vector<16x1xi32> to vector<16xi32>
        %parallel_loop3A_261 = tpu.dynamic_gather %parallel_loop3A_248[%parallel_loop3A_260] in [0] : vector<16xf32>, vector<16xi32> -> vector<16xf32>
        %parallel_loop3A_262 = arith.addf %parallel_loop3A_248, %parallel_loop3A_261 : vector<16xf32>
        %parallel_loop3A_263 = arith.constant 4 : i32
        %parallel_loop3A_264 = vector.broadcast %parallel_loop3A_263 : i32 to vector<16xi32>
        %parallel_loop3A_265 = arith.xori %iota3A, %parallel_loop3A_264 : vector<16xi32>
        %parallel_loop3A_266 = arith.constant 0 : i32
        %parallel_loop3A_267 = vector.broadcast %parallel_loop3A_266 : i32 to vector<16xi32>
        %parallel_loop3A_268 = arith.cmpi slt, %parallel_loop3A_265, %parallel_loop3A_267 : vector<16xi32>
        %parallel_loop3A_269 = arith.constant 16 : i32
        %parallel_loop3A_270 = vector.broadcast %parallel_loop3A_269 : i32 to vector<16xi32>
        %parallel_loop3A_271 = arith.addi %parallel_loop3A_265, %parallel_loop3A_270 : vector<16xi32>
        %parallel_loop3A_272 = arith.select %parallel_loop3A_268, %parallel_loop3A_271, %parallel_loop3A_265 : vector<16xi1>, vector<16xi32>
        %parallel_loop3A_273 = vector.shape_cast %parallel_loop3A_272 : vector<16xi32> to vector<16x1xi32>
        %parallel_loop3A_274 = vector.shape_cast %parallel_loop3A_273 : vector<16x1xi32> to vector<16xi32>
        %parallel_loop3A_275 = tpu.dynamic_gather %parallel_loop3A_262[%parallel_loop3A_274] in [0] : vector<16xf32>, vector<16xi32> -> vector<16xf32>
        %parallel_loop3A_276 = arith.addf %parallel_loop3A_262, %parallel_loop3A_275 : vector<16xf32>
        %parallel_loop3A_277 = arith.constant 2 : i32
        %parallel_loop3A_278 = vector.broadcast %parallel_loop3A_277 : i32 to vector<16xi32>
        %parallel_loop3A_279 = arith.xori %iota3A, %parallel_loop3A_278 : vector<16xi32>
        %parallel_loop3A_280 = arith.constant 0 : i32
        %parallel_loop3A_281 = vector.broadcast %parallel_loop3A_280 : i32 to vector<16xi32>
        %parallel_loop3A_282 = arith.cmpi slt, %parallel_loop3A_279, %parallel_loop3A_281 : vector<16xi32>
        %parallel_loop3A_283 = arith.constant 16 : i32
        %parallel_loop3A_284 = vector.broadcast %parallel_loop3A_283 : i32 to vector<16xi32>
        %parallel_loop3A_285 = arith.addi %parallel_loop3A_279, %parallel_loop3A_284 : vector<16xi32>
        %parallel_loop3A_286 = arith.select %parallel_loop3A_282, %parallel_loop3A_285, %parallel_loop3A_279 : vector<16xi1>, vector<16xi32>
        %parallel_loop3A_287 = vector.shape_cast %parallel_loop3A_286 : vector<16xi32> to vector<16x1xi32>
        %parallel_loop3A_288 = vector.shape_cast %parallel_loop3A_287 : vector<16x1xi32> to vector<16xi32>
        %parallel_loop3A_289 = tpu.dynamic_gather %parallel_loop3A_276[%parallel_loop3A_288] in [0] : vector<16xf32>, vector<16xi32> -> vector<16xf32>
        %parallel_loop3A_290 = arith.addf %parallel_loop3A_276, %parallel_loop3A_289 : vector<16xf32>
        %parallel_loop3A_291 = arith.constant 1 : i32
        %parallel_loop3A_292 = vector.broadcast %parallel_loop3A_291 : i32 to vector<16xi32>
        %parallel_loop3A_293 = arith.xori %iota3A, %parallel_loop3A_292 : vector<16xi32>
        %parallel_loop3A_294 = arith.constant 0 : i32
        %parallel_loop3A_295 = vector.broadcast %parallel_loop3A_294 : i32 to vector<16xi32>
        %parallel_loop3A_296 = arith.cmpi slt, %parallel_loop3A_293, %parallel_loop3A_295 : vector<16xi32>
        %parallel_loop3A_297 = arith.constant 16 : i32
        %parallel_loop3A_298 = vector.broadcast %parallel_loop3A_297 : i32 to vector<16xi32>
        %parallel_loop3A_299 = arith.addi %parallel_loop3A_293, %parallel_loop3A_298 : vector<16xi32>
        %parallel_loop3A_300 = arith.select %parallel_loop3A_296, %parallel_loop3A_299, %parallel_loop3A_293 : vector<16xi1>, vector<16xi32>
        %parallel_loop3A_301 = vector.shape_cast %parallel_loop3A_300 : vector<16xi32> to vector<16x1xi32>
        %parallel_loop3A_302 = vector.shape_cast %parallel_loop3A_301 : vector<16x1xi32> to vector<16xi32>
        %parallel_loop3A_303 = tpu.dynamic_gather %parallel_loop3A_290[%parallel_loop3A_302] in [0] : vector<16xf32>, vector<16xi32> -> vector<16xf32>
        %parallel_loop3A_304 = arith.addf %parallel_loop3A_290, %parallel_loop3A_303 : vector<16xf32>
        %parallel_loop3A_305 = arith.constant -5.000000e+00 : f32
        %parallel_loop3A_306 = arith.constant 5.000000e+00 : f32
        %parallel_loop3A_307 = vector.broadcast %parallel_loop3A_305 : f32 to vector<16xf32>
        %parallel_loop3A_308 = arith.maximumf %parallel_loop3A_307, %parallel_loop3A_304 : vector<16xf32>
        %parallel_loop3A_309 = vector.broadcast %parallel_loop3A_306 : f32 to vector<16xf32>
        %parallel_loop3A_310 = arith.minimumf %parallel_loop3A_309, %parallel_loop3A_308 : vector<16xf32>
        %parallel_loop3A_311 = math.exp %parallel_loop3A_310 : vector<16xf32>
        %parallel_loop3A_312 = arith.index_cast %parallel_loop3A_239 : i32 to index
        %parallel_loop3A_313 = arith.constant 0 : index
        %parallel_loop3A_314 = tpu.vector_load %arg18[%parallel_loop3A_312, %parallel_loop3A_313] {strides = array<i32>} : memref<32x128xf32, #tpu.memory_space<vmem>>, vector<1x16xf32>,
        %parallel_loop3A_315 = vector.shape_cast %parallel_loop3A_314 : vector<1x16xf32> to vector<16xf32>
        %parallel_loop3A_316 = arith.mulf %parallel_loop3A_311, %parallel_loop3A_315 : vector<16xf32>
        %parallel_loop3A_317 = arith.index_cast %parallel_loop3A_239 : i32 to index
        %parallel_loop3A_318 = arith.constant 0 : index
        %parallel_loop3A_319 = tpu.vector_load %arg22[%parallel_loop3A_317, %parallel_loop3A_318] {strides = array<i32>} : memref<64x128xf32, #tpu.memory_space<vmem>>, vector<1x16xf32>,
        %parallel_loop3A_320 = vector.shape_cast %parallel_loop3A_319 : vector<1x16xf32> to vector<16xf32>
        %parallel_loop3A_321 = vector.shape_cast %parallel_loop3A_316 : vector<16xf32> to vector<1x16xf32>
        tpu.vector_store %arg22[%parallel_loop3A_317, %parallel_loop3A_318], %parallel_loop3A_321 {strides = array<i32>} : memref<64x128xf32, #tpu.memory_space<vmem>>, vector<1x16xf32>,
        %parallel_loop3A_322 = arith.mulf %parallel_loop3A_311, %select_n3A : vector<16xf32>
        %parallel_loop3A_323 = arith.addf %broadcast_in_dim3A_3, %parallel_loop3A_322 : vector<16xf32>
        %parallel_loop3A_324 = arith.index_cast %parallel_loop3A_239 : i32 to index
        %parallel_loop3A_325 = arith.constant 16 : index
        %parallel_loop3A_326 = tpu.vector_load %arg16[%parallel_loop3A_324, %parallel_loop3A_325] {strides = array<i32>} : memref<32x128xf32, #tpu.memory_space<vmem>>, vector<1x16xf32>,
        %parallel_loop3A_327 = vector.shape_cast %parallel_loop3A_326 : vector<1x16xf32> to vector<16xf32>
        %parallel_loop3A_328 = arith.index_cast %parallel_loop3A_239 : i32 to index
        %parallel_loop3A_329 = arith.constant 16 : index
        %parallel_loop3A_330 = tpu.vector_load %arg17[%parallel_loop3A_328, %parallel_loop3A_329] {strides = array<i32>} : memref<32x128xf32, #tpu.memory_space<vmem>>, vector<1x16xf32>,
        %parallel_loop3A_331 = vector.shape_cast %parallel_loop3A_330 : vector<1x16xf32> to vector<16xf32>
        %parallel_loop3A_332 = arith.mulf %parallel_loop3A_327, %parallel_loop3A_331 : vector<16xf32>
        %parallel_loop3A_333 = arith.constant 8 : i32
        %parallel_loop3A_334 = vector.broadcast %parallel_loop3A_333 : i32 to vector<16xi32>
        %parallel_loop3A_335 = arith.xori %iota3A, %parallel_loop3A_334 : vector<16xi32>
        %parallel_loop3A_336 = arith.constant 0 : i32
        %parallel_loop3A_337 = vector.broadcast %parallel_loop3A_336 : i32 to vector<16xi32>
        %parallel_loop3A_338 = arith.cmpi slt, %parallel_loop3A_335, %parallel_loop3A_337 : vector<16xi32>
        %parallel_loop3A_339 = arith.constant 16 : i32
        %parallel_loop3A_340 = vector.broadcast %parallel_loop3A_339 : i32 to vector<16xi32>
        %parallel_loop3A_341 = arith.addi %parallel_loop3A_335, %parallel_loop3A_340 : vector<16xi32>
        %parallel_loop3A_342 = arith.select %parallel_loop3A_338, %parallel_loop3A_341, %parallel_loop3A_335 : vector<16xi1>, vector<16xi32>
        %parallel_loop3A_343 = vector.shape_cast %parallel_loop3A_342 : vector<16xi32> to vector<16x1xi32>
        %parallel_loop3A_344 = vector.shape_cast %parallel_loop3A_343 : vector<16x1xi32> to vector<16xi32>
        %parallel_loop3A_345 = tpu.dynamic_gather %parallel_loop3A_332[%parallel_loop3A_344] in [0] : vector<16xf32>, vector<16xi32> -> vector<16xf32>
        %parallel_loop3A_346 = arith.addf %parallel_loop3A_332, %parallel_loop3A_345 : vector<16xf32>
        %parallel_loop3A_347 = arith.constant 4 : i32
        %parallel_loop3A_348 = vector.broadcast %parallel_loop3A_347 : i32 to vector<16xi32>
        %parallel_loop3A_349 = arith.xori %iota3A, %parallel_loop3A_348 : vector<16xi32>
        %parallel_loop3A_350 = arith.constant 0 : i32
        %parallel_loop3A_351 = vector.broadcast %parallel_loop3A_350 : i32 to vector<16xi32>
        %parallel_loop3A_352 = arith.cmpi slt, %parallel_loop3A_349, %parallel_loop3A_351 : vector<16xi32>
        %parallel_loop3A_353 = arith.constant 16 : i32
        %parallel_loop3A_354 = vector.broadcast %parallel_loop3A_353 : i32 to vector<16xi32>
        %parallel_loop3A_355 = arith.addi %parallel_loop3A_349, %parallel_loop3A_354 : vector<16xi32>
        %parallel_loop3A_356 = arith.select %parallel_loop3A_352, %parallel_loop3A_355, %parallel_loop3A_349 : vector<16xi1>, vector<16xi32>
        %parallel_loop3A_357 = vector.shape_cast %parallel_loop3A_356 : vector<16xi32> to vector<16x1xi32>
        %parallel_loop3A_358 = vector.shape_cast %parallel_loop3A_357 : vector<16x1xi32> to vector<16xi32>
        %parallel_loop3A_359 = tpu.dynamic_gather %parallel_loop3A_346[%parallel_loop3A_358] in [0] : vector<16xf32>, vector<16xi32> -> vector<16xf32>
        %parallel_loop3A_360 = arith.addf %parallel_loop3A_346, %parallel_loop3A_359 : vector<16xf32>
        %parallel_loop3A_361 = arith.constant 2 : i32
        %parallel_loop3A_362 = vector.broadcast %parallel_loop3A_361 : i32 to vector<16xi32>
        %parallel_loop3A_363 = arith.xori %iota3A, %parallel_loop3A_362 : vector<16xi32>
        %parallel_loop3A_364 = arith.constant 0 : i32
        %parallel_loop3A_365 = vector.broadcast %parallel_loop3A_364 : i32 to vector<16xi32>
        %parallel_loop3A_366 = arith.cmpi slt, %parallel_loop3A_363, %parallel_loop3A_365 : vector<16xi32>
        %parallel_loop3A_367 = arith.constant 16 : i32
        %parallel_loop3A_368 = vector.broadcast %parallel_loop3A_367 : i32 to vector<16xi32>
        %parallel_loop3A_369 = arith.addi %parallel_loop3A_363, %parallel_loop3A_368 : vector<16xi32>
        %parallel_loop3A_370 = arith.select %parallel_loop3A_366, %parallel_loop3A_369, %parallel_loop3A_363 : vector<16xi1>, vector<16xi32>
        %parallel_loop3A_371 = vector.shape_cast %parallel_loop3A_370 : vector<16xi32> to vector<16x1xi32>
        %parallel_loop3A_372 = vector.shape_cast %parallel_loop3A_371 : vector<16x1xi32> to vector<16xi32>
        %parallel_loop3A_373 = tpu.dynamic_gather %parallel_loop3A_360[%parallel_loop3A_372] in [0] : vector<16xf32>, vector<16xi32> -> vector<16xf32>
        %parallel_loop3A_374 = arith.addf %parallel_loop3A_360, %parallel_loop3A_373 : vector<16xf32>
        %parallel_loop3A_375 = arith.constant 1 : i32
        %parallel_loop3A_376 = vector.broadcast %parallel_loop3A_375 : i32 to vector<16xi32>
        %parallel_loop3A_377 = arith.xori %iota3A, %parallel_loop3A_376 : vector<16xi32>
        %parallel_loop3A_378 = arith.constant 0 : i32
        %parallel_loop3A_379 = vector.broadcast %parallel_loop3A_378 : i32 to vector<16xi32>
        %parallel_loop3A_380 = arith.cmpi slt, %parallel_loop3A_377, %parallel_loop3A_379 : vector<16xi32>
        %parallel_loop3A_381 = arith.constant 16 : i32
        %parallel_loop3A_382 = vector.broadcast %parallel_loop3A_381 : i32 to vector<16xi32>
        %parallel_loop3A_383 = arith.addi %parallel_loop3A_377, %parallel_loop3A_382 : vector<16xi32>
        %parallel_loop3A_384 = arith.select %parallel_loop3A_380, %parallel_loop3A_383, %parallel_loop3A_377 : vector<16xi1>, vector<16xi32>
        %parallel_loop3A_385 = vector.shape_cast %parallel_loop3A_384 : vector<16xi32> to vector<16x1xi32>
        %parallel_loop3A_386 = vector.shape_cast %parallel_loop3A_385 : vector<16x1xi32> to vector<16xi32>
        %parallel_loop3A_387 = tpu.dynamic_gather %parallel_loop3A_374[%parallel_loop3A_386] in [0] : vector<16xf32>, vector<16xi32> -> vector<16xf32>
        %parallel_loop3A_388 = arith.addf %parallel_loop3A_374, %parallel_loop3A_387 : vector<16xf32>
        %parallel_loop3A_389 = arith.constant -5.000000e+00 : f32
        %parallel_loop3A_390 = arith.constant 5.000000e+00 : f32
        %parallel_loop3A_391 = vector.broadcast %parallel_loop3A_389 : f32 to vector<16xf32>
        %parallel_loop3A_392 = arith.maximumf %parallel_loop3A_391, %parallel_loop3A_388 : vector<16xf32>
        %parallel_loop3A_393 = vector.broadcast %parallel_loop3A_390 : f32 to vector<16xf32>
        %parallel_loop3A_394 = arith.minimumf %parallel_loop3A_393, %parallel_loop3A_392 : vector<16xf32>
        %parallel_loop3A_395 = math.exp %parallel_loop3A_394 : vector<16xf32>
        %parallel_loop3A_396 = arith.index_cast %parallel_loop3A_239 : i32 to index
        %parallel_loop3A_397 = arith.constant 16 : index
        %parallel_loop3A_398 = tpu.vector_load %arg18[%parallel_loop3A_396, %parallel_loop3A_397] {strides = array<i32>} : memref<32x128xf32, #tpu.memory_space<vmem>>, vector<1x16xf32>,
        %parallel_loop3A_399 = vector.shape_cast %parallel_loop3A_398 : vector<1x16xf32> to vector<16xf32>
        %parallel_loop3A_400 = arith.mulf %parallel_loop3A_395, %parallel_loop3A_399 : vector<16xf32>
        %parallel_loop3A_401 = arith.index_cast %parallel_loop3A_239 : i32 to index
        %parallel_loop3A_402 = arith.constant 16 : index
        %parallel_loop3A_403 = tpu.vector_load %arg22[%parallel_loop3A_401, %parallel_loop3A_402] {strides = array<i32>} : memref<64x128xf32, #tpu.memory_space<vmem>>, vector<1x16xf32>,
        %parallel_loop3A_404 = vector.shape_cast %parallel_loop3A_403 : vector<1x16xf32> to vector<16xf32>
        %parallel_loop3A_405 = vector.shape_cast %parallel_loop3A_400 : vector<16xf32> to vector<1x16xf32>
        tpu.vector_store %arg22[%parallel_loop3A_401, %parallel_loop3A_402], %parallel_loop3A_405 {strides = array<i32>} : memref<64x128xf32, #tpu.memory_space<vmem>>, vector<1x16xf32>,
        %parallel_loop3A_406 = arith.mulf %parallel_loop3A_395, %select_n3A_14 : vector<16xf32>
        %parallel_loop3A_407 = arith.addf %parallel_loop3A_323, %parallel_loop3A_406 : vector<16xf32>
        %parallel_loop3A_408 = arith.index_cast %parallel_loop3A_239 : i32 to index
        %parallel_loop3A_409 = arith.constant 32 : index
        %parallel_loop3A_410 = tpu.vector_load %arg16[%parallel_loop3A_408, %parallel_loop3A_409] {strides = array<i32>} : memref<32x128xf32, #tpu.memory_space<vmem>>, vector<1x16xf32>,
        %parallel_loop3A_411 = vector.shape_cast %parallel_loop3A_410 : vector<1x16xf32> to vector<16xf32>
        %parallel_loop3A_412 = arith.index_cast %parallel_loop3A_239 : i32 to index
        %parallel_loop3A_413 = arith.constant 32 : index
        %parallel_loop3A_414 = tpu.vector_load %arg17[%parallel_loop3A_412, %parallel_loop3A_413] {strides = array<i32>} : memref<32x128xf32, #tpu.memory_space<vmem>>, vector<1x16xf32>,
        %parallel_loop3A_415 = vector.shape_cast %parallel_loop3A_414 : vector<1x16xf32> to vector<16xf32>
        %parallel_loop3A_416 = arith.mulf %parallel_loop3A_411, %parallel_loop3A_415 : vector<16xf32>
        %parallel_loop3A_417 = arith.constant 8 : i32
        %parallel_loop3A_418 = vector.broadcast %parallel_loop3A_417 : i32 to vector<16xi32>
        %parallel_loop3A_419 = arith.xori %iota3A, %parallel_loop3A_418 : vector<16xi32>
        %parallel_loop3A_420 = arith.constant 0 : i32
        %parallel_loop3A_421 = vector.broadcast %parallel_loop3A_420 : i32 to vector<16xi32>
        %parallel_loop3A_422 = arith.cmpi slt, %parallel_loop3A_419, %parallel_loop3A_421 : vector<16xi32>
        %parallel_loop3A_423 = arith.constant 16 : i32
        %parallel_loop3A_424 = vector.broadcast %parallel_loop3A_423 : i32 to vector<16xi32>
        %parallel_loop3A_425 = arith.addi %parallel_loop3A_419, %parallel_loop3A_424 : vector<16xi32>
        %parallel_loop3A_426 = arith.select %parallel_loop3A_422, %parallel_loop3A_425, %parallel_loop3A_419 : vector<16xi1>, vector<16xi32>
        %parallel_loop3A_427 = vector.shape_cast %parallel_loop3A_426 : vector<16xi32> to vector<16x1xi32>
        %parallel_loop3A_428 = vector.shape_cast %parallel_loop3A_427 : vector<16x1xi32> to vector<16xi32>
        %parallel_loop3A_429 = tpu.dynamic_gather %parallel_loop3A_416[%parallel_loop3A_428] in [0] : vector<16xf32>, vector<16xi32> -> vector<16xf32>
        %parallel_loop3A_430 = arith.addf %parallel_loop3A_416, %parallel_loop3A_429 : vector<16xf32>
        %parallel_loop3A_431 = arith.constant 4 : i32
        %parallel_loop3A_432 = vector.broadcast %parallel_loop3A_431 : i32 to vector<16xi32>
        %parallel_loop3A_433 = arith.xori %iota3A, %parallel_loop3A_432 : vector<16xi32>
        %parallel_loop3A_434 = arith.constant 0 : i32
        %parallel_loop3A_435 = vector.broadcast %parallel_loop3A_434 : i32 to vector<16xi32>
        %parallel_loop3A_436 = arith.cmpi slt, %parallel_loop3A_433, %parallel_loop3A_435 : vector<16xi32>
        %parallel_loop3A_437 = arith.constant 16 : i32
        %parallel_loop3A_438 = vector.broadcast %parallel_loop3A_437 : i32 to vector<16xi32>
        %parallel_loop3A_439 = arith.addi %parallel_loop3A_433, %parallel_loop3A_438 : vector<16xi32>
        %parallel_loop3A_440 = arith.select %parallel_loop3A_436, %parallel_loop3A_439, %parallel_loop3A_433 : vector<16xi1>, vector<16xi32>
        %parallel_loop3A_441 = vector.shape_cast %parallel_loop3A_440 : vector<16xi32> to vector<16x1xi32>
        %parallel_loop3A_442 = vector.shape_cast %parallel_loop3A_441 : vector<16x1xi32> to vector<16xi32>
        %parallel_loop3A_443 = tpu.dynamic_gather %parallel_loop3A_430[%parallel_loop3A_442] in [0] : vector<16xf32>, vector<16xi32> -> vector<16xf32>
        %parallel_loop3A_444 = arith.addf %parallel_loop3A_430, %parallel_loop3A_443 : vector<16xf32>
        %parallel_loop3A_445 = arith.constant 2 : i32
        %parallel_loop3A_446 = vector.broadcast %parallel_loop3A_445 : i32 to vector<16xi32>
        %parallel_loop3A_447 = arith.xori %iota3A, %parallel_loop3A_446 : vector<16xi32>
        %parallel_loop3A_448 = arith.constant 0 : i32
        %parallel_loop3A_449 = vector.broadcast %parallel_loop3A_448 : i32 to vector<16xi32>
        %parallel_loop3A_450 = arith.cmpi slt, %parallel_loop3A_447, %parallel_loop3A_449 : vector<16xi32>
        %parallel_loop3A_451 = arith.constant 16 : i32
        %parallel_loop3A_452 = vector.broadcast %parallel_loop3A_451 : i32 to vector<16xi32>
        %parallel_loop3A_453 = arith.addi %parallel_loop3A_447, %parallel_loop3A_452 : vector<16xi32>
        %parallel_loop3A_454 = arith.select %parallel_loop3A_450, %parallel_loop3A_453, %parallel_loop3A_447 : vector<16xi1>, vector<16xi32>
        %parallel_loop3A_455 = vector.shape_cast %parallel_loop3A_454 : vector<16xi32> to vector<16x1xi32>
        %parallel_loop3A_456 = vector.shape_cast %parallel_loop3A_455 : vector<16x1xi32> to vector<16xi32>
        %parallel_loop3A_457 = tpu.dynamic_gather %parallel_loop3A_444[%parallel_loop3A_456] in [0] : vector<16xf32>, vector<16xi32> -> vector<16xf32>
        %parallel_loop3A_458 = arith.addf %parallel_loop3A_444, %parallel_loop3A_457 : vector<16xf32>
        %parallel_loop3A_459 = arith.constant 1 : i32
        %parallel_loop3A_460 = vector.broadcast %parallel_loop3A_459 : i32 to vector<16xi32>
        %parallel_loop3A_461 = arith.xori %iota3A, %parallel_loop3A_460 : vector<16xi32>
        %parallel_loop3A_462 = arith.constant 0 : i32
        %parallel_loop3A_463 = vector.broadcast %parallel_loop3A_462 : i32 to vector<16xi32>
        %parallel_loop3A_464 = arith.cmpi slt, %parallel_loop3A_461, %parallel_loop3A_463 : vector<16xi32>
        %parallel_loop3A_465 = arith.constant 16 : i32
        %parallel_loop3A_466 = vector.broadcast %parallel_loop3A_465 : i32 to vector<16xi32>
        %parallel_loop3A_467 = arith.addi %parallel_loop3A_461, %parallel_loop3A_466 : vector<16xi32>
        %parallel_loop3A_468 = arith.select %parallel_loop3A_464, %parallel_loop3A_467, %parallel_loop3A_461 : vector<16xi1>, vector<16xi32>
        %parallel_loop3A_469 = vector.shape_cast %parallel_loop3A_468 : vector<16xi32> to vector<16x1xi32>
        %parallel_loop3A_470 = vector.shape_cast %parallel_loop3A_469 : vector<16x1xi32> to vector<16xi32>
        %parallel_loop3A_471 = tpu.dynamic_gather %parallel_loop3A_458[%parallel_loop3A_470] in [0] : vector<16xf32>, vector<16xi32> -> vector<16xf32>
        %parallel_loop3A_472 = arith.addf %parallel_loop3A_458, %parallel_loop3A_471 : vector<16xf32>
        %parallel_loop3A_473 = arith.constant -5.000000e+00 : f32
        %parallel_loop3A_474 = arith.constant 5.000000e+00 : f32
        %parallel_loop3A_475 = vector.broadcast %parallel_loop3A_473 : f32 to vector<16xf32>
        %parallel_loop3A_476 = arith.maximumf %parallel_loop3A_475, %parallel_loop3A_472 : vector<16xf32>
        %parallel_loop3A_477 = vector.broadcast %parallel_loop3A_474 : f32 to vector<16xf32>
        %parallel_loop3A_478 = arith.minimumf %parallel_loop3A_477, %parallel_loop3A_476 : vector<16xf32>
        %parallel_loop3A_479 = math.exp %parallel_loop3A_478 : vector<16xf32>
        %parallel_loop3A_480 = arith.index_cast %parallel_loop3A_239 : i32 to index
        %parallel_loop3A_481 = arith.constant 32 : index
        %parallel_loop3A_482 = tpu.vector_load %arg18[%parallel_loop3A_480, %parallel_loop3A_481] {strides = array<i32>} : memref<32x128xf32, #tpu.memory_space<vmem>>, vector<1x16xf32>,
        %parallel_loop3A_483 = vector.shape_cast %parallel_loop3A_482 : vector<1x16xf32> to vector<16xf32>
        %parallel_loop3A_484 = arith.mulf %parallel_loop3A_479, %parallel_loop3A_483 : vector<16xf32>
        %parallel_loop3A_485 = arith.index_cast %parallel_loop3A_239 : i32 to index
        %parallel_loop3A_486 = arith.constant 32 : index
        %parallel_loop3A_487 = tpu.vector_load %arg22[%parallel_loop3A_485, %parallel_loop3A_486] {strides = array<i32>} : memref<64x128xf32, #tpu.memory_space<vmem>>, vector<1x16xf32>,
        %parallel_loop3A_488 = vector.shape_cast %parallel_loop3A_487 : vector<1x16xf32> to vector<16xf32>
        %parallel_loop3A_489 = vector.shape_cast %parallel_loop3A_484 : vector<16xf32> to vector<1x16xf32>
        tpu.vector_store %arg22[%parallel_loop3A_485, %parallel_loop3A_486], %parallel_loop3A_489 {strides = array<i32>} : memref<64x128xf32, #tpu.memory_space<vmem>>, vector<1x16xf32>,
        %parallel_loop3A_490 = arith.mulf %parallel_loop3A_479, %select_n3A_18 : vector<16xf32>
        %parallel_loop3A_491 = arith.addf %parallel_loop3A_407, %parallel_loop3A_490 : vector<16xf32>
        %parallel_loop3A_492 = arith.index_cast %parallel_loop3A_239 : i32 to index
        %parallel_loop3A_493 = arith.constant 48 : index
        %parallel_loop3A_494 = tpu.vector_load %arg16[%parallel_loop3A_492, %parallel_loop3A_493] {strides = array<i32>} : memref<32x128xf32, #tpu.memory_space<vmem>>, vector<1x16xf32>,
        %parallel_loop3A_495 = vector.shape_cast %parallel_loop3A_494 : vector<1x16xf32> to vector<16xf32>
        %parallel_loop3A_496 = arith.index_cast %parallel_loop3A_239 : i32 to index
        %parallel_loop3A_497 = arith.constant 48 : index
        %parallel_loop3A_498 = tpu.vector_load %arg17[%parallel_loop3A_496, %parallel_loop3A_497] {strides = array<i32>} : memref<32x128xf32, #tpu.memory_space<vmem>>, vector<1x16xf32>,
        %parallel_loop3A_499 = vector.shape_cast %parallel_loop3A_498 : vector<1x16xf32> to vector<16xf32>
        %parallel_loop3A_500 = arith.mulf %parallel_loop3A_495, %parallel_loop3A_499 : vector<16xf32>
        %parallel_loop3A_501 = arith.constant 8 : i32
        %parallel_loop3A_502 = vector.broadcast %parallel_loop3A_501 : i32 to vector<16xi32>
        %parallel_loop3A_503 = arith.xori %iota3A, %parallel_loop3A_502 : vector<16xi32>
        %parallel_loop3A_504 = arith.constant 0 : i32
        %parallel_loop3A_505 = vector.broadcast %parallel_loop3A_504 : i32 to vector<16xi32>
        %parallel_loop3A_506 = arith.cmpi slt, %parallel_loop3A_503, %parallel_loop3A_505 : vector<16xi32>
        %parallel_loop3A_507 = arith.constant 16 : i32
        %parallel_loop3A_508 = vector.broadcast %parallel_loop3A_507 : i32 to vector<16xi32>
        %parallel_loop3A_509 = arith.addi %parallel_loop3A_503, %parallel_loop3A_508 : vector<16xi32>
        %parallel_loop3A_510 = arith.select %parallel_loop3A_506, %parallel_loop3A_509, %parallel_loop3A_503 : vector<16xi1>, vector<16xi32>
        %parallel_loop3A_511 = vector.shape_cast %parallel_loop3A_510 : vector<16xi32> to vector<16x1xi32>
        %parallel_loop3A_512 = vector.shape_cast %parallel_loop3A_511 : vector<16x1xi32> to vector<16xi32>
        %parallel_loop3A_513 = tpu.dynamic_gather %parallel_loop3A_500[%parallel_loop3A_512] in [0] : vector<16xf32>, vector<16xi32> -> vector<16xf32>
        %parallel_loop3A_514 = arith.addf %parallel_loop3A_500, %parallel_loop3A_513 : vector<16xf32>
        %parallel_loop3A_515 = arith.constant 4 : i32
        %parallel_loop3A_516 = vector.broadcast %parallel_loop3A_515 : i32 to vector<16xi32>
        %parallel_loop3A_517 = arith.xori %iota3A, %parallel_loop3A_516 : vector<16xi32>
        %parallel_loop3A_518 = arith.constant 0 : i32
        %parallel_loop3A_519 = vector.broadcast %parallel_loop3A_518 : i32 to vector<16xi32>
        %parallel_loop3A_520 = arith.cmpi slt, %parallel_loop3A_517, %parallel_loop3A_519 : vector<16xi32>
        %parallel_loop3A_521 = arith.constant 16 : i32
        %parallel_loop3A_522 = vector.broadcast %parallel_loop3A_521 : i32 to vector<16xi32>
        %parallel_loop3A_523 = arith.addi %parallel_loop3A_517, %parallel_loop3A_522 : vector<16xi32>
        %parallel_loop3A_524 = arith.select %parallel_loop3A_520, %parallel_loop3A_523, %parallel_loop3A_517 : vector<16xi1>, vector<16xi32>
        %parallel_loop3A_525 = vector.shape_cast %parallel_loop3A_524 : vector<16xi32> to vector<16x1xi32>
        %parallel_loop3A_526 = vector.shape_cast %parallel_loop3A_525 : vector<16x1xi32> to vector<16xi32>
        %parallel_loop3A_527 = tpu.dynamic_gather %parallel_loop3A_514[%parallel_loop3A_526] in [0] : vector<16xf32>, vector<16xi32> -> vector<16xf32>
        %parallel_loop3A_528 = arith.addf %parallel_loop3A_514, %parallel_loop3A_527 : vector<16xf32>
        %parallel_loop3A_529 = arith.constant 2 : i32
        %parallel_loop3A_530 = vector.broadcast %parallel_loop3A_529 : i32 to vector<16xi32>
        %parallel_loop3A_531 = arith.xori %iota3A, %parallel_loop3A_530 : vector<16xi32>
        %parallel_loop3A_532 = arith.constant 0 : i32
        %parallel_loop3A_533 = vector.broadcast %parallel_loop3A_532 : i32 to vector<16xi32>
        %parallel_loop3A_534 = arith.cmpi slt, %parallel_loop3A_531, %parallel_loop3A_533 : vector<16xi32>
        %parallel_loop3A_535 = arith.constant 16 : i32
        %parallel_loop3A_536 = vector.broadcast %parallel_loop3A_535 : i32 to vector<16xi32>
        %parallel_loop3A_537 = arith.addi %parallel_loop3A_531, %parallel_loop3A_536 : vector<16xi32>
        %parallel_loop3A_538 = arith.select %parallel_loop3A_534, %parallel_loop3A_537, %parallel_loop3A_531 : vector<16xi1>, vector<16xi32>
        %parallel_loop3A_539 = vector.shape_cast %parallel_loop3A_538 : vector<16xi32> to vector<16x1xi32>
        %parallel_loop3A_540 = vector.shape_cast %parallel_loop3A_539 : vector<16x1xi32> to vector<16xi32>
        %parallel_loop3A_541 = tpu.dynamic_gather %parallel_loop3A_528[%parallel_loop3A_540] in [0] : vector<16xf32>, vector<16xi32> -> vector<16xf32>
        %parallel_loop3A_542 = arith.addf %parallel_loop3A_528, %parallel_loop3A_541 : vector<16xf32>
        %parallel_loop3A_543 = arith.constant 1 : i32
        %parallel_loop3A_544 = vector.broadcast %parallel_loop3A_543 : i32 to vector<16xi32>
        %parallel_loop3A_545 = arith.xori %iota3A, %parallel_loop3A_544 : vector<16xi32>
        %parallel_loop3A_546 = arith.constant 0 : i32
        %parallel_loop3A_547 = vector.broadcast %parallel_loop3A_546 : i32 to vector<16xi32>
        %parallel_loop3A_548 = arith.cmpi slt, %parallel_loop3A_545, %parallel_loop3A_547 : vector<16xi32>
        %parallel_loop3A_549 = arith.constant 16 : i32
        %parallel_loop3A_550 = vector.broadcast %parallel_loop3A_549 : i32 to vector<16xi32>
        %parallel_loop3A_551 = arith.addi %parallel_loop3A_545, %parallel_loop3A_550 : vector<16xi32>
        %parallel_loop3A_552 = arith.select %parallel_loop3A_548, %parallel_loop3A_551, %parallel_loop3A_545 : vector<16xi1>, vector<16xi32>
        %parallel_loop3A_553 = vector.shape_cast %parallel_loop3A_552 : vector<16xi32> to vector<16x1xi32>
        %parallel_loop3A_554 = vector.shape_cast %parallel_loop3A_553 : vector<16x1xi32> to vector<16xi32>
        %parallel_loop3A_555 = tpu.dynamic_gather %parallel_loop3A_542[%parallel_loop3A_554] in [0] : vector<16xf32>, vector<16xi32> -> vector<16xf32>
        %parallel_loop3A_556 = arith.addf %parallel_loop3A_542, %parallel_loop3A_555 : vector<16xf32>
        %parallel_loop3A_557 = arith.constant -5.000000e+00 : f32
        %parallel_loop3A_558 = arith.constant 5.000000e+00 : f32
        %parallel_loop3A_559 = vector.broadcast %parallel_loop3A_557 : f32 to vector<16xf32>
        %parallel_loop3A_560 = arith.maximumf %parallel_loop3A_559, %parallel_loop3A_556 : vector<16xf32>
        %parallel_loop3A_561 = vector.broadcast %parallel_loop3A_558 : f32 to vector<16xf32>
        %parallel_loop3A_562 = arith.minimumf %parallel_loop3A_561, %parallel_loop3A_560 : vector<16xf32>
        %parallel_loop3A_563 = math.exp %parallel_loop3A_562 : vector<16xf32>
        %parallel_loop3A_564 = arith.index_cast %parallel_loop3A_239 : i32 to index
        %parallel_loop3A_565 = arith.constant 48 : index
        %parallel_loop3A_566 = tpu.vector_load %arg18[%parallel_loop3A_564, %parallel_loop3A_565] {strides = array<i32>} : memref<32x128xf32, #tpu.memory_space<vmem>>, vector<1x16xf32>,
        %parallel_loop3A_567 = vector.shape_cast %parallel_loop3A_566 : vector<1x16xf32> to vector<16xf32>
        %parallel_loop3A_568 = arith.mulf %parallel_loop3A_563, %parallel_loop3A_567 : vector<16xf32>
        %parallel_loop3A_569 = arith.index_cast %parallel_loop3A_239 : i32 to index
        %parallel_loop3A_570 = arith.constant 48 : index
        %parallel_loop3A_571 = tpu.vector_load %arg22[%parallel_loop3A_569, %parallel_loop3A_570] {strides = array<i32>} : memref<64x128xf32, #tpu.memory_space<vmem>>, vector<1x16xf32>,
        %parallel_loop3A_572 = vector.shape_cast %parallel_loop3A_571 : vector<1x16xf32> to vector<16xf32>
        %parallel_loop3A_573 = vector.shape_cast %parallel_loop3A_568 : vector<16xf32> to vector<1x16xf32>
        tpu.vector_store %arg22[%parallel_loop3A_569, %parallel_loop3A_570], %parallel_loop3A_573 {strides = array<i32>} : memref<64x128xf32, #tpu.memory_space<vmem>>, vector<1x16xf32>,
        %parallel_loop3A_574 = arith.mulf %parallel_loop3A_563, %select_n3A_22 : vector<16xf32>
        %parallel_loop3A_575 = arith.addf %parallel_loop3A_491, %parallel_loop3A_574 : vector<16xf32>
        %parallel_loop3A_576 = arith.index_cast %parallel_loop3A_239 : i32 to index
        %parallel_loop3A_577 = arith.constant 64 : index
        %parallel_loop3A_578 = tpu.vector_load %arg16[%parallel_loop3A_576, %parallel_loop3A_577] {strides = array<i32>} : memref<32x128xf32, #tpu.memory_space<vmem>>, vector<1x16xf32>,
        %parallel_loop3A_579 = vector.shape_cast %parallel_loop3A_578 : vector<1x16xf32> to vector<16xf32>
        %parallel_loop3A_580 = arith.index_cast %parallel_loop3A_239 : i32 to index
        %parallel_loop3A_581 = arith.constant 64 : index
        %parallel_loop3A_582 = tpu.vector_load %arg17[%parallel_loop3A_580, %parallel_loop3A_581] {strides = array<i32>} : memref<32x128xf32, #tpu.memory_space<vmem>>, vector<1x16xf32>,
        %parallel_loop3A_583 = vector.shape_cast %parallel_loop3A_582 : vector<1x16xf32> to vector<16xf32>
        %parallel_loop3A_584 = arith.mulf %parallel_loop3A_579, %parallel_loop3A_583 : vector<16xf32>
        %parallel_loop3A_585 = arith.constant 8 : i32
        %parallel_loop3A_586 = vector.broadcast %parallel_loop3A_585 : i32 to vector<16xi32>
        %parallel_loop3A_587 = arith.xori %iota3A, %parallel_loop3A_586 : vector<16xi32>
        %parallel_loop3A_588 = arith.constant 0 : i32
        %parallel_loop3A_589 = vector.broadcast %parallel_loop3A_588 : i32 to vector<16xi32>
        %parallel_loop3A_590 = arith.cmpi slt, %parallel_loop3A_587, %parallel_loop3A_589 : vector<16xi32>
        %parallel_loop3A_591 = arith.constant 16 : i32
        %parallel_loop3A_592 = vector.broadcast %parallel_loop3A_591 : i32 to vector<16xi32>
        %parallel_loop3A_593 = arith.addi %parallel_loop3A_587, %parallel_loop3A_592 : vector<16xi32>
        %parallel_loop3A_594 = arith.select %parallel_loop3A_590, %parallel_loop3A_593, %parallel_loop3A_587 : vector<16xi1>, vector<16xi32>
        %parallel_loop3A_595 = vector.shape_cast %parallel_loop3A_594 : vector<16xi32> to vector<16x1xi32>
        %parallel_loop3A_596 = vector.shape_cast %parallel_loop3A_595 : vector<16x1xi32> to vector<16xi32>
        %parallel_loop3A_597 = tpu.dynamic_gather %parallel_loop3A_584[%parallel_loop3A_596] in [0] : vector<16xf32>, vector<16xi32> -> vector<16xf32>
        %parallel_loop3A_598 = arith.addf %parallel_loop3A_584, %parallel_loop3A_597 : vector<16xf32>
        %parallel_loop3A_599 = arith.constant 4 : i32
        %parallel_loop3A_600 = vector.broadcast %parallel_loop3A_599 : i32 to vector<16xi32>
        %parallel_loop3A_601 = arith.xori %iota3A, %parallel_loop3A_600 : vector<16xi32>
        %parallel_loop3A_602 = arith.constant 0 : i32
        %parallel_loop3A_603 = vector.broadcast %parallel_loop3A_602 : i32 to vector<16xi32>
        %parallel_loop3A_604 = arith.cmpi slt, %parallel_loop3A_601, %parallel_loop3A_603 : vector<16xi32>
        %parallel_loop3A_605 = arith.constant 16 : i32
        %parallel_loop3A_606 = vector.broadcast %parallel_loop3A_605 : i32 to vector<16xi32>
        %parallel_loop3A_607 = arith.addi %parallel_loop3A_601, %parallel_loop3A_606 : vector<16xi32>
        %parallel_loop3A_608 = arith.select %parallel_loop3A_604, %parallel_loop3A_607, %parallel_loop3A_601 : vector<16xi1>, vector<16xi32>
        %parallel_loop3A_609 = vector.shape_cast %parallel_loop3A_608 : vector<16xi32> to vector<16x1xi32>
        %parallel_loop3A_610 = vector.shape_cast %parallel_loop3A_609 : vector<16x1xi32> to vector<16xi32>
        %parallel_loop3A_611 = tpu.dynamic_gather %parallel_loop3A_598[%parallel_loop3A_610] in [0] : vector<16xf32>, vector<16xi32> -> vector<16xf32>
        %parallel_loop3A_612 = arith.addf %parallel_loop3A_598, %parallel_loop3A_611 : vector<16xf32>
        %parallel_loop3A_613 = arith.constant 2 : i32
        %parallel_loop3A_614 = vector.broadcast %parallel_loop3A_613 : i32 to vector<16xi32>
        %parallel_loop3A_615 = arith.xori %iota3A, %parallel_loop3A_614 : vector<16xi32>
        %parallel_loop3A_616 = arith.constant 0 : i32
        %parallel_loop3A_617 = vector.broadcast %parallel_loop3A_616 : i32 to vector<16xi32>
        %parallel_loop3A_618 = arith.cmpi slt, %parallel_loop3A_615, %parallel_loop3A_617 : vector<16xi32>
        %parallel_loop3A_619 = arith.constant 16 : i32
        %parallel_loop3A_620 = vector.broadcast %parallel_loop3A_619 : i32 to vector<16xi32>
        %parallel_loop3A_621 = arith.addi %parallel_loop3A_615, %parallel_loop3A_620 : vector<16xi32>
        %parallel_loop3A_622 = arith.select %parallel_loop3A_618, %parallel_loop3A_621, %parallel_loop3A_615 : vector<16xi1>, vector<16xi32>
        %parallel_loop3A_623 = vector.shape_cast %parallel_loop3A_622 : vector<16xi32> to vector<16x1xi32>
        %parallel_loop3A_624 = vector.shape_cast %parallel_loop3A_623 : vector<16x1xi32> to vector<16xi32>
        %parallel_loop3A_625 = tpu.dynamic_gather %parallel_loop3A_612[%parallel_loop3A_624] in [0] : vector<16xf32>, vector<16xi32> -> vector<16xf32>
        %parallel_loop3A_626 = arith.addf %parallel_loop3A_612, %parallel_loop3A_625 : vector<16xf32>
        %parallel_loop3A_627 = arith.constant 1 : i32
        %parallel_loop3A_628 = vector.broadcast %parallel_loop3A_627 : i32 to vector<16xi32>
        %parallel_loop3A_629 = arith.xori %iota3A, %parallel_loop3A_628 : vector<16xi32>
        %parallel_loop3A_630 = arith.constant 0 : i32
        %parallel_loop3A_631 = vector.broadcast %parallel_loop3A_630 : i32 to vector<16xi32>
        %parallel_loop3A_632 = arith.cmpi slt, %parallel_loop3A_629, %parallel_loop3A_631 : vector<16xi32>
        %parallel_loop3A_633 = arith.constant 16 : i32
        %parallel_loop3A_634 = vector.broadcast %parallel_loop3A_633 : i32 to vector<16xi32>
        %parallel_loop3A_635 = arith.addi %parallel_loop3A_629, %parallel_loop3A_634 : vector<16xi32>
        %parallel_loop3A_636 = arith.select %parallel_loop3A_632, %parallel_loop3A_635, %parallel_loop3A_629 : vector<16xi1>, vector<16xi32>
        %parallel_loop3A_637 = vector.shape_cast %parallel_loop3A_636 : vector<16xi32> to vector<16x1xi32>
        %parallel_loop3A_638 = vector.shape_cast %parallel_loop3A_637 : vector<16x1xi32> to vector<16xi32>
        %parallel_loop3A_639 = tpu.dynamic_gather %parallel_loop3A_626[%parallel_loop3A_638] in [0] : vector<16xf32>, vector<16xi32> -> vector<16xf32>
        %parallel_loop3A_640 = arith.addf %parallel_loop3A_626, %parallel_loop3A_639 : vector<16xf32>
        %parallel_loop3A_641 = arith.constant -5.000000e+00 : f32
        %parallel_loop3A_642 = arith.constant 5.000000e+00 : f32
        %parallel_loop3A_643 = vector.broadcast %parallel_loop3A_641 : f32 to vector<16xf32>
        %parallel_loop3A_644 = arith.maximumf %parallel_loop3A_643, %parallel_loop3A_640 : vector<16xf32>
        %parallel_loop3A_645 = vector.broadcast %parallel_loop3A_642 : f32 to vector<16xf32>
        %parallel_loop3A_646 = arith.minimumf %parallel_loop3A_645, %parallel_loop3A_644 : vector<16xf32>
        %parallel_loop3A_647 = math.exp %parallel_loop3A_646 : vector<16xf32>
        %parallel_loop3A_648 = arith.index_cast %parallel_loop3A_239 : i32 to index
        %parallel_loop3A_649 = arith.constant 64 : index
        %parallel_loop3A_650 = tpu.vector_load %arg18[%parallel_loop3A_648, %parallel_loop3A_649] {strides = array<i32>} : memref<32x128xf32, #tpu.memory_space<vmem>>, vector<1x16xf32>,
        %parallel_loop3A_651 = vector.shape_cast %parallel_loop3A_650 : vector<1x16xf32> to vector<16xf32>
        %parallel_loop3A_652 = arith.mulf %parallel_loop3A_647, %parallel_loop3A_651 : vector<16xf32>
        %parallel_loop3A_653 = arith.index_cast %parallel_loop3A_239 : i32 to index
        %parallel_loop3A_654 = arith.constant 64 : index
        %parallel_loop3A_655 = tpu.vector_load %arg22[%parallel_loop3A_653, %parallel_loop3A_654] {strides = array<i32>} : memref<64x128xf32, #tpu.memory_space<vmem>>, vector<1x16xf32>,
        %parallel_loop3A_656 = vector.shape_cast %parallel_loop3A_655 : vector<1x16xf32> to vector<16xf32>
        %parallel_loop3A_657 = vector.shape_cast %parallel_loop3A_652 : vector<16xf32> to vector<1x16xf32>
        tpu.vector_store %arg22[%parallel_loop3A_653, %parallel_loop3A_654], %parallel_loop3A_657 {strides = array<i32>} : memref<64x128xf32, #tpu.memory_space<vmem>>, vector<1x16xf32>,
        %parallel_loop3A_658 = arith.mulf %parallel_loop3A_647, %select_n3A_26 : vector<16xf32>
        %parallel_loop3A_659 = arith.addf %parallel_loop3A_575, %parallel_loop3A_658 : vector<16xf32>
        %parallel_loop3A_660 = arith.index_cast %parallel_loop3A_239 : i32 to index
        %parallel_loop3A_661 = arith.constant 80 : index
        %parallel_loop3A_662 = tpu.vector_load %arg16[%parallel_loop3A_660, %parallel_loop3A_661] {strides = array<i32>} : memref<32x128xf32, #tpu.memory_space<vmem>>, vector<1x16xf32>,
        %parallel_loop3A_663 = vector.shape_cast %parallel_loop3A_662 : vector<1x16xf32> to vector<16xf32>
        %parallel_loop3A_664 = arith.index_cast %parallel_loop3A_239 : i32 to index
        %parallel_loop3A_665 = arith.constant 80 : index
        %parallel_loop3A_666 = tpu.vector_load %arg17[%parallel_loop3A_664, %parallel_loop3A_665] {strides = array<i32>} : memref<32x128xf32, #tpu.memory_space<vmem>>, vector<1x16xf32>,
        %parallel_loop3A_667 = vector.shape_cast %parallel_loop3A_666 : vector<1x16xf32> to vector<16xf32>
        %parallel_loop3A_668 = arith.mulf %parallel_loop3A_663, %parallel_loop3A_667 : vector<16xf32>
        %parallel_loop3A_669 = arith.constant 8 : i32
        %parallel_loop3A_670 = vector.broadcast %parallel_loop3A_669 : i32 to vector<16xi32>
        %parallel_loop3A_671 = arith.xori %iota3A, %parallel_loop3A_670 : vector<16xi32>
        %parallel_loop3A_672 = arith.constant 0 : i32
        %parallel_loop3A_673 = vector.broadcast %parallel_loop3A_672 : i32 to vector<16xi32>
        %parallel_loop3A_674 = arith.cmpi slt, %parallel_loop3A_671, %parallel_loop3A_673 : vector<16xi32>
        %parallel_loop3A_675 = arith.constant 16 : i32
        %parallel_loop3A_676 = vector.broadcast %parallel_loop3A_675 : i32 to vector<16xi32>
        %parallel_loop3A_677 = arith.addi %parallel_loop3A_671, %parallel_loop3A_676 : vector<16xi32>
        %parallel_loop3A_678 = arith.select %parallel_loop3A_674, %parallel_loop3A_677, %parallel_loop3A_671 : vector<16xi1>, vector<16xi32>
        %parallel_loop3A_679 = vector.shape_cast %parallel_loop3A_678 : vector<16xi32> to vector<16x1xi32>
        %parallel_loop3A_680 = vector.shape_cast %parallel_loop3A_679 : vector<16x1xi32> to vector<16xi32>
        %parallel_loop3A_681 = tpu.dynamic_gather %parallel_loop3A_668[%parallel_loop3A_680] in [0] : vector<16xf32>, vector<16xi32> -> vector<16xf32>
        %parallel_loop3A_682 = arith.addf %parallel_loop3A_668, %parallel_loop3A_681 : vector<16xf32>
        %parallel_loop3A_683 = arith.constant 4 : i32
        %parallel_loop3A_684 = vector.broadcast %parallel_loop3A_683 : i32 to vector<16xi32>
        %parallel_loop3A_685 = arith.xori %iota3A, %parallel_loop3A_684 : vector<16xi32>
        %parallel_loop3A_686 = arith.constant 0 : i32
        %parallel_loop3A_687 = vector.broadcast %parallel_loop3A_686 : i32 to vector<16xi32>
        %parallel_loop3A_688 = arith.cmpi slt, %parallel_loop3A_685, %parallel_loop3A_687 : vector<16xi32>
        %parallel_loop3A_689 = arith.constant 16 : i32
        %parallel_loop3A_690 = vector.broadcast %parallel_loop3A_689 : i32 to vector<16xi32>
        %parallel_loop3A_691 = arith.addi %parallel_loop3A_685, %parallel_loop3A_690 : vector<16xi32>
        %parallel_loop3A_692 = arith.select %parallel_loop3A_688, %parallel_loop3A_691, %parallel_loop3A_685 : vector<16xi1>, vector<16xi32>
        %parallel_loop3A_693 = vector.shape_cast %parallel_loop3A_692 : vector<16xi32> to vector<16x1xi32>
        %parallel_loop3A_694 = vector.shape_cast %parallel_loop3A_693 : vector<16x1xi32> to vector<16xi32>
        %parallel_loop3A_695 = tpu.dynamic_gather %parallel_loop3A_682[%parallel_loop3A_694] in [0] : vector<16xf32>, vector<16xi32> -> vector<16xf32>
        %parallel_loop3A_696 = arith.addf %parallel_loop3A_682, %parallel_loop3A_695 : vector<16xf32>
        %parallel_loop3A_697 = arith.constant 2 : i32
        %parallel_loop3A_698 = vector.broadcast %parallel_loop3A_697 : i32 to vector<16xi32>
        %parallel_loop3A_699 = arith.xori %iota3A, %parallel_loop3A_698 : vector<16xi32>
        %parallel_loop3A_700 = arith.constant 0 : i32
        %parallel_loop3A_701 = vector.broadcast %parallel_loop3A_700 : i32 to vector<16xi32>
        %parallel_loop3A_702 = arith.cmpi slt, %parallel_loop3A_699, %parallel_loop3A_701 : vector<16xi32>
        %parallel_loop3A_703 = arith.constant 16 : i32
        %parallel_loop3A_704 = vector.broadcast %parallel_loop3A_703 : i32 to vector<16xi32>
        %parallel_loop3A_705 = arith.addi %parallel_loop3A_699, %parallel_loop3A_704 : vector<16xi32>
        %parallel_loop3A_706 = arith.select %parallel_loop3A_702, %parallel_loop3A_705, %parallel_loop3A_699 : vector<16xi1>, vector<16xi32>
        %parallel_loop3A_707 = vector.shape_cast %parallel_loop3A_706 : vector<16xi32> to vector<16x1xi32>
        %parallel_loop3A_708 = vector.shape_cast %parallel_loop3A_707 : vector<16x1xi32> to vector<16xi32>
        %parallel_loop3A_709 = tpu.dynamic_gather %parallel_loop3A_696[%parallel_loop3A_708] in [0] : vector<16xf32>, vector<16xi32> -> vector<16xf32>
        %parallel_loop3A_710 = arith.addf %parallel_loop3A_696, %parallel_loop3A_709 : vector<16xf32>
        %parallel_loop3A_711 = arith.constant 1 : i32
        %parallel_loop3A_712 = vector.broadcast %parallel_loop3A_711 : i32 to vector<16xi32>
        %parallel_loop3A_713 = arith.xori %iota3A, %parallel_loop3A_712 : vector<16xi32>
        %parallel_loop3A_714 = arith.constant 0 : i32
        %parallel_loop3A_715 = vector.broadcast %parallel_loop3A_714 : i32 to vector<16xi32>
        %parallel_loop3A_716 = arith.cmpi slt, %parallel_loop3A_713, %parallel_loop3A_715 : vector<16xi32>
        %parallel_loop3A_717 = arith.constant 16 : i32
        %parallel_loop3A_718 = vector.broadcast %parallel_loop3A_717 : i32 to vector<16xi32>
        %parallel_loop3A_719 = arith.addi %parallel_loop3A_713, %parallel_loop3A_718 : vector<16xi32>
        %parallel_loop3A_720 = arith.select %parallel_loop3A_716, %parallel_loop3A_719, %parallel_loop3A_713 : vector<16xi1>, vector<16xi32>
        %parallel_loop3A_721 = vector.shape_cast %parallel_loop3A_720 : vector<16xi32> to vector<16x1xi32>
        %parallel_loop3A_722 = vector.shape_cast %parallel_loop3A_721 : vector<16x1xi32> to vector<16xi32>
        %parallel_loop3A_723 = tpu.dynamic_gather %parallel_loop3A_710[%parallel_loop3A_722] in [0] : vector<16xf32>, vector<16xi32> -> vector<16xf32>
        %parallel_loop3A_724 = arith.addf %parallel_loop3A_710, %parallel_loop3A_723 : vector<16xf32>
        %parallel_loop3A_725 = arith.constant -5.000000e+00 : f32
        %parallel_loop3A_726 = arith.constant 5.000000e+00 : f32
        %parallel_loop3A_727 = vector.broadcast %parallel_loop3A_725 : f32 to vector<16xf32>
        %parallel_loop3A_728 = arith.maximumf %parallel_loop3A_727, %parallel_loop3A_724 : vector<16xf32>
        %parallel_loop3A_729 = vector.broadcast %parallel_loop3A_726 : f32 to vector<16xf32>
        %parallel_loop3A_730 = arith.minimumf %parallel_loop3A_729, %parallel_loop3A_728 : vector<16xf32>
        %parallel_loop3A_731 = math.exp %parallel_loop3A_730 : vector<16xf32>
        %parallel_loop3A_732 = arith.index_cast %parallel_loop3A_239 : i32 to index
        %parallel_loop3A_733 = arith.constant 80 : index
        %parallel_loop3A_734 = tpu.vector_load %arg18[%parallel_loop3A_732, %parallel_loop3A_733] {strides = array<i32>} : memref<32x128xf32, #tpu.memory_space<vmem>>, vector<1x16xf32>,
        %parallel_loop3A_735 = vector.shape_cast %parallel_loop3A_734 : vector<1x16xf32> to vector<16xf32>
        %parallel_loop3A_736 = arith.mulf %parallel_loop3A_731, %parallel_loop3A_735 : vector<16xf32>
        %parallel_loop3A_737 = arith.index_cast %parallel_loop3A_239 : i32 to index
        %parallel_loop3A_738 = arith.constant 80 : index
        %parallel_loop3A_739 = tpu.vector_load %arg22[%parallel_loop3A_737, %parallel_loop3A_738] {strides = array<i32>} : memref<64x128xf32, #tpu.memory_space<vmem>>, vector<1x16xf32>,
        %parallel_loop3A_740 = vector.shape_cast %parallel_loop3A_739 : vector<1x16xf32> to vector<16xf32>
        %parallel_loop3A_741 = vector.shape_cast %parallel_loop3A_736 : vector<16xf32> to vector<1x16xf32>
        tpu.vector_store %arg22[%parallel_loop3A_737, %parallel_loop3A_738], %parallel_loop3A_741 {strides = array<i32>} : memref<64x128xf32, #tpu.memory_space<vmem>>, vector<1x16xf32>,
        %parallel_loop3A_742 = arith.mulf %parallel_loop3A_731, %select_n3A_30 : vector<16xf32>
        %parallel_loop3A_743 = arith.addf %parallel_loop3A_659, %parallel_loop3A_742 : vector<16xf32>
        %parallel_loop3A_744 = arith.index_cast %parallel_loop3A_239 : i32 to index
        %parallel_loop3A_745 = arith.constant 96 : index
        %parallel_loop3A_746 = tpu.vector_load %arg16[%parallel_loop3A_744, %parallel_loop3A_745] {strides = array<i32>} : memref<32x128xf32, #tpu.memory_space<vmem>>, vector<1x16xf32>,
        %parallel_loop3A_747 = vector.shape_cast %parallel_loop3A_746 : vector<1x16xf32> to vector<16xf32>
        %parallel_loop3A_748 = arith.index_cast %parallel_loop3A_239 : i32 to index
        %parallel_loop3A_749 = arith.constant 96 : index
        %parallel_loop3A_750 = tpu.vector_load %arg17[%parallel_loop3A_748, %parallel_loop3A_749] {strides = array<i32>} : memref<32x128xf32, #tpu.memory_space<vmem>>, vector<1x16xf32>,
        %parallel_loop3A_751 = vector.shape_cast %parallel_loop3A_750 : vector<1x16xf32> to vector<16xf32>
        %parallel_loop3A_752 = arith.mulf %parallel_loop3A_747, %parallel_loop3A_751 : vector<16xf32>
        %parallel_loop3A_753 = arith.constant 8 : i32
        %parallel_loop3A_754 = vector.broadcast %parallel_loop3A_753 : i32 to vector<16xi32>
        %parallel_loop3A_755 = arith.xori %iota3A, %parallel_loop3A_754 : vector<16xi32>
        %parallel_loop3A_756 = arith.constant 0 : i32
        %parallel_loop3A_757 = vector.broadcast %parallel_loop3A_756 : i32 to vector<16xi32>
        %parallel_loop3A_758 = arith.cmpi slt, %parallel_loop3A_755, %parallel_loop3A_757 : vector<16xi32>
        %parallel_loop3A_759 = arith.constant 16 : i32
        %parallel_loop3A_760 = vector.broadcast %parallel_loop3A_759 : i32 to vector<16xi32>
        %parallel_loop3A_761 = arith.addi %parallel_loop3A_755, %parallel_loop3A_760 : vector<16xi32>
        %parallel_loop3A_762 = arith.select %parallel_loop3A_758, %parallel_loop3A_761, %parallel_loop3A_755 : vector<16xi1>, vector<16xi32>
        %parallel_loop3A_763 = vector.shape_cast %parallel_loop3A_762 : vector<16xi32> to vector<16x1xi32>
        %parallel_loop3A_764 = vector.shape_cast %parallel_loop3A_763 : vector<16x1xi32> to vector<16xi32>
        %parallel_loop3A_765 = tpu.dynamic_gather %parallel_loop3A_752[%parallel_loop3A_764] in [0] : vector<16xf32>, vector<16xi32> -> vector<16xf32>
        %parallel_loop3A_766 = arith.addf %parallel_loop3A_752, %parallel_loop3A_765 : vector<16xf32>
        %parallel_loop3A_767 = arith.constant 4 : i32
        %parallel_loop3A_768 = vector.broadcast %parallel_loop3A_767 : i32 to vector<16xi32>
        %parallel_loop3A_769 = arith.xori %iota3A, %parallel_loop3A_768 : vector<16xi32>
        %parallel_loop3A_770 = arith.constant 0 : i32
        %parallel_loop3A_771 = vector.broadcast %parallel_loop3A_770 : i32 to vector<16xi32>
        %parallel_loop3A_772 = arith.cmpi slt, %parallel_loop3A_769, %parallel_loop3A_771 : vector<16xi32>
        %parallel_loop3A_773 = arith.constant 16 : i32
        %parallel_loop3A_774 = vector.broadcast %parallel_loop3A_773 : i32 to vector<16xi32>
        %parallel_loop3A_775 = arith.addi %parallel_loop3A_769, %parallel_loop3A_774 : vector<16xi32>
        %parallel_loop3A_776 = arith.select %parallel_loop3A_772, %parallel_loop3A_775, %parallel_loop3A_769 : vector<16xi1>, vector<16xi32>
        %parallel_loop3A_777 = vector.shape_cast %parallel_loop3A_776 : vector<16xi32> to vector<16x1xi32>
        %parallel_loop3A_778 = vector.shape_cast %parallel_loop3A_777 : vector<16x1xi32> to vector<16xi32>
        %parallel_loop3A_779 = tpu.dynamic_gather %parallel_loop3A_766[%parallel_loop3A_778] in [0] : vector<16xf32>, vector<16xi32> -> vector<16xf32>
        %parallel_loop3A_780 = arith.addf %parallel_loop3A_766, %parallel_loop3A_779 : vector<16xf32>
        %parallel_loop3A_781 = arith.constant 2 : i32
        %parallel_loop3A_782 = vector.broadcast %parallel_loop3A_781 : i32 to vector<16xi32>
        %parallel_loop3A_783 = arith.xori %iota3A, %parallel_loop3A_782 : vector<16xi32>
        %parallel_loop3A_784 = arith.constant 0 : i32
        %parallel_loop3A_785 = vector.broadcast %parallel_loop3A_784 : i32 to vector<16xi32>
        %parallel_loop3A_786 = arith.cmpi slt, %parallel_loop3A_783, %parallel_loop3A_785 : vector<16xi32>
        %parallel_loop3A_787 = arith.constant 16 : i32
        %parallel_loop3A_788 = vector.broadcast %parallel_loop3A_787 : i32 to vector<16xi32>
        %parallel_loop3A_789 = arith.addi %parallel_loop3A_783, %parallel_loop3A_788 : vector<16xi32>
        %parallel_loop3A_790 = arith.select %parallel_loop3A_786, %parallel_loop3A_789, %parallel_loop3A_783 : vector<16xi1>, vector<16xi32>
        %parallel_loop3A_791 = vector.shape_cast %parallel_loop3A_790 : vector<16xi32> to vector<16x1xi32>
        %parallel_loop3A_792 = vector.shape_cast %parallel_loop3A_791 : vector<16x1xi32> to vector<16xi32>
        %parallel_loop3A_793 = tpu.dynamic_gather %parallel_loop3A_780[%parallel_loop3A_792] in [0] : vector<16xf32>, vector<16xi32> -> vector<16xf32>
        %parallel_loop3A_794 = arith.addf %parallel_loop3A_780, %parallel_loop3A_793 : vector<16xf32>
        %parallel_loop3A_795 = arith.constant 1 : i32
        %parallel_loop3A_796 = vector.broadcast %parallel_loop3A_795 : i32 to vector<16xi32>
        %parallel_loop3A_797 = arith.xori %iota3A, %parallel_loop3A_796 : vector<16xi32>
        %parallel_loop3A_798 = arith.constant 0 : i32
        %parallel_loop3A_799 = vector.broadcast %parallel_loop3A_798 : i32 to vector<16xi32>
        %parallel_loop3A_800 = arith.cmpi slt, %parallel_loop3A_797, %parallel_loop3A_799 : vector<16xi32>
        %parallel_loop3A_801 = arith.constant 16 : i32
        %parallel_loop3A_802 = vector.broadcast %parallel_loop3A_801 : i32 to vector<16xi32>
        %parallel_loop3A_803 = arith.addi %parallel_loop3A_797, %parallel_loop3A_802 : vector<16xi32>
        %parallel_loop3A_804 = arith.select %parallel_loop3A_800, %parallel_loop3A_803, %parallel_loop3A_797 : vector<16xi1>, vector<16xi32>
        %parallel_loop3A_805 = vector.shape_cast %parallel_loop3A_804 : vector<16xi32> to vector<16x1xi32>
        %parallel_loop3A_806 = vector.shape_cast %parallel_loop3A_805 : vector<16x1xi32> to vector<16xi32>
        %parallel_loop3A_807 = tpu.dynamic_gather %parallel_loop3A_794[%parallel_loop3A_806] in [0] : vector<16xf32>, vector<16xi32> -> vector<16xf32>
        %parallel_loop3A_808 = arith.addf %parallel_loop3A_794, %parallel_loop3A_807 : vector<16xf32>
        %parallel_loop3A_809 = arith.constant -5.000000e+00 : f32
        %parallel_loop3A_810 = arith.constant 5.000000e+00 : f32
        %parallel_loop3A_811 = vector.broadcast %parallel_loop3A_809 : f32 to vector<16xf32>
        %parallel_loop3A_812 = arith.maximumf %parallel_loop3A_811, %parallel_loop3A_808 : vector<16xf32>
        %parallel_loop3A_813 = vector.broadcast %parallel_loop3A_810 : f32 to vector<16xf32>
        %parallel_loop3A_814 = arith.minimumf %parallel_loop3A_813, %parallel_loop3A_812 : vector<16xf32>
        %parallel_loop3A_815 = math.exp %parallel_loop3A_814 : vector<16xf32>
        %parallel_loop3A_816 = arith.index_cast %parallel_loop3A_239 : i32 to index
        %parallel_loop3A_817 = arith.constant 96 : index
        %parallel_loop3A_818 = tpu.vector_load %arg18[%parallel_loop3A_816, %parallel_loop3A_817] {strides = array<i32>} : memref<32x128xf32, #tpu.memory_space<vmem>>, vector<1x16xf32>,
        %parallel_loop3A_819 = vector.shape_cast %parallel_loop3A_818 : vector<1x16xf32> to vector<16xf32>
        %parallel_loop3A_820 = arith.mulf %parallel_loop3A_815, %parallel_loop3A_819 : vector<16xf32>
        %parallel_loop3A_821 = arith.index_cast %parallel_loop3A_239 : i32 to index
        %parallel_loop3A_822 = arith.constant 96 : index
        %parallel_loop3A_823 = tpu.vector_load %arg22[%parallel_loop3A_821, %parallel_loop3A_822] {strides = array<i32>} : memref<64x128xf32, #tpu.memory_space<vmem>>, vector<1x16xf32>,
        %parallel_loop3A_824 = vector.shape_cast %parallel_loop3A_823 : vector<1x16xf32> to vector<16xf32>
        %parallel_loop3A_825 = vector.shape_cast %parallel_loop3A_820 : vector<16xf32> to vector<1x16xf32>
        tpu.vector_store %arg22[%parallel_loop3A_821, %parallel_loop3A_822], %parallel_loop3A_825 {strides = array<i32>} : memref<64x128xf32, #tpu.memory_space<vmem>>, vector<1x16xf32>,
        %parallel_loop3A_826 = arith.mulf %parallel_loop3A_815, %select_n3A_34 : vector<16xf32>
        %parallel_loop3A_827 = arith.addf %parallel_loop3A_743, %parallel_loop3A_826 : vector<16xf32>
        %parallel_loop3A_828 = arith.index_cast %parallel_loop3A_239 : i32 to index
        %parallel_loop3A_829 = arith.constant 112 : index
        %parallel_loop3A_830 = tpu.vector_load %arg16[%parallel_loop3A_828, %parallel_loop3A_829] {strides = array<i32>} : memref<32x128xf32, #tpu.memory_space<vmem>>, vector<1x16xf32>,
        %parallel_loop3A_831 = vector.shape_cast %parallel_loop3A_830 : vector<1x16xf32> to vector<16xf32>
        %parallel_loop3A_832 = arith.index_cast %parallel_loop3A_239 : i32 to index
        %parallel_loop3A_833 = arith.constant 112 : index
        %parallel_loop3A_834 = tpu.vector_load %arg17[%parallel_loop3A_832, %parallel_loop3A_833] {strides = array<i32>} : memref<32x128xf32, #tpu.memory_space<vmem>>, vector<1x16xf32>,
        %parallel_loop3A_835 = vector.shape_cast %parallel_loop3A_834 : vector<1x16xf32> to vector<16xf32>
        %parallel_loop3A_836 = arith.mulf %parallel_loop3A_831, %parallel_loop3A_835 : vector<16xf32>
        %parallel_loop3A_837 = arith.constant 8 : i32
        %parallel_loop3A_838 = vector.broadcast %parallel_loop3A_837 : i32 to vector<16xi32>
        %parallel_loop3A_839 = arith.xori %iota3A, %parallel_loop3A_838 : vector<16xi32>
        %parallel_loop3A_840 = arith.constant 0 : i32
        %parallel_loop3A_841 = vector.broadcast %parallel_loop3A_840 : i32 to vector<16xi32>
        %parallel_loop3A_842 = arith.cmpi slt, %parallel_loop3A_839, %parallel_loop3A_841 : vector<16xi32>
        %parallel_loop3A_843 = arith.constant 16 : i32
        %parallel_loop3A_844 = vector.broadcast %parallel_loop3A_843 : i32 to vector<16xi32>
        %parallel_loop3A_845 = arith.addi %parallel_loop3A_839, %parallel_loop3A_844 : vector<16xi32>
        %parallel_loop3A_846 = arith.select %parallel_loop3A_842, %parallel_loop3A_845, %parallel_loop3A_839 : vector<16xi1>, vector<16xi32>
        %parallel_loop3A_847 = vector.shape_cast %parallel_loop3A_846 : vector<16xi32> to vector<16x1xi32>
        %parallel_loop3A_848 = vector.shape_cast %parallel_loop3A_847 : vector<16x1xi32> to vector<16xi32>
        %parallel_loop3A_849 = tpu.dynamic_gather %parallel_loop3A_836[%parallel_loop3A_848] in [0] : vector<16xf32>, vector<16xi32> -> vector<16xf32>
        %parallel_loop3A_850 = arith.addf %parallel_loop3A_836, %parallel_loop3A_849 : vector<16xf32>
        %parallel_loop3A_851 = arith.constant 4 : i32
        %parallel_loop3A_852 = vector.broadcast %parallel_loop3A_851 : i32 to vector<16xi32>
        %parallel_loop3A_853 = arith.xori %iota3A, %parallel_loop3A_852 : vector<16xi32>
        %parallel_loop3A_854 = arith.constant 0 : i32
        %parallel_loop3A_855 = vector.broadcast %parallel_loop3A_854 : i32 to vector<16xi32>
        %parallel_loop3A_856 = arith.cmpi slt, %parallel_loop3A_853, %parallel_loop3A_855 : vector<16xi32>
        %parallel_loop3A_857 = arith.constant 16 : i32
        %parallel_loop3A_858 = vector.broadcast %parallel_loop3A_857 : i32 to vector<16xi32>
        %parallel_loop3A_859 = arith.addi %parallel_loop3A_853, %parallel_loop3A_858 : vector<16xi32>
        %parallel_loop3A_860 = arith.select %parallel_loop3A_856, %parallel_loop3A_859, %parallel_loop3A_853 : vector<16xi1>, vector<16xi32>
        %parallel_loop3A_861 = vector.shape_cast %parallel_loop3A_860 : vector<16xi32> to vector<16x1xi32>
        %parallel_loop3A_862 = vector.shape_cast %parallel_loop3A_861 : vector<16x1xi32> to vector<16xi32>
        %parallel_loop3A_863 = tpu.dynamic_gather %parallel_loop3A_850[%parallel_loop3A_862] in [0] : vector<16xf32>, vector<16xi32> -> vector<16xf32>
        %parallel_loop3A_864 = arith.addf %parallel_loop3A_850, %parallel_loop3A_863 : vector<16xf32>
        %parallel_loop3A_865 = arith.constant 2 : i32
        %parallel_loop3A_866 = vector.broadcast %parallel_loop3A_865 : i32 to vector<16xi32>
        %parallel_loop3A_867 = arith.xori %iota3A, %parallel_loop3A_866 : vector<16xi32>
        %parallel_loop3A_868 = arith.constant 0 : i32
        %parallel_loop3A_869 = vector.broadcast %parallel_loop3A_868 : i32 to vector<16xi32>
        %parallel_loop3A_870 = arith.cmpi slt, %parallel_loop3A_867, %parallel_loop3A_869 : vector<16xi32>
        %parallel_loop3A_871 = arith.constant 16 : i32
        %parallel_loop3A_872 = vector.broadcast %parallel_loop3A_871 : i32 to vector<16xi32>
        %parallel_loop3A_873 = arith.addi %parallel_loop3A_867, %parallel_loop3A_872 : vector<16xi32>
        %parallel_loop3A_874 = arith.select %parallel_loop3A_870, %parallel_loop3A_873, %parallel_loop3A_867 : vector<16xi1>, vector<16xi32>
        %parallel_loop3A_875 = vector.shape_cast %parallel_loop3A_874 : vector<16xi32> to vector<16x1xi32>
        %parallel_loop3A_876 = vector.shape_cast %parallel_loop3A_875 : vector<16x1xi32> to vector<16xi32>
        %parallel_loop3A_877 = tpu.dynamic_gather %parallel_loop3A_864[%parallel_loop3A_876] in [0] : vector<16xf32>, vector<16xi32> -> vector<16xf32>
        %parallel_loop3A_878 = arith.addf %parallel_loop3A_864, %parallel_loop3A_877 : vector<16xf32>
        %parallel_loop3A_879 = arith.constant 1 : i32
        %parallel_loop3A_880 = vector.broadcast %parallel_loop3A_879 : i32 to vector<16xi32>
        %parallel_loop3A_881 = arith.xori %iota3A, %parallel_loop3A_880 : vector<16xi32>
        %parallel_loop3A_882 = arith.constant 0 : i32
        %parallel_loop3A_883 = vector.broadcast %parallel_loop3A_882 : i32 to vector<16xi32>
        %parallel_loop3A_884 = arith.cmpi slt, %parallel_loop3A_881, %parallel_loop3A_883 : vector<16xi32>
        %parallel_loop3A_885 = arith.constant 16 : i32
        %parallel_loop3A_886 = vector.broadcast %parallel_loop3A_885 : i32 to vector<16xi32>
        %parallel_loop3A_887 = arith.addi %parallel_loop3A_881, %parallel_loop3A_886 : vector<16xi32>
        %parallel_loop3A_888 = arith.select %parallel_loop3A_884, %parallel_loop3A_887, %parallel_loop3A_881 : vector<16xi1>, vector<16xi32>
        %parallel_loop3A_889 = vector.shape_cast %parallel_loop3A_888 : vector<16xi32> to vector<16x1xi32>
        %parallel_loop3A_890 = vector.shape_cast %parallel_loop3A_889 : vector<16x1xi32> to vector<16xi32>
        %parallel_loop3A_891 = tpu.dynamic_gather %parallel_loop3A_878[%parallel_loop3A_890] in [0] : vector<16xf32>, vector<16xi32> -> vector<16xf32>
        %parallel_loop3A_892 = arith.addf %parallel_loop3A_878, %parallel_loop3A_891 : vector<16xf32>
        %parallel_loop3A_893 = arith.constant -5.000000e+00 : f32
        %parallel_loop3A_894 = arith.constant 5.000000e+00 : f32
        %parallel_loop3A_895 = vector.broadcast %parallel_loop3A_893 : f32 to vector<16xf32>
        %parallel_loop3A_896 = arith.maximumf %parallel_loop3A_895, %parallel_loop3A_892 : vector<16xf32>
        %parallel_loop3A_897 = vector.broadcast %parallel_loop3A_894 : f32 to vector<16xf32>
        %parallel_loop3A_898 = arith.minimumf %parallel_loop3A_897, %parallel_loop3A_896 : vector<16xf32>
        %parallel_loop3A_899 = math.exp %parallel_loop3A_898 : vector<16xf32>
        %parallel_loop3A_900 = arith.index_cast %parallel_loop3A_239 : i32 to index
        %parallel_loop3A_901 = arith.constant 112 : index
        %parallel_loop3A_902 = tpu.vector_load %arg18[%parallel_loop3A_900, %parallel_loop3A_901] {strides = array<i32>} : memref<32x128xf32, #tpu.memory_space<vmem>>, vector<1x16xf32>,
        %parallel_loop3A_903 = vector.shape_cast %parallel_loop3A_902 : vector<1x16xf32> to vector<16xf32>
        %parallel_loop3A_904 = arith.mulf %parallel_loop3A_899, %parallel_loop3A_903 : vector<16xf32>
        %parallel_loop3A_905 = arith.index_cast %parallel_loop3A_239 : i32 to index
        %parallel_loop3A_906 = arith.constant 112 : index
        %parallel_loop3A_907 = tpu.vector_load %arg22[%parallel_loop3A_905, %parallel_loop3A_906] {strides = array<i32>} : memref<64x128xf32, #tpu.memory_space<vmem>>, vector<1x16xf32>,
        %parallel_loop3A_908 = vector.shape_cast %parallel_loop3A_907 : vector<1x16xf32> to vector<16xf32>
        %parallel_loop3A_909 = vector.shape_cast %parallel_loop3A_904 : vector<16xf32> to vector<1x16xf32>
        tpu.vector_store %arg22[%parallel_loop3A_905, %parallel_loop3A_906], %parallel_loop3A_909 {strides = array<i32>} : memref<64x128xf32, #tpu.memory_space<vmem>>, vector<1x16xf32>,
        %parallel_loop3A_910 = arith.mulf %parallel_loop3A_899, %select_n3A_38 : vector<16xf32>
        %parallel_loop3A_911 = arith.addf %parallel_loop3A_827, %parallel_loop3A_910 : vector<16xf32>
        %parallel_loop3A_912 = arith.constant 16 : i32
        %parallel_loop3A_913 = arith.divsi %parallel_loop3A_239, %parallel_loop3A_912 : i32
        %parallel_loop3A_914 = arith.constant 0 : i32
        %parallel_loop3A_915 = arith.cmpi sgt, %parallel_loop3A_239, %parallel_loop3A_914 : i32
        %parallel_loop3A_916 = arith.extui %parallel_loop3A_915 : i1 to i32
        %parallel_loop3A_917 = arith.constant 0 : i32
        %parallel_loop3A_918 = arith.cmpi slt, %parallel_loop3A_239, %parallel_loop3A_917 : i32
        %parallel_loop3A_919 = arith.extui %parallel_loop3A_918 : i1 to i32
        %parallel_loop3A_920 = arith.subi %parallel_loop3A_916, %parallel_loop3A_919 : i32
        %parallel_loop3A_921 = arith.constant 0 : i32
        %parallel_loop3A_922 = arith.cmpi sgt, %parallel_loop3A_912, %parallel_loop3A_921 : i32
        %parallel_loop3A_923 = arith.extui %parallel_loop3A_922 : i1 to i32
        %parallel_loop3A_924 = arith.constant 0 : i32
        %parallel_loop3A_925 = arith.cmpi slt, %parallel_loop3A_912, %parallel_loop3A_924 : i32
        %parallel_loop3A_926 = arith.extui %parallel_loop3A_925 : i1 to i32
        %parallel_loop3A_927 = arith.subi %parallel_loop3A_923, %parallel_loop3A_926 : i32
        %parallel_loop3A_928 = arith.cmpi ne, %parallel_loop3A_920, %parallel_loop3A_927 : i32
        %parallel_loop3A_929 = arith.remsi %parallel_loop3A_239, %parallel_loop3A_912 : i32
        %parallel_loop3A_930 = arith.constant 0 : i32
        %parallel_loop3A_931 = arith.cmpi ne, %parallel_loop3A_929, %parallel_loop3A_930 : i32
        %parallel_loop3A_932 = arith.andi %parallel_loop3A_928, %parallel_loop3A_931 : i1
        %parallel_loop3A_933 = arith.constant 1 : i32
        %parallel_loop3A_934 = arith.subi %parallel_loop3A_913, %parallel_loop3A_933 : i32
        %parallel_loop3A_935 = arith.select %parallel_loop3A_932, %parallel_loop3A_934, %parallel_loop3A_913 : i32
        %parallel_loop3A_936 = arith.constant 16 : i32
        %parallel_loop3A_937 = arith.muli %parallel_loop3A_935, %parallel_loop3A_936 : i32
        %parallel_loop3A_938 = arith.subi %parallel_loop3A_239, %parallel_loop3A_937 : i32
        %parallel_loop3A_939 = arith.constant 16 : i32
        %parallel_loop3A_940 = arith.muli %parallel_loop3A_935, %parallel_loop3A_939 : i32
        %parallel_loop3A_941 = arith.index_cast %parallel_loop3A_940 : i32 to index
        %parallel_loop3A_942 = tpu.vector_load %arg24[%parallel_loop3A_941] {strides = array<i32>} : memref<64xi32, #tpu.memory_space<vmem>>, vector<16xi32>,
        %parallel_loop3A_943 = vector.shape_cast %parallel_loop3A_942 : vector<16xi32> to vector<16xi32>
        %parallel_loop3A_944 = vector.broadcast %parallel_loop3A_938 : i32 to vector<16xi32>
        %parallel_loop3A_945 = arith.addi %broadcast_in_dim3A_8, %parallel_loop3A_944 : vector<16xi32>
        %parallel_loop3A_946 = arith.constant 0 : i32
        %parallel_loop3A_947 = vector.broadcast %parallel_loop3A_946 : i32 to vector<16xi32>
        %parallel_loop3A_948 = arith.cmpi slt, %parallel_loop3A_945, %parallel_loop3A_947 : vector<16xi32>
        %parallel_loop3A_949 = arith.constant 16 : i32
        %parallel_loop3A_950 = vector.broadcast %parallel_loop3A_949 : i32 to vector<16xi32>
        %parallel_loop3A_951 = arith.addi %parallel_loop3A_945, %parallel_loop3A_950 : vector<16xi32>
        %parallel_loop3A_952 = arith.select %parallel_loop3A_948, %parallel_loop3A_951, %parallel_loop3A_945 : vector<16xi1>, vector<16xi32>
        %parallel_loop3A_953 = vector.shape_cast %parallel_loop3A_952 : vector<16xi32> to vector<16x1xi32>
        %parallel_loop3A_954 = vector.shape_cast %parallel_loop3A_953 : vector<16x1xi32> to vector<16xi32>
        %parallel_loop3A_955 = tpu.dynamic_gather %parallel_loop3A_943[%parallel_loop3A_954] in [0] : vector<16xi32>, vector<16xi32> -> vector<16xi32>
        %parallel_loop3A_956 = arith.constant 1 : i32
        %parallel_loop3A_957 = vector.broadcast %parallel_loop3A_956 : i32 to vector<16xi32>
        %parallel_loop3A_958 = arith.andi %parallel_loop3A_955, %parallel_loop3A_957 : vector<16xi32>
        %parallel_loop3A_959 = arith.constant 8 : i32
        %parallel_loop3A_960 = vector.broadcast %parallel_loop3A_959 : i32 to vector<16xi32>
        %parallel_loop3A_961 = arith.muli %parallel_loop3A_958, %parallel_loop3A_960 : vector<16xi32>
        %parallel_loop3A_962 = arith.subi %iota3A, %parallel_loop3A_961 : vector<16xi32>
        %parallel_loop3A_963 = arith.constant 3 : i32
        %parallel_loop3A_964 = vector.broadcast %parallel_loop3A_963 : i32 to vector<16xi32>
        %parallel_loop3A_965 = arith.shrsi %parallel_loop3A_962, %parallel_loop3A_964 : vector<16xi32>
        %parallel_loop3A_966 = math.absi %parallel_loop3A_965 : vector<16xi32>
        %parallel_loop3A_967 = arith.constant 1 : i32
        %parallel_loop3A_968 = vector.broadcast %parallel_loop3A_967 : i32 to vector<16xi32>
        %parallel_loop3A_969 = arith.minsi %parallel_loop3A_966, %parallel_loop3A_968 : vector<16xi32>
        %parallel_loop3A_970 = arith.constant 1 : i32
        %parallel_loop3A_971 = vector.broadcast %parallel_loop3A_970 : i32 to vector<16xi32>
        %parallel_loop3A_972 = arith.subi %parallel_loop3A_971, %parallel_loop3A_969 : vector<16xi32>
        %parallel_loop3A_973 = arith.sitofp %parallel_loop3A_972 : vector<16xi32> to vector<16xf32>
        %parallel_loop3A_974 = arith.constant 15 : i32
        %parallel_loop3A_975 = vector.broadcast %parallel_loop3A_974 : i32 to vector<16xi32>
        %parallel_loop3A_976 = arith.andi %parallel_loop3A_962, %parallel_loop3A_975 : vector<16xi32>
        %parallel_loop3A_977 = arith.constant 0 : i32
        %parallel_loop3A_978 = vector.broadcast %parallel_loop3A_977 : i32 to vector<16xi32>
        %parallel_loop3A_979 = arith.cmpi slt, %parallel_loop3A_976, %parallel_loop3A_978 : vector<16xi32>
        %parallel_loop3A_980 = arith.constant 16 : i32
        %parallel_loop3A_981 = vector.broadcast %parallel_loop3A_980 : i32 to vector<16xi32>
        %parallel_loop3A_982 = arith.addi %parallel_loop3A_976, %parallel_loop3A_981 : vector<16xi32>
        %parallel_loop3A_983 = arith.select %parallel_loop3A_979, %parallel_loop3A_982, %parallel_loop3A_976 : vector<16xi1>, vector<16xi32>
        %parallel_loop3A_984 = vector.shape_cast %parallel_loop3A_983 : vector<16xi32> to vector<16x1xi32>
        %parallel_loop3A_985 = vector.shape_cast %parallel_loop3A_984 : vector<16x1xi32> to vector<16xi32>
        %parallel_loop3A_986 = tpu.dynamic_gather %parallel_loop3A_911[%parallel_loop3A_985] in [0] : vector<16xf32>, vector<16xi32> -> vector<16xf32>
        %parallel_loop3A_987 = arith.mulf %parallel_loop3A_986, %parallel_loop3A_973 : vector<16xf32>
        %parallel_loop3A_988 = arith.constant 1 : i32
        %parallel_loop3A_989 = vector.broadcast %parallel_loop3A_988 : i32 to vector<16xi32>
        %parallel_loop3A_990 = arith.shrsi %parallel_loop3A_955, %parallel_loop3A_989 : vector<16xi32>
        %parallel_loop3A_991 = arith.constant 7 : i32
        %parallel_loop3A_992 = vector.broadcast %parallel_loop3A_991 : i32 to vector<16xi32>
        %parallel_loop3A_993 = arith.andi %parallel_loop3A_990, %parallel_loop3A_992 : vector<16xi32>
        %parallel_loop3A_994 = arith.constant 32 : i32
        %parallel_loop3A_995 = arith.addi %parallel_loop3A_994, %parallel_loop3A_239 : i32
        %parallel_loop3A_996 = arith.constant 0 : i32
        %parallel_loop3A_997 = vector.broadcast %parallel_loop3A_996 : i32 to vector<16xi32>
        %parallel_loop3A_998 = arith.subi %parallel_loop3A_993, %parallel_loop3A_997 : vector<16xi32>
        %parallel_loop3A_999 = math.absi %parallel_loop3A_998 : vector<16xi32>
        %parallel_loop3A_1000 = arith.constant 1 : i32
        %parallel_loop3A_1001 = vector.broadcast %parallel_loop3A_1000 : i32 to vector<16xi32>
        %parallel_loop3A_1002 = arith.minsi %parallel_loop3A_999, %parallel_loop3A_1001 : vector<16xi32>
        %parallel_loop3A_1003 = arith.constant 1 : i32
        %parallel_loop3A_1004 = vector.broadcast %parallel_loop3A_1003 : i32 to vector<16xi32>
        %parallel_loop3A_1005 = arith.subi %parallel_loop3A_1004, %parallel_loop3A_1002 : vector<16xi32>
        %parallel_loop3A_1006 = arith.sitofp %parallel_loop3A_1005 : vector<16xi32> to vector<16xf32>
        %parallel_loop3A_1007 = arith.mulf %parallel_loop3A_987, %parallel_loop3A_1006 : vector<16xf32>
        %parallel_loop3A_1008 = arith.index_cast %parallel_loop3A_995 : i32 to index
        %parallel_loop3A_1009 = arith.constant 0 : index
        %parallel_loop3A_1010 = tpu.vector_load %arg22[%parallel_loop3A_1008, %parallel_loop3A_1009] {strides = array<i32>} : memref<64x128xf32, #tpu.memory_space<vmem>>, vector<1x16xf32>,
        %parallel_loop3A_1011 = vector.shape_cast %parallel_loop3A_1010 : vector<1x16xf32> to vector<16xf32>
        %parallel_loop3A_1012 = vector.shape_cast %parallel_loop3A_1007 : vector<16xf32> to vector<1x16xf32>
        tpu.vector_store %arg22[%parallel_loop3A_1008, %parallel_loop3A_1009], %parallel_loop3A_1012 {strides = array<i32>} : memref<64x128xf32, #tpu.memory_space<vmem>>, vector<1x16xf32>,
        %parallel_loop3A_1013 = arith.constant 1 : i32
        %parallel_loop3A_1014 = vector.broadcast %parallel_loop3A_1013 : i32 to vector<16xi32>
        %parallel_loop3A_1015 = arith.subi %parallel_loop3A_993, %parallel_loop3A_1014 : vector<16xi32>
        %parallel_loop3A_1016 = math.absi %parallel_loop3A_1015 : vector<16xi32>
        %parallel_loop3A_1017 = arith.constant 1 : i32
        %parallel_loop3A_1018 = vector.broadcast %parallel_loop3A_1017 : i32 to vector<16xi32>
        %parallel_loop3A_1019 = arith.minsi %parallel_loop3A_1016, %parallel_loop3A_1018 : vector<16xi32>
        %parallel_loop3A_1020 = arith.constant 1 : i32
        %parallel_loop3A_1021 = vector.broadcast %parallel_loop3A_1020 : i32 to vector<16xi32>
        %parallel_loop3A_1022 = arith.subi %parallel_loop3A_1021, %parallel_loop3A_1019 : vector<16xi32>
        %parallel_loop3A_1023 = arith.sitofp %parallel_loop3A_1022 : vector<16xi32> to vector<16xf32>
        %parallel_loop3A_1024 = arith.mulf %parallel_loop3A_987, %parallel_loop3A_1023 : vector<16xf32>
        %parallel_loop3A_1025 = arith.index_cast %parallel_loop3A_995 : i32 to index
        %parallel_loop3A_1026 = arith.constant 16 : index
        %parallel_loop3A_1027 = tpu.vector_load %arg22[%parallel_loop3A_1025, %parallel_loop3A_1026] {strides = array<i32>} : memref<64x128xf32, #tpu.memory_space<vmem>>, vector<1x16xf32>,
        %parallel_loop3A_1028 = vector.shape_cast %parallel_loop3A_1027 : vector<1x16xf32> to vector<16xf32>
        %parallel_loop3A_1029 = vector.shape_cast %parallel_loop3A_1024 : vector<16xf32> to vector<1x16xf32>
        tpu.vector_store %arg22[%parallel_loop3A_1025, %parallel_loop3A_1026], %parallel_loop3A_1029 {strides = array<i32>} : memref<64x128xf32, #tpu.memory_space<vmem>>, vector<1x16xf32>,
        %parallel_loop3A_1030 = arith.constant 2 : i32
        %parallel_loop3A_1031 = vector.broadcast %parallel_loop3A_1030 : i32 to vector<16xi32>
        %parallel_loop3A_1032 = arith.subi %parallel_loop3A_993, %parallel_loop3A_1031 : vector<16xi32>
        %parallel_loop3A_1033 = math.absi %parallel_loop3A_1032 : vector<16xi32>
        %parallel_loop3A_1034 = arith.constant 1 : i32
        %parallel_loop3A_1035 = vector.broadcast %parallel_loop3A_1034 : i32 to vector<16xi32>
        %parallel_loop3A_1036 = arith.minsi %parallel_loop3A_1033, %parallel_loop3A_1035 : vector<16xi32>
        %parallel_loop3A_1037 = arith.constant 1 : i32
        %parallel_loop3A_1038 = vector.broadcast %parallel_loop3A_1037 : i32 to vector<16xi32>
        %parallel_loop3A_1039 = arith.subi %parallel_loop3A_1038, %parallel_loop3A_1036 : vector<16xi32>
        %parallel_loop3A_1040 = arith.sitofp %parallel_loop3A_1039 : vector<16xi32> to vector<16xf32>
        %parallel_loop3A_1041 = arith.mulf %parallel_loop3A_987, %parallel_loop3A_1040 : vector<16xf32>
        %parallel_loop3A_1042 = arith.index_cast %parallel_loop3A_995 : i32 to index
        %parallel_loop3A_1043 = arith.constant 32 : index
        %parallel_loop3A_1044 = tpu.vector_load %arg22[%parallel_loop3A_1042, %parallel_loop3A_1043] {strides = array<i32>} : memref<64x128xf32, #tpu.memory_space<vmem>>, vector<1x16xf32>,
        %parallel_loop3A_1045 = vector.shape_cast %parallel_loop3A_1044 : vector<1x16xf32> to vector<16xf32>
        %parallel_loop3A_1046 = vector.shape_cast %parallel_loop3A_1041 : vector<16xf32> to vector<1x16xf32>
        tpu.vector_store %arg22[%parallel_loop3A_1042, %parallel_loop3A_1043], %parallel_loop3A_1046 {strides = array<i32>} : memref<64x128xf32, #tpu.memory_space<vmem>>, vector<1x16xf32>,
        %parallel_loop3A_1047 = arith.constant 3 : i32
        %parallel_loop3A_1048 = vector.broadcast %parallel_loop3A_1047 : i32 to vector<16xi32>
        %parallel_loop3A_1049 = arith.subi %parallel_loop3A_993, %parallel_loop3A_1048 : vector<16xi32>
        %parallel_loop3A_1050 = math.absi %parallel_loop3A_1049 : vector<16xi32>
        %parallel_loop3A_1051 = arith.constant 1 : i32
        %parallel_loop3A_1052 = vector.broadcast %parallel_loop3A_1051 : i32 to vector<16xi32>
        %parallel_loop3A_1053 = arith.minsi %parallel_loop3A_1050, %parallel_loop3A_1052 : vector<16xi32>
        %parallel_loop3A_1054 = arith.constant 1 : i32
        %parallel_loop3A_1055 = vector.broadcast %parallel_loop3A_1054 : i32 to vector<16xi32>
        %parallel_loop3A_1056 = arith.subi %parallel_loop3A_1055, %parallel_loop3A_1053 : vector<16xi32>
        %parallel_loop3A_1057 = arith.sitofp %parallel_loop3A_1056 : vector<16xi32> to vector<16xf32>
        %parallel_loop3A_1058 = arith.mulf %parallel_loop3A_987, %parallel_loop3A_1057 : vector<16xf32>
        %parallel_loop3A_1059 = arith.index_cast %parallel_loop3A_995 : i32 to index
        %parallel_loop3A_1060 = arith.constant 48 : index
        %parallel_loop3A_1061 = tpu.vector_load %arg22[%parallel_loop3A_1059, %parallel_loop3A_1060] {strides = array<i32>} : memref<64x128xf32, #tpu.memory_space<vmem>>, vector<1x16xf32>,
        %parallel_loop3A_1062 = vector.shape_cast %parallel_loop3A_1061 : vector<1x16xf32> to vector<16xf32>
        %parallel_loop3A_1063 = vector.shape_cast %parallel_loop3A_1058 : vector<16xf32> to vector<1x16xf32>
        tpu.vector_store %arg22[%parallel_loop3A_1059, %parallel_loop3A_1060], %parallel_loop3A_1063 {strides = array<i32>} : memref<64x128xf32, #tpu.memory_space<vmem>>, vector<1x16xf32>,
        %parallel_loop3A_1064 = arith.constant 4 : i32
        %parallel_loop3A_1065 = vector.broadcast %parallel_loop3A_1064 : i32 to vector<16xi32>
        %parallel_loop3A_1066 = arith.subi %parallel_loop3A_993, %parallel_loop3A_1065 : vector<16xi32>
        %parallel_loop3A_1067 = math.absi %parallel_loop3A_1066 : vector<16xi32>
        %parallel_loop3A_1068 = arith.constant 1 : i32
        %parallel_loop3A_1069 = vector.broadcast %parallel_loop3A_1068 : i32 to vector<16xi32>
        %parallel_loop3A_1070 = arith.minsi %parallel_loop3A_1067, %parallel_loop3A_1069 : vector<16xi32>
        %parallel_loop3A_1071 = arith.constant 1 : i32
        %parallel_loop3A_1072 = vector.broadcast %parallel_loop3A_1071 : i32 to vector<16xi32>
        %parallel_loop3A_1073 = arith.subi %parallel_loop3A_1072, %parallel_loop3A_1070 : vector<16xi32>
        %parallel_loop3A_1074 = arith.sitofp %parallel_loop3A_1073 : vector<16xi32> to vector<16xf32>
        %parallel_loop3A_1075 = arith.mulf %parallel_loop3A_987, %parallel_loop3A_1074 : vector<16xf32>
        %parallel_loop3A_1076 = arith.index_cast %parallel_loop3A_995 : i32 to index
        %parallel_loop3A_1077 = arith.constant 64 : index
        %parallel_loop3A_1078 = tpu.vector_load %arg22[%parallel_loop3A_1076, %parallel_loop3A_1077] {strides = array<i32>} : memref<64x128xf32, #tpu.memory_space<vmem>>, vector<1x16xf32>,
        %parallel_loop3A_1079 = vector.shape_cast %parallel_loop3A_1078 : vector<1x16xf32> to vector<16xf32>
        %parallel_loop3A_1080 = vector.shape_cast %parallel_loop3A_1075 : vector<16xf32> to vector<1x16xf32>
        tpu.vector_store %arg22[%parallel_loop3A_1076, %parallel_loop3A_1077], %parallel_loop3A_1080 {strides = array<i32>} : memref<64x128xf32, #tpu.memory_space<vmem>>, vector<1x16xf32>,
        %parallel_loop3A_1081 = arith.constant 5 : i32
        %parallel_loop3A_1082 = vector.broadcast %parallel_loop3A_1081 : i32 to vector<16xi32>
        %parallel_loop3A_1083 = arith.subi %parallel_loop3A_993, %parallel_loop3A_1082 : vector<16xi32>
        %parallel_loop3A_1084 = math.absi %parallel_loop3A_1083 : vector<16xi32>
        %parallel_loop3A_1085 = arith.constant 1 : i32
        %parallel_loop3A_1086 = vector.broadcast %parallel_loop3A_1085 : i32 to vector<16xi32>
        %parallel_loop3A_1087 = arith.minsi %parallel_loop3A_1084, %parallel_loop3A_1086 : vector<16xi32>
        %parallel_loop3A_1088 = arith.constant 1 : i32
        %parallel_loop3A_1089 = vector.broadcast %parallel_loop3A_1088 : i32 to vector<16xi32>
        %parallel_loop3A_1090 = arith.subi %parallel_loop3A_1089, %parallel_loop3A_1087 : vector<16xi32>
        %parallel_loop3A_1091 = arith.sitofp %parallel_loop3A_1090 : vector<16xi32> to vector<16xf32>
        %parallel_loop3A_1092 = arith.mulf %parallel_loop3A_987, %parallel_loop3A_1091 : vector<16xf32>
        %parallel_loop3A_1093 = arith.index_cast %parallel_loop3A_995 : i32 to index
        %parallel_loop3A_1094 = arith.constant 80 : index
        %parallel_loop3A_1095 = tpu.vector_load %arg22[%parallel_loop3A_1093, %parallel_loop3A_1094] {strides = array<i32>} : memref<64x128xf32, #tpu.memory_space<vmem>>, vector<1x16xf32>,
        %parallel_loop3A_1096 = vector.shape_cast %parallel_loop3A_1095 : vector<1x16xf32> to vector<16xf32>
        %parallel_loop3A_1097 = vector.shape_cast %parallel_loop3A_1092 : vector<16xf32> to vector<1x16xf32>
        tpu.vector_store %arg22[%parallel_loop3A_1093, %parallel_loop3A_1094], %parallel_loop3A_1097 {strides = array<i32>} : memref<64x128xf32, #tpu.memory_space<vmem>>, vector<1x16xf32>,
        %parallel_loop3A_1098 = arith.constant 6 : i32
        %parallel_loop3A_1099 = vector.broadcast %parallel_loop3A_1098 : i32 to vector<16xi32>
        %parallel_loop3A_1100 = arith.subi %parallel_loop3A_993, %parallel_loop3A_1099 : vector<16xi32>
        %parallel_loop3A_1101 = math.absi %parallel_loop3A_1100 : vector<16xi32>
        %parallel_loop3A_1102 = arith.constant 1 : i32
        %parallel_loop3A_1103 = vector.broadcast %parallel_loop3A_1102 : i32 to vector<16xi32>
        %parallel_loop3A_1104 = arith.minsi %parallel_loop3A_1101, %parallel_loop3A_1103 : vector<16xi32>
        %parallel_loop3A_1105 = arith.constant 1 : i32
        %parallel_loop3A_1106 = vector.broadcast %parallel_loop3A_1105 : i32 to vector<16xi32>
        %parallel_loop3A_1107 = arith.subi %parallel_loop3A_1106, %parallel_loop3A_1104 : vector<16xi32>
        %parallel_loop3A_1108 = arith.sitofp %parallel_loop3A_1107 : vector<16xi32> to vector<16xf32>
        %parallel_loop3A_1109 = arith.mulf %parallel_loop3A_987, %parallel_loop3A_1108 : vector<16xf32>
        %parallel_loop3A_1110 = arith.index_cast %parallel_loop3A_995 : i32 to index
        %parallel_loop3A_1111 = arith.constant 96 : index
        %parallel_loop3A_1112 = tpu.vector_load %arg22[%parallel_loop3A_1110, %parallel_loop3A_1111] {strides = array<i32>} : memref<64x128xf32, #tpu.memory_space<vmem>>, vector<1x16xf32>,
        %parallel_loop3A_1113 = vector.shape_cast %parallel_loop3A_1112 : vector<1x16xf32> to vector<16xf32>
        %parallel_loop3A_1114 = vector.shape_cast %parallel_loop3A_1109 : vector<16xf32> to vector<1x16xf32>
        tpu.vector_store %arg22[%parallel_loop3A_1110, %parallel_loop3A_1111], %parallel_loop3A_1114 {strides = array<i32>} : memref<64x128xf32, #tpu.memory_space<vmem>>, vector<1x16xf32>,
        %parallel_loop3A_1115 = arith.constant 7 : i32
        %parallel_loop3A_1116 = vector.broadcast %parallel_loop3A_1115 : i32 to vector<16xi32>
        %parallel_loop3A_1117 = arith.subi %parallel_loop3A_993, %parallel_loop3A_1116 : vector<16xi32>
        %parallel_loop3A_1118 = math.absi %parallel_loop3A_1117 : vector<16xi32>
        %parallel_loop3A_1119 = arith.constant 1 : i32
        %parallel_loop3A_1120 = vector.broadcast %parallel_loop3A_1119 : i32 to vector<16xi32>
        %parallel_loop3A_1121 = arith.minsi %parallel_loop3A_1118, %parallel_loop3A_1120 : vector<16xi32>
        %parallel_loop3A_1122 = arith.constant 1 : i32
        %parallel_loop3A_1123 = vector.broadcast %parallel_loop3A_1122 : i32 to vector<16xi32>
        %parallel_loop3A_1124 = arith.subi %parallel_loop3A_1123, %parallel_loop3A_1121 : vector<16xi32>
        %parallel_loop3A_1125 = arith.sitofp %parallel_loop3A_1124 : vector<16xi32> to vector<16xf32>
        %parallel_loop3A_1126 = arith.mulf %parallel_loop3A_987, %parallel_loop3A_1125 : vector<16xf32>
        %parallel_loop3A_1127 = arith.index_cast %parallel_loop3A_995 : i32 to index
        %parallel_loop3A_1128 = arith.constant 112 : index
        %parallel_loop3A_1129 = tpu.vector_load %arg22[%parallel_loop3A_1127, %parallel_loop3A_1128] {strides = array<i32>} : memref<64x128xf32, #tpu.memory_space<vmem>>, vector<1x16xf32>,
        %parallel_loop3A_1130 = vector.shape_cast %parallel_loop3A_1129 : vector<1x16xf32> to vector<16xf32>
        %parallel_loop3A_1131 = vector.shape_cast %parallel_loop3A_1126 : vector<16xf32> to vector<1x16xf32>
        tpu.vector_store %arg22[%parallel_loop3A_1127, %parallel_loop3A_1128], %parallel_loop3A_1131 {strides = array<i32>} : memref<64x128xf32, #tpu.memory_space<vmem>>, vector<1x16xf32>,
      } {sc.loop_unroll_factor = 8 : i64, sc.parallel_access}
      %dma_start3A_163 = arith.constant 0 : i32
      %dma_start3A_164 = arith.constant 0 : i32
      %dma_start3A_165 = tpu.memref_slice %arg26[%dma_start3A_163, %dma_start3A_164] : memref<10752x128xf32, #tpu.memory_space<vmem_shared>> -> memref<10752x128xf32, #tpu.memory_space<vmem_shared>>
      tpu.enqueue_indirect_dma source(%arg22 : memref<64x128xf32, #tpu.memory_space<vmem>>) target(%dma_start3A_165 : memref<10752x128xf32, #tpu.memory_space<vmem_shared>>) offsets(%arg24 : memref<64xi32, #tpu.memory_space<vmem>>) semaphore(%arg31 : memref<!tpu.dma_semaphore, #tpu.memory_space<semaphore_mem>>) {add = true}
      %add3A_166 = arith.constant 2 : i32
      %add3A_167 = arith.addi %add3A_117, %add3A_166 : i32
      %lt3A_168 = arith.constant 316 : i32
      %lt3A_169 = arith.cmpi slt, %add3A_167, %lt3A_168 : i32
      %convert_element_type3A_170 = arith.extui %lt3A_169 : i1 to i32
      %cond3A_171 = arith.constant 0 : i32
      %cond3A_172 = arith.cmpi ne, %convert_element_type3A_170, %cond3A_171 : i32
      scf.if %cond3A_172 {
        %dma_wait3A_239 = arith.constant 0 : i32
        %dma_wait3A_240 = tpu.memref_slice %arg5[%dma_wait3A_239] : memref<323584xi32, #tpu.memory_space<hbm>> -> memref<32xi32, #tpu.memory_space<hbm>>
        %dma_wait3A_241 = arith.constant 0 : i32
        %dma_wait3A_242 = tpu.memref_slice %arg5[%dma_wait3A_241] : memref<323584xi32, #tpu.memory_space<hbm>> -> memref<32xi32, #tpu.memory_space<hbm>>
        tpu.wait_dma2 semaphore(%arg27 : memref<!tpu.dma_semaphore, #tpu.memory_space<semaphore_mem>>) src(%dma_wait3A_242 : memref<32xi32, #tpu.memory_space<hbm>>) dst(%arg10 : memref<32xi32, #tpu.memory_space<vmem>>)
        %dma_wait3A_243 = arith.constant 0 : i32
        %dma_wait3A_244 = tpu.memref_slice %arg6[%dma_wait3A_243] : memref<323584xi32, #tpu.memory_space<hbm>> -> memref<32xi32, #tpu.memory_space<hbm>>
        %dma_wait3A_245 = arith.constant 0 : i32
        %dma_wait3A_246 = tpu.memref_slice %arg6[%dma_wait3A_245] : memref<323584xi32, #tpu.memory_space<hbm>> -> memref<32xi32, #tpu.memory_space<hbm>>
        tpu.wait_dma2 semaphore(%arg27 : memref<!tpu.dma_semaphore, #tpu.memory_space<semaphore_mem>>) src(%dma_wait3A_246 : memref<32xi32, #tpu.memory_space<hbm>>) dst(%arg11 : memref<32xi32, #tpu.memory_space<vmem>>)
        %dma_wait3A_247 = arith.constant 0 : i32
        %dma_wait3A_248 = tpu.memref_slice %arg7[%dma_wait3A_247] : memref<323584xi32, #tpu.memory_space<hbm>> -> memref<32xi32, #tpu.memory_space<hbm>>
        %dma_wait3A_249 = arith.constant 0 : i32
        %dma_wait3A_250 = tpu.memref_slice %arg7[%dma_wait3A_249] : memref<323584xi32, #tpu.memory_space<hbm>> -> memref<32xi32, #tpu.memory_space<hbm>>
        tpu.wait_dma2 semaphore(%arg27 : memref<!tpu.dma_semaphore, #tpu.memory_space<semaphore_mem>>) src(%dma_wait3A_250 : memref<32xi32, #tpu.memory_space<hbm>>) dst(%arg12 : memref<32xi32, #tpu.memory_space<vmem>>)
        %dma_start3A_251 = arith.constant 0 : i32
        %dma_start3A_252 = arith.constant 0 : i32
        %dma_start3A_253 = tpu.memref_slice %arg2[%dma_start3A_251, %dma_start3A_252] : memref<10000x128xf32, #tpu.memory_space<hbm>> -> memref<10000x128xf32, #tpu.memory_space<hbm>>
        tpu.enqueue_indirect_dma source(%dma_start3A_253 : memref<10000x128xf32, #tpu.memory_space<hbm>>) target(%arg16 : memref<32x128xf32, #tpu.memory_space<vmem>>) offsets(%arg10 : memref<32xi32, #tpu.memory_space<vmem>>) semaphore(%arg29 : memref<!tpu.dma_semaphore, #tpu.memory_space<semaphore_mem>>)
        %dma_start3A_254 = arith.constant 0 : i32
        %dma_start3A_255 = arith.constant 0 : i32
        %dma_start3A_256 = tpu.memref_slice %arg3[%dma_start3A_254, %dma_start3A_255] : memref<10000x128xf32, #tpu.memory_space<hbm>> -> memref<10000x128xf32, #tpu.memory_space<hbm>>
        tpu.enqueue_indirect_dma source(%dma_start3A_256 : memref<10000x128xf32, #tpu.memory_space<hbm>>) target(%arg17 : memref<32x128xf32, #tpu.memory_space<vmem>>) offsets(%arg11 : memref<32xi32, #tpu.memory_space<vmem>>) semaphore(%arg29 : memref<!tpu.dma_semaphore, #tpu.memory_space<semaphore_mem>>)
        %dma_start3A_257 = arith.constant 0 : i32
        %dma_start3A_258 = arith.constant 0 : i32
        %dma_start3A_259 = tpu.memref_slice %arg4[%dma_start3A_257, %dma_start3A_258] : memref<10000x128xf32, #tpu.memory_space<hbm>> -> memref<10000x128xf32, #tpu.memory_space<hbm>>
        tpu.enqueue_indirect_dma source(%dma_start3A_259 : memref<10000x128xf32, #tpu.memory_space<hbm>>) target(%arg18 : memref<32x128xf32, #tpu.memory_space<vmem>>) offsets(%arg10 : memref<32xi32, #tpu.memory_space<vmem>>) semaphore(%arg29 : memref<!tpu.dma_semaphore, #tpu.memory_space<semaphore_mem>>)
      } else {
      }
      %mul3A_173 = arith.constant 2 : i32
      %mul3A_174 = arith.muli %scan3A_113, %mul3A_173 : i32
      %add3A_175 = arith.constant 1 : i32
      %add3A_176 = arith.addi %mul3A_174, %add3A_175 : i32
      %dma_wait3A_177 = arith.constant 0 : i32
      %dma_wait3A_178 = arith.constant 0 : i32
      %dma_wait3A_179 = tpu.memref_slice %arg2[%dma_wait3A_177, %dma_wait3A_178] : memref<10000x128xf32, #tpu.memory_space<hbm>> -> memref<10000x128xf32, #tpu.memory_space<hbm>>
      tpu.wait_indirect_dma semaphore(%arg30 : memref<!tpu.dma_semaphore, #tpu.memory_space<semaphore_mem>>) src(%dma_wait3A_179 : memref<10000x128xf32, #tpu.memory_space<hbm>>) dst(%arg19 : memref<32x128xf32, #tpu.memory_space<vmem>>)
      %dma_wait3A_180 = arith.constant 0 : i32
      %dma_wait3A_181 = arith.constant 0 : i32
      %dma_wait3A_182 = tpu.memref_slice %arg3[%dma_wait3A_180, %dma_wait3A_181] : memref<10000x128xf32, #tpu.memory_space<hbm>> -> memref<10000x128xf32, #tpu.memory_space<hbm>>
      tpu.wait_indirect_dma semaphore(%arg30 : memref<!tpu.dma_semaphore, #tpu.memory_space<semaphore_mem>>) src(%dma_wait3A_182 : memref<10000x128xf32, #tpu.memory_space<hbm>>) dst(%arg20 : memref<32x128xf32, #tpu.memory_space<vmem>>)
      %dma_wait3A_183 = arith.constant 0 : i32
      %dma_wait3A_184 = arith.constant 0 : i32
      %dma_wait3A_185 = tpu.memref_slice %arg4[%dma_wait3A_183, %dma_wait3A_184] : memref<10000x128xf32, #tpu.memory_space<hbm>> -> memref<10000x128xf32, #tpu.memory_space<hbm>>
      tpu.wait_indirect_dma semaphore(%arg30 : memref<!tpu.dma_semaphore, #tpu.memory_space<semaphore_mem>>) src(%dma_wait3A_185 : memref<10000x128xf32, #tpu.memory_space<hbm>>) dst(%arg21 : memref<32x128xf32, #tpu.memory_space<vmem>>)
      %ge3A_186 = arith.constant 2 : i32
      %ge3A_187 = arith.cmpi sge, %add3A_176, %ge3A_186 : i32
      %convert_element_type3A_188 = arith.extui %ge3A_187 : i1 to i32
      %cond3A_189 = arith.constant 0 : i32
      %cond3A_190 = arith.cmpi ne, %convert_element_type3A_188, %cond3A_189 : i32
      scf.if %cond3A_190 {
        %dma_wait3A_239 = arith.constant 0 : i32
        %dma_wait3A_240 = arith.constant 0 : i32
        %dma_wait3A_241 = tpu.memref_slice %arg26[%dma_wait3A_239, %dma_wait3A_240] : memref<10752x128xf32, #tpu.memory_space<vmem_shared>> -> memref<10752x128xf32, #tpu.memory_space<vmem_shared>>
        tpu.wait_indirect_dma semaphore(%arg32 : memref<!tpu.dma_semaphore, #tpu.memory_space<semaphore_mem>>) src(%arg23 : memref<64x128xf32, #tpu.memory_space<vmem>>) dst(%dma_wait3A_241 : memref<10752x128xf32, #tpu.memory_space<vmem_shared>>)
      } else {
      }
      %get3A_191 = arith.constant 0 : index
      %get3A_192 = tpu.vector_load %arg14[%get3A_191] {strides = array<i32>} : memref<32xi32, #tpu.memory_space<vmem>>, vector<16xi32>,
      %get3A_193 = vector.shape_cast %get3A_192 : vector<16xi32> to vector<16xi32>
      %swap3A_194 = arith.constant 0 : index
      %swap3A_195 = tpu.vector_load %arg25[%swap3A_194] {strides = array<i32>} : memref<64xi32, #tpu.memory_space<vmem>>, vector<16xi32>,
      %swap3A_196 = vector.shape_cast %swap3A_195 : vector<16xi32> to vector<16xi32>
      %swap3A_197 = vector.shape_cast %get3A_193 : vector<16xi32> to vector<16xi32>
      tpu.vector_store %arg25[%swap3A_194], %swap3A_197 {strides = array<i32>} : memref<64xi32, #tpu.memory_space<vmem>>, vector<16xi32>,
      %get3A_198 = arith.constant 0 : index
      %get3A_199 = tpu.vector_load %arg15[%get3A_198] {strides = array<i32>} : memref<32xi32, #tpu.memory_space<vmem>>, vector<16xi32>,
      %get3A_200 = vector.shape_cast %get3A_199 : vector<16xi32> to vector<16xi32>
      %swap3A_201 = arith.constant 32 : index
      %swap3A_202 = tpu.vector_load %arg25[%swap3A_201] {strides = array<i32>} : memref<64xi32, #tpu.memory_space<vmem>>, vector<16xi32>,
      %swap3A_203 = vector.shape_cast %swap3A_202 : vector<16xi32> to vector<16xi32>
      %swap3A_204 = vector.shape_cast %get3A_200 : vector<16xi32> to vector<16xi32>
      tpu.vector_store %arg25[%swap3A_201], %swap3A_204 {strides = array<i32>} : memref<64xi32, #tpu.memory_space<vmem>>, vector<16xi32>,
      %get3A_205 = arith.constant 16 : index
      %get3A_206 = tpu.vector_load %arg14[%get3A_205] {strides = array<i32>} : memref<32xi32, #tpu.memory_space<vmem>>, vector<16xi32>,
      %get3A_207 = vector.shape_cast %get3A_206 : vector<16xi32> to vector<16xi32>
      %swap3A_208 = arith.constant 16 : index
      %swap3A_209 = tpu.vector_load %arg25[%swap3A_208] {strides = array<i32>} : memref<64xi32, #tpu.memory_space<vmem>>, vector<16xi32>,
      %swap3A_210 = vector.shape_cast %swap3A_209 : vector<16xi32> to vector<16xi32>
      %swap3A_211 = vector.shape_cast %get3A_207 : vector<16xi32> to vector<16xi32>
      tpu.vector_store %arg25[%swap3A_208], %swap3A_211 {strides = array<i32>} : memref<64xi32, #tpu.memory_space<vmem>>, vector<16xi32>,
      %get3A_212 = arith.constant 16 : index
      %get3A_213 = tpu.vector_load %arg15[%get3A_212] {strides = array<i32>} : memref<32xi32, #tpu.memory_space<vmem>>, vector<16xi32>,
      %get3A_214 = vector.shape_cast %get3A_213 : vector<16xi32> to vector<16xi32>
      %swap3A_215 = arith.constant 48 : index
      %swap3A_216 = tpu.vector_load %arg25[%swap3A_215] {strides = array<i32>} : memref<64xi32, #tpu.memory_space<vmem>>, vector<16xi32>,
      %swap3A_217 = vector.shape_cast %swap3A_216 : vector<16xi32> to vector<16xi32>
      %swap3A_218 = vector.shape_cast %get3A_214 : vector<16xi32> to vector<16xi32>
      tpu.vector_store %arg25[%swap3A_215], %swap3A_218 {strides = array<i32>} : memref<64xi32, #tpu.memory_space<vmem>>, vector<16xi32>,
      %add3A_219 = arith.constant 2 : i32
      %add3A_220 = arith.addi %add3A_176, %add3A_219 : i32
      %lt3A_221 = arith.constant 316 : i32
      %lt3A_222 = arith.cmpi slt, %add3A_220, %lt3A_221 : i32
      %convert_element_type3A_223 = arith.extui %lt3A_222 : i1 to i32
      %cond3A_224 = arith.constant 0 : i32
      %cond3A_225 = arith.cmpi ne, %convert_element_type3A_223, %cond3A_224 : i32
      scf.if %cond3A_225 {
        %add3A_239 = arith.constant 2 : i32
        %add3A_240 = arith.addi %add3A_176, %add3A_239 : i32
        %mul3A_241 = arith.constant 32 : i32
        %mul3A_242 = arith.muli %add3A_240, %mul3A_241 : i32
        %add3A_243 = arith.addi %mul3A_2, %mul3A_242 : i32
        %dma_start3A_244 = tpu.memref_slice %arg5[%add3A_243] : memref<323584xi32, #tpu.memory_space<hbm>> -> memref<32xi32, #tpu.memory_space<hbm>>
        %dma_start3A_245 = tpu.memref_slice %arg5[%add3A_243] : memref<323584xi32, #tpu.memory_space<hbm>> -> memref<32xi32, #tpu.memory_space<hbm>>
        tpu.enqueue_dma source(%dma_start3A_245 : memref<32xi32, #tpu.memory_space<hbm>>) target(%arg13 : memref<32xi32, #tpu.memory_space<vmem>>) target_semaphore(%arg28 : memref<!tpu.dma_semaphore, #tpu.memory_space<semaphore_mem>>)
        %dma_start3A_246 = tpu.memref_slice %arg6[%add3A_243] : memref<323584xi32, #tpu.memory_space<hbm>> -> memref<32xi32, #tpu.memory_space<hbm>>
        %dma_start3A_247 = tpu.memref_slice %arg6[%add3A_243] : memref<323584xi32, #tpu.memory_space<hbm>> -> memref<32xi32, #tpu.memory_space<hbm>>
        tpu.enqueue_dma source(%dma_start3A_247 : memref<32xi32, #tpu.memory_space<hbm>>) target(%arg14 : memref<32xi32, #tpu.memory_space<vmem>>) target_semaphore(%arg28 : memref<!tpu.dma_semaphore, #tpu.memory_space<semaphore_mem>>)
        %dma_start3A_248 = tpu.memref_slice %arg7[%add3A_243] : memref<323584xi32, #tpu.memory_space<hbm>> -> memref<32xi32, #tpu.memory_space<hbm>>
        %dma_start3A_249 = tpu.memref_slice %arg7[%add3A_243] : memref<323584xi32, #tpu.memory_space<hbm>> -> memref<32xi32, #tpu.memory_space<hbm>>
        tpu.enqueue_dma source(%dma_start3A_249 : memref<32xi32, #tpu.memory_space<hbm>>) target(%arg15 : memref<32xi32, #tpu.memory_space<vmem>>) target_semaphore(%arg28 : memref<!tpu.dma_semaphore, #tpu.memory_space<semaphore_mem>>)
      } else {
      }
      %parallel_loop3A_226 = arith.constant 0 : i32
      %parallel_loop3A_227 = arith.constant 32 : i32
      %parallel_loop3A_228 = arith.constant 1 : i32
      scf.for %parallel_loop3A_239 = %parallel_loop3A_226 to %parallel_loop3A_227 step %parallel_loop3A_228  : i32 {
        %parallel_loop3A_240 = arith.index_cast %parallel_loop3A_239 : i32 to index
        %parallel_loop3A_241 = arith.constant 0 : index
        %parallel_loop3A_242 = tpu.vector_load %arg19[%parallel_loop3A_240, %parallel_loop3A_241] {strides = array<i32>} : memref<32x128xf32, #tpu.memory_space<vmem>>, vector<1x16xf32>,
        %parallel_loop3A_243 = vector.shape_cast %parallel_loop3A_242 : vector<1x16xf32> to vector<16xf32>
        %parallel_loop3A_244 = arith.index_cast %parallel_loop3A_239 : i32 to index
        %parallel_loop3A_245 = arith.constant 0 : index
        %parallel_loop3A_246 = tpu.vector_load %arg20[%parallel_loop3A_244, %parallel_loop3A_245] {strides = array<i32>} : memref<32x128xf32, #tpu.memory_space<vmem>>, vector<1x16xf32>,
        %parallel_loop3A_247 = vector.shape_cast %parallel_loop3A_246 : vector<1x16xf32> to vector<16xf32>
        %parallel_loop3A_248 = arith.mulf %parallel_loop3A_243, %parallel_loop3A_247 : vector<16xf32>
        %parallel_loop3A_249 = arith.constant 8 : i32
        %parallel_loop3A_250 = vector.broadcast %parallel_loop3A_249 : i32 to vector<16xi32>
        %parallel_loop3A_251 = arith.xori %iota3A, %parallel_loop3A_250 : vector<16xi32>
        %parallel_loop3A_252 = arith.constant 0 : i32
        %parallel_loop3A_253 = vector.broadcast %parallel_loop3A_252 : i32 to vector<16xi32>
        %parallel_loop3A_254 = arith.cmpi slt, %parallel_loop3A_251, %parallel_loop3A_253 : vector<16xi32>
        %parallel_loop3A_255 = arith.constant 16 : i32
        %parallel_loop3A_256 = vector.broadcast %parallel_loop3A_255 : i32 to vector<16xi32>
        %parallel_loop3A_257 = arith.addi %parallel_loop3A_251, %parallel_loop3A_256 : vector<16xi32>
        %parallel_loop3A_258 = arith.select %parallel_loop3A_254, %parallel_loop3A_257, %parallel_loop3A_251 : vector<16xi1>, vector<16xi32>
        %parallel_loop3A_259 = vector.shape_cast %parallel_loop3A_258 : vector<16xi32> to vector<16x1xi32>
        %parallel_loop3A_260 = vector.shape_cast %parallel_loop3A_259 : vector<16x1xi32> to vector<16xi32>
        %parallel_loop3A_261 = tpu.dynamic_gather %parallel_loop3A_248[%parallel_loop3A_260] in [0] : vector<16xf32>, vector<16xi32> -> vector<16xf32>
        %parallel_loop3A_262 = arith.addf %parallel_loop3A_248, %parallel_loop3A_261 : vector<16xf32>
        %parallel_loop3A_263 = arith.constant 4 : i32
        %parallel_loop3A_264 = vector.broadcast %parallel_loop3A_263 : i32 to vector<16xi32>
        %parallel_loop3A_265 = arith.xori %iota3A, %parallel_loop3A_264 : vector<16xi32>
        %parallel_loop3A_266 = arith.constant 0 : i32
        %parallel_loop3A_267 = vector.broadcast %parallel_loop3A_266 : i32 to vector<16xi32>
        %parallel_loop3A_268 = arith.cmpi slt, %parallel_loop3A_265, %parallel_loop3A_267 : vector<16xi32>
        %parallel_loop3A_269 = arith.constant 16 : i32
        %parallel_loop3A_270 = vector.broadcast %parallel_loop3A_269 : i32 to vector<16xi32>
        %parallel_loop3A_271 = arith.addi %parallel_loop3A_265, %parallel_loop3A_270 : vector<16xi32>
        %parallel_loop3A_272 = arith.select %parallel_loop3A_268, %parallel_loop3A_271, %parallel_loop3A_265 : vector<16xi1>, vector<16xi32>
        %parallel_loop3A_273 = vector.shape_cast %parallel_loop3A_272 : vector<16xi32> to vector<16x1xi32>
        %parallel_loop3A_274 = vector.shape_cast %parallel_loop3A_273 : vector<16x1xi32> to vector<16xi32>
        %parallel_loop3A_275 = tpu.dynamic_gather %parallel_loop3A_262[%parallel_loop3A_274] in [0] : vector<16xf32>, vector<16xi32> -> vector<16xf32>
        %parallel_loop3A_276 = arith.addf %parallel_loop3A_262, %parallel_loop3A_275 : vector<16xf32>
        %parallel_loop3A_277 = arith.constant 2 : i32
        %parallel_loop3A_278 = vector.broadcast %parallel_loop3A_277 : i32 to vector<16xi32>
        %parallel_loop3A_279 = arith.xori %iota3A, %parallel_loop3A_278 : vector<16xi32>
        %parallel_loop3A_280 = arith.constant 0 : i32
        %parallel_loop3A_281 = vector.broadcast %parallel_loop3A_280 : i32 to vector<16xi32>
        %parallel_loop3A_282 = arith.cmpi slt, %parallel_loop3A_279, %parallel_loop3A_281 : vector<16xi32>
        %parallel_loop3A_283 = arith.constant 16 : i32
        %parallel_loop3A_284 = vector.broadcast %parallel_loop3A_283 : i32 to vector<16xi32>
        %parallel_loop3A_285 = arith.addi %parallel_loop3A_279, %parallel_loop3A_284 : vector<16xi32>
        %parallel_loop3A_286 = arith.select %parallel_loop3A_282, %parallel_loop3A_285, %parallel_loop3A_279 : vector<16xi1>, vector<16xi32>
        %parallel_loop3A_287 = vector.shape_cast %parallel_loop3A_286 : vector<16xi32> to vector<16x1xi32>
        %parallel_loop3A_288 = vector.shape_cast %parallel_loop3A_287 : vector<16x1xi32> to vector<16xi32>
        %parallel_loop3A_289 = tpu.dynamic_gather %parallel_loop3A_276[%parallel_loop3A_288] in [0] : vector<16xf32>, vector<16xi32> -> vector<16xf32>
        %parallel_loop3A_290 = arith.addf %parallel_loop3A_276, %parallel_loop3A_289 : vector<16xf32>
        %parallel_loop3A_291 = arith.constant 1 : i32
        %parallel_loop3A_292 = vector.broadcast %parallel_loop3A_291 : i32 to vector<16xi32>
        %parallel_loop3A_293 = arith.xori %iota3A, %parallel_loop3A_292 : vector<16xi32>
        %parallel_loop3A_294 = arith.constant 0 : i32
        %parallel_loop3A_295 = vector.broadcast %parallel_loop3A_294 : i32 to vector<16xi32>
        %parallel_loop3A_296 = arith.cmpi slt, %parallel_loop3A_293, %parallel_loop3A_295 : vector<16xi32>
        %parallel_loop3A_297 = arith.constant 16 : i32
        %parallel_loop3A_298 = vector.broadcast %parallel_loop3A_297 : i32 to vector<16xi32>
        %parallel_loop3A_299 = arith.addi %parallel_loop3A_293, %parallel_loop3A_298 : vector<16xi32>
        %parallel_loop3A_300 = arith.select %parallel_loop3A_296, %parallel_loop3A_299, %parallel_loop3A_293 : vector<16xi1>, vector<16xi32>
        %parallel_loop3A_301 = vector.shape_cast %parallel_loop3A_300 : vector<16xi32> to vector<16x1xi32>
        %parallel_loop3A_302 = vector.shape_cast %parallel_loop3A_301 : vector<16x1xi32> to vector<16xi32>
        %parallel_loop3A_303 = tpu.dynamic_gather %parallel_loop3A_290[%parallel_loop3A_302] in [0] : vector<16xf32>, vector<16xi32> -> vector<16xf32>
        %parallel_loop3A_304 = arith.addf %parallel_loop3A_290, %parallel_loop3A_303 : vector<16xf32>
        %parallel_loop3A_305 = arith.constant -5.000000e+00 : f32
        %parallel_loop3A_306 = arith.constant 5.000000e+00 : f32
        %parallel_loop3A_307 = vector.broadcast %parallel_loop3A_305 : f32 to vector<16xf32>
        %parallel_loop3A_308 = arith.maximumf %parallel_loop3A_307, %parallel_loop3A_304 : vector<16xf32>
        %parallel_loop3A_309 = vector.broadcast %parallel_loop3A_306 : f32 to vector<16xf32>
        %parallel_loop3A_310 = arith.minimumf %parallel_loop3A_309, %parallel_loop3A_308 : vector<16xf32>
        %parallel_loop3A_311 = math.exp %parallel_loop3A_310 : vector<16xf32>
        %parallel_loop3A_312 = arith.index_cast %parallel_loop3A_239 : i32 to index
        %parallel_loop3A_313 = arith.constant 0 : index
        %parallel_loop3A_314 = tpu.vector_load %arg21[%parallel_loop3A_312, %parallel_loop3A_313] {strides = array<i32>} : memref<32x128xf32, #tpu.memory_space<vmem>>, vector<1x16xf32>,
        %parallel_loop3A_315 = vector.shape_cast %parallel_loop3A_314 : vector<1x16xf32> to vector<16xf32>
        %parallel_loop3A_316 = arith.mulf %parallel_loop3A_311, %parallel_loop3A_315 : vector<16xf32>
        %parallel_loop3A_317 = arith.index_cast %parallel_loop3A_239 : i32 to index
        %parallel_loop3A_318 = arith.constant 0 : index
        %parallel_loop3A_319 = tpu.vector_load %arg23[%parallel_loop3A_317, %parallel_loop3A_318] {strides = array<i32>} : memref<64x128xf32, #tpu.memory_space<vmem>>, vector<1x16xf32>,
        %parallel_loop3A_320 = vector.shape_cast %parallel_loop3A_319 : vector<1x16xf32> to vector<16xf32>
        %parallel_loop3A_321 = vector.shape_cast %parallel_loop3A_316 : vector<16xf32> to vector<1x16xf32>
        tpu.vector_store %arg23[%parallel_loop3A_317, %parallel_loop3A_318], %parallel_loop3A_321 {strides = array<i32>} : memref<64x128xf32, #tpu.memory_space<vmem>>, vector<1x16xf32>,
        %parallel_loop3A_322 = arith.mulf %parallel_loop3A_311, %select_n3A : vector<16xf32>
        %parallel_loop3A_323 = arith.addf %broadcast_in_dim3A_3, %parallel_loop3A_322 : vector<16xf32>
        %parallel_loop3A_324 = arith.index_cast %parallel_loop3A_239 : i32 to index
        %parallel_loop3A_325 = arith.constant 16 : index
        %parallel_loop3A_326 = tpu.vector_load %arg19[%parallel_loop3A_324, %parallel_loop3A_325] {strides = array<i32>} : memref<32x128xf32, #tpu.memory_space<vmem>>, vector<1x16xf32>,
        %parallel_loop3A_327 = vector.shape_cast %parallel_loop3A_326 : vector<1x16xf32> to vector<16xf32>
        %parallel_loop3A_328 = arith.index_cast %parallel_loop3A_239 : i32 to index
        %parallel_loop3A_329 = arith.constant 16 : index
        %parallel_loop3A_330 = tpu.vector_load %arg20[%parallel_loop3A_328, %parallel_loop3A_329] {strides = array<i32>} : memref<32x128xf32, #tpu.memory_space<vmem>>, vector<1x16xf32>,
        %parallel_loop3A_331 = vector.shape_cast %parallel_loop3A_330 : vector<1x16xf32> to vector<16xf32>
        %parallel_loop3A_332 = arith.mulf %parallel_loop3A_327, %parallel_loop3A_331 : vector<16xf32>
        %parallel_loop3A_333 = arith.constant 8 : i32
        %parallel_loop3A_334 = vector.broadcast %parallel_loop3A_333 : i32 to vector<16xi32>
        %parallel_loop3A_335 = arith.xori %iota3A, %parallel_loop3A_334 : vector<16xi32>
        %parallel_loop3A_336 = arith.constant 0 : i32
        %parallel_loop3A_337 = vector.broadcast %parallel_loop3A_336 : i32 to vector<16xi32>
        %parallel_loop3A_338 = arith.cmpi slt, %parallel_loop3A_335, %parallel_loop3A_337 : vector<16xi32>
        %parallel_loop3A_339 = arith.constant 16 : i32
        %parallel_loop3A_340 = vector.broadcast %parallel_loop3A_339 : i32 to vector<16xi32>
        %parallel_loop3A_341 = arith.addi %parallel_loop3A_335, %parallel_loop3A_340 : vector<16xi32>
        %parallel_loop3A_342 = arith.select %parallel_loop3A_338, %parallel_loop3A_341, %parallel_loop3A_335 : vector<16xi1>, vector<16xi32>
        %parallel_loop3A_343 = vector.shape_cast %parallel_loop3A_342 : vector<16xi32> to vector<16x1xi32>
        %parallel_loop3A_344 = vector.shape_cast %parallel_loop3A_343 : vector<16x1xi32> to vector<16xi32>
        %parallel_loop3A_345 = tpu.dynamic_gather %parallel_loop3A_332[%parallel_loop3A_344] in [0] : vector<16xf32>, vector<16xi32> -> vector<16xf32>
        %parallel_loop3A_346 = arith.addf %parallel_loop3A_332, %parallel_loop3A_345 : vector<16xf32>
        %parallel_loop3A_347 = arith.constant 4 : i32
        %parallel_loop3A_348 = vector.broadcast %parallel_loop3A_347 : i32 to vector<16xi32>
        %parallel_loop3A_349 = arith.xori %iota3A, %parallel_loop3A_348 : vector<16xi32>
        %parallel_loop3A_350 = arith.constant 0 : i32
        %parallel_loop3A_351 = vector.broadcast %parallel_loop3A_350 : i32 to vector<16xi32>
        %parallel_loop3A_352 = arith.cmpi slt, %parallel_loop3A_349, %parallel_loop3A_351 : vector<16xi32>
        %parallel_loop3A_353 = arith.constant 16 : i32
        %parallel_loop3A_354 = vector.broadcast %parallel_loop3A_353 : i32 to vector<16xi32>
        %parallel_loop3A_355 = arith.addi %parallel_loop3A_349, %parallel_loop3A_354 : vector<16xi32>
        %parallel_loop3A_356 = arith.select %parallel_loop3A_352, %parallel_loop3A_355, %parallel_loop3A_349 : vector<16xi1>, vector<16xi32>
        %parallel_loop3A_357 = vector.shape_cast %parallel_loop3A_356 : vector<16xi32> to vector<16x1xi32>
        %parallel_loop3A_358 = vector.shape_cast %parallel_loop3A_357 : vector<16x1xi32> to vector<16xi32>
        %parallel_loop3A_359 = tpu.dynamic_gather %parallel_loop3A_346[%parallel_loop3A_358] in [0] : vector<16xf32>, vector<16xi32> -> vector<16xf32>
        %parallel_loop3A_360 = arith.addf %parallel_loop3A_346, %parallel_loop3A_359 : vector<16xf32>
        %parallel_loop3A_361 = arith.constant 2 : i32
        %parallel_loop3A_362 = vector.broadcast %parallel_loop3A_361 : i32 to vector<16xi32>
        %parallel_loop3A_363 = arith.xori %iota3A, %parallel_loop3A_362 : vector<16xi32>
        %parallel_loop3A_364 = arith.constant 0 : i32
        %parallel_loop3A_365 = vector.broadcast %parallel_loop3A_364 : i32 to vector<16xi32>
        %parallel_loop3A_366 = arith.cmpi slt, %parallel_loop3A_363, %parallel_loop3A_365 : vector<16xi32>
        %parallel_loop3A_367 = arith.constant 16 : i32
        %parallel_loop3A_368 = vector.broadcast %parallel_loop3A_367 : i32 to vector<16xi32>
        %parallel_loop3A_369 = arith.addi %parallel_loop3A_363, %parallel_loop3A_368 : vector<16xi32>
        %parallel_loop3A_370 = arith.select %parallel_loop3A_366, %parallel_loop3A_369, %parallel_loop3A_363 : vector<16xi1>, vector<16xi32>
        %parallel_loop3A_371 = vector.shape_cast %parallel_loop3A_370 : vector<16xi32> to vector<16x1xi32>
        %parallel_loop3A_372 = vector.shape_cast %parallel_loop3A_371 : vector<16x1xi32> to vector<16xi32>
        %parallel_loop3A_373 = tpu.dynamic_gather %parallel_loop3A_360[%parallel_loop3A_372] in [0] : vector<16xf32>, vector<16xi32> -> vector<16xf32>
        %parallel_loop3A_374 = arith.addf %parallel_loop3A_360, %parallel_loop3A_373 : vector<16xf32>
        %parallel_loop3A_375 = arith.constant 1 : i32
        %parallel_loop3A_376 = vector.broadcast %parallel_loop3A_375 : i32 to vector<16xi32>
        %parallel_loop3A_377 = arith.xori %iota3A, %parallel_loop3A_376 : vector<16xi32>
        %parallel_loop3A_378 = arith.constant 0 : i32
        %parallel_loop3A_379 = vector.broadcast %parallel_loop3A_378 : i32 to vector<16xi32>
        %parallel_loop3A_380 = arith.cmpi slt, %parallel_loop3A_377, %parallel_loop3A_379 : vector<16xi32>
        %parallel_loop3A_381 = arith.constant 16 : i32
        %parallel_loop3A_382 = vector.broadcast %parallel_loop3A_381 : i32 to vector<16xi32>
        %parallel_loop3A_383 = arith.addi %parallel_loop3A_377, %parallel_loop3A_382 : vector<16xi32>
        %parallel_loop3A_384 = arith.select %parallel_loop3A_380, %parallel_loop3A_383, %parallel_loop3A_377 : vector<16xi1>, vector<16xi32>
        %parallel_loop3A_385 = vector.shape_cast %parallel_loop3A_384 : vector<16xi32> to vector<16x1xi32>
        %parallel_loop3A_386 = vector.shape_cast %parallel_loop3A_385 : vector<16x1xi32> to vector<16xi32>
        %parallel_loop3A_387 = tpu.dynamic_gather %parallel_loop3A_374[%parallel_loop3A_386] in [0] : vector<16xf32>, vector<16xi32> -> vector<16xf32>
        %parallel_loop3A_388 = arith.addf %parallel_loop3A_374, %parallel_loop3A_387 : vector<16xf32>
        %parallel_loop3A_389 = arith.constant -5.000000e+00 : f32
        %parallel_loop3A_390 = arith.constant 5.000000e+00 : f32
        %parallel_loop3A_391 = vector.broadcast %parallel_loop3A_389 : f32 to vector<16xf32>
        %parallel_loop3A_392 = arith.maximumf %parallel_loop3A_391, %parallel_loop3A_388 : vector<16xf32>
        %parallel_loop3A_393 = vector.broadcast %parallel_loop3A_390 : f32 to vector<16xf32>
        %parallel_loop3A_394 = arith.minimumf %parallel_loop3A_393, %parallel_loop3A_392 : vector<16xf32>
        %parallel_loop3A_395 = math.exp %parallel_loop3A_394 : vector<16xf32>
        %parallel_loop3A_396 = arith.index_cast %parallel_loop3A_239 : i32 to index
        %parallel_loop3A_397 = arith.constant 16 : index
        %parallel_loop3A_398 = tpu.vector_load %arg21[%parallel_loop3A_396, %parallel_loop3A_397] {strides = array<i32>} : memref<32x128xf32, #tpu.memory_space<vmem>>, vector<1x16xf32>,
        %parallel_loop3A_399 = vector.shape_cast %parallel_loop3A_398 : vector<1x16xf32> to vector<16xf32>
        %parallel_loop3A_400 = arith.mulf %parallel_loop3A_395, %parallel_loop3A_399 : vector<16xf32>
        %parallel_loop3A_401 = arith.index_cast %parallel_loop3A_239 : i32 to index
        %parallel_loop3A_402 = arith.constant 16 : index
        %parallel_loop3A_403 = tpu.vector_load %arg23[%parallel_loop3A_401, %parallel_loop3A_402] {strides = array<i32>} : memref<64x128xf32, #tpu.memory_space<vmem>>, vector<1x16xf32>,
        %parallel_loop3A_404 = vector.shape_cast %parallel_loop3A_403 : vector<1x16xf32> to vector<16xf32>
        %parallel_loop3A_405 = vector.shape_cast %parallel_loop3A_400 : vector<16xf32> to vector<1x16xf32>
        tpu.vector_store %arg23[%parallel_loop3A_401, %parallel_loop3A_402], %parallel_loop3A_405 {strides = array<i32>} : memref<64x128xf32, #tpu.memory_space<vmem>>, vector<1x16xf32>,
        %parallel_loop3A_406 = arith.mulf %parallel_loop3A_395, %select_n3A_14 : vector<16xf32>
        %parallel_loop3A_407 = arith.addf %parallel_loop3A_323, %parallel_loop3A_406 : vector<16xf32>
        %parallel_loop3A_408 = arith.index_cast %parallel_loop3A_239 : i32 to index
        %parallel_loop3A_409 = arith.constant 32 : index
        %parallel_loop3A_410 = tpu.vector_load %arg19[%parallel_loop3A_408, %parallel_loop3A_409] {strides = array<i32>} : memref<32x128xf32, #tpu.memory_space<vmem>>, vector<1x16xf32>,
        %parallel_loop3A_411 = vector.shape_cast %parallel_loop3A_410 : vector<1x16xf32> to vector<16xf32>
        %parallel_loop3A_412 = arith.index_cast %parallel_loop3A_239 : i32 to index
        %parallel_loop3A_413 = arith.constant 32 : index
        %parallel_loop3A_414 = tpu.vector_load %arg20[%parallel_loop3A_412, %parallel_loop3A_413] {strides = array<i32>} : memref<32x128xf32, #tpu.memory_space<vmem>>, vector<1x16xf32>,
        %parallel_loop3A_415 = vector.shape_cast %parallel_loop3A_414 : vector<1x16xf32> to vector<16xf32>
        %parallel_loop3A_416 = arith.mulf %parallel_loop3A_411, %parallel_loop3A_415 : vector<16xf32>
        %parallel_loop3A_417 = arith.constant 8 : i32
        %parallel_loop3A_418 = vector.broadcast %parallel_loop3A_417 : i32 to vector<16xi32>
        %parallel_loop3A_419 = arith.xori %iota3A, %parallel_loop3A_418 : vector<16xi32>
        %parallel_loop3A_420 = arith.constant 0 : i32
        %parallel_loop3A_421 = vector.broadcast %parallel_loop3A_420 : i32 to vector<16xi32>
        %parallel_loop3A_422 = arith.cmpi slt, %parallel_loop3A_419, %parallel_loop3A_421 : vector<16xi32>
        %parallel_loop3A_423 = arith.constant 16 : i32
        %parallel_loop3A_424 = vector.broadcast %parallel_loop3A_423 : i32 to vector<16xi32>
        %parallel_loop3A_425 = arith.addi %parallel_loop3A_419, %parallel_loop3A_424 : vector<16xi32>
        %parallel_loop3A_426 = arith.select %parallel_loop3A_422, %parallel_loop3A_425, %parallel_loop3A_419 : vector<16xi1>, vector<16xi32>
        %parallel_loop3A_427 = vector.shape_cast %parallel_loop3A_426 : vector<16xi32> to vector<16x1xi32>
        %parallel_loop3A_428 = vector.shape_cast %parallel_loop3A_427 : vector<16x1xi32> to vector<16xi32>
        %parallel_loop3A_429 = tpu.dynamic_gather %parallel_loop3A_416[%parallel_loop3A_428] in [0] : vector<16xf32>, vector<16xi32> -> vector<16xf32>
        %parallel_loop3A_430 = arith.addf %parallel_loop3A_416, %parallel_loop3A_429 : vector<16xf32>
        %parallel_loop3A_431 = arith.constant 4 : i32
        %parallel_loop3A_432 = vector.broadcast %parallel_loop3A_431 : i32 to vector<16xi32>
        %parallel_loop3A_433 = arith.xori %iota3A, %parallel_loop3A_432 : vector<16xi32>
        %parallel_loop3A_434 = arith.constant 0 : i32
        %parallel_loop3A_435 = vector.broadcast %parallel_loop3A_434 : i32 to vector<16xi32>
        %parallel_loop3A_436 = arith.cmpi slt, %parallel_loop3A_433, %parallel_loop3A_435 : vector<16xi32>
        %parallel_loop3A_437 = arith.constant 16 : i32
        %parallel_loop3A_438 = vector.broadcast %parallel_loop3A_437 : i32 to vector<16xi32>
        %parallel_loop3A_439 = arith.addi %parallel_loop3A_433, %parallel_loop3A_438 : vector<16xi32>
        %parallel_loop3A_440 = arith.select %parallel_loop3A_436, %parallel_loop3A_439, %parallel_loop3A_433 : vector<16xi1>, vector<16xi32>
        %parallel_loop3A_441 = vector.shape_cast %parallel_loop3A_440 : vector<16xi32> to vector<16x1xi32>
        %parallel_loop3A_442 = vector.shape_cast %parallel_loop3A_441 : vector<16x1xi32> to vector<16xi32>
        %parallel_loop3A_443 = tpu.dynamic_gather %parallel_loop3A_430[%parallel_loop3A_442] in [0] : vector<16xf32>, vector<16xi32> -> vector<16xf32>
        %parallel_loop3A_444 = arith.addf %parallel_loop3A_430, %parallel_loop3A_443 : vector<16xf32>
        %parallel_loop3A_445 = arith.constant 2 : i32
        %parallel_loop3A_446 = vector.broadcast %parallel_loop3A_445 : i32 to vector<16xi32>
        %parallel_loop3A_447 = arith.xori %iota3A, %parallel_loop3A_446 : vector<16xi32>
        %parallel_loop3A_448 = arith.constant 0 : i32
        %parallel_loop3A_449 = vector.broadcast %parallel_loop3A_448 : i32 to vector<16xi32>
        %parallel_loop3A_450 = arith.cmpi slt, %parallel_loop3A_447, %parallel_loop3A_449 : vector<16xi32>
        %parallel_loop3A_451 = arith.constant 16 : i32
        %parallel_loop3A_452 = vector.broadcast %parallel_loop3A_451 : i32 to vector<16xi32>
        %parallel_loop3A_453 = arith.addi %parallel_loop3A_447, %parallel_loop3A_452 : vector<16xi32>
        %parallel_loop3A_454 = arith.select %parallel_loop3A_450, %parallel_loop3A_453, %parallel_loop3A_447 : vector<16xi1>, vector<16xi32>
        %parallel_loop3A_455 = vector.shape_cast %parallel_loop3A_454 : vector<16xi32> to vector<16x1xi32>
        %parallel_loop3A_456 = vector.shape_cast %parallel_loop3A_455 : vector<16x1xi32> to vector<16xi32>
        %parallel_loop3A_457 = tpu.dynamic_gather %parallel_loop3A_444[%parallel_loop3A_456] in [0] : vector<16xf32>, vector<16xi32> -> vector<16xf32>
        %parallel_loop3A_458 = arith.addf %parallel_loop3A_444, %parallel_loop3A_457 : vector<16xf32>
        %parallel_loop3A_459 = arith.constant 1 : i32
        %parallel_loop3A_460 = vector.broadcast %parallel_loop3A_459 : i32 to vector<16xi32>
        %parallel_loop3A_461 = arith.xori %iota3A, %parallel_loop3A_460 : vector<16xi32>
        %parallel_loop3A_462 = arith.constant 0 : i32
        %parallel_loop3A_463 = vector.broadcast %parallel_loop3A_462 : i32 to vector<16xi32>
        %parallel_loop3A_464 = arith.cmpi slt, %parallel_loop3A_461, %parallel_loop3A_463 : vector<16xi32>
        %parallel_loop3A_465 = arith.constant 16 : i32
        %parallel_loop3A_466 = vector.broadcast %parallel_loop3A_465 : i32 to vector<16xi32>
        %parallel_loop3A_467 = arith.addi %parallel_loop3A_461, %parallel_loop3A_466 : vector<16xi32>
        %parallel_loop3A_468 = arith.select %parallel_loop3A_464, %parallel_loop3A_467, %parallel_loop3A_461 : vector<16xi1>, vector<16xi32>
        %parallel_loop3A_469 = vector.shape_cast %parallel_loop3A_468 : vector<16xi32> to vector<16x1xi32>
        %parallel_loop3A_470 = vector.shape_cast %parallel_loop3A_469 : vector<16x1xi32> to vector<16xi32>
        %parallel_loop3A_471 = tpu.dynamic_gather %parallel_loop3A_458[%parallel_loop3A_470] in [0] : vector<16xf32>, vector<16xi32> -> vector<16xf32>
        %parallel_loop3A_472 = arith.addf %parallel_loop3A_458, %parallel_loop3A_471 : vector<16xf32>
        %parallel_loop3A_473 = arith.constant -5.000000e+00 : f32
        %parallel_loop3A_474 = arith.constant 5.000000e+00 : f32
        %parallel_loop3A_475 = vector.broadcast %parallel_loop3A_473 : f32 to vector<16xf32>
        %parallel_loop3A_476 = arith.maximumf %parallel_loop3A_475, %parallel_loop3A_472 : vector<16xf32>
        %parallel_loop3A_477 = vector.broadcast %parallel_loop3A_474 : f32 to vector<16xf32>
        %parallel_loop3A_478 = arith.minimumf %parallel_loop3A_477, %parallel_loop3A_476 : vector<16xf32>
        %parallel_loop3A_479 = math.exp %parallel_loop3A_478 : vector<16xf32>
        %parallel_loop3A_480 = arith.index_cast %parallel_loop3A_239 : i32 to index
        %parallel_loop3A_481 = arith.constant 32 : index
        %parallel_loop3A_482 = tpu.vector_load %arg21[%parallel_loop3A_480, %parallel_loop3A_481] {strides = array<i32>} : memref<32x128xf32, #tpu.memory_space<vmem>>, vector<1x16xf32>,
        %parallel_loop3A_483 = vector.shape_cast %parallel_loop3A_482 : vector<1x16xf32> to vector<16xf32>
        %parallel_loop3A_484 = arith.mulf %parallel_loop3A_479, %parallel_loop3A_483 : vector<16xf32>
        %parallel_loop3A_485 = arith.index_cast %parallel_loop3A_239 : i32 to index
        %parallel_loop3A_486 = arith.constant 32 : index
        %parallel_loop3A_487 = tpu.vector_load %arg23[%parallel_loop3A_485, %parallel_loop3A_486] {strides = array<i32>} : memref<64x128xf32, #tpu.memory_space<vmem>>, vector<1x16xf32>,
        %parallel_loop3A_488 = vector.shape_cast %parallel_loop3A_487 : vector<1x16xf32> to vector<16xf32>
        %parallel_loop3A_489 = vector.shape_cast %parallel_loop3A_484 : vector<16xf32> to vector<1x16xf32>
        tpu.vector_store %arg23[%parallel_loop3A_485, %parallel_loop3A_486], %parallel_loop3A_489 {strides = array<i32>} : memref<64x128xf32, #tpu.memory_space<vmem>>, vector<1x16xf32>,
        %parallel_loop3A_490 = arith.mulf %parallel_loop3A_479, %select_n3A_18 : vector<16xf32>
        %parallel_loop3A_491 = arith.addf %parallel_loop3A_407, %parallel_loop3A_490 : vector<16xf32>
        %parallel_loop3A_492 = arith.index_cast %parallel_loop3A_239 : i32 to index
        %parallel_loop3A_493 = arith.constant 48 : index
        %parallel_loop3A_494 = tpu.vector_load %arg19[%parallel_loop3A_492, %parallel_loop3A_493] {strides = array<i32>} : memref<32x128xf32, #tpu.memory_space<vmem>>, vector<1x16xf32>,
        %parallel_loop3A_495 = vector.shape_cast %parallel_loop3A_494 : vector<1x16xf32> to vector<16xf32>
        %parallel_loop3A_496 = arith.index_cast %parallel_loop3A_239 : i32 to index
        %parallel_loop3A_497 = arith.constant 48 : index
        %parallel_loop3A_498 = tpu.vector_load %arg20[%parallel_loop3A_496, %parallel_loop3A_497] {strides = array<i32>} : memref<32x128xf32, #tpu.memory_space<vmem>>, vector<1x16xf32>,
        %parallel_loop3A_499 = vector.shape_cast %parallel_loop3A_498 : vector<1x16xf32> to vector<16xf32>
        %parallel_loop3A_500 = arith.mulf %parallel_loop3A_495, %parallel_loop3A_499 : vector<16xf32>
        %parallel_loop3A_501 = arith.constant 8 : i32
        %parallel_loop3A_502 = vector.broadcast %parallel_loop3A_501 : i32 to vector<16xi32>
        %parallel_loop3A_503 = arith.xori %iota3A, %parallel_loop3A_502 : vector<16xi32>
        %parallel_loop3A_504 = arith.constant 0 : i32
        %parallel_loop3A_505 = vector.broadcast %parallel_loop3A_504 : i32 to vector<16xi32>
        %parallel_loop3A_506 = arith.cmpi slt, %parallel_loop3A_503, %parallel_loop3A_505 : vector<16xi32>
        %parallel_loop3A_507 = arith.constant 16 : i32
        %parallel_loop3A_508 = vector.broadcast %parallel_loop3A_507 : i32 to vector<16xi32>
        %parallel_loop3A_509 = arith.addi %parallel_loop3A_503, %parallel_loop3A_508 : vector<16xi32>
        %parallel_loop3A_510 = arith.select %parallel_loop3A_506, %parallel_loop3A_509, %parallel_loop3A_503 : vector<16xi1>, vector<16xi32>
        %parallel_loop3A_511 = vector.shape_cast %parallel_loop3A_510 : vector<16xi32> to vector<16x1xi32>
        %parallel_loop3A_512 = vector.shape_cast %parallel_loop3A_511 : vector<16x1xi32> to vector<16xi32>
        %parallel_loop3A_513 = tpu.dynamic_gather %parallel_loop3A_500[%parallel_loop3A_512] in [0] : vector<16xf32>, vector<16xi32> -> vector<16xf32>
        %parallel_loop3A_514 = arith.addf %parallel_loop3A_500, %parallel_loop3A_513 : vector<16xf32>
        %parallel_loop3A_515 = arith.constant 4 : i32
        %parallel_loop3A_516 = vector.broadcast %parallel_loop3A_515 : i32 to vector<16xi32>
        %parallel_loop3A_517 = arith.xori %iota3A, %parallel_loop3A_516 : vector<16xi32>
        %parallel_loop3A_518 = arith.constant 0 : i32
        %parallel_loop3A_519 = vector.broadcast %parallel_loop3A_518 : i32 to vector<16xi32>
        %parallel_loop3A_520 = arith.cmpi slt, %parallel_loop3A_517, %parallel_loop3A_519 : vector<16xi32>
        %parallel_loop3A_521 = arith.constant 16 : i32
        %parallel_loop3A_522 = vector.broadcast %parallel_loop3A_521 : i32 to vector<16xi32>
        %parallel_loop3A_523 = arith.addi %parallel_loop3A_517, %parallel_loop3A_522 : vector<16xi32>
        %parallel_loop3A_524 = arith.select %parallel_loop3A_520, %parallel_loop3A_523, %parallel_loop3A_517 : vector<16xi1>, vector<16xi32>
        %parallel_loop3A_525 = vector.shape_cast %parallel_loop3A_524 : vector<16xi32> to vector<16x1xi32>
        %parallel_loop3A_526 = vector.shape_cast %parallel_loop3A_525 : vector<16x1xi32> to vector<16xi32>
        %parallel_loop3A_527 = tpu.dynamic_gather %parallel_loop3A_514[%parallel_loop3A_526] in [0] : vector<16xf32>, vector<16xi32> -> vector<16xf32>
        %parallel_loop3A_528 = arith.addf %parallel_loop3A_514, %parallel_loop3A_527 : vector<16xf32>
        %parallel_loop3A_529 = arith.constant 2 : i32
        %parallel_loop3A_530 = vector.broadcast %parallel_loop3A_529 : i32 to vector<16xi32>
        %parallel_loop3A_531 = arith.xori %iota3A, %parallel_loop3A_530 : vector<16xi32>
        %parallel_loop3A_532 = arith.constant 0 : i32
        %parallel_loop3A_533 = vector.broadcast %parallel_loop3A_532 : i32 to vector<16xi32>
        %parallel_loop3A_534 = arith.cmpi slt, %parallel_loop3A_531, %parallel_loop3A_533 : vector<16xi32>
        %parallel_loop3A_535 = arith.constant 16 : i32
        %parallel_loop3A_536 = vector.broadcast %parallel_loop3A_535 : i32 to vector<16xi32>
        %parallel_loop3A_537 = arith.addi %parallel_loop3A_531, %parallel_loop3A_536 : vector<16xi32>
        %parallel_loop3A_538 = arith.select %parallel_loop3A_534, %parallel_loop3A_537, %parallel_loop3A_531 : vector<16xi1>, vector<16xi32>
        %parallel_loop3A_539 = vector.shape_cast %parallel_loop3A_538 : vector<16xi32> to vector<16x1xi32>
        %parallel_loop3A_540 = vector.shape_cast %parallel_loop3A_539 : vector<16x1xi32> to vector<16xi32>
        %parallel_loop3A_541 = tpu.dynamic_gather %parallel_loop3A_528[%parallel_loop3A_540] in [0] : vector<16xf32>, vector<16xi32> -> vector<16xf32>
        %parallel_loop3A_542 = arith.addf %parallel_loop3A_528, %parallel_loop3A_541 : vector<16xf32>
        %parallel_loop3A_543 = arith.constant 1 : i32
        %parallel_loop3A_544 = vector.broadcast %parallel_loop3A_543 : i32 to vector<16xi32>
        %parallel_loop3A_545 = arith.xori %iota3A, %parallel_loop3A_544 : vector<16xi32>
        %parallel_loop3A_546 = arith.constant 0 : i32
        %parallel_loop3A_547 = vector.broadcast %parallel_loop3A_546 : i32 to vector<16xi32>
        %parallel_loop3A_548 = arith.cmpi slt, %parallel_loop3A_545, %parallel_loop3A_547 : vector<16xi32>
        %parallel_loop3A_549 = arith.constant 16 : i32
        %parallel_loop3A_550 = vector.broadcast %parallel_loop3A_549 : i32 to vector<16xi32>
        %parallel_loop3A_551 = arith.addi %parallel_loop3A_545, %parallel_loop3A_550 : vector<16xi32>
        %parallel_loop3A_552 = arith.select %parallel_loop3A_548, %parallel_loop3A_551, %parallel_loop3A_545 : vector<16xi1>, vector<16xi32>
        %parallel_loop3A_553 = vector.shape_cast %parallel_loop3A_552 : vector<16xi32> to vector<16x1xi32>
        %parallel_loop3A_554 = vector.shape_cast %parallel_loop3A_553 : vector<16x1xi32> to vector<16xi32>
        %parallel_loop3A_555 = tpu.dynamic_gather %parallel_loop3A_542[%parallel_loop3A_554] in [0] : vector<16xf32>, vector<16xi32> -> vector<16xf32>
        %parallel_loop3A_556 = arith.addf %parallel_loop3A_542, %parallel_loop3A_555 : vector<16xf32>
        %parallel_loop3A_557 = arith.constant -5.000000e+00 : f32
        %parallel_loop3A_558 = arith.constant 5.000000e+00 : f32
        %parallel_loop3A_559 = vector.broadcast %parallel_loop3A_557 : f32 to vector<16xf32>
        %parallel_loop3A_560 = arith.maximumf %parallel_loop3A_559, %parallel_loop3A_556 : vector<16xf32>
        %parallel_loop3A_561 = vector.broadcast %parallel_loop3A_558 : f32 to vector<16xf32>
        %parallel_loop3A_562 = arith.minimumf %parallel_loop3A_561, %parallel_loop3A_560 : vector<16xf32>
        %parallel_loop3A_563 = math.exp %parallel_loop3A_562 : vector<16xf32>
        %parallel_loop3A_564 = arith.index_cast %parallel_loop3A_239 : i32 to index
        %parallel_loop3A_565 = arith.constant 48 : index
        %parallel_loop3A_566 = tpu.vector_load %arg21[%parallel_loop3A_564, %parallel_loop3A_565] {strides = array<i32>} : memref<32x128xf32, #tpu.memory_space<vmem>>, vector<1x16xf32>,
        %parallel_loop3A_567 = vector.shape_cast %parallel_loop3A_566 : vector<1x16xf32> to vector<16xf32>
        %parallel_loop3A_568 = arith.mulf %parallel_loop3A_563, %parallel_loop3A_567 : vector<16xf32>
        %parallel_loop3A_569 = arith.index_cast %parallel_loop3A_239 : i32 to index
        %parallel_loop3A_570 = arith.constant 48 : index
        %parallel_loop3A_571 = tpu.vector_load %arg23[%parallel_loop3A_569, %parallel_loop3A_570] {strides = array<i32>} : memref<64x128xf32, #tpu.memory_space<vmem>>, vector<1x16xf32>,
        %parallel_loop3A_572 = vector.shape_cast %parallel_loop3A_571 : vector<1x16xf32> to vector<16xf32>
        %parallel_loop3A_573 = vector.shape_cast %parallel_loop3A_568 : vector<16xf32> to vector<1x16xf32>
        tpu.vector_store %arg23[%parallel_loop3A_569, %parallel_loop3A_570], %parallel_loop3A_573 {strides = array<i32>} : memref<64x128xf32, #tpu.memory_space<vmem>>, vector<1x16xf32>,
        %parallel_loop3A_574 = arith.mulf %parallel_loop3A_563, %select_n3A_22 : vector<16xf32>
        %parallel_loop3A_575 = arith.addf %parallel_loop3A_491, %parallel_loop3A_574 : vector<16xf32>
        %parallel_loop3A_576 = arith.index_cast %parallel_loop3A_239 : i32 to index
        %parallel_loop3A_577 = arith.constant 64 : index
        %parallel_loop3A_578 = tpu.vector_load %arg19[%parallel_loop3A_576, %parallel_loop3A_577] {strides = array<i32>} : memref<32x128xf32, #tpu.memory_space<vmem>>, vector<1x16xf32>,
        %parallel_loop3A_579 = vector.shape_cast %parallel_loop3A_578 : vector<1x16xf32> to vector<16xf32>
        %parallel_loop3A_580 = arith.index_cast %parallel_loop3A_239 : i32 to index
        %parallel_loop3A_581 = arith.constant 64 : index
        %parallel_loop3A_582 = tpu.vector_load %arg20[%parallel_loop3A_580, %parallel_loop3A_581] {strides = array<i32>} : memref<32x128xf32, #tpu.memory_space<vmem>>, vector<1x16xf32>,
        %parallel_loop3A_583 = vector.shape_cast %parallel_loop3A_582 : vector<1x16xf32> to vector<16xf32>
        %parallel_loop3A_584 = arith.mulf %parallel_loop3A_579, %parallel_loop3A_583 : vector<16xf32>
        %parallel_loop3A_585 = arith.constant 8 : i32
        %parallel_loop3A_586 = vector.broadcast %parallel_loop3A_585 : i32 to vector<16xi32>
        %parallel_loop3A_587 = arith.xori %iota3A, %parallel_loop3A_586 : vector<16xi32>
        %parallel_loop3A_588 = arith.constant 0 : i32
        %parallel_loop3A_589 = vector.broadcast %parallel_loop3A_588 : i32 to vector<16xi32>
        %parallel_loop3A_590 = arith.cmpi slt, %parallel_loop3A_587, %parallel_loop3A_589 : vector<16xi32>
        %parallel_loop3A_591 = arith.constant 16 : i32
        %parallel_loop3A_592 = vector.broadcast %parallel_loop3A_591 : i32 to vector<16xi32>
        %parallel_loop3A_593 = arith.addi %parallel_loop3A_587, %parallel_loop3A_592 : vector<16xi32>
        %parallel_loop3A_594 = arith.select %parallel_loop3A_590, %parallel_loop3A_593, %parallel_loop3A_587 : vector<16xi1>, vector<16xi32>
        %parallel_loop3A_595 = vector.shape_cast %parallel_loop3A_594 : vector<16xi32> to vector<16x1xi32>
        %parallel_loop3A_596 = vector.shape_cast %parallel_loop3A_595 : vector<16x1xi32> to vector<16xi32>
        %parallel_loop3A_597 = tpu.dynamic_gather %parallel_loop3A_584[%parallel_loop3A_596] in [0] : vector<16xf32>, vector<16xi32> -> vector<16xf32>
        %parallel_loop3A_598 = arith.addf %parallel_loop3A_584, %parallel_loop3A_597 : vector<16xf32>
        %parallel_loop3A_599 = arith.constant 4 : i32
        %parallel_loop3A_600 = vector.broadcast %parallel_loop3A_599 : i32 to vector<16xi32>
        %parallel_loop3A_601 = arith.xori %iota3A, %parallel_loop3A_600 : vector<16xi32>
        %parallel_loop3A_602 = arith.constant 0 : i32
        %parallel_loop3A_603 = vector.broadcast %parallel_loop3A_602 : i32 to vector<16xi32>
        %parallel_loop3A_604 = arith.cmpi slt, %parallel_loop3A_601, %parallel_loop3A_603 : vector<16xi32>
        %parallel_loop3A_605 = arith.constant 16 : i32
        %parallel_loop3A_606 = vector.broadcast %parallel_loop3A_605 : i32 to vector<16xi32>
        %parallel_loop3A_607 = arith.addi %parallel_loop3A_601, %parallel_loop3A_606 : vector<16xi32>
        %parallel_loop3A_608 = arith.select %parallel_loop3A_604, %parallel_loop3A_607, %parallel_loop3A_601 : vector<16xi1>, vector<16xi32>
        %parallel_loop3A_609 = vector.shape_cast %parallel_loop3A_608 : vector<16xi32> to vector<16x1xi32>
        %parallel_loop3A_610 = vector.shape_cast %parallel_loop3A_609 : vector<16x1xi32> to vector<16xi32>
        %parallel_loop3A_611 = tpu.dynamic_gather %parallel_loop3A_598[%parallel_loop3A_610] in [0] : vector<16xf32>, vector<16xi32> -> vector<16xf32>
        %parallel_loop3A_612 = arith.addf %parallel_loop3A_598, %parallel_loop3A_611 : vector<16xf32>
        %parallel_loop3A_613 = arith.constant 2 : i32
        %parallel_loop3A_614 = vector.broadcast %parallel_loop3A_613 : i32 to vector<16xi32>
        %parallel_loop3A_615 = arith.xori %iota3A, %parallel_loop3A_614 : vector<16xi32>
        %parallel_loop3A_616 = arith.constant 0 : i32
        %parallel_loop3A_617 = vector.broadcast %parallel_loop3A_616 : i32 to vector<16xi32>
        %parallel_loop3A_618 = arith.cmpi slt, %parallel_loop3A_615, %parallel_loop3A_617 : vector<16xi32>
        %parallel_loop3A_619 = arith.constant 16 : i32
        %parallel_loop3A_620 = vector.broadcast %parallel_loop3A_619 : i32 to vector<16xi32>
        %parallel_loop3A_621 = arith.addi %parallel_loop3A_615, %parallel_loop3A_620 : vector<16xi32>
        %parallel_loop3A_622 = arith.select %parallel_loop3A_618, %parallel_loop3A_621, %parallel_loop3A_615 : vector<16xi1>, vector<16xi32>
        %parallel_loop3A_623 = vector.shape_cast %parallel_loop3A_622 : vector<16xi32> to vector<16x1xi32>
        %parallel_loop3A_624 = vector.shape_cast %parallel_loop3A_623 : vector<16x1xi32> to vector<16xi32>
        %parallel_loop3A_625 = tpu.dynamic_gather %parallel_loop3A_612[%parallel_loop3A_624] in [0] : vector<16xf32>, vector<16xi32> -> vector<16xf32>
        %parallel_loop3A_626 = arith.addf %parallel_loop3A_612, %parallel_loop3A_625 : vector<16xf32>
        %parallel_loop3A_627 = arith.constant 1 : i32
        %parallel_loop3A_628 = vector.broadcast %parallel_loop3A_627 : i32 to vector<16xi32>
        %parallel_loop3A_629 = arith.xori %iota3A, %parallel_loop3A_628 : vector<16xi32>
        %parallel_loop3A_630 = arith.constant 0 : i32
        %parallel_loop3A_631 = vector.broadcast %parallel_loop3A_630 : i32 to vector<16xi32>
        %parallel_loop3A_632 = arith.cmpi slt, %parallel_loop3A_629, %parallel_loop3A_631 : vector<16xi32>
        %parallel_loop3A_633 = arith.constant 16 : i32
        %parallel_loop3A_634 = vector.broadcast %parallel_loop3A_633 : i32 to vector<16xi32>
        %parallel_loop3A_635 = arith.addi %parallel_loop3A_629, %parallel_loop3A_634 : vector<16xi32>
        %parallel_loop3A_636 = arith.select %parallel_loop3A_632, %parallel_loop3A_635, %parallel_loop3A_629 : vector<16xi1>, vector<16xi32>
        %parallel_loop3A_637 = vector.shape_cast %parallel_loop3A_636 : vector<16xi32> to vector<16x1xi32>
        %parallel_loop3A_638 = vector.shape_cast %parallel_loop3A_637 : vector<16x1xi32> to vector<16xi32>
        %parallel_loop3A_639 = tpu.dynamic_gather %parallel_loop3A_626[%parallel_loop3A_638] in [0] : vector<16xf32>, vector<16xi32> -> vector<16xf32>
        %parallel_loop3A_640 = arith.addf %parallel_loop3A_626, %parallel_loop3A_639 : vector<16xf32>
        %parallel_loop3A_641 = arith.constant -5.000000e+00 : f32
        %parallel_loop3A_642 = arith.constant 5.000000e+00 : f32
        %parallel_loop3A_643 = vector.broadcast %parallel_loop3A_641 : f32 to vector<16xf32>
        %parallel_loop3A_644 = arith.maximumf %parallel_loop3A_643, %parallel_loop3A_640 : vector<16xf32>
        %parallel_loop3A_645 = vector.broadcast %parallel_loop3A_642 : f32 to vector<16xf32>
        %parallel_loop3A_646 = arith.minimumf %parallel_loop3A_645, %parallel_loop3A_644 : vector<16xf32>
        %parallel_loop3A_647 = math.exp %parallel_loop3A_646 : vector<16xf32>
        %parallel_loop3A_648 = arith.index_cast %parallel_loop3A_239 : i32 to index
        %parallel_loop3A_649 = arith.constant 64 : index
        %parallel_loop3A_650 = tpu.vector_load %arg21[%parallel_loop3A_648, %parallel_loop3A_649] {strides = array<i32>} : memref<32x128xf32, #tpu.memory_space<vmem>>, vector<1x16xf32>,
        %parallel_loop3A_651 = vector.shape_cast %parallel_loop3A_650 : vector<1x16xf32> to vector<16xf32>
        %parallel_loop3A_652 = arith.mulf %parallel_loop3A_647, %parallel_loop3A_651 : vector<16xf32>
        %parallel_loop3A_653 = arith.index_cast %parallel_loop3A_239 : i32 to index
        %parallel_loop3A_654 = arith.constant 64 : index
        %parallel_loop3A_655 = tpu.vector_load %arg23[%parallel_loop3A_653, %parallel_loop3A_654] {strides = array<i32>} : memref<64x128xf32, #tpu.memory_space<vmem>>, vector<1x16xf32>,
        %parallel_loop3A_656 = vector.shape_cast %parallel_loop3A_655 : vector<1x16xf32> to vector<16xf32>
        %parallel_loop3A_657 = vector.shape_cast %parallel_loop3A_652 : vector<16xf32> to vector<1x16xf32>
        tpu.vector_store %arg23[%parallel_loop3A_653, %parallel_loop3A_654], %parallel_loop3A_657 {strides = array<i32>} : memref<64x128xf32, #tpu.memory_space<vmem>>, vector<1x16xf32>,
        %parallel_loop3A_658 = arith.mulf %parallel_loop3A_647, %select_n3A_26 : vector<16xf32>
        %parallel_loop3A_659 = arith.addf %parallel_loop3A_575, %parallel_loop3A_658 : vector<16xf32>
        %parallel_loop3A_660 = arith.index_cast %parallel_loop3A_239 : i32 to index
        %parallel_loop3A_661 = arith.constant 80 : index
        %parallel_loop3A_662 = tpu.vector_load %arg19[%parallel_loop3A_660, %parallel_loop3A_661] {strides = array<i32>} : memref<32x128xf32, #tpu.memory_space<vmem>>, vector<1x16xf32>,
        %parallel_loop3A_663 = vector.shape_cast %parallel_loop3A_662 : vector<1x16xf32> to vector<16xf32>
        %parallel_loop3A_664 = arith.index_cast %parallel_loop3A_239 : i32 to index
        %parallel_loop3A_665 = arith.constant 80 : index
        %parallel_loop3A_666 = tpu.vector_load %arg20[%parallel_loop3A_664, %parallel_loop3A_665] {strides = array<i32>} : memref<32x128xf32, #tpu.memory_space<vmem>>, vector<1x16xf32>,
        %parallel_loop3A_667 = vector.shape_cast %parallel_loop3A_666 : vector<1x16xf32> to vector<16xf32>
        %parallel_loop3A_668 = arith.mulf %parallel_loop3A_663, %parallel_loop3A_667 : vector<16xf32>
        %parallel_loop3A_669 = arith.constant 8 : i32
        %parallel_loop3A_670 = vector.broadcast %parallel_loop3A_669 : i32 to vector<16xi32>
        %parallel_loop3A_671 = arith.xori %iota3A, %parallel_loop3A_670 : vector<16xi32>
        %parallel_loop3A_672 = arith.constant 0 : i32
        %parallel_loop3A_673 = vector.broadcast %parallel_loop3A_672 : i32 to vector<16xi32>
        %parallel_loop3A_674 = arith.cmpi slt, %parallel_loop3A_671, %parallel_loop3A_673 : vector<16xi32>
        %parallel_loop3A_675 = arith.constant 16 : i32
        %parallel_loop3A_676 = vector.broadcast %parallel_loop3A_675 : i32 to vector<16xi32>
        %parallel_loop3A_677 = arith.addi %parallel_loop3A_671, %parallel_loop3A_676 : vector<16xi32>
        %parallel_loop3A_678 = arith.select %parallel_loop3A_674, %parallel_loop3A_677, %parallel_loop3A_671 : vector<16xi1>, vector<16xi32>
        %parallel_loop3A_679 = vector.shape_cast %parallel_loop3A_678 : vector<16xi32> to vector<16x1xi32>
        %parallel_loop3A_680 = vector.shape_cast %parallel_loop3A_679 : vector<16x1xi32> to vector<16xi32>
        %parallel_loop3A_681 = tpu.dynamic_gather %parallel_loop3A_668[%parallel_loop3A_680] in [0] : vector<16xf32>, vector<16xi32> -> vector<16xf32>
        %parallel_loop3A_682 = arith.addf %parallel_loop3A_668, %parallel_loop3A_681 : vector<16xf32>
        %parallel_loop3A_683 = arith.constant 4 : i32
        %parallel_loop3A_684 = vector.broadcast %parallel_loop3A_683 : i32 to vector<16xi32>
        %parallel_loop3A_685 = arith.xori %iota3A, %parallel_loop3A_684 : vector<16xi32>
        %parallel_loop3A_686 = arith.constant 0 : i32
        %parallel_loop3A_687 = vector.broadcast %parallel_loop3A_686 : i32 to vector<16xi32>
        %parallel_loop3A_688 = arith.cmpi slt, %parallel_loop3A_685, %parallel_loop3A_687 : vector<16xi32>
        %parallel_loop3A_689 = arith.constant 16 : i32
        %parallel_loop3A_690 = vector.broadcast %parallel_loop3A_689 : i32 to vector<16xi32>
        %parallel_loop3A_691 = arith.addi %parallel_loop3A_685, %parallel_loop3A_690 : vector<16xi32>
        %parallel_loop3A_692 = arith.select %parallel_loop3A_688, %parallel_loop3A_691, %parallel_loop3A_685 : vector<16xi1>, vector<16xi32>
        %parallel_loop3A_693 = vector.shape_cast %parallel_loop3A_692 : vector<16xi32> to vector<16x1xi32>
        %parallel_loop3A_694 = vector.shape_cast %parallel_loop3A_693 : vector<16x1xi32> to vector<16xi32>
        %parallel_loop3A_695 = tpu.dynamic_gather %parallel_loop3A_682[%parallel_loop3A_694] in [0] : vector<16xf32>, vector<16xi32> -> vector<16xf32>
        %parallel_loop3A_696 = arith.addf %parallel_loop3A_682, %parallel_loop3A_695 : vector<16xf32>
        %parallel_loop3A_697 = arith.constant 2 : i32
        %parallel_loop3A_698 = vector.broadcast %parallel_loop3A_697 : i32 to vector<16xi32>
        %parallel_loop3A_699 = arith.xori %iota3A, %parallel_loop3A_698 : vector<16xi32>
        %parallel_loop3A_700 = arith.constant 0 : i32
        %parallel_loop3A_701 = vector.broadcast %parallel_loop3A_700 : i32 to vector<16xi32>
        %parallel_loop3A_702 = arith.cmpi slt, %parallel_loop3A_699, %parallel_loop3A_701 : vector<16xi32>
        %parallel_loop3A_703 = arith.constant 16 : i32
        %parallel_loop3A_704 = vector.broadcast %parallel_loop3A_703 : i32 to vector<16xi32>
        %parallel_loop3A_705 = arith.addi %parallel_loop3A_699, %parallel_loop3A_704 : vector<16xi32>
        %parallel_loop3A_706 = arith.select %parallel_loop3A_702, %parallel_loop3A_705, %parallel_loop3A_699 : vector<16xi1>, vector<16xi32>
        %parallel_loop3A_707 = vector.shape_cast %parallel_loop3A_706 : vector<16xi32> to vector<16x1xi32>
        %parallel_loop3A_708 = vector.shape_cast %parallel_loop3A_707 : vector<16x1xi32> to vector<16xi32>
        %parallel_loop3A_709 = tpu.dynamic_gather %parallel_loop3A_696[%parallel_loop3A_708] in [0] : vector<16xf32>, vector<16xi32> -> vector<16xf32>
        %parallel_loop3A_710 = arith.addf %parallel_loop3A_696, %parallel_loop3A_709 : vector<16xf32>
        %parallel_loop3A_711 = arith.constant 1 : i32
        %parallel_loop3A_712 = vector.broadcast %parallel_loop3A_711 : i32 to vector<16xi32>
        %parallel_loop3A_713 = arith.xori %iota3A, %parallel_loop3A_712 : vector<16xi32>
        %parallel_loop3A_714 = arith.constant 0 : i32
        %parallel_loop3A_715 = vector.broadcast %parallel_loop3A_714 : i32 to vector<16xi32>
        %parallel_loop3A_716 = arith.cmpi slt, %parallel_loop3A_713, %parallel_loop3A_715 : vector<16xi32>
        %parallel_loop3A_717 = arith.constant 16 : i32
        %parallel_loop3A_718 = vector.broadcast %parallel_loop3A_717 : i32 to vector<16xi32>
        %parallel_loop3A_719 = arith.addi %parallel_loop3A_713, %parallel_loop3A_718 : vector<16xi32>
        %parallel_loop3A_720 = arith.select %parallel_loop3A_716, %parallel_loop3A_719, %parallel_loop3A_713 : vector<16xi1>, vector<16xi32>
        %parallel_loop3A_721 = vector.shape_cast %parallel_loop3A_720 : vector<16xi32> to vector<16x1xi32>
        %parallel_loop3A_722 = vector.shape_cast %parallel_loop3A_721 : vector<16x1xi32> to vector<16xi32>
        %parallel_loop3A_723 = tpu.dynamic_gather %parallel_loop3A_710[%parallel_loop3A_722] in [0] : vector<16xf32>, vector<16xi32> -> vector<16xf32>
        %parallel_loop3A_724 = arith.addf %parallel_loop3A_710, %parallel_loop3A_723 : vector<16xf32>
        %parallel_loop3A_725 = arith.constant -5.000000e+00 : f32
        %parallel_loop3A_726 = arith.constant 5.000000e+00 : f32
        %parallel_loop3A_727 = vector.broadcast %parallel_loop3A_725 : f32 to vector<16xf32>
        %parallel_loop3A_728 = arith.maximumf %parallel_loop3A_727, %parallel_loop3A_724 : vector<16xf32>
        %parallel_loop3A_729 = vector.broadcast %parallel_loop3A_726 : f32 to vector<16xf32>
        %parallel_loop3A_730 = arith.minimumf %parallel_loop3A_729, %parallel_loop3A_728 : vector<16xf32>
        %parallel_loop3A_731 = math.exp %parallel_loop3A_730 : vector<16xf32>
        %parallel_loop3A_732 = arith.index_cast %parallel_loop3A_239 : i32 to index
        %parallel_loop3A_733 = arith.constant 80 : index
        %parallel_loop3A_734 = tpu.vector_load %arg21[%parallel_loop3A_732, %parallel_loop3A_733] {strides = array<i32>} : memref<32x128xf32, #tpu.memory_space<vmem>>, vector<1x16xf32>,
        %parallel_loop3A_735 = vector.shape_cast %parallel_loop3A_734 : vector<1x16xf32> to vector<16xf32>
        %parallel_loop3A_736 = arith.mulf %parallel_loop3A_731, %parallel_loop3A_735 : vector<16xf32>
        %parallel_loop3A_737 = arith.index_cast %parallel_loop3A_239 : i32 to index
        %parallel_loop3A_738 = arith.constant 80 : index
        %parallel_loop3A_739 = tpu.vector_load %arg23[%parallel_loop3A_737, %parallel_loop3A_738] {strides = array<i32>} : memref<64x128xf32, #tpu.memory_space<vmem>>, vector<1x16xf32>,
        %parallel_loop3A_740 = vector.shape_cast %parallel_loop3A_739 : vector<1x16xf32> to vector<16xf32>
        %parallel_loop3A_741 = vector.shape_cast %parallel_loop3A_736 : vector<16xf32> to vector<1x16xf32>
        tpu.vector_store %arg23[%parallel_loop3A_737, %parallel_loop3A_738], %parallel_loop3A_741 {strides = array<i32>} : memref<64x128xf32, #tpu.memory_space<vmem>>, vector<1x16xf32>,
        %parallel_loop3A_742 = arith.mulf %parallel_loop3A_731, %select_n3A_30 : vector<16xf32>
        %parallel_loop3A_743 = arith.addf %parallel_loop3A_659, %parallel_loop3A_742 : vector<16xf32>
        %parallel_loop3A_744 = arith.index_cast %parallel_loop3A_239 : i32 to index
        %parallel_loop3A_745 = arith.constant 96 : index
        %parallel_loop3A_746 = tpu.vector_load %arg19[%parallel_loop3A_744, %parallel_loop3A_745] {strides = array<i32>} : memref<32x128xf32, #tpu.memory_space<vmem>>, vector<1x16xf32>,
        %parallel_loop3A_747 = vector.shape_cast %parallel_loop3A_746 : vector<1x16xf32> to vector<16xf32>
        %parallel_loop3A_748 = arith.index_cast %parallel_loop3A_239 : i32 to index
        %parallel_loop3A_749 = arith.constant 96 : index
        %parallel_loop3A_750 = tpu.vector_load %arg20[%parallel_loop3A_748, %parallel_loop3A_749] {strides = array<i32>} : memref<32x128xf32, #tpu.memory_space<vmem>>, vector<1x16xf32>,
        %parallel_loop3A_751 = vector.shape_cast %parallel_loop3A_750 : vector<1x16xf32> to vector<16xf32>
        %parallel_loop3A_752 = arith.mulf %parallel_loop3A_747, %parallel_loop3A_751 : vector<16xf32>
        %parallel_loop3A_753 = arith.constant 8 : i32
        %parallel_loop3A_754 = vector.broadcast %parallel_loop3A_753 : i32 to vector<16xi32>
        %parallel_loop3A_755 = arith.xori %iota3A, %parallel_loop3A_754 : vector<16xi32>
        %parallel_loop3A_756 = arith.constant 0 : i32
        %parallel_loop3A_757 = vector.broadcast %parallel_loop3A_756 : i32 to vector<16xi32>
        %parallel_loop3A_758 = arith.cmpi slt, %parallel_loop3A_755, %parallel_loop3A_757 : vector<16xi32>
        %parallel_loop3A_759 = arith.constant 16 : i32
        %parallel_loop3A_760 = vector.broadcast %parallel_loop3A_759 : i32 to vector<16xi32>
        %parallel_loop3A_761 = arith.addi %parallel_loop3A_755, %parallel_loop3A_760 : vector<16xi32>
        %parallel_loop3A_762 = arith.select %parallel_loop3A_758, %parallel_loop3A_761, %parallel_loop3A_755 : vector<16xi1>, vector<16xi32>
        %parallel_loop3A_763 = vector.shape_cast %parallel_loop3A_762 : vector<16xi32> to vector<16x1xi32>
        %parallel_loop3A_764 = vector.shape_cast %parallel_loop3A_763 : vector<16x1xi32> to vector<16xi32>
        %parallel_loop3A_765 = tpu.dynamic_gather %parallel_loop3A_752[%parallel_loop3A_764] in [0] : vector<16xf32>, vector<16xi32> -> vector<16xf32>
        %parallel_loop3A_766 = arith.addf %parallel_loop3A_752, %parallel_loop3A_765 : vector<16xf32>
        %parallel_loop3A_767 = arith.constant 4 : i32
        %parallel_loop3A_768 = vector.broadcast %parallel_loop3A_767 : i32 to vector<16xi32>
        %parallel_loop3A_769 = arith.xori %iota3A, %parallel_loop3A_768 : vector<16xi32>
        %parallel_loop3A_770 = arith.constant 0 : i32
        %parallel_loop3A_771 = vector.broadcast %parallel_loop3A_770 : i32 to vector<16xi32>
        %parallel_loop3A_772 = arith.cmpi slt, %parallel_loop3A_769, %parallel_loop3A_771 : vector<16xi32>
        %parallel_loop3A_773 = arith.constant 16 : i32
        %parallel_loop3A_774 = vector.broadcast %parallel_loop3A_773 : i32 to vector<16xi32>
        %parallel_loop3A_775 = arith.addi %parallel_loop3A_769, %parallel_loop3A_774 : vector<16xi32>
        %parallel_loop3A_776 = arith.select %parallel_loop3A_772, %parallel_loop3A_775, %parallel_loop3A_769 : vector<16xi1>, vector<16xi32>
        %parallel_loop3A_777 = vector.shape_cast %parallel_loop3A_776 : vector<16xi32> to vector<16x1xi32>
        %parallel_loop3A_778 = vector.shape_cast %parallel_loop3A_777 : vector<16x1xi32> to vector<16xi32>
        %parallel_loop3A_779 = tpu.dynamic_gather %parallel_loop3A_766[%parallel_loop3A_778] in [0] : vector<16xf32>, vector<16xi32> -> vector<16xf32>
        %parallel_loop3A_780 = arith.addf %parallel_loop3A_766, %parallel_loop3A_779 : vector<16xf32>
        %parallel_loop3A_781 = arith.constant 2 : i32
        %parallel_loop3A_782 = vector.broadcast %parallel_loop3A_781 : i32 to vector<16xi32>
        %parallel_loop3A_783 = arith.xori %iota3A, %parallel_loop3A_782 : vector<16xi32>
        %parallel_loop3A_784 = arith.constant 0 : i32
        %parallel_loop3A_785 = vector.broadcast %parallel_loop3A_784 : i32 to vector<16xi32>
        %parallel_loop3A_786 = arith.cmpi slt, %parallel_loop3A_783, %parallel_loop3A_785 : vector<16xi32>
        %parallel_loop3A_787 = arith.constant 16 : i32
        %parallel_loop3A_788 = vector.broadcast %parallel_loop3A_787 : i32 to vector<16xi32>
        %parallel_loop3A_789 = arith.addi %parallel_loop3A_783, %parallel_loop3A_788 : vector<16xi32>
        %parallel_loop3A_790 = arith.select %parallel_loop3A_786, %parallel_loop3A_789, %parallel_loop3A_783 : vector<16xi1>, vector<16xi32>
        %parallel_loop3A_791 = vector.shape_cast %parallel_loop3A_790 : vector<16xi32> to vector<16x1xi32>
        %parallel_loop3A_792 = vector.shape_cast %parallel_loop3A_791 : vector<16x1xi32> to vector<16xi32>
        %parallel_loop3A_793 = tpu.dynamic_gather %parallel_loop3A_780[%parallel_loop3A_792] in [0] : vector<16xf32>, vector<16xi32> -> vector<16xf32>
        %parallel_loop3A_794 = arith.addf %parallel_loop3A_780, %parallel_loop3A_793 : vector<16xf32>
        %parallel_loop3A_795 = arith.constant 1 : i32
        %parallel_loop3A_796 = vector.broadcast %parallel_loop3A_795 : i32 to vector<16xi32>
        %parallel_loop3A_797 = arith.xori %iota3A, %parallel_loop3A_796 : vector<16xi32>
        %parallel_loop3A_798 = arith.constant 0 : i32
        %parallel_loop3A_799 = vector.broadcast %parallel_loop3A_798 : i32 to vector<16xi32>
        %parallel_loop3A_800 = arith.cmpi slt, %parallel_loop3A_797, %parallel_loop3A_799 : vector<16xi32>
        %parallel_loop3A_801 = arith.constant 16 : i32
        %parallel_loop3A_802 = vector.broadcast %parallel_loop3A_801 : i32 to vector<16xi32>
        %parallel_loop3A_803 = arith.addi %parallel_loop3A_797, %parallel_loop3A_802 : vector<16xi32>
        %parallel_loop3A_804 = arith.select %parallel_loop3A_800, %parallel_loop3A_803, %parallel_loop3A_797 : vector<16xi1>, vector<16xi32>
        %parallel_loop3A_805 = vector.shape_cast %parallel_loop3A_804 : vector<16xi32> to vector<16x1xi32>
        %parallel_loop3A_806 = vector.shape_cast %parallel_loop3A_805 : vector<16x1xi32> to vector<16xi32>
        %parallel_loop3A_807 = tpu.dynamic_gather %parallel_loop3A_794[%parallel_loop3A_806] in [0] : vector<16xf32>, vector<16xi32> -> vector<16xf32>
        %parallel_loop3A_808 = arith.addf %parallel_loop3A_794, %parallel_loop3A_807 : vector<16xf32>
        %parallel_loop3A_809 = arith.constant -5.000000e+00 : f32
        %parallel_loop3A_810 = arith.constant 5.000000e+00 : f32
        %parallel_loop3A_811 = vector.broadcast %parallel_loop3A_809 : f32 to vector<16xf32>
        %parallel_loop3A_812 = arith.maximumf %parallel_loop3A_811, %parallel_loop3A_808 : vector<16xf32>
        %parallel_loop3A_813 = vector.broadcast %parallel_loop3A_810 : f32 to vector<16xf32>
        %parallel_loop3A_814 = arith.minimumf %parallel_loop3A_813, %parallel_loop3A_812 : vector<16xf32>
        %parallel_loop3A_815 = math.exp %parallel_loop3A_814 : vector<16xf32>
        %parallel_loop3A_816 = arith.index_cast %parallel_loop3A_239 : i32 to index
        %parallel_loop3A_817 = arith.constant 96 : index
        %parallel_loop3A_818 = tpu.vector_load %arg21[%parallel_loop3A_816, %parallel_loop3A_817] {strides = array<i32>} : memref<32x128xf32, #tpu.memory_space<vmem>>, vector<1x16xf32>,
        %parallel_loop3A_819 = vector.shape_cast %parallel_loop3A_818 : vector<1x16xf32> to vector<16xf32>
        %parallel_loop3A_820 = arith.mulf %parallel_loop3A_815, %parallel_loop3A_819 : vector<16xf32>
        %parallel_loop3A_821 = arith.index_cast %parallel_loop3A_239 : i32 to index
        %parallel_loop3A_822 = arith.constant 96 : index
        %parallel_loop3A_823 = tpu.vector_load %arg23[%parallel_loop3A_821, %parallel_loop3A_822] {strides = array<i32>} : memref<64x128xf32, #tpu.memory_space<vmem>>, vector<1x16xf32>,
        %parallel_loop3A_824 = vector.shape_cast %parallel_loop3A_823 : vector<1x16xf32> to vector<16xf32>
        %parallel_loop3A_825 = vector.shape_cast %parallel_loop3A_820 : vector<16xf32> to vector<1x16xf32>
        tpu.vector_store %arg23[%parallel_loop3A_821, %parallel_loop3A_822], %parallel_loop3A_825 {strides = array<i32>} : memref<64x128xf32, #tpu.memory_space<vmem>>, vector<1x16xf32>,
        %parallel_loop3A_826 = arith.mulf %parallel_loop3A_815, %select_n3A_34 : vector<16xf32>
        %parallel_loop3A_827 = arith.addf %parallel_loop3A_743, %parallel_loop3A_826 : vector<16xf32>
        %parallel_loop3A_828 = arith.index_cast %parallel_loop3A_239 : i32 to index
        %parallel_loop3A_829 = arith.constant 112 : index
        %parallel_loop3A_830 = tpu.vector_load %arg19[%parallel_loop3A_828, %parallel_loop3A_829] {strides = array<i32>} : memref<32x128xf32, #tpu.memory_space<vmem>>, vector<1x16xf32>,
        %parallel_loop3A_831 = vector.shape_cast %parallel_loop3A_830 : vector<1x16xf32> to vector<16xf32>
        %parallel_loop3A_832 = arith.index_cast %parallel_loop3A_239 : i32 to index
        %parallel_loop3A_833 = arith.constant 112 : index
        %parallel_loop3A_834 = tpu.vector_load %arg20[%parallel_loop3A_832, %parallel_loop3A_833] {strides = array<i32>} : memref<32x128xf32, #tpu.memory_space<vmem>>, vector<1x16xf32>,
        %parallel_loop3A_835 = vector.shape_cast %parallel_loop3A_834 : vector<1x16xf32> to vector<16xf32>
        %parallel_loop3A_836 = arith.mulf %parallel_loop3A_831, %parallel_loop3A_835 : vector<16xf32>
        %parallel_loop3A_837 = arith.constant 8 : i32
        %parallel_loop3A_838 = vector.broadcast %parallel_loop3A_837 : i32 to vector<16xi32>
        %parallel_loop3A_839 = arith.xori %iota3A, %parallel_loop3A_838 : vector<16xi32>
        %parallel_loop3A_840 = arith.constant 0 : i32
        %parallel_loop3A_841 = vector.broadcast %parallel_loop3A_840 : i32 to vector<16xi32>
        %parallel_loop3A_842 = arith.cmpi slt, %parallel_loop3A_839, %parallel_loop3A_841 : vector<16xi32>
        %parallel_loop3A_843 = arith.constant 16 : i32
        %parallel_loop3A_844 = vector.broadcast %parallel_loop3A_843 : i32 to vector<16xi32>
        %parallel_loop3A_845 = arith.addi %parallel_loop3A_839, %parallel_loop3A_844 : vector<16xi32>
        %parallel_loop3A_846 = arith.select %parallel_loop3A_842, %parallel_loop3A_845, %parallel_loop3A_839 : vector<16xi1>, vector<16xi32>
        %parallel_loop3A_847 = vector.shape_cast %parallel_loop3A_846 : vector<16xi32> to vector<16x1xi32>
        %parallel_loop3A_848 = vector.shape_cast %parallel_loop3A_847 : vector<16x1xi32> to vector<16xi32>
        %parallel_loop3A_849 = tpu.dynamic_gather %parallel_loop3A_836[%parallel_loop3A_848] in [0] : vector<16xf32>, vector<16xi32> -> vector<16xf32>
        %parallel_loop3A_850 = arith.addf %parallel_loop3A_836, %parallel_loop3A_849 : vector<16xf32>
        %parallel_loop3A_851 = arith.constant 4 : i32
        %parallel_loop3A_852 = vector.broadcast %parallel_loop3A_851 : i32 to vector<16xi32>
        %parallel_loop3A_853 = arith.xori %iota3A, %parallel_loop3A_852 : vector<16xi32>
        %parallel_loop3A_854 = arith.constant 0 : i32
        %parallel_loop3A_855 = vector.broadcast %parallel_loop3A_854 : i32 to vector<16xi32>
        %parallel_loop3A_856 = arith.cmpi slt, %parallel_loop3A_853, %parallel_loop3A_855 : vector<16xi32>
        %parallel_loop3A_857 = arith.constant 16 : i32
        %parallel_loop3A_858 = vector.broadcast %parallel_loop3A_857 : i32 to vector<16xi32>
        %parallel_loop3A_859 = arith.addi %parallel_loop3A_853, %parallel_loop3A_858 : vector<16xi32>
        %parallel_loop3A_860 = arith.select %parallel_loop3A_856, %parallel_loop3A_859, %parallel_loop3A_853 : vector<16xi1>, vector<16xi32>
        %parallel_loop3A_861 = vector.shape_cast %parallel_loop3A_860 : vector<16xi32> to vector<16x1xi32>
        %parallel_loop3A_862 = vector.shape_cast %parallel_loop3A_861 : vector<16x1xi32> to vector<16xi32>
        %parallel_loop3A_863 = tpu.dynamic_gather %parallel_loop3A_850[%parallel_loop3A_862] in [0] : vector<16xf32>, vector<16xi32> -> vector<16xf32>
        %parallel_loop3A_864 = arith.addf %parallel_loop3A_850, %parallel_loop3A_863 : vector<16xf32>
        %parallel_loop3A_865 = arith.constant 2 : i32
        %parallel_loop3A_866 = vector.broadcast %parallel_loop3A_865 : i32 to vector<16xi32>
        %parallel_loop3A_867 = arith.xori %iota3A, %parallel_loop3A_866 : vector<16xi32>
        %parallel_loop3A_868 = arith.constant 0 : i32
        %parallel_loop3A_869 = vector.broadcast %parallel_loop3A_868 : i32 to vector<16xi32>
        %parallel_loop3A_870 = arith.cmpi slt, %parallel_loop3A_867, %parallel_loop3A_869 : vector<16xi32>
        %parallel_loop3A_871 = arith.constant 16 : i32
        %parallel_loop3A_872 = vector.broadcast %parallel_loop3A_871 : i32 to vector<16xi32>
        %parallel_loop3A_873 = arith.addi %parallel_loop3A_867, %parallel_loop3A_872 : vector<16xi32>
        %parallel_loop3A_874 = arith.select %parallel_loop3A_870, %parallel_loop3A_873, %parallel_loop3A_867 : vector<16xi1>, vector<16xi32>
        %parallel_loop3A_875 = vector.shape_cast %parallel_loop3A_874 : vector<16xi32> to vector<16x1xi32>
        %parallel_loop3A_876 = vector.shape_cast %parallel_loop3A_875 : vector<16x1xi32> to vector<16xi32>
        %parallel_loop3A_877 = tpu.dynamic_gather %parallel_loop3A_864[%parallel_loop3A_876] in [0] : vector<16xf32>, vector<16xi32> -> vector<16xf32>
        %parallel_loop3A_878 = arith.addf %parallel_loop3A_864, %parallel_loop3A_877 : vector<16xf32>
        %parallel_loop3A_879 = arith.constant 1 : i32
        %parallel_loop3A_880 = vector.broadcast %parallel_loop3A_879 : i32 to vector<16xi32>
        %parallel_loop3A_881 = arith.xori %iota3A, %parallel_loop3A_880 : vector<16xi32>
        %parallel_loop3A_882 = arith.constant 0 : i32
        %parallel_loop3A_883 = vector.broadcast %parallel_loop3A_882 : i32 to vector<16xi32>
        %parallel_loop3A_884 = arith.cmpi slt, %parallel_loop3A_881, %parallel_loop3A_883 : vector<16xi32>
        %parallel_loop3A_885 = arith.constant 16 : i32
        %parallel_loop3A_886 = vector.broadcast %parallel_loop3A_885 : i32 to vector<16xi32>
        %parallel_loop3A_887 = arith.addi %parallel_loop3A_881, %parallel_loop3A_886 : vector<16xi32>
        %parallel_loop3A_888 = arith.select %parallel_loop3A_884, %parallel_loop3A_887, %parallel_loop3A_881 : vector<16xi1>, vector<16xi32>
        %parallel_loop3A_889 = vector.shape_cast %parallel_loop3A_888 : vector<16xi32> to vector<16x1xi32>
        %parallel_loop3A_890 = vector.shape_cast %parallel_loop3A_889 : vector<16x1xi32> to vector<16xi32>
        %parallel_loop3A_891 = tpu.dynamic_gather %parallel_loop3A_878[%parallel_loop3A_890] in [0] : vector<16xf32>, vector<16xi32> -> vector<16xf32>
        %parallel_loop3A_892 = arith.addf %parallel_loop3A_878, %parallel_loop3A_891 : vector<16xf32>
        %parallel_loop3A_893 = arith.constant -5.000000e+00 : f32
        %parallel_loop3A_894 = arith.constant 5.000000e+00 : f32
        %parallel_loop3A_895 = vector.broadcast %parallel_loop3A_893 : f32 to vector<16xf32>
        %parallel_loop3A_896 = arith.maximumf %parallel_loop3A_895, %parallel_loop3A_892 : vector<16xf32>
        %parallel_loop3A_897 = vector.broadcast %parallel_loop3A_894 : f32 to vector<16xf32>
        %parallel_loop3A_898 = arith.minimumf %parallel_loop3A_897, %parallel_loop3A_896 : vector<16xf32>
        %parallel_loop3A_899 = math.exp %parallel_loop3A_898 : vector<16xf32>
        %parallel_loop3A_900 = arith.index_cast %parallel_loop3A_239 : i32 to index
        %parallel_loop3A_901 = arith.constant 112 : index
        %parallel_loop3A_902 = tpu.vector_load %arg21[%parallel_loop3A_900, %parallel_loop3A_901] {strides = array<i32>} : memref<32x128xf32, #tpu.memory_space<vmem>>, vector<1x16xf32>,
        %parallel_loop3A_903 = vector.shape_cast %parallel_loop3A_902 : vector<1x16xf32> to vector<16xf32>
        %parallel_loop3A_904 = arith.mulf %parallel_loop3A_899, %parallel_loop3A_903 : vector<16xf32>
        %parallel_loop3A_905 = arith.index_cast %parallel_loop3A_239 : i32 to index
        %parallel_loop3A_906 = arith.constant 112 : index
        %parallel_loop3A_907 = tpu.vector_load %arg23[%parallel_loop3A_905, %parallel_loop3A_906] {strides = array<i32>} : memref<64x128xf32, #tpu.memory_space<vmem>>, vector<1x16xf32>,
        %parallel_loop3A_908 = vector.shape_cast %parallel_loop3A_907 : vector<1x16xf32> to vector<16xf32>
        %parallel_loop3A_909 = vector.shape_cast %parallel_loop3A_904 : vector<16xf32> to vector<1x16xf32>
        tpu.vector_store %arg23[%parallel_loop3A_905, %parallel_loop3A_906], %parallel_loop3A_909 {strides = array<i32>} : memref<64x128xf32, #tpu.memory_space<vmem>>, vector<1x16xf32>,
        %parallel_loop3A_910 = arith.mulf %parallel_loop3A_899, %select_n3A_38 : vector<16xf32>
        %parallel_loop3A_911 = arith.addf %parallel_loop3A_827, %parallel_loop3A_910 : vector<16xf32>
        %parallel_loop3A_912 = arith.constant 16 : i32
        %parallel_loop3A_913 = arith.divsi %parallel_loop3A_239, %parallel_loop3A_912 : i32
        %parallel_loop3A_914 = arith.constant 0 : i32
        %parallel_loop3A_915 = arith.cmpi sgt, %parallel_loop3A_239, %parallel_loop3A_914 : i32
        %parallel_loop3A_916 = arith.extui %parallel_loop3A_915 : i1 to i32
        %parallel_loop3A_917 = arith.constant 0 : i32
        %parallel_loop3A_918 = arith.cmpi slt, %parallel_loop3A_239, %parallel_loop3A_917 : i32
        %parallel_loop3A_919 = arith.extui %parallel_loop3A_918 : i1 to i32
        %parallel_loop3A_920 = arith.subi %parallel_loop3A_916, %parallel_loop3A_919 : i32
        %parallel_loop3A_921 = arith.constant 0 : i32
        %parallel_loop3A_922 = arith.cmpi sgt, %parallel_loop3A_912, %parallel_loop3A_921 : i32
        %parallel_loop3A_923 = arith.extui %parallel_loop3A_922 : i1 to i32
        %parallel_loop3A_924 = arith.constant 0 : i32
        %parallel_loop3A_925 = arith.cmpi slt, %parallel_loop3A_912, %parallel_loop3A_924 : i32
        %parallel_loop3A_926 = arith.extui %parallel_loop3A_925 : i1 to i32
        %parallel_loop3A_927 = arith.subi %parallel_loop3A_923, %parallel_loop3A_926 : i32
        %parallel_loop3A_928 = arith.cmpi ne, %parallel_loop3A_920, %parallel_loop3A_927 : i32
        %parallel_loop3A_929 = arith.remsi %parallel_loop3A_239, %parallel_loop3A_912 : i32
        %parallel_loop3A_930 = arith.constant 0 : i32
        %parallel_loop3A_931 = arith.cmpi ne, %parallel_loop3A_929, %parallel_loop3A_930 : i32
        %parallel_loop3A_932 = arith.andi %parallel_loop3A_928, %parallel_loop3A_931 : i1
        %parallel_loop3A_933 = arith.constant 1 : i32
        %parallel_loop3A_934 = arith.subi %parallel_loop3A_913, %parallel_loop3A_933 : i32
        %parallel_loop3A_935 = arith.select %parallel_loop3A_932, %parallel_loop3A_934, %parallel_loop3A_913 : i32
        %parallel_loop3A_936 = arith.constant 16 : i32
        %parallel_loop3A_937 = arith.muli %parallel_loop3A_935, %parallel_loop3A_936 : i32
        %parallel_loop3A_938 = arith.subi %parallel_loop3A_239, %parallel_loop3A_937 : i32
        %parallel_loop3A_939 = arith.constant 16 : i32
        %parallel_loop3A_940 = arith.muli %parallel_loop3A_935, %parallel_loop3A_939 : i32
        %parallel_loop3A_941 = arith.index_cast %parallel_loop3A_940 : i32 to index
        %parallel_loop3A_942 = tpu.vector_load %arg25[%parallel_loop3A_941] {strides = array<i32>} : memref<64xi32, #tpu.memory_space<vmem>>, vector<16xi32>,
        %parallel_loop3A_943 = vector.shape_cast %parallel_loop3A_942 : vector<16xi32> to vector<16xi32>
        %parallel_loop3A_944 = vector.broadcast %parallel_loop3A_938 : i32 to vector<16xi32>
        %parallel_loop3A_945 = arith.addi %broadcast_in_dim3A_8, %parallel_loop3A_944 : vector<16xi32>
        %parallel_loop3A_946 = arith.constant 0 : i32
        %parallel_loop3A_947 = vector.broadcast %parallel_loop3A_946 : i32 to vector<16xi32>
        %parallel_loop3A_948 = arith.cmpi slt, %parallel_loop3A_945, %parallel_loop3A_947 : vector<16xi32>
        %parallel_loop3A_949 = arith.constant 16 : i32
        %parallel_loop3A_950 = vector.broadcast %parallel_loop3A_949 : i32 to vector<16xi32>
        %parallel_loop3A_951 = arith.addi %parallel_loop3A_945, %parallel_loop3A_950 : vector<16xi32>
        %parallel_loop3A_952 = arith.select %parallel_loop3A_948, %parallel_loop3A_951, %parallel_loop3A_945 : vector<16xi1>, vector<16xi32>
        %parallel_loop3A_953 = vector.shape_cast %parallel_loop3A_952 : vector<16xi32> to vector<16x1xi32>
        %parallel_loop3A_954 = vector.shape_cast %parallel_loop3A_953 : vector<16x1xi32> to vector<16xi32>
        %parallel_loop3A_955 = tpu.dynamic_gather %parallel_loop3A_943[%parallel_loop3A_954] in [0] : vector<16xi32>, vector<16xi32> -> vector<16xi32>
        %parallel_loop3A_956 = arith.constant 1 : i32
        %parallel_loop3A_957 = vector.broadcast %parallel_loop3A_956 : i32 to vector<16xi32>
        %parallel_loop3A_958 = arith.andi %parallel_loop3A_955, %parallel_loop3A_957 : vector<16xi32>
        %parallel_loop3A_959 = arith.constant 8 : i32
        %parallel_loop3A_960 = vector.broadcast %parallel_loop3A_959 : i32 to vector<16xi32>
        %parallel_loop3A_961 = arith.muli %parallel_loop3A_958, %parallel_loop3A_960 : vector<16xi32>
        %parallel_loop3A_962 = arith.subi %iota3A, %parallel_loop3A_961 : vector<16xi32>
        %parallel_loop3A_963 = arith.constant 3 : i32
        %parallel_loop3A_964 = vector.broadcast %parallel_loop3A_963 : i32 to vector<16xi32>
        %parallel_loop3A_965 = arith.shrsi %parallel_loop3A_962, %parallel_loop3A_964 : vector<16xi32>
        %parallel_loop3A_966 = math.absi %parallel_loop3A_965 : vector<16xi32>
        %parallel_loop3A_967 = arith.constant 1 : i32
        %parallel_loop3A_968 = vector.broadcast %parallel_loop3A_967 : i32 to vector<16xi32>
        %parallel_loop3A_969 = arith.minsi %parallel_loop3A_966, %parallel_loop3A_968 : vector<16xi32>
        %parallel_loop3A_970 = arith.constant 1 : i32
        %parallel_loop3A_971 = vector.broadcast %parallel_loop3A_970 : i32 to vector<16xi32>
        %parallel_loop3A_972 = arith.subi %parallel_loop3A_971, %parallel_loop3A_969 : vector<16xi32>
        %parallel_loop3A_973 = arith.sitofp %parallel_loop3A_972 : vector<16xi32> to vector<16xf32>
        %parallel_loop3A_974 = arith.constant 15 : i32
        %parallel_loop3A_975 = vector.broadcast %parallel_loop3A_974 : i32 to vector<16xi32>
        %parallel_loop3A_976 = arith.andi %parallel_loop3A_962, %parallel_loop3A_975 : vector<16xi32>
        %parallel_loop3A_977 = arith.constant 0 : i32
        %parallel_loop3A_978 = vector.broadcast %parallel_loop3A_977 : i32 to vector<16xi32>
        %parallel_loop3A_979 = arith.cmpi slt, %parallel_loop3A_976, %parallel_loop3A_978 : vector<16xi32>
        %parallel_loop3A_980 = arith.constant 16 : i32
        %parallel_loop3A_981 = vector.broadcast %parallel_loop3A_980 : i32 to vector<16xi32>
        %parallel_loop3A_982 = arith.addi %parallel_loop3A_976, %parallel_loop3A_981 : vector<16xi32>
        %parallel_loop3A_983 = arith.select %parallel_loop3A_979, %parallel_loop3A_982, %parallel_loop3A_976 : vector<16xi1>, vector<16xi32>
        %parallel_loop3A_984 = vector.shape_cast %parallel_loop3A_983 : vector<16xi32> to vector<16x1xi32>
        %parallel_loop3A_985 = vector.shape_cast %parallel_loop3A_984 : vector<16x1xi32> to vector<16xi32>
        %parallel_loop3A_986 = tpu.dynamic_gather %parallel_loop3A_911[%parallel_loop3A_985] in [0] : vector<16xf32>, vector<16xi32> -> vector<16xf32>
        %parallel_loop3A_987 = arith.mulf %parallel_loop3A_986, %parallel_loop3A_973 : vector<16xf32>
        %parallel_loop3A_988 = arith.constant 1 : i32
        %parallel_loop3A_989 = vector.broadcast %parallel_loop3A_988 : i32 to vector<16xi32>
        %parallel_loop3A_990 = arith.shrsi %parallel_loop3A_955, %parallel_loop3A_989 : vector<16xi32>
        %parallel_loop3A_991 = arith.constant 7 : i32
        %parallel_loop3A_992 = vector.broadcast %parallel_loop3A_991 : i32 to vector<16xi32>
        %parallel_loop3A_993 = arith.andi %parallel_loop3A_990, %parallel_loop3A_992 : vector<16xi32>
        %parallel_loop3A_994 = arith.constant 32 : i32
        %parallel_loop3A_995 = arith.addi %parallel_loop3A_994, %parallel_loop3A_239 : i32
        %parallel_loop3A_996 = arith.constant 0 : i32
        %parallel_loop3A_997 = vector.broadcast %parallel_loop3A_996 : i32 to vector<16xi32>
        %parallel_loop3A_998 = arith.subi %parallel_loop3A_993, %parallel_loop3A_997 : vector<16xi32>
        %parallel_loop3A_999 = math.absi %parallel_loop3A_998 : vector<16xi32>
        %parallel_loop3A_1000 = arith.constant 1 : i32
        %parallel_loop3A_1001 = vector.broadcast %parallel_loop3A_1000 : i32 to vector<16xi32>
        %parallel_loop3A_1002 = arith.minsi %parallel_loop3A_999, %parallel_loop3A_1001 : vector<16xi32>
        %parallel_loop3A_1003 = arith.constant 1 : i32
        %parallel_loop3A_1004 = vector.broadcast %parallel_loop3A_1003 : i32 to vector<16xi32>
        %parallel_loop3A_1005 = arith.subi %parallel_loop3A_1004, %parallel_loop3A_1002 : vector<16xi32>
        %parallel_loop3A_1006 = arith.sitofp %parallel_loop3A_1005 : vector<16xi32> to vector<16xf32>
        %parallel_loop3A_1007 = arith.mulf %parallel_loop3A_987, %parallel_loop3A_1006 : vector<16xf32>
        %parallel_loop3A_1008 = arith.index_cast %parallel_loop3A_995 : i32 to index
        %parallel_loop3A_1009 = arith.constant 0 : index
        %parallel_loop3A_1010 = tpu.vector_load %arg23[%parallel_loop3A_1008, %parallel_loop3A_1009] {strides = array<i32>} : memref<64x128xf32, #tpu.memory_space<vmem>>, vector<1x16xf32>,
        %parallel_loop3A_1011 = vector.shape_cast %parallel_loop3A_1010 : vector<1x16xf32> to vector<16xf32>
        %parallel_loop3A_1012 = vector.shape_cast %parallel_loop3A_1007 : vector<16xf32> to vector<1x16xf32>
        tpu.vector_store %arg23[%parallel_loop3A_1008, %parallel_loop3A_1009], %parallel_loop3A_1012 {strides = array<i32>} : memref<64x128xf32, #tpu.memory_space<vmem>>, vector<1x16xf32>,
        %parallel_loop3A_1013 = arith.constant 1 : i32
        %parallel_loop3A_1014 = vector.broadcast %parallel_loop3A_1013 : i32 to vector<16xi32>
        %parallel_loop3A_1015 = arith.subi %parallel_loop3A_993, %parallel_loop3A_1014 : vector<16xi32>
        %parallel_loop3A_1016 = math.absi %parallel_loop3A_1015 : vector<16xi32>
        %parallel_loop3A_1017 = arith.constant 1 : i32
        %parallel_loop3A_1018 = vector.broadcast %parallel_loop3A_1017 : i32 to vector<16xi32>
        %parallel_loop3A_1019 = arith.minsi %parallel_loop3A_1016, %parallel_loop3A_1018 : vector<16xi32>
        %parallel_loop3A_1020 = arith.constant 1 : i32
        %parallel_loop3A_1021 = vector.broadcast %parallel_loop3A_1020 : i32 to vector<16xi32>
        %parallel_loop3A_1022 = arith.subi %parallel_loop3A_1021, %parallel_loop3A_1019 : vector<16xi32>
        %parallel_loop3A_1023 = arith.sitofp %parallel_loop3A_1022 : vector<16xi32> to vector<16xf32>
        %parallel_loop3A_1024 = arith.mulf %parallel_loop3A_987, %parallel_loop3A_1023 : vector<16xf32>
        %parallel_loop3A_1025 = arith.index_cast %parallel_loop3A_995 : i32 to index
        %parallel_loop3A_1026 = arith.constant 16 : index
        %parallel_loop3A_1027 = tpu.vector_load %arg23[%parallel_loop3A_1025, %parallel_loop3A_1026] {strides = array<i32>} : memref<64x128xf32, #tpu.memory_space<vmem>>, vector<1x16xf32>,
        %parallel_loop3A_1028 = vector.shape_cast %parallel_loop3A_1027 : vector<1x16xf32> to vector<16xf32>
        %parallel_loop3A_1029 = vector.shape_cast %parallel_loop3A_1024 : vector<16xf32> to vector<1x16xf32>
        tpu.vector_store %arg23[%parallel_loop3A_1025, %parallel_loop3A_1026], %parallel_loop3A_1029 {strides = array<i32>} : memref<64x128xf32, #tpu.memory_space<vmem>>, vector<1x16xf32>,
        %parallel_loop3A_1030 = arith.constant 2 : i32
        %parallel_loop3A_1031 = vector.broadcast %parallel_loop3A_1030 : i32 to vector<16xi32>
        %parallel_loop3A_1032 = arith.subi %parallel_loop3A_993, %parallel_loop3A_1031 : vector<16xi32>
        %parallel_loop3A_1033 = math.absi %parallel_loop3A_1032 : vector<16xi32>
        %parallel_loop3A_1034 = arith.constant 1 : i32
        %parallel_loop3A_1035 = vector.broadcast %parallel_loop3A_1034 : i32 to vector<16xi32>
        %parallel_loop3A_1036 = arith.minsi %parallel_loop3A_1033, %parallel_loop3A_1035 : vector<16xi32>
        %parallel_loop3A_1037 = arith.constant 1 : i32
        %parallel_loop3A_1038 = vector.broadcast %parallel_loop3A_1037 : i32 to vector<16xi32>
        %parallel_loop3A_1039 = arith.subi %parallel_loop3A_1038, %parallel_loop3A_1036 : vector<16xi32>
        %parallel_loop3A_1040 = arith.sitofp %parallel_loop3A_1039 : vector<16xi32> to vector<16xf32>
        %parallel_loop3A_1041 = arith.mulf %parallel_loop3A_987, %parallel_loop3A_1040 : vector<16xf32>
        %parallel_loop3A_1042 = arith.index_cast %parallel_loop3A_995 : i32 to index
        %parallel_loop3A_1043 = arith.constant 32 : index
        %parallel_loop3A_1044 = tpu.vector_load %arg23[%parallel_loop3A_1042, %parallel_loop3A_1043] {strides = array<i32>} : memref<64x128xf32, #tpu.memory_space<vmem>>, vector<1x16xf32>,
        %parallel_loop3A_1045 = vector.shape_cast %parallel_loop3A_1044 : vector<1x16xf32> to vector<16xf32>
        %parallel_loop3A_1046 = vector.shape_cast %parallel_loop3A_1041 : vector<16xf32> to vector<1x16xf32>
        tpu.vector_store %arg23[%parallel_loop3A_1042, %parallel_loop3A_1043], %parallel_loop3A_1046 {strides = array<i32>} : memref<64x128xf32, #tpu.memory_space<vmem>>, vector<1x16xf32>,
        %parallel_loop3A_1047 = arith.constant 3 : i32
        %parallel_loop3A_1048 = vector.broadcast %parallel_loop3A_1047 : i32 to vector<16xi32>
        %parallel_loop3A_1049 = arith.subi %parallel_loop3A_993, %parallel_loop3A_1048 : vector<16xi32>
        %parallel_loop3A_1050 = math.absi %parallel_loop3A_1049 : vector<16xi32>
        %parallel_loop3A_1051 = arith.constant 1 : i32
        %parallel_loop3A_1052 = vector.broadcast %parallel_loop3A_1051 : i32 to vector<16xi32>
        %parallel_loop3A_1053 = arith.minsi %parallel_loop3A_1050, %parallel_loop3A_1052 : vector<16xi32>
        %parallel_loop3A_1054 = arith.constant 1 : i32
        %parallel_loop3A_1055 = vector.broadcast %parallel_loop3A_1054 : i32 to vector<16xi32>
        %parallel_loop3A_1056 = arith.subi %parallel_loop3A_1055, %parallel_loop3A_1053 : vector<16xi32>
        %parallel_loop3A_1057 = arith.sitofp %parallel_loop3A_1056 : vector<16xi32> to vector<16xf32>
        %parallel_loop3A_1058 = arith.mulf %parallel_loop3A_987, %parallel_loop3A_1057 : vector<16xf32>
        %parallel_loop3A_1059 = arith.index_cast %parallel_loop3A_995 : i32 to index
        %parallel_loop3A_1060 = arith.constant 48 : index
        %parallel_loop3A_1061 = tpu.vector_load %arg23[%parallel_loop3A_1059, %parallel_loop3A_1060] {strides = array<i32>} : memref<64x128xf32, #tpu.memory_space<vmem>>, vector<1x16xf32>,
        %parallel_loop3A_1062 = vector.shape_cast %parallel_loop3A_1061 : vector<1x16xf32> to vector<16xf32>
        %parallel_loop3A_1063 = vector.shape_cast %parallel_loop3A_1058 : vector<16xf32> to vector<1x16xf32>
        tpu.vector_store %arg23[%parallel_loop3A_1059, %parallel_loop3A_1060], %parallel_loop3A_1063 {strides = array<i32>} : memref<64x128xf32, #tpu.memory_space<vmem>>, vector<1x16xf32>,
        %parallel_loop3A_1064 = arith.constant 4 : i32
        %parallel_loop3A_1065 = vector.broadcast %parallel_loop3A_1064 : i32 to vector<16xi32>
        %parallel_loop3A_1066 = arith.subi %parallel_loop3A_993, %parallel_loop3A_1065 : vector<16xi32>
        %parallel_loop3A_1067 = math.absi %parallel_loop3A_1066 : vector<16xi32>
        %parallel_loop3A_1068 = arith.constant 1 : i32
        %parallel_loop3A_1069 = vector.broadcast %parallel_loop3A_1068 : i32 to vector<16xi32>
        %parallel_loop3A_1070 = arith.minsi %parallel_loop3A_1067, %parallel_loop3A_1069 : vector<16xi32>
        %parallel_loop3A_1071 = arith.constant 1 : i32
        %parallel_loop3A_1072 = vector.broadcast %parallel_loop3A_1071 : i32 to vector<16xi32>
        %parallel_loop3A_1073 = arith.subi %parallel_loop3A_1072, %parallel_loop3A_1070 : vector<16xi32>
        %parallel_loop3A_1074 = arith.sitofp %parallel_loop3A_1073 : vector<16xi32> to vector<16xf32>
        %parallel_loop3A_1075 = arith.mulf %parallel_loop3A_987, %parallel_loop3A_1074 : vector<16xf32>
        %parallel_loop3A_1076 = arith.index_cast %parallel_loop3A_995 : i32 to index
        %parallel_loop3A_1077 = arith.constant 64 : index
        %parallel_loop3A_1078 = tpu.vector_load %arg23[%parallel_loop3A_1076, %parallel_loop3A_1077] {strides = array<i32>} : memref<64x128xf32, #tpu.memory_space<vmem>>, vector<1x16xf32>,
        %parallel_loop3A_1079 = vector.shape_cast %parallel_loop3A_1078 : vector<1x16xf32> to vector<16xf32>
        %parallel_loop3A_1080 = vector.shape_cast %parallel_loop3A_1075 : vector<16xf32> to vector<1x16xf32>
        tpu.vector_store %arg23[%parallel_loop3A_1076, %parallel_loop3A_1077], %parallel_loop3A_1080 {strides = array<i32>} : memref<64x128xf32, #tpu.memory_space<vmem>>, vector<1x16xf32>,
        %parallel_loop3A_1081 = arith.constant 5 : i32
        %parallel_loop3A_1082 = vector.broadcast %parallel_loop3A_1081 : i32 to vector<16xi32>
        %parallel_loop3A_1083 = arith.subi %parallel_loop3A_993, %parallel_loop3A_1082 : vector<16xi32>
        %parallel_loop3A_1084 = math.absi %parallel_loop3A_1083 : vector<16xi32>
        %parallel_loop3A_1085 = arith.constant 1 : i32
        %parallel_loop3A_1086 = vector.broadcast %parallel_loop3A_1085 : i32 to vector<16xi32>
        %parallel_loop3A_1087 = arith.minsi %parallel_loop3A_1084, %parallel_loop3A_1086 : vector<16xi32>
        %parallel_loop3A_1088 = arith.constant 1 : i32
        %parallel_loop3A_1089 = vector.broadcast %parallel_loop3A_1088 : i32 to vector<16xi32>
        %parallel_loop3A_1090 = arith.subi %parallel_loop3A_1089, %parallel_loop3A_1087 : vector<16xi32>
        %parallel_loop3A_1091 = arith.sitofp %parallel_loop3A_1090 : vector<16xi32> to vector<16xf32>
        %parallel_loop3A_1092 = arith.mulf %parallel_loop3A_987, %parallel_loop3A_1091 : vector<16xf32>
        %parallel_loop3A_1093 = arith.index_cast %parallel_loop3A_995 : i32 to index
        %parallel_loop3A_1094 = arith.constant 80 : index
        %parallel_loop3A_1095 = tpu.vector_load %arg23[%parallel_loop3A_1093, %parallel_loop3A_1094] {strides = array<i32>} : memref<64x128xf32, #tpu.memory_space<vmem>>, vector<1x16xf32>,
        %parallel_loop3A_1096 = vector.shape_cast %parallel_loop3A_1095 : vector<1x16xf32> to vector<16xf32>
        %parallel_loop3A_1097 = vector.shape_cast %parallel_loop3A_1092 : vector<16xf32> to vector<1x16xf32>
        tpu.vector_store %arg23[%parallel_loop3A_1093, %parallel_loop3A_1094], %parallel_loop3A_1097 {strides = array<i32>} : memref<64x128xf32, #tpu.memory_space<vmem>>, vector<1x16xf32>,
        %parallel_loop3A_1098 = arith.constant 6 : i32
        %parallel_loop3A_1099 = vector.broadcast %parallel_loop3A_1098 : i32 to vector<16xi32>
        %parallel_loop3A_1100 = arith.subi %parallel_loop3A_993, %parallel_loop3A_1099 : vector<16xi32>
        %parallel_loop3A_1101 = math.absi %parallel_loop3A_1100 : vector<16xi32>
        %parallel_loop3A_1102 = arith.constant 1 : i32
        %parallel_loop3A_1103 = vector.broadcast %parallel_loop3A_1102 : i32 to vector<16xi32>
        %parallel_loop3A_1104 = arith.minsi %parallel_loop3A_1101, %parallel_loop3A_1103 : vector<16xi32>
        %parallel_loop3A_1105 = arith.constant 1 : i32
        %parallel_loop3A_1106 = vector.broadcast %parallel_loop3A_1105 : i32 to vector<16xi32>
        %parallel_loop3A_1107 = arith.subi %parallel_loop3A_1106, %parallel_loop3A_1104 : vector<16xi32>
        %parallel_loop3A_1108 = arith.sitofp %parallel_loop3A_1107 : vector<16xi32> to vector<16xf32>
        %parallel_loop3A_1109 = arith.mulf %parallel_loop3A_987, %parallel_loop3A_1108 : vector<16xf32>
        %parallel_loop3A_1110 = arith.index_cast %parallel_loop3A_995 : i32 to index
        %parallel_loop3A_1111 = arith.constant 96 : index
        %parallel_loop3A_1112 = tpu.vector_load %arg23[%parallel_loop3A_1110, %parallel_loop3A_1111] {strides = array<i32>} : memref<64x128xf32, #tpu.memory_space<vmem>>, vector<1x16xf32>,
        %parallel_loop3A_1113 = vector.shape_cast %parallel_loop3A_1112 : vector<1x16xf32> to vector<16xf32>
        %parallel_loop3A_1114 = vector.shape_cast %parallel_loop3A_1109 : vector<16xf32> to vector<1x16xf32>
        tpu.vector_store %arg23[%parallel_loop3A_1110, %parallel_loop3A_1111], %parallel_loop3A_1114 {strides = array<i32>} : memref<64x128xf32, #tpu.memory_space<vmem>>, vector<1x16xf32>,
        %parallel_loop3A_1115 = arith.constant 7 : i32
        %parallel_loop3A_1116 = vector.broadcast %parallel_loop3A_1115 : i32 to vector<16xi32>
        %parallel_loop3A_1117 = arith.subi %parallel_loop3A_993, %parallel_loop3A_1116 : vector<16xi32>
        %parallel_loop3A_1118 = math.absi %parallel_loop3A_1117 : vector<16xi32>
        %parallel_loop3A_1119 = arith.constant 1 : i32
        %parallel_loop3A_1120 = vector.broadcast %parallel_loop3A_1119 : i32 to vector<16xi32>
        %parallel_loop3A_1121 = arith.minsi %parallel_loop3A_1118, %parallel_loop3A_1120 : vector<16xi32>
        %parallel_loop3A_1122 = arith.constant 1 : i32
        %parallel_loop3A_1123 = vector.broadcast %parallel_loop3A_1122 : i32 to vector<16xi32>
        %parallel_loop3A_1124 = arith.subi %parallel_loop3A_1123, %parallel_loop3A_1121 : vector<16xi32>
        %parallel_loop3A_1125 = arith.sitofp %parallel_loop3A_1124 : vector<16xi32> to vector<16xf32>
        %parallel_loop3A_1126 = arith.mulf %parallel_loop3A_987, %parallel_loop3A_1125 : vector<16xf32>
        %parallel_loop3A_1127 = arith.index_cast %parallel_loop3A_995 : i32 to index
        %parallel_loop3A_1128 = arith.constant 112 : index
        %parallel_loop3A_1129 = tpu.vector_load %arg23[%parallel_loop3A_1127, %parallel_loop3A_1128] {strides = array<i32>} : memref<64x128xf32, #tpu.memory_space<vmem>>, vector<1x16xf32>,
        %parallel_loop3A_1130 = vector.shape_cast %parallel_loop3A_1129 : vector<1x16xf32> to vector<16xf32>
        %parallel_loop3A_1131 = vector.shape_cast %parallel_loop3A_1126 : vector<16xf32> to vector<1x16xf32>
        tpu.vector_store %arg23[%parallel_loop3A_1127, %parallel_loop3A_1128], %parallel_loop3A_1131 {strides = array<i32>} : memref<64x128xf32, #tpu.memory_space<vmem>>, vector<1x16xf32>,
      } {sc.loop_unroll_factor = 8 : i64, sc.parallel_access}
      %dma_start3A_229 = arith.constant 0 : i32
      %dma_start3A_230 = arith.constant 0 : i32
      %dma_start3A_231 = tpu.memref_slice %arg26[%dma_start3A_229, %dma_start3A_230] : memref<10752x128xf32, #tpu.memory_space<vmem_shared>> -> memref<10752x128xf32, #tpu.memory_space<vmem_shared>>
      tpu.enqueue_indirect_dma source(%arg23 : memref<64x128xf32, #tpu.memory_space<vmem>>) target(%dma_start3A_231 : memref<10752x128xf32, #tpu.memory_space<vmem_shared>>) offsets(%arg25 : memref<64xi32, #tpu.memory_space<vmem>>) semaphore(%arg32 : memref<!tpu.dma_semaphore, #tpu.memory_space<semaphore_mem>>) {add = true}
      %add3A_232 = arith.constant 2 : i32
      %add3A_233 = arith.addi %add3A_176, %add3A_232 : i32
      %lt3A_234 = arith.constant 316 : i32
      %lt3A_235 = arith.cmpi slt, %add3A_233, %lt3A_234 : i32
      %convert_element_type3A_236 = arith.extui %lt3A_235 : i1 to i32
      %cond3A_237 = arith.constant 0 : i32
      %cond3A_238 = arith.cmpi ne, %convert_element_type3A_236, %cond3A_237 : i32
      scf.if %cond3A_238 {
        %dma_wait3A_239 = arith.constant 0 : i32
        %dma_wait3A_240 = tpu.memref_slice %arg5[%dma_wait3A_239] : memref<323584xi32, #tpu.memory_space<hbm>> -> memref<32xi32, #tpu.memory_space<hbm>>
        %dma_wait3A_241 = arith.constant 0 : i32
        %dma_wait3A_242 = tpu.memref_slice %arg5[%dma_wait3A_241] : memref<323584xi32, #tpu.memory_space<hbm>> -> memref<32xi32, #tpu.memory_space<hbm>>
        tpu.wait_dma2 semaphore(%arg28 : memref<!tpu.dma_semaphore, #tpu.memory_space<semaphore_mem>>) src(%dma_wait3A_242 : memref<32xi32, #tpu.memory_space<hbm>>) dst(%arg13 : memref<32xi32, #tpu.memory_space<vmem>>)
        %dma_wait3A_243 = arith.constant 0 : i32
        %dma_wait3A_244 = tpu.memref_slice %arg6[%dma_wait3A_243] : memref<323584xi32, #tpu.memory_space<hbm>> -> memref<32xi32, #tpu.memory_space<hbm>>
        %dma_wait3A_245 = arith.constant 0 : i32
        %dma_wait3A_246 = tpu.memref_slice %arg6[%dma_wait3A_245] : memref<323584xi32, #tpu.memory_space<hbm>> -> memref<32xi32, #tpu.memory_space<hbm>>
        tpu.wait_dma2 semaphore(%arg28 : memref<!tpu.dma_semaphore, #tpu.memory_space<semaphore_mem>>) src(%dma_wait3A_246 : memref<32xi32, #tpu.memory_space<hbm>>) dst(%arg14 : memref<32xi32, #tpu.memory_space<vmem>>)
        %dma_wait3A_247 = arith.constant 0 : i32
        %dma_wait3A_248 = tpu.memref_slice %arg7[%dma_wait3A_247] : memref<323584xi32, #tpu.memory_space<hbm>> -> memref<32xi32, #tpu.memory_space<hbm>>
        %dma_wait3A_249 = arith.constant 0 : i32
        %dma_wait3A_250 = tpu.memref_slice %arg7[%dma_wait3A_249] : memref<323584xi32, #tpu.memory_space<hbm>> -> memref<32xi32, #tpu.memory_space<hbm>>
        tpu.wait_dma2 semaphore(%arg28 : memref<!tpu.dma_semaphore, #tpu.memory_space<semaphore_mem>>) src(%dma_wait3A_250 : memref<32xi32, #tpu.memory_space<hbm>>) dst(%arg15 : memref<32xi32, #tpu.memory_space<vmem>>)
        %dma_start3A_251 = arith.constant 0 : i32
        %dma_start3A_252 = arith.constant 0 : i32
        %dma_start3A_253 = tpu.memref_slice %arg2[%dma_start3A_251, %dma_start3A_252] : memref<10000x128xf32, #tpu.memory_space<hbm>> -> memref<10000x128xf32, #tpu.memory_space<hbm>>
        tpu.enqueue_indirect_dma source(%dma_start3A_253 : memref<10000x128xf32, #tpu.memory_space<hbm>>) target(%arg19 : memref<32x128xf32, #tpu.memory_space<vmem>>) offsets(%arg13 : memref<32xi32, #tpu.memory_space<vmem>>) semaphore(%arg30 : memref<!tpu.dma_semaphore, #tpu.memory_space<semaphore_mem>>)
        %dma_start3A_254 = arith.constant 0 : i32
        %dma_start3A_255 = arith.constant 0 : i32
        %dma_start3A_256 = tpu.memref_slice %arg3[%dma_start3A_254, %dma_start3A_255] : memref<10000x128xf32, #tpu.memory_space<hbm>> -> memref<10000x128xf32, #tpu.memory_space<hbm>>
        tpu.enqueue_indirect_dma source(%dma_start3A_256 : memref<10000x128xf32, #tpu.memory_space<hbm>>) target(%arg20 : memref<32x128xf32, #tpu.memory_space<vmem>>) offsets(%arg14 : memref<32xi32, #tpu.memory_space<vmem>>) semaphore(%arg30 : memref<!tpu.dma_semaphore, #tpu.memory_space<semaphore_mem>>)
        %dma_start3A_257 = arith.constant 0 : i32
        %dma_start3A_258 = arith.constant 0 : i32
        %dma_start3A_259 = tpu.memref_slice %arg4[%dma_start3A_257, %dma_start3A_258] : memref<10000x128xf32, #tpu.memory_space<hbm>> -> memref<10000x128xf32, #tpu.memory_space<hbm>>
        tpu.enqueue_indirect_dma source(%dma_start3A_259 : memref<10000x128xf32, #tpu.memory_space<hbm>>) target(%arg21 : memref<32x128xf32, #tpu.memory_space<vmem>>) offsets(%arg13 : memref<32xi32, #tpu.memory_space<vmem>>) semaphore(%arg30 : memref<!tpu.dma_semaphore, #tpu.memory_space<semaphore_mem>>)
      } else {
      }
    }
    %scan3A_101 = arith.constant 158 : i32
    %dma_wait3A_102 = arith.constant 0 : i32
    %dma_wait3A_103 = arith.constant 0 : i32
    %dma_wait3A_104 = tpu.memref_slice %arg26[%dma_wait3A_102, %dma_wait3A_103] : memref<10752x128xf32, #tpu.memory_space<vmem_shared>> -> memref<10752x128xf32, #tpu.memory_space<vmem_shared>>
    tpu.wait_indirect_dma semaphore(%arg31 : memref<!tpu.dma_semaphore, #tpu.memory_space<semaphore_mem>>) src(%arg22 : memref<64x128xf32, #tpu.memory_space<vmem>>) dst(%dma_wait3A_104 : memref<10752x128xf32, #tpu.memory_space<vmem_shared>>)
    %dma_wait3A_105 = arith.constant 0 : i32
    %dma_wait3A_106 = arith.constant 0 : i32
    %dma_wait3A_107 = tpu.memref_slice %arg26[%dma_wait3A_105, %dma_wait3A_106] : memref<10752x128xf32, #tpu.memory_space<vmem_shared>> -> memref<10752x128xf32, #tpu.memory_space<vmem_shared>>
    tpu.wait_indirect_dma semaphore(%arg32 : memref<!tpu.dma_semaphore, #tpu.memory_space<semaphore_mem>>) src(%arg23 : memref<64x128xf32, #tpu.memory_space<vmem>>) dst(%dma_wait3A_107 : memref<10752x128xf32, #tpu.memory_space<vmem_shared>>)
    %barrier3A_108 = arith.constant 0 : index
    tpu.barrier barrier_id(%barrier3A_108)
    %mul3A_109 = arith.constant 672 : i32
    %mul3A_110 = arith.muli %arg1, %mul3A_109 : i32
    %mul3A_111 = arith.constant 672 : i32
    %mul3A_112 = arith.muli %arg1, %mul3A_111 : i32
    "tpu.region"() ({
      %run_scoped3A = tpu.sem_alloc : memref<!tpu.dma_semaphore, #tpu.memory_space<semaphore_mem>>
      %dma_start3A_113 = arith.constant 0 : i32
      %dma_start3A_114 = arith.constant 0 : i32
      %dma_start3A_115 = tpu.memref_slice %arg9[%arg0, %dma_start3A_113, %dma_start3A_114] : memref<2x10752x128xf32, #tpu.memory_space<hbm>> -> memref<1x10752x128xf32, #tpu.memory_space<hbm>>
      %dma_start3A_116 = tpu.memref_squeeze %dma_start3A_115 : memref<1x10752x128xf32, #tpu.memory_space<hbm>> -> memref<10752x128xf32, #tpu.memory_space<hbm>>
      %dma_start3A_117 = arith.constant 0 : i32
      %dma_start3A_118 = tpu.memref_slice %dma_start3A_116[%mul3A_112, %dma_start3A_117] : memref<10752x128xf32, #tpu.memory_space<hbm>> -> memref<672x128xf32, #tpu.memory_space<hbm>>
      %dma_start3A_119 = arith.constant 0 : i32
      %dma_start3A_120 = tpu.memref_slice %arg26[%mul3A_110, %dma_start3A_119] : memref<10752x128xf32, #tpu.memory_space<vmem_shared>> -> memref<672x128xf32, #tpu.memory_space<vmem_shared>>
      tpu.enqueue_dma source(%dma_start3A_120 : memref<672x128xf32, #tpu.memory_space<vmem_shared>>) target(%dma_start3A_118 : memref<672x128xf32, #tpu.memory_space<hbm>>) target_semaphore(%run_scoped3A : memref<!tpu.dma_semaphore, #tpu.memory_space<semaphore_mem>>)
      %dma_wait3A_121 = arith.constant 0 : i32
      %dma_wait3A_122 = arith.constant 0 : i32
      %dma_wait3A_123 = tpu.memref_slice %arg9[%arg0, %dma_wait3A_121, %dma_wait3A_122] : memref<2x10752x128xf32, #tpu.memory_space<hbm>> -> memref<1x10752x128xf32, #tpu.memory_space<hbm>>
      %dma_wait3A_124 = tpu.memref_squeeze %dma_wait3A_123 : memref<1x10752x128xf32, #tpu.memory_space<hbm>> -> memref<10752x128xf32, #tpu.memory_space<hbm>>
      %dma_wait3A_125 = arith.constant 0 : i32
      %dma_wait3A_126 = tpu.memref_slice %dma_wait3A_124[%mul3A_112, %dma_wait3A_125] : memref<10752x128xf32, #tpu.memory_space<hbm>> -> memref<672x128xf32, #tpu.memory_space<hbm>>
      %dma_wait3A_127 = arith.constant 0 : i32
      %dma_wait3A_128 = tpu.memref_slice %arg26[%mul3A_110, %dma_wait3A_127] : memref<10752x128xf32, #tpu.memory_space<vmem_shared>> -> memref<672x128xf32, #tpu.memory_space<vmem_shared>>
      tpu.wait_dma2 semaphore(%run_scoped3A : memref<!tpu.dma_semaphore, #tpu.memory_space<semaphore_mem>>) src(%dma_wait3A_128 : memref<672x128xf32, #tpu.memory_space<vmem_shared>>) dst(%dma_wait3A_126 : memref<672x128xf32, #tpu.memory_space<hbm>>)
      tpu.yield
    }) : () -> ()
    return
  }
}

module attributes {stable_mosaic.version = 14 : i64} {
  func.func @_qkv_body(%arg0: memref<10000x128xf32, #tpu.memory_space<vmem>>, %arg1: memref<128x128xf32, #tpu.memory_space<vmem>>, %arg2: memref<128x128xf32, #tpu.memory_space<vmem>>, %arg3: memref<128x128xf32, #tpu.memory_space<vmem>>, %arg4: memref<1x128xf32, #tpu.memory_space<vmem>>, %arg5: memref<1x128xf32, #tpu.memory_space<vmem>>, %arg6: memref<10000x128xf32, #tpu.memory_space<vmem>>, %arg7: memref<10000x128xf32, #tpu.memory_space<vmem>>, %arg8: memref<10000x128xf32, #tpu.memory_space<vmem>>) attributes {dimension_semantics = [], scalar_prefetch = 0 : i64, scratch_operands = 0 : i64, tpu.core_type = #tpu.core_type<tc>} {
    %get3A = arith.constant 0 : index
    %get3A_0 = arith.constant 0 : index
    %get3A_1 = vector.load %arg0[%get3A, %get3A_0] : memref<10000x128xf32, #tpu.memory_space<vmem>>, vector<10000x128xf32>
    %reduce_sum3A = arith.constant dense<0.000000e+00> : vector<128xf32>
    %reduce_sum3A_2 = vector.multi_reduction <add>, %get3A_1, %reduce_sum3A [0] : vector<10000x128xf32> to vector<128xf32>
    %broadcast_in_dim3A = vector.shape_cast %reduce_sum3A_2 : vector<128xf32> to vector<1x128xf32>
    %div3A = arith.constant 1.000000e+04 : f32
    %div3A_3 = vector.broadcast %div3A : f32 to vector<1x128xf32>
    %div3A_4 = arith.divf %broadcast_in_dim3A, %div3A_3 : vector<1x128xf32>
    %sub3A = vector.broadcast %div3A_4 : vector<1x128xf32> to vector<10000x128xf32>
    %sub3A_5 = arith.subf %get3A_1, %sub3A : vector<10000x128xf32>
    %integer_pow3A = arith.mulf %sub3A_5, %sub3A_5 : vector<10000x128xf32>
    %reduce_sum3A_6 = arith.constant dense<0.000000e+00> : vector<128xf32>
    %reduce_sum3A_7 = vector.multi_reduction <add>, %integer_pow3A, %reduce_sum3A_6 [0] : vector<10000x128xf32> to vector<128xf32>
    %broadcast_in_dim3A_8 = vector.shape_cast %reduce_sum3A_7 : vector<128xf32> to vector<1x128xf32>
    %div3A_9 = arith.constant 1.000000e+04 : f32
    %div3A_10 = vector.broadcast %div3A_9 : f32 to vector<1x128xf32>
    %div3A_11 = arith.divf %broadcast_in_dim3A_8, %div3A_10 : vector<1x128xf32>
    %sub3A_12 = vector.broadcast %div3A_4 : vector<1x128xf32> to vector<10000x128xf32>
    %sub3A_13 = arith.subf %get3A_1, %sub3A_12 : vector<10000x128xf32>
    %add3A = arith.constant 9.99999974E-6 : f32
    %add3A_14 = vector.broadcast %add3A : f32 to vector<1x128xf32>
    %add3A_15 = arith.addf %div3A_11, %add3A_14 : vector<1x128xf32>
    %rsqrt3A = math.rsqrt %add3A_15 : vector<1x128xf32>
    %mul3A = vector.broadcast %rsqrt3A : vector<1x128xf32> to vector<10000x128xf32>
    %mul3A_16 = arith.mulf %sub3A_13, %mul3A : vector<10000x128xf32>
    %get3A_17 = arith.constant 0 : index
    %get3A_18 = arith.constant 0 : index
    %get3A_19 = vector.load %arg4[%get3A_17, %get3A_18] : memref<1x128xf32, #tpu.memory_space<vmem>>, vector<1x128xf32>
    %mul3A_20 = vector.broadcast %get3A_19 : vector<1x128xf32> to vector<10000x128xf32>
    %mul3A_21 = arith.mulf %mul3A_16, %mul3A_20 : vector<10000x128xf32>
    %get3A_22 = arith.constant 0 : index
    %get3A_23 = arith.constant 0 : index
    %get3A_24 = vector.load %arg5[%get3A_22, %get3A_23] : memref<1x128xf32, #tpu.memory_space<vmem>>, vector<1x128xf32>
    %add3A_25 = vector.broadcast %get3A_24 : vector<1x128xf32> to vector<10000x128xf32>
    %add3A_26 = arith.addf %mul3A_21, %add3A_25 : vector<10000x128xf32>
    %get3A_27 = arith.constant 0 : index
    %get3A_28 = arith.constant 0 : index
    %get3A_29 = vector.load %arg1[%get3A_27, %get3A_28] : memref<128x128xf32, #tpu.memory_space<vmem>>, vector<128x128xf32>
    %dot_general3A = arith.constant dense<0.000000e+00> : vector<10000x128xf32>
    %dot_general3A_30 = tpu.matmul %add3A_26, %get3A_29, %dot_general3A {dimension_numbers = #tpu.dot_dimension_numbers<[1], [0], [0], [1], [0, 0, 1, 1], [], []>, transpose_lhs_hint = false} : vector<10000x128xf32>, vector<128x128xf32>, vector<10000x128xf32> -> vector<10000x128xf32>
    %swap3A = arith.constant 0 : index
    %swap3A_31 = arith.constant 0 : index
    %swap3A_32 = vector.load %arg6[%swap3A, %swap3A_31] : memref<10000x128xf32, #tpu.memory_space<vmem>>, vector<10000x128xf32>
    tpu.vector_store %arg6[%swap3A, %swap3A_31], %dot_general3A_30 {strides = array<i32>} : memref<10000x128xf32, #tpu.memory_space<vmem>>, vector<10000x128xf32>,
    %get3A_33 = arith.constant 0 : index
    %get3A_34 = arith.constant 0 : index
    %get3A_35 = vector.load %arg2[%get3A_33, %get3A_34] : memref<128x128xf32, #tpu.memory_space<vmem>>, vector<128x128xf32>
    %dot_general3A_36 = arith.constant dense<0.000000e+00> : vector<10000x128xf32>
    %dot_general3A_37 = tpu.matmul %add3A_26, %get3A_35, %dot_general3A_36 {dimension_numbers = #tpu.dot_dimension_numbers<[1], [0], [0], [1], [0, 0, 1, 1], [], []>, transpose_lhs_hint = false} : vector<10000x128xf32>, vector<128x128xf32>, vector<10000x128xf32> -> vector<10000x128xf32>
    %mul3A_38 = arith.constant 2.500000e-01 : f32
    %mul3A_39 = vector.broadcast %mul3A_38 : f32 to vector<10000x128xf32>
    %mul3A_40 = arith.mulf %dot_general3A_37, %mul3A_39 : vector<10000x128xf32>
    %swap3A_41 = arith.constant 0 : index
    %swap3A_42 = arith.constant 0 : index
    %swap3A_43 = vector.load %arg7[%swap3A_41, %swap3A_42] : memref<10000x128xf32, #tpu.memory_space<vmem>>, vector<10000x128xf32>
    tpu.vector_store %arg7[%swap3A_41, %swap3A_42], %mul3A_40 {strides = array<i32>} : memref<10000x128xf32, #tpu.memory_space<vmem>>, vector<10000x128xf32>,
    %get3A_44 = arith.constant 0 : index
    %get3A_45 = arith.constant 0 : index
    %get3A_46 = vector.load %arg3[%get3A_44, %get3A_45] : memref<128x128xf32, #tpu.memory_space<vmem>>, vector<128x128xf32>
    %dot_general3A_47 = arith.constant dense<0.000000e+00> : vector<10000x128xf32>
    %dot_general3A_48 = tpu.matmul %add3A_26, %get3A_46, %dot_general3A_47 {dimension_numbers = #tpu.dot_dimension_numbers<[1], [0], [0], [1], [0, 0, 1, 1], [], []>, transpose_lhs_hint = false} : vector<10000x128xf32>, vector<128x128xf32>, vector<10000x128xf32> -> vector<10000x128xf32>
    %swap3A_49 = arith.constant 0 : index
    %swap3A_50 = arith.constant 0 : index
    %swap3A_51 = vector.load %arg8[%swap3A_49, %swap3A_50] : memref<10000x128xf32, #tpu.memory_space<vmem>>, vector<10000x128xf32>
    tpu.vector_store %arg8[%swap3A_49, %swap3A_50], %dot_general3A_48 {strides = array<i32>} : memref<10000x128xf32, #tpu.memory_space<vmem>>, vector<10000x128xf32>,
    return
  }
}

module attributes {stable_mosaic.version = 14 : i64} {
  func.func @_tail_body(%arg0: memref<2x10752x128xf32, #tpu.memory_space<vmem>>, %arg1: memref<2x10240x8xf32, #tpu.memory_space<vmem>>, %arg2: memref<10000x128xf32, #tpu.memory_space<vmem>>, %arg3: memref<8x128xf32, #tpu.memory_space<vmem>>, %arg4: memref<128x128xf32, #tpu.memory_space<vmem>>, %arg5: memref<1x128xf32, #tpu.memory_space<vmem>>, %arg6: memref<1x128xf32, #tpu.memory_space<vmem>>, %arg7: memref<1x128xf32, #tpu.memory_space<vmem>>, %arg8: memref<128x256xf32, #tpu.memory_space<vmem>>, %arg9: memref<1x256xf32, #tpu.memory_space<vmem>>, %arg10: memref<256x128xf32, #tpu.memory_space<vmem>>, %arg11: memref<1x128xf32, #tpu.memory_space<vmem>>, %arg12: memref<10000x128xf32, #tpu.memory_space<vmem>>) attributes {dimension_semantics = [], scalar_prefetch = 0 : i64, scratch_operands = 0 : i64, tpu.core_type = #tpu.core_type<tc>} {
    %get3A = arith.constant 0 : index
    %get3A_0 = arith.constant 0 : index
    %get3A_1 = arith.constant 0 : index
    %get3A_2 = vector.load %arg0[%get3A, %get3A_0, %get3A_1] : memref<2x10752x128xf32, #tpu.memory_space<vmem>>, vector<1x10000x128xf32>
    %get3A_3 = vector.shape_cast %get3A_2 : vector<1x10000x128xf32> to vector<10000x128xf32>
    %get3A_4 = arith.constant 1 : index
    %get3A_5 = arith.constant 0 : index
    %get3A_6 = arith.constant 0 : index
    %get3A_7 = vector.load %arg0[%get3A_4, %get3A_5, %get3A_6] : memref<2x10752x128xf32, #tpu.memory_space<vmem>>, vector<1x10000x128xf32>
    %get3A_8 = vector.shape_cast %get3A_7 : vector<1x10000x128xf32> to vector<10000x128xf32>
    %add3A = arith.addf %get3A_3, %get3A_8 : vector<10000x128xf32>
    %get3A_9 = arith.constant 0 : index
    %get3A_10 = arith.constant 0 : index
    %get3A_11 = arith.constant 0 : index
    %get3A_12 = vector.load %arg1[%get3A_9, %get3A_10, %get3A_11] : memref<2x10240x8xf32, #tpu.memory_space<vmem>>, vector<1x10000x8xf32>
    %get3A_13 = vector.shape_cast %get3A_12 : vector<1x10000x8xf32> to vector<10000x8xf32>
    %get3A_14 = arith.constant 1 : index
    %get3A_15 = arith.constant 0 : index
    %get3A_16 = arith.constant 0 : index
    %get3A_17 = vector.load %arg1[%get3A_14, %get3A_15, %get3A_16] : memref<2x10240x8xf32, #tpu.memory_space<vmem>>, vector<1x10000x8xf32>
    %get3A_18 = vector.shape_cast %get3A_17 : vector<1x10000x8xf32> to vector<10000x8xf32>
    %add3A_19 = arith.addf %get3A_13, %get3A_18 : vector<10000x8xf32>
    %add3A_20 = arith.constant 1.000000e-16 : f32
    %add3A_21 = vector.broadcast %add3A_20 : f32 to vector<10000x8xf32>
    %add3A_22 = arith.addf %add3A_19, %add3A_21 : vector<10000x8xf32>
    %div3A = arith.constant 1.000000e+00 : f32
    %div3A_23 = vector.broadcast %div3A : f32 to vector<10000x8xf32>
    %div3A_24 = arith.divf %div3A_23, %add3A_22 : vector<10000x8xf32>
    %get3A_25 = arith.constant 0 : index
    %get3A_26 = arith.constant 0 : index
    %get3A_27 = vector.load %arg3[%get3A_25, %get3A_26] : memref<8x128xf32, #tpu.memory_space<vmem>>, vector<8x128xf32>
    %dot_general3A = arith.constant dense<0.000000e+00> : vector<10000x128xf32>
    %dot_general3A_28 = tpu.matmul %div3A_24, %get3A_27, %dot_general3A {dimension_numbers = #tpu.dot_dimension_numbers<[1], [0], [0], [1], [0, 0, 1, 1], [], []>, transpose_lhs_hint = false} : vector<10000x8xf32>, vector<8x128xf32>, vector<10000x128xf32> -> vector<10000x128xf32>
    %mul3A = arith.mulf %add3A, %dot_general3A_28 : vector<10000x128xf32>
    %get3A_29 = arith.constant 0 : index
    %get3A_30 = arith.constant 0 : index
    %get3A_31 = vector.load %arg4[%get3A_29, %get3A_30] : memref<128x128xf32, #tpu.memory_space<vmem>>, vector<128x128xf32>
    %dot_general3A_32 = arith.constant dense<0.000000e+00> : vector<10000x128xf32>
    %dot_general3A_33 = tpu.matmul %mul3A, %get3A_31, %dot_general3A_32 {dimension_numbers = #tpu.dot_dimension_numbers<[1], [0], [0], [1], [0, 0, 1, 1], [], []>, transpose_lhs_hint = false} : vector<10000x128xf32>, vector<128x128xf32>, vector<10000x128xf32> -> vector<10000x128xf32>
    %get3A_34 = arith.constant 0 : index
    %get3A_35 = arith.constant 0 : index
    %get3A_36 = vector.load %arg5[%get3A_34, %get3A_35] : memref<1x128xf32, #tpu.memory_space<vmem>>, vector<1x128xf32>
    %add3A_37 = vector.broadcast %get3A_36 : vector<1x128xf32> to vector<10000x128xf32>
    %add3A_38 = arith.addf %dot_general3A_33, %add3A_37 : vector<10000x128xf32>
    %get3A_39 = arith.constant 0 : index
    %get3A_40 = arith.constant 0 : index
    %get3A_41 = vector.load %arg2[%get3A_39, %get3A_40] : memref<10000x128xf32, #tpu.memory_space<vmem>>, vector<10000x128xf32>
    %add3A_42 = arith.addf %add3A_38, %get3A_41 : vector<10000x128xf32>
    %reduce_sum3A = arith.constant dense<0.000000e+00> : vector<128xf32>
    %reduce_sum3A_43 = vector.multi_reduction <add>, %add3A_42, %reduce_sum3A [0] : vector<10000x128xf32> to vector<128xf32>
    %broadcast_in_dim3A = vector.shape_cast %reduce_sum3A_43 : vector<128xf32> to vector<1x128xf32>
    %div3A_44 = arith.constant 1.000000e+04 : f32
    %div3A_45 = vector.broadcast %div3A_44 : f32 to vector<1x128xf32>
    %div3A_46 = arith.divf %broadcast_in_dim3A, %div3A_45 : vector<1x128xf32>
    %sub3A = vector.broadcast %div3A_46 : vector<1x128xf32> to vector<10000x128xf32>
    %sub3A_47 = arith.subf %add3A_42, %sub3A : vector<10000x128xf32>
    %integer_pow3A = arith.mulf %sub3A_47, %sub3A_47 : vector<10000x128xf32>
    %reduce_sum3A_48 = arith.constant dense<0.000000e+00> : vector<128xf32>
    %reduce_sum3A_49 = vector.multi_reduction <add>, %integer_pow3A, %reduce_sum3A_48 [0] : vector<10000x128xf32> to vector<128xf32>
    %broadcast_in_dim3A_50 = vector.shape_cast %reduce_sum3A_49 : vector<128xf32> to vector<1x128xf32>
    %div3A_51 = arith.constant 1.000000e+04 : f32
    %div3A_52 = vector.broadcast %div3A_51 : f32 to vector<1x128xf32>
    %div3A_53 = arith.divf %broadcast_in_dim3A_50, %div3A_52 : vector<1x128xf32>
    %sub3A_54 = vector.broadcast %div3A_46 : vector<1x128xf32> to vector<10000x128xf32>
    %sub3A_55 = arith.subf %add3A_42, %sub3A_54 : vector<10000x128xf32>
    %add3A_56 = arith.constant 9.99999974E-6 : f32
    %add3A_57 = vector.broadcast %add3A_56 : f32 to vector<1x128xf32>
    %add3A_58 = arith.addf %div3A_53, %add3A_57 : vector<1x128xf32>
    %rsqrt3A = math.rsqrt %add3A_58 : vector<1x128xf32>
    %mul3A_59 = vector.broadcast %rsqrt3A : vector<1x128xf32> to vector<10000x128xf32>
    %mul3A_60 = arith.mulf %sub3A_55, %mul3A_59 : vector<10000x128xf32>
    %get3A_61 = arith.constant 0 : index
    %get3A_62 = arith.constant 0 : index
    %get3A_63 = vector.load %arg6[%get3A_61, %get3A_62] : memref<1x128xf32, #tpu.memory_space<vmem>>, vector<1x128xf32>
    %mul3A_64 = vector.broadcast %get3A_63 : vector<1x128xf32> to vector<10000x128xf32>
    %mul3A_65 = arith.mulf %mul3A_60, %mul3A_64 : vector<10000x128xf32>
    %get3A_66 = arith.constant 0 : index
    %get3A_67 = arith.constant 0 : index
    %get3A_68 = vector.load %arg7[%get3A_66, %get3A_67] : memref<1x128xf32, #tpu.memory_space<vmem>>, vector<1x128xf32>
    %add3A_69 = vector.broadcast %get3A_68 : vector<1x128xf32> to vector<10000x128xf32>
    %add3A_70 = arith.addf %mul3A_65, %add3A_69 : vector<10000x128xf32>
    %get3A_71 = arith.constant 0 : index
    %get3A_72 = arith.constant 0 : index
    %get3A_73 = vector.load %arg8[%get3A_71, %get3A_72] : memref<128x256xf32, #tpu.memory_space<vmem>>, vector<128x256xf32>
    %dot_general3A_74 = arith.constant dense<0.000000e+00> : vector<10000x256xf32>
    %dot_general3A_75 = tpu.matmul %add3A_70, %get3A_73, %dot_general3A_74 {dimension_numbers = #tpu.dot_dimension_numbers<[1], [0], [0], [1], [0, 0, 1, 1], [], []>, transpose_lhs_hint = false} : vector<10000x128xf32>, vector<128x256xf32>, vector<10000x256xf32> -> vector<10000x256xf32>
    %get3A_76 = arith.constant 0 : index
    %get3A_77 = arith.constant 0 : index
    %get3A_78 = vector.load %arg9[%get3A_76, %get3A_77] : memref<1x256xf32, #tpu.memory_space<vmem>>, vector<1x256xf32>
    %add3A_79 = vector.broadcast %get3A_78 : vector<1x256xf32> to vector<10000x256xf32>
    %add3A_80 = arith.addf %dot_general3A_75, %add3A_79 : vector<10000x256xf32>
    %max3A = arith.constant 0.000000e+00 : f32
    %max3A_81 = vector.broadcast %max3A : f32 to vector<10000x256xf32>
    %max3A_82 = arith.maximumf %add3A_80, %max3A_81 : vector<10000x256xf32>
    %get3A_83 = arith.constant 0 : index
    %get3A_84 = arith.constant 0 : index
    %get3A_85 = vector.load %arg10[%get3A_83, %get3A_84] : memref<256x128xf32, #tpu.memory_space<vmem>>, vector<256x128xf32>
    %dot_general3A_86 = arith.constant dense<0.000000e+00> : vector<10000x128xf32>
    %dot_general3A_87 = tpu.matmul %max3A_82, %get3A_85, %dot_general3A_86 {dimension_numbers = #tpu.dot_dimension_numbers<[1], [0], [0], [1], [0, 0, 1, 1], [], []>, transpose_lhs_hint = false} : vector<10000x256xf32>, vector<256x128xf32>, vector<10000x128xf32> -> vector<10000x128xf32>
    %get3A_88 = arith.constant 0 : index
    %get3A_89 = arith.constant 0 : index
    %get3A_90 = vector.load %arg11[%get3A_88, %get3A_89] : memref<1x128xf32, #tpu.memory_space<vmem>>, vector<1x128xf32>
    %add3A_91 = vector.broadcast %get3A_90 : vector<1x128xf32> to vector<10000x128xf32>
    %add3A_92 = arith.addf %dot_general3A_87, %add3A_91 : vector<10000x128xf32>
    %add3A_93 = arith.addf %add3A_42, %add3A_92 : vector<10000x128xf32>
    %swap3A = arith.constant 0 : index
    %swap3A_94 = arith.constant 0 : index
    %swap3A_95 = vector.load %arg12[%swap3A, %swap3A_94] : memref<10000x128xf32, #tpu.memory_space<vmem>>, vector<10000x128xf32>
    tpu.vector_store %arg12[%swap3A, %swap3A_94], %add3A_93 {strides = array<i32>} : memref<10000x128xf32, #tpu.memory_space<vmem>>, vector<10000x128xf32>,
    return
  }
}

</mosaic_0001>

<sc_bundles>
// kernel: kernel.5.cloned.1.call-start
scs
__scs_entry_jumppad:
0x0: {  	(pc) =	sbr.rel $0x88, $3  }
0x1: {  	(tag) =	ssettag $0x0;
	lr =	simm.s32 $0x1  }
0x2: {  	[smem:$0x3F92] =	sst lr;
	_ =	strace $0xD0000000  }
0x3: {  	_ = 	snop  }
0x4: {  	_ = 	snop  }
0x5: {  	_ = 	snop  }
0x6: {  	_ = 	snop  }
0x7: {  	_ = 	snop  }
__scs_overlays_trampoline_lowered:
0x8: {  	[smem:$0x3FA1] =	sst s0  }
0x9: {  	[smem:$0x3FA2] =	sst s1  }
0xa: {  	[smem:$0x3FA3] =	sst s2  }
0xb: {  	[smem:$0x3FA4] =	sst s3  }
0xc: {  	[smem:$0x3FA5] =	sst s4  }
0xd: {  	[smem:$0x3FA6] =	sst s5  }
0xe: {  	[smem:$0x3FA7] =	sst s6  }
0xf: {  	[smem:$0x3FA8] =	sst s7  }
0x10: {  	[smem:$0x3FA9] =	sst s8  }
0x11: {  	[smem:$0x3FAA] =	sst s9;
	s0 =	simm.s32 @!p0 $0x0  }
0x12: {  	s1 =	sld [smem:$0x3F90];
	s0 =	simm.s32 @p0 $0x1  }
0x13: {  	[smem:$0x3FAB] =	sst s0;
	s0 =	simm.s32 @!p1 $0x0  }
0x14: {  	s2 =	sld [smem:$0x3F8F];
	s0 =	simm.s32 @p1 $0x1  }
0x15: {  	[smem:$0x3FAC] =	sst s0;
	s0 =	simm.s32 @!p2 $0x0  }
0x16: {  	s3 =	sld [smem:$0x3FDB];
	s0 =	simm.s32 @p2 $0x1  }
0x17: {  	s4 =	simm.s32 $0x1BF5;
	[smem:$0x3FAE] =	sst s0  }
0x18: {  	s0 =	sld [smem:$0x3F91];
	_ =	swait.ge [sflag:s4], $0x0  }
0x19: {  	s7 =	sld [smem:$0x3F92]  }
0x1a: {  	s8 =	sadd.s32 $0xFFFFE003, lr  }
0x1b: {  	s9 =	sadd.s32 $0xFFFFFEF7, lr;
	s5 =	simm.s32 $0xFFFFFFFF;
	p2 =	slt.u32 s8, $0xFFFFF086  }
0x1c: {  	p1 =	slt.u32 s9, $0xF7A;
	s5 =	simm.s32 @!p2 $0x0  }
0x1d: {  	s5 =	simm.s32 @p1 $0x1;
	p0 =	seq.s32 s7, s2  }
0x1e: {  	s7 =	smul.u32 @!p0 $0xF7A, s2;
	p2 =	seq.s32 @!p0 s5, $0x0  }
0x1f: {  	s9 =	smul.u32 $0xF7A, s1;
	s8 =	simm.s32 @!p0 $0x1BF5;
	p2 =	por !p2, p0  }
0x20: {  	[sflag:s8] =	ssyncset.s32 @!p0 $0xFFFFF086;
	s6 =	sadd.s32 @!p0 s3, s7;
	s7 =	simm.s32 @!p0 $0x108  }
0x21: {  	s3 =	sadd.s32 s3, s9;
	s6 =	sadd.s32 @!p0 $0x88, s6;
	s7 =	simm.s32 @p2 $0x1082  }
0x22: {  	[simem:s7], [sflag:s8] =	dma.local @!p0 [hbm:s6], $0xF7A  }
0x23: {  	s9 =	sor.u32 $0xD0000000, s2;
	s6 =	simm.s32 $0x108;
	_ =	swait.ge @!p0 [sflag:s8], $0x0  }
0x24: {  	s3 =	sadd.s32 $0x88, s3;
	s6 =	simm.s32 @!p1 $0x1082;
	[sflag:s4] =	ssyncset.s32 $0xFFFFF086  }
0x25: {  	[simem:s6], [sflag:s4] =	dma.local [hbm:s3], $0xF7A  }
0x26: {  	[smem:$0x3F92] =	sst s1;
	(tag) =	ssettag s2;
	_ =	strace s9  }
0x27: {  	s1 =	sld [smem:$0x3FA2]  }
0x28: {  	s2 =	sld [smem:$0x3FA3]  }
0x29: {  	s4 =	sld [smem:$0x3FA5]  }
0x2a: {  	p0 =	seq.s32 s5, $0x0;
	s5 =	sld [smem:$0x3FA6]  }
0x2b: {  	s6 =	sld [smem:$0x3FA7]  }
0x2c: {  	s7 =	sld [smem:$0x3FA8]  }
0x2d: {  	s3 =	simm.s32 $0x108;
	s8 =	sld [smem:$0x3FA9]  }
0x2e: {  	s3 =	simm.s32 @!p0 $0x1082;
	s9 =	sld [smem:$0x3FAA]  }
0x2f: {  	lr =	sadd.s32 s0, s3;
	s0 =	sld [smem:$0x3FA1]  }
0x30: {  	s3 =	sld [smem:$0x3FA4]  }
0x31: {  	[smem:$0x3FAD] =	sst s10  }
0x32: {  	s10 =	sld [smem:$0x3FAB];
	_ =	sdelay $0x3  }
0x33: {  	p0 =	seq.s32 s10, $0x1;
	s10 =	sld [smem:$0x3FAD];
	_ =	sdelay $0x3  }
0x34: {  	[smem:$0x3FAD] =	sst s10  }
0x35: {  	s10 =	sld [smem:$0x3FAC];
	_ =	sdelay $0x3  }
0x36: {  	p1 =	seq.s32 s10, $0x1;
	s10 =	sld [smem:$0x3FAD];
	_ =	sdelay $0x3  }
0x37: {  	[smem:$0x3FAD] =	sst s10  }
0x38: {  	s10 =	sld [smem:$0x3FAE]  }
0x39: {  	_ = 	snop;
	(pc) =	sbr.ind lr, $3  }
0x3a: {  	_ = 	snop  }
0x3b: {  	_ = 	snop  }
0x3c: {  	p2 =	seq.s32 s10, $0x1;
	s10 =	sld [smem:$0x3FAD]  }
0x3d: {  	_ =	shalt  }
0x3e: {  	_ =	shalt  }
0x3f: {  	_ =	shalt  }
0x40: {  	_ =	shalt  }
0x41: {  	_ =	shalt  }
0x42: {  	_ =	shalt  }
0x43: {  	_ =	shalt  }
0x44: {  	_ =	shalt  }
0x45: {  	_ =	shalt  }
0x46: {  	_ =	shalt  }
0x47: {  	_ =	shalt  }
0x48: {  	_ =	shalt  }
0x49: {  	_ =	shalt  }
0x4a: {  	_ =	shalt  }
0x4b: {  	_ =	shalt  }
0x4c: {  	_ =	shalt  }
0x4d: {  	_ =	shalt  }
0x4e: {  	_ =	shalt  }
0x4f: {  	_ =	shalt  }
0x50: {  	_ =	shalt  }
0x51: {  	_ =	shalt  }
0x52: {  	_ =	shalt  }
0x53: {  	_ =	shalt  }
0x54: {  	_ =	shalt  }
0x55: {  	_ =	shalt  }
0x56: {  	_ =	shalt  }
0x57: {  	_ =	shalt  }
0x58: {  	_ =	shalt  }
0x59: {  	_ =	shalt  }
0x5a: {  	_ =	shalt  }
0x5b: {  	_ =	shalt  }
0x5c: {  	_ =	shalt  }
0x5d: {  	_ =	shalt  }
0x5e: {  	_ =	shalt  }
0x5f: {  	_ =	shalt  }
0x60: {  	_ =	shalt  }
0x61: {  	_ =	shalt  }
0x62: {  	_ =	shalt  }
0x63: {  	_ =	shalt  }
0x64: {  	_ =	shalt  }
0x65: {  	_ =	shalt  }
0x66: {  	_ =	shalt  }
0x67: {  	_ =	shalt  }
0x68: {  	_ =	shalt  }
0x69: {  	_ =	shalt  }
0x6a: {  	_ =	shalt  }
0x6b: {  	_ =	shalt  }
0x6c: {  	_ =	shalt  }
0x6d: {  	_ =	shalt  }
0x6e: {  	_ =	shalt  }
0x6f: {  	_ =	shalt  }
0x70: {  	_ =	shalt  }
0x71: {  	_ =	shalt  }
0x72: {  	_ =	shalt  }
0x73: {  	_ =	shalt  }
0x74: {  	_ =	shalt  }
0x75: {  	_ =	shalt  }
0x76: {  	_ =	shalt  }
0x77: {  	_ =	shalt  }
0x78: {  	_ =	shalt  }
0x79: {  	_ =	shalt  }
0x7a: {  	_ =	shalt  }
0x7b: {  	_ =	shalt  }
0x7c: {  	_ =	shalt  }
0x7d: {  	_ =	shalt  }
0x7e: {  	_ =	shalt  }
0x7f: {  	_ =	shalt  }
0x80: {  	_ =	shalt  }
0x81: {  	_ =	shalt  }
0x82: {  	_ =	shalt  }
0x83: {  	_ =	shalt  }
0x84: {  	_ =	shalt  }
0x85: {  	_ =	shalt  }
0x86: {  	_ =	shalt  }
0x87: {  	_ =	shalt  }
.Lfunc_end0:
.L_simem_size_0:
called_computation_lowered:
.L_overlay_start_0:
0x88: {  	s2 =	sld [smem:$0x3FD9]  }
0x89: {  	s3 =	sld [smem:$0x3FFE];
	_ =	sdelay $0x1  }
0x8a: {  	s1 =	srdreg.scid  }
0x8b: {  	s0 =	sand.u32 $0x1, s1  }
0x8c: {  	s17 =	sshll.u32 s0, $0xA;
	s2 =	sadd.s32 s3, s2  }
0x8d: {  	s2 =	sadd.s32 s2, s17  }
0x8e: {  	[smem:$0x3FB9] =	sst s2  }
0x8f: {  	_ = 	snop  }
0x90: {  	s2 =	sld [smem:$0x3FD0];
	(tm) =	ssettm $0x1  }
0x91: {  	s18 =	sld [smem:$0x3FFB];
	_ =	sdelay $0x3  }
0x92: {  	_ =	strace s18  }
0x93: {  	s3 =	sld [smem:$0x3FFC];
	_ =	sdelay $0x3  }
0x94: {  	_ =	strace s3  }
0x95: {  	s3 =	sld [smem:$0x3FFD];
	_ =	sdelay $0x3  }
0x96: {  	_ =	strace s3  }
0x97: {  	_ =	strace $0x8FFFFFFF  }
0x98: {  	s19 =	sld [smem:$0x3FDB];
	_ =	sdelay $0x1  }
0x99: {  	s4 =	simm.s32 $_scs_section_size  }
0x9a: {  	s5 =	simm.s32 $_size__tile_overlayer_lowered;
	s6 =	simm.s32 $_tile_overlayer_lowered  }
0x9b: {  	s22 =	simm.s32 $0x1BFF;
	s21 =	sshll.u32 s6, $0x1;
	s3 =	sadd.s32 s4, s19  }
0x9c: {  	s7 =	simm.s32 $0x0;
	s20 =	sshll.u32 s5, $0x1;
	s5 =	sadd.s32 s21, s3  }
0x9d: {  	[timem:s7], [sflag:s22] =	dma.local [hbm:s5], s20  }
0x9e: {  	_ =	swait.ge [sflag:s22], s20  }
0x9f: {  	s4 =	ssub.s32 $0x0, s20;
	[sflag:s22] =	ssyncset.done $0x0  }
0xa0: {  	[sflag:s22] =	ssyncadd.s32 s4;
	_ =	sdelay $0x1  }
0xa1: {  	s23 =	simm.s32 $0x1B8B  }
0xa2: {  	_ =	swait.ge [sflag:s23], $0x1  }
0xa3: {  	[sflag:s23] =	ssyncset.done $0x0  }
0xa4: {  	s25 =	simm.s32 $0x1B8E;
	s24 =	sld [smem:$0x3FFE];
	[sflag:s23] =	ssyncadd.s32 $0xFFFFFFFF  }
0xa5: {  	s26 =	simm.s32 $execute0_lowered;
	[smem:$0x3FD2] =	sst s25  }
0xa6: {  	s5 =	sshll.u32 s26, $0x1;
	_ =	strace $0x80000046;
	[dreg:$0x1] =	wrdreg $0xFFFFFFFF  }
0xa7: {  	s28 =	simm.s32 $_size_execute0_lowered;
	s3 =	sadd.s32 s3, s5;
	[dreg:$0x0] =	wrdreg $0x0  }
0xa8: {  	s5 =	sshll.u32 s28, $0x1;
	[dreg:$0x2] =	wrdreg s3  }
0xa9: {  	[dreg:$0x3] =	wrdreg s5  }
0xaa: {  	[dreg:$0x4] =	wrdreg $0xC0  }
0xab: {  	_ =	task [dreg:s7], $0x5FFFF  }
0xac: {  	[dreg:$0x1] =	wrdreg $0xFFFFFFFF  }
0xad: {  	[dreg:$0x0] =	wrdreg $0x60  }
0xae: {  	[dreg:$0x2] =	wrdreg s2  }
0xaf: {  	[dreg:$0x3] =	wrdreg s24  }
0xb0: {  	[dreg:$0x4] =	wrdreg $0xA4000  }
0xb1: {  	[dreg:$0x5] =	wrdreg $0x9  }
0xb2: {  	_ =	task.clear_ibuf [dreg:s7], $0x6FFFF;
	_ =	strace $0x90000046  }
0xb3: {  	s29 =	simm.s32 $0x9;
	_ =	strace $0x80000048  }
0xb4: {  	_ =	swait.ge [sflag:s29], $0x1  }
0xb5: {  	[sflag:s29] =	ssyncadd.s32 $0xFFFFFFFF  }
0xb6: {  	_ =	strace $0x90000048  }
0xb7: {  	_ =	sfence  }
0xb8: {  	s30 =	sld [smem:$0x0];
	_ =	sdelay $0x2  }
0xb9: {  	s31 =	sshll.u32 s1, $0xD;
	s1 =	sshrl.u32 s1, $0x2  }
0xba: {  	s3 =	sand.u32 $0x4000, s31;
	s1 =	sadd.s32 s1, s30  }
0xbb: {  	s0 =	sor.u32 s3, s0;
	s1 =	sshll.u32 s1, $0x11  }
0xbc: {  	s0 =	sor.u32 s1, s0  }
0xbd: {  	s0 =	sadd.s32 $0x8F2B, s0  }
0xbe: {  	[sflag:s0] =	ssyncadd.remote.s32 $0x1  }
0xbf: {  	_ =	sfence.sel $0xFFFF  }
0xc0: {  	[dreg:$0x0] =	wrdreg $0xFFFFFFFF;
	(pc) =	sbr.abs _section_cstart, $3  }
0xc1: {  	[dreg:$0x1] =	wrdreg $0xFFFFFFFF  }
0xc2: {  	_ =	task.clear_ibuf [dreg:s7], $0x2FFFF;
	_ =	strace $0x9FFFFFFF  }
0xc3: {  	(tm) =	ssettm $0x7FFFFFFF  }
tec
execute0_lowered:
.L_overlay_start_1:
0x0: {  	(tag) =	ssettag $0x1  }
0x1: {  	s1 =	rddreg [dreg:$0x0]  }
0x2: {  	s0 =	rddreg [dreg:$0x1]  }
0x3: {  	s2 =	rddreg [dreg:$0x2]  }
0x4: {  	s3 =	simm.s32 $0x0;
	s8 =	srdreg.scid;
	s15 =	stileid.u32  }
0x5: {  	s28 =	simm.s32 $0x200;
	s30 =	simm.s32 $0x1;
	s31 =	simm.s32 $0x20  }
0x6: {  	s29 =	simm.s32 $0x2;
	[smem:$0x7FF] =	sst s3;
	s4 =	sadd.s32 $0x20000, s0  }
0x7: {  	s5 =	sadd.s32 $0x47200, s0;
	s6 =	sadd.s32 $0x16200, s0;
	s7 =	sadd.s32 $0xC400, s0  }
0x8: {  	s8 =	sand.u32 $0x1, s8;
	s9 =	sadd.s32 $0x2600, s0;
	s12 =	smul.u32 $0x54000, s15  }
0x9: {  	v0 =	vimm.s32 $0x76543210;
	v1 =	vimm.s32 $0xBA98FEDC;
	s14 =	sadd.s32 $0x6E400, s0;
	s18 =	sshll.u32 s15, $0x6;
	s25 =	smul.u32 $0x2A00, s15  }
0xa: {  	v2 =	vimm.s32 $0x32107654;
	_ =	strace $0x80000047;
	[dreg:$0x4] =	wrdreg s14;
	s10 =	smul.u32 $0x2A000, s8  }
0xb: {  	v3 =	vimm.s32 $0xFEDCBA98;
	v4 =	vimm.s32 $0x54761032;
	vm0 =	vcmask $0x300;
	s11 =	sshll.u32 s8, $0x4;
	s8 =	ssub.s32 $0x2, s8;
	s14 =	simm.s32 $0x4  }
0xc: {  	v11 =	vimm.f32 $0.0e+00;
	v1 =	vunpack.c.l.s4.s8 v1;
	v2 =	vunpack.c.l.s4.s8 v2;
	s11 =	sor.u32 s15, s11;
	s16 =	sshrl.u32 s8, $0x1;
	s17 =	sshrl.u32 s12, $0x2  }
0xd: {  	vm9 =	vcmask $0x704;
	vm10 =	vcmask $0xB08;
	v3 =	vunpack.c.l.s4.s8 v3;
	s15 =	simm.s32 $0xA380;
	s0 =	sadd.s32 s10, s0;
	s11 =	smul.u32 $0x2780, s11  }
0xe: {  	v0 =	vunpack.c.l.s4.s8 v0;
	v1 =	vunpack.c.0.s8.s32 v1;
	v2 =	vunpack.c.0.s8.s32 v2;
	s8 =	ssub.s32 s8, s16;
	s10 =	sadd.s32 s17, s2;
	s17 =	sor.u32 $0x1C07, s18  }
0xf: {  	vm11 =	vcmask $0xF0C;
	vm12 =	vcmask $0x1310;
	v3 =	vunpack.c.0.s8.s32 v3;
	s16 =	simm.s32 $0x8300;
	s0 =	sadd.s32 $0x70E00, s0;
	s26 =	smax.u32 s8, $0x1  }
0x10: {  	v0 =	vunpack.c.0.s8.s32 v0;
	v1 =	vcombine.low v2, v1;
	v2 =	vimm.s32 $0xDCFE98BA;
	s8 =	simm.s32 $0x4300;
	[dreg:$0x5] =	wrdreg s17;
	s19 =	sshrl.u32 s11, $0x3  }
0x11: {  	v4 =	vunpack.c.l.s4.s8 v4;
	v3 =	vand.u32 $0xF, v3;
	v2 =	vunpack.c.l.s4.s8 v2;
	s18 =	sor.u32 $0x40, s11;
	[dreg:$0xc] =	wrdreg s26;
	s0 =	sadd.s32 s25, s0  }
0x12: {  	v34 =	vsel vm0, $0x3F800000, v11;
	v35 =	vsel vm9, $0x3F800000, v11;
	v0 =	vcombine.low v3, v0;
	s26 =	simm.s32 $0x180;
	s13 =	sadd.s32 s6, s19;
	[dreg:$0xe] =	wrdreg s0  }
0x13: {  	v3 =	vimm.s32 $0xEFCDAB89;
	s25 =	simm.s32 $0x5300;
	s20 =	sadd.s32 s7, s19;
	[dreg:$0x6] =	wrdreg s13;
	v5 =	vunpack.c.0.s8.s32 v2;
	v2 =	vimm.s32 $0x67452301  }
0x14: {  	[tilespmem:$0x1FF90] =	vst v34;
	v6 =	vunpack.c.0.s8.s32 v4;
	s21 =	sor.u32 $0x4, s19;
	s12 =	sadd.s32 s9, s19;
	v3 =	vunpack.c.l.s4.s8 v3;
	[dreg:$0x7] =	wrdreg s20;
	v4 =	vunpack.c.l.s4.s8 v2  }
0x15: {  	vm13 =	vcmask $0x1714;
	vm14 =	vcmask $0x1B18;
	v29 =	vsel vm10, $0x3F800000, v11;
	[tilespmem:$0x1FFA0] =	vst v35;
	s19 =	sor.u32 $0x60, s11;
	s0 =	simm.s32 $0x3300;
	[dreg:$0x8] =	wrdreg s12  }
.Ltmp0:
0x16: {  	v30 =	vsel vm11, $0x3F800000, v11;
	[tilespmem:$0x1FFB0] =	vst v29;
	s22 =	sadd.s32 s6, s21;
	s23 =	sadd.s32 s7, s21;
	v7 =	vunpack.c.0.s8.s32 v3;
	v8 =	vunpack.c.0.s8.s32 v4;
	(pc) =	sbr.rel .LBB2_1-.Ltmp0, $4  }
0x17: {  	vm15 =	vcmask $0x1F1C;
	v37 =	vlaneseq.u32;
	v31 =	vsel vm12, $0x3F800000, v11;
	[tilespmem:$0x1FFC0] =	vst v30;
	s24 =	sadd.s32 s9, s21;
	s20 =	sshrl.u32 s10, $0x3;
	[dreg:$0x9] =	wrdreg s22  }
0x18: {  	v32 =	vsel vm13, $0x3F800000, v11;
	[tilespmem:$0x1FFD0] =	vst v31;
	s21 =	simm.s32 $0x7;
	s10 =	simm.s32 $0x40;
	[dreg:$0xa] =	wrdreg s23;
	v9 =	vcombine.low v6, v5;
	v10 =	vcombine.low v8, v7  }
0x19: {  	v13 =	vimm.s32 $0x0;
	v33 =	vsel vm14, $0x3F800000, v11;
	v36 =	vsel vm15, $0x3F800000, v11;
	[tilespmem:$0x1FFE0] =	vst v32;
	s12 =	simm.s32 $0xA300;
	s13 =	simm.s32 $0x6300;
	[dreg:$0xb] =	wrdreg s24  }
0x1a: {  	[tilespmem:$0x1FFF0] =	vst v36;
	v1 =	vand.u32 $0xF, v1;
	s23 =	simm.s32 $0x3;
	s24 =	simm.s32 $0x0;
	[dreg:$0xd] =	wrdreg s20;
	v7 =	vand.u32 $0xF, v9;
	v9 =	vand.u32 $0xF, v10  }
.LBB2_8:
0x1b: {  	s3 =	simm.s32 $0x5  }
0x1c: {  	_ =	swait.ge [sflag:s3], $0x2000  }
0x1d: {  	[sflag:s3] =	ssyncset.done $0x0  }
0x1e: {  	s20 =	simm.s32 $0x6;
	[sflag:s3] =	ssyncadd.s32 $0xFFFFE000  }
0x1f: {  	_ =	swait.ge [sflag:s20], $0x2000  }
0x20: {  	[sflag:s20] =	ssyncset.done $0x0  }
0x21: {  	[sflag:s20] =	ssyncadd.s32 $0xFFFFE000  }
0x22: {  	[bflag:$0x0] =	sbarrier.arrive $0xFFFF  }
0x23: {  	s17 =	rddreg [dreg:$0x5]  }
0x24: {  	s20 =	rddreg [dreg:$0xd]  }
0x25: {  	s21 =	rddreg [dreg:$0xe]  }
0x26: {  	[hbm:s21], [sflag:s17] =	dma.local [spmem:s20], $0x2A00  }
0x27: {  	s21 =	simm.s32 $0x7  }
0x28: {  	_ =	swait.ge [sflag:s21], $0x2A00  }
0x29: {  	s24 =	sadd.s32 $0x1, s24;
	s22 =	rddreg [dreg:$0xc]  }
0x2a: {  	p0 =	sne.s32 s24, s22  }
.Ltmp1:
0x2b: {  	_ = 	snop;
	(pc) =	sbr.rel @!p0 .LBB2_9-.Ltmp1, $3  }
0x2c: {  	_ =	sdelay $0x1  }
0x2d: {  	[sflag:s21] =	ssyncset.done $0x0  }
0x2e: {  	[sflag:s21] =	ssyncadd.s32 $0xFFFFD600  }
.LBB2_1:
0x2f: {  	s3 =	rddreg [dreg:$0x4]  }
0x30: {  	[spmem:s20], [sflag:s17] =	dma.local [hbm:s3], $0x2A00  }
0x31: {  	_ =	swait.ge [sflag:s21], $0x2A00  }
0x32: {  	[sflag:s21] =	ssyncset.done $0x0  }
0x33: {  	[sflag:s21] =	ssyncadd.s32 $0xFFFFD600  }
0x34: {  	[bflag:$0x0] =	sbarrier.arrive $0xFFFF  }
0x35: {  	s3 =	simm.s32 $0x0;
	s11 =	rddreg [dreg:$0x6]  }
0x36: {  	[tilespmem:s3], [sflag:$0x1] =	stream.linear.gather [hbm4b:s11+s3], $0x20, $0x38;
	[tilespmem:$0x1F400] =	vst v63  }
0x37: {  	s17 =	simm.s32 $0x80;
	s22 =	rddreg [dreg:$0x7]  }
0x38: {  	[tilespmem:s17], [sflag:$0x1] =	stream.linear.gather [hbm4b:s22+s3], $0x20, $0x38;
	[tilespmem:$0x1F400] =	vst v63  }
0x39: {  	s21 =	simm.s32 $0x100;
	s20 =	rddreg [dreg:$0x8]  }
0x3a: {  	[tilespmem:s21], [sflag:$0x1] =	stream.linear.gather [hbm4b:s20+s3], $0x20, $0x38;
	[tilespmem:$0x1F400] =	vst v63  }
0x3b: {  	s22 =	rddreg [dreg:$0x9]  }
0x3c: {  	[tilespmem:s26], [sflag:$0x2] =	stream.linear.gather [hbm4b:s22+s3], $0x20, $0x38;
	[tilespmem:$0x1F400] =	vst v63  }
0x3d: {  	s20 =	rddreg [dreg:$0xa]  }
0x3e: {  	[tilespmem:s28], [sflag:$0x2] =	stream.linear.gather [hbm4b:s20+s3], $0x20, $0x38;
	[tilespmem:$0x1F400] =	vst v63  }
0x3f: {  	s21 =	rddreg [dreg:$0xb];
	s22 =	simm.s32 $0x280  }
0x40: {  	[tilespmem:s22], [sflag:$0x2] =	stream.linear.gather [hbm4b:s21+s3], $0x20, $0x38;
	[tilespmem:$0x1F400] =	vst v63  }
0x41: {  	_ =	swait.ge [sflag:s30], $0x20  }
0x42: {  	[sflag:s30] =	ssyncset.done $0x0  }
0x43: {  	[sflag:s30] =	ssyncadd.s32 $0xFFFFFFE0  }
0x44: {  	_ =	swait.ge [sflag:s30], $0x20  }
0x45: {  	[sflag:s30] =	ssyncset.done $0x0  }
0x46: {  	[sflag:s30] =	ssyncadd.s32 $0xFFFFFFE0  }
0x47: {  	_ =	swait.ge [sflag:s30], $0x20  }
0x48: {  	[sflag:s30] =	ssyncset.done $0x0  }
0x49: {  	s20 =	simm.s32 $0x300;
	[sflag:s30] =	ssyncadd.s32 $0xFFFFFFE0  }
0x4a: {  	[tilespmem:s20], [sflag:$0x3] =	stream.indirect.gather [hbm4b:s1+s31], $0x80, s3, s31, $0xb8;
	[tilespmem:$0x1F400] =	vst v63  }
0x4b: {  	s21 =	simm.s32 $0x1300  }
0x4c: {  	[tilespmem:s21], [sflag:$0x3] =	stream.indirect.gather [hbm4b:s4+s31], $0x80, s17, s31, $0xb8;
	[tilespmem:$0x1F400] =	vst v63  }
0x4d: {  	s22 =	simm.s32 $0x2300  }
0x4e: {  	[tilespmem:s22], [sflag:$0x3] =	stream.indirect.gather [hbm4b:s5+s31], $0x80, s3, s31, $0xb8;
	[tilespmem:$0x1F400] =	vst v63  }
0x4f: {  	_ =	swait.ge [sflag:s29], $0x20  }
0x50: {  	[sflag:s29] =	ssyncset.done $0x0  }
0x51: {  	[sflag:s29] =	ssyncadd.s32 $0xFFFFFFE0  }
0x52: {  	_ =	swait.ge [sflag:s29], $0x20  }
0x53: {  	[sflag:s29] =	ssyncset.done $0x0  }
0x54: {  	[sflag:s29] =	ssyncadd.s32 $0xFFFFFFE0  }
0x55: {  	_ =	swait.ge [sflag:s29], $0x20  }
0x56: {  	[sflag:s29] =	ssyncset.done $0x0  }
0x57: {  	[sflag:s29] =	ssyncadd.s32 $0xFFFFFFE0  }
0x58: {  	[tilespmem:s0], [sflag:$0x4] =	stream.indirect.gather [hbm4b:s1+s31], $0x80, s26, s31, $0xb8;
	[tilespmem:$0x1F400] =	vst v63  }
0x59: {  	_ = 	snop  }
0x5a: {  	[tilespmem:s8], [sflag:$0x4] =	stream.indirect.gather [hbm4b:s4+s31], $0x80, s28, s31, $0xb8;
	[tilespmem:$0x1F400] =	vst v63  }
0x5b: {  	s17 =	simm.s32 $0x0  }
0x5c: {  	[tilespmem:s25], [sflag:$0x4] =	stream.indirect.gather [hbm4b:s5+s31], $0x80, s26, s31, $0xb8;
	[tilespmem:$0x1F400] =	vst v63  }
.LBB2_2:
0x5d: {  	_ =	swait.ge [sflag:s23], $0x1000  }
0x5e: {  	[sflag:s23] =	ssyncset.done $0x0  }
0x5f: {  	[sflag:s23] =	ssyncadd.s32 $0xFFFFF000  }
0x60: {  	_ =	swait.ge [sflag:s23], $0x1000  }
0x61: {  	[sflag:s23] =	ssyncset.done $0x0  }
0x62: {  	[sflag:s23] =	ssyncadd.s32 $0xFFFFF000  }
0x63: {  	_ =	swait.ge [sflag:s23], $0x1000  }
0x64: {  	p1 =	seq.s32 s17, $0x0;
	[sflag:s23] =	ssyncset.done $0x0  }
0x65: {  	s11 =	simm.s32 @!p1 $0x5;
	[sflag:s23] =	ssyncadd.s32 $0xFFFFF000  }
0x66: {  	_ =	swait.ge @!p1 [sflag:s11], $0x2000  }
0x67: {  	[sflag:s11] =	ssyncset.done @!p1 $0x0  }
0x68: {  	[sflag:s11] =	ssyncadd.s32 @!p1 $0xFFFFE000  }
0x69: {  	v14 =	vld [tilespmem:$0x80]  }
0x6a: {  	v15 =	vld [tilespmem:$0x100]  }
0x6b: {  	v16 =	vld [tilespmem:$0x90]  }
0x6c: {  	v17 =	vld [tilespmem:$0x110];
	_ =	sdelay $0x1  }
0x6d: {  	s20 =	sshll.u32 s17, $0x6;
	p0 =	seq.s32 s17, $0x9D;
	[tilespmem:$0xA300] =	vst v14  }
0x6e: {  	s11 =	sadd.s32 @!p0 s20, s18;
	[tilespmem:$0xA320] =	vst v15  }
0x6f: {  	s11 =	sshrl.u32 @!p0 s11, $0x3;
	[tilespmem:$0xA310] =	vst v16  }
0x70: {  	s22 =	simm.s32 @!p0 $0x0;
	s21 =	sadd.s32 @!p0 s6, s11;
	[tilespmem:$0xA330] =	vst v17  }
0x71: {  	[tilespmem:s22], [sflag:$0x1] =	stream.linear.gather @!p0 [hbm4b:s21+s22], $0x20, $0x38;
	[tilespmem:$0x1F400] =	vst v63  }
0x72: {  	s3 =	simm.s32 @!p0 $0x80;
	s21 =	sadd.s32 @!p0 s7, s11  }
0x73: {  	[tilespmem:s3], [sflag:$0x1] =	stream.linear.gather @!p0 [hbm4b:s21+s22], $0x20, $0x38;
	[tilespmem:$0x1F400] =	vst v63  }
0x74: {  	s3 =	sadd.s32 @!p0 s9, s11;
	s11 =	simm.s32 @!p0 $0x100  }
0x75: {  	[tilespmem:s11], [sflag:$0x1] =	stream.linear.gather @!p0 [hbm4b:s3+s22], $0x20, $0x38;
	[tilespmem:$0x1F400] =	vst v63  }
0x76: {  	s11 =	simm.s32 $0x0  }
.LBB2_3:
0x77: {  	s21 =	sshll.u32 s11, $0x7  }
0x78: {  	v14 =	vld [tilespmem:s21+$0x300]  }
0x79: {  	v15 =	vld [tilespmem:s21+$0x1300]  }
0x7a: {  	v16 =	vld [tilespmem:s21+$0x310]  }
0x7b: {  	v17 =	vld [tilespmem:s21+$0x1310];
	_ =	sdelay $0x3  }
0x7c: {  	v14 =	vmul.f32 v15, v14  }
0x7d: {  	v15 =	vmul.f32 v17, v16  }
0x7e: {  	v52 =	vperm.xlane v14, v0  }
0x7f: {  	v17 =	vperm.xlane v15, v0  }
0x80: {  	v14 =	vadd.f32 v52, v14  }
0x81: {  	v15 =	vadd.f32 v17, v15  }
0x82: {  	v16 =	vperm.xlane v14, v1  }
0x83: {  	v17 =	vperm.xlane v15, v1  }
0x84: {  	v14 =	vadd.f32 v16, v14  }
0x85: {  	v53 =	vld [tilespmem:s21+$0x320];
	v15 =	vadd.f32 v17, v15  }
0x86: {  	v21 =	vld [tilespmem:s21+$0x340];
	v18 =	vperm.xlane v14, v7  }
0x87: {  	v22 =	vld [tilespmem:s21+$0x1340];
	v19 =	vperm.xlane v15, v7  }
0x88: {  	v54 =	vld [tilespmem:s21+$0x1320];
	v14 =	vadd.f32 v18, v14  }
0x89: {  	v55 =	vld [tilespmem:s21+$0x330];
	v15 =	vadd.f32 v19, v15  }
0x8a: {  	v57 =	vld [tilespmem:s21+$0x1330];
	v56 =	vperm.xlane v14, v9  }
0x8b: {  	v59 =	vld [tilespmem:s21+$0x350];
	v20 =	vperm.xlane v15, v9  }
0x8c: {  	v61 =	vld [tilespmem:s21+$0x360];
	v21 =	vmul.f32 v22, v21;
	v14 =	vadd.f32 v56, v14  }
0x8d: {  	v24 =	vld [tilespmem:s21+$0x1360];
	v15 =	vadd.f32 v20, v15  }
0x8e: {  	v60 =	vld [tilespmem:s21+$0x1350];
	v38 =	vperm.xlane v21, v0;
	v16 =	vmul.f32 v54, v53;
	v14 =	vmax.f32 v14, $-5.000000000e+00  }
0x8f: {  	v17 =	vmul.f32 v57, v55;
	v15 =	vmax.f32 v15, $-5.000000000e+00;
	v14 =	vmin.f32 v14, $5.000000000e+00  }
0x90: {  	v58 =	vperm.xlane v16, v0;
	v15 =	vmin.f32 v15, $5.000000000e+00;
	v14 =	vmul.f32 $1.442695020e+00, v14  }
0x91: {  	v26 =	vld [tilespmem:s21+$0x370];
	v25 =	vperm.xlane v17, v0;
	v15 =	vmul.f32 $1.442695020e+00, v15  }
0x92: {  	v62 =	vld [tilespmem:s21+$0x1370];
	v16 =	vadd.f32 v58, v16;
	v18 =	vmul.f32 v24, v61;
	(erf) = vpow2.f32 v14  }
0x93: {  	v19 =	vmul.f32 v60, v59;
	(erf) = vpow2.f32 v15;
	v15 =	vadd.f32 v25, v17  }
0x94: {  	v23 =	vperm.xlane v16, v1;
	v40 =	vperm.xlane v18, v0  }
0x95: {  	v20 =	vadd.f32 v38, v21;
	v25 =	vperm.xlane v15, v1  }
0x96: {  	v39 =	vperm.xlane v19, v0;
	v18 =	vadd.f32 v40, v18;
	v14 =	vadd.f32 v23, v16  }
0x97: {  	v44 =	vperm.xlane v20, v1;
	v16 =	vmul.f32 v62, v26;
	v15 =	vadd.f32 v25, v15  }
0x98: {  	v47 =	vperm.xlane v18, v1;
	v17 =	vadd.f32 v39, v19;
	v63 =	vperm.xlane v14, v7  }
0x99: {  	v46 =	vadd.f32 v44, v20;
	v42 =	vperm.xlane v16, v0;
	v43 =	vperm.xlane v15, v7  }
0x9a: {  	v18 =	vadd.f32 v47, v18;
	v45 =	vperm.xlane v17, v1;
	v14 =	vadd.f32 v63, v14  }
0x9b: {  	v50 =	vperm.xlane v46, v7;
	v16 =	vadd.f32 v42, v16;
	v15 =	vadd.f32 v43, v15  }
0x9c: {  	v52 =	vperm.xlane v18, v7;
	v17 =	vadd.f32 v45, v17;
	v41 =	vperm.xlane v14, v9  }
0x9d: {  	v19 =	vadd.f32 v50, v46;
	v48 =	vperm.xlane v16, v1;
	v49 =	vperm.xlane v15, v9  }
0x9e: {  	v18 =	vadd.f32 v52, v18;
	v51 =	vperm.xlane v17, v7;
	v14 =	vadd.f32 v41, v14  }
0x9f: {  	v54 =	vperm.xlane v19, v9;
	v16 =	vadd.f32 v48, v16;
	v15 =	vadd.f32 v49, v15  }
0xa0: {  	v59 =	vld [tilespmem:s21+$0x380];
	v56 =	vperm.xlane v18, v9;
	v17 =	vadd.f32 v51, v17;
	v14 =	vmax.f32 v14, $-5.000000000e+00  }
0xa1: {  	v60 =	vld [tilespmem:s21+$0x1380];
	v53 =	vperm.xlane v16, v7;
	v14 =	vmin.f32 v14, $5.000000000e+00;
	v15 =	vmax.f32 v15, $-5.000000000e+00  }
0xa2: {  	v55 =	vperm.xlane v17, v9;
	v14 =	vmul.f32 $1.442695020e+00, v14;
	v15 =	vmin.f32 v15, $5.000000000e+00  }
0xa3: {  	v19 =	vadd.f32 v54, v19;
	v16 =	vadd.f32 v53, v16;
	v15 =	vmul.f32 $1.442695020e+00, v15  }
0xa4: {  	v61 =	vld [tilespmem:s21+$0x390];
	v18 =	vadd.f32 v56, v18;
	(erf) = vpow2.f32 v14;
	v14 =	vadd.f32 v55, v17  }
0xa5: {  	v62 =	vld [tilespmem:s21+$0x1390];
	v57 =	vperm.xlane v16, v9;
	(erf) = vpow2.f32 v15;
	v15 =	vmax.f32 v19, $-5.000000000e+00  }
0xa6: {  	v18 =	vmax.f32 v18, $-5.000000000e+00;
	v17 =	vmul.f32 v60, v59;
	v15 =	vmin.f32 v15, $5.000000000e+00  }
0xa7: {  	v14 =	vmax.f32 v14, $-5.000000000e+00;
	v16 =	vadd.f32 v57, v16;
	v15 =	vmul.f32 $1.442695020e+00, v15  }
0xa8: {  	v18 =	vmin.f32 v18, $5.000000000e+00;
	v43 =	vperm.xlane v17, v0;
	v14 =	vmin.f32 v14, $5.000000000e+00  }
0xa9: {  	v28 =	vld [tilespmem:s21+$0x2370];
	v14 =	vmul.f32 $1.442695020e+00, v14;
	v16 =	vmax.f32 v16, $-5.000000000e+00;
	(erf) = vpow2.f32 v15  }
0xaa: {  	v58 =	vld [tilespmem:s21+$0x2300];
	v16 =	vmin.f32 v16, $5.000000000e+00;
	v15 =	vmul.f32 $1.442695020e+00, v18;
	v18 =	vmul.f32 v62, v61  }
0xab: {  	v38 =	vld [tilespmem:s21+$0x2330];
	(erf) = vpow2.f32 v14;
	v14 =	vmul.f32 $1.442695020e+00, v16  }
0xac: {  	v63 =	vld [tilespmem:s21+$0x2310];
	(erf) = vpow2.f32 v15  }
0xad: {  	v17 =	vadd.f32 v43, v17;
	v15 =	vld [tilespmem:s21+$0x2320];
	v27 =	vperm.xlane v18, v0  }
0xae: {  	v40 =	vld [tilespmem:s21+$0x2340]  }
0xaf: {  	v42 =	vld [tilespmem:s21+$0x2350];
	v24 =	vperm.xlane v17, v1;
	(erf) = vpow2.f32 v14;
	v18 =	vadd.f32 v27, v18;
	v14 =	vpop (erf)  }
0xb0: {  	v45 =	vld [tilespmem:s21+$0x2360];
	v39 =	vmul.f32 v14, v58;
	v14 =	vmul.f32 v34, v14;
	v41 =	vpop (erf)  }
0xb1: {  	v55 =	vld [tilespmem:s21+$0x3A0];
	v53 =	vperm.xlane v18, v1;
	v16 =	vmul.f32 v41, v63;
	v44 =	vpop (erf)  }
0xb2: {  	v57 =	vld [tilespmem:s21+$0x13A0];
	v47 =	vmul.f32 v35, v41;
	v15 =	vmul.f32 v44, v15;
	v46 =	vpop (erf)  }
0xb3: {  	v43 =	vld [tilespmem:s21+$0x3D0];
	v25 =	vmul.f32 v29, v44;
	v18 =	vadd.f32 v53, v18;
	v48 =	vmul.f32 v46, v38;
	v49 =	vpop (erf)  }
0xb4: {  	v62 =	vld [tilespmem:s21+$0x3B0];
	v14 =	vadd.f32 $0.0e+00, v14;
	v19 =	vmul.f32 v30, v46;
	[tilespmem:s21+$0x6320] =	vst v15;
	v15 =	vmul.f32 v49, v40;
	v50 =	vpop (erf)  }
0xb5: {  	v17 =	vadd.f32 v24, v17;
	[tilespmem:s21+$0x6300] =	vst v39;
	v44 =	vld [tilespmem:s21+$0x13D0];
	v58 =	vperm.xlane v18, v7;
	v59 =	vmul.f32 v31, v49;
	v52 =	vpop (erf)  }
0xb6: {  	v38 =	vld [tilespmem:s21+$0x13B0];
	v14 =	vadd.f32 v47, v14;
	v51 =	vmul.f32 v50, v42;
	[tilespmem:s21+$0x6340] =	vst v15;
	v15 =	vmul.f32 v52, v45  }
0xb7: {  	[tilespmem:s21+$0x6310] =	vst v16;
	v61 =	vmul.f32 v32, v50;
	v32 =	vmul.f32 v57, v55  }
0xb8: {  	v40 =	vld [tilespmem:s21+$0x3C0];
	v54 =	vpop (erf);
	v14 =	vadd.f32 v25, v14;
	v20 =	vmul.f32 v33, v52;
	[tilespmem:s21+$0x6360] =	vst v15;
	v15 =	vperm.xlane v17, v7  }
0xb9: {  	[tilespmem:s21+$0x6330] =	vst v48;
	v42 =	vld [tilespmem:s21+$0x13C0];
	v16 =	vadd.f32 v58, v18;
	v56 =	vmul.f32 v54, v28;
	v41 =	vperm.xlane v32, v0  }
0xba: {  	v45 =	vld [tilespmem:s21+$0x3E0];
	[tilespmem:s21+$0x6350] =	vst v51;
	v26 =	vmul.f32 v36, v54;
	v21 =	vmul.f32 v44, v43;
	v15 =	vadd.f32 v15, v17  }
0xbb: {  	s22 =	sand.u32 $0x10, s11;
	s3 =	sand.u32 $0x8, s11;
	v28 =	vld [tilespmem:s21+$0x13E0];
	v14 =	vadd.f32 v19, v14;
	v39 =	vperm.xlane v16, v9;
	v18 =	vmul.f32 v38, v62;
	[tilespmem:s21+$0x6370] =	vst v56  }
0xbc: {  	v27 =	vmov s3;
	v53 =	vperm.xlane v21, v0;
	v60 =	vld [tilespmem:s22+$0xA300];
	v63 =	vperm.xlane v15, v9  }
0xbd: {  	v14 =	vadd.f32 v59, v14;
	v16 =	vadd.f32 v39, v16;
	v46 =	vperm.xlane v18, v0  }
0xbe: {  	v17 =	vadd.f32 v41, v32;
	v19 =	vmul.f32 v42, v40;
	v15 =	vadd.f32 v63, v15  }
0xbf: {  	v14 =	vadd.f32 v61, v14;
	v16 =	vmax.f32 v16, $-5.000000000e+00;
	v48 =	vadd.f32 v46, v18  }
0xc0: {  	v29 =	vld [tilespmem:s21+$0x3F0];
	v23 =	vmul.f32 v28, v45;
	v16 =	vmin.f32 v16, $5.000000000e+00;
	v15 =	vmax.f32 v15, $-5.000000000e+00  }
0xc1: {  	v47 =	vld [tilespmem:s21+$0x13F0];
	v16 =	vmul.f32 $1.442695020e+00, v16;
	v22 =	vperm.xlane v60, v27;
	v15 =	vmin.f32 v15, $5.000000000e+00  }
0xc2: {  	v14 =	vadd.f32 v20, v14;
	v27 =	vperm.xlane v17, v1;
	v15 =	vmul.f32 $1.442695020e+00, v15  }
0xc3: {  	v51 =	vperm.xlane v48, v1;
	v54 =	vperm.xlane v23, v0;
	v20 =	vadd.f32 v53, v21  }
0xc4: {  	(erf) = vpow2.f32 v15;
	v15 =	vadd.f32 v27, v17;
	v27 =	vshll.u32 v22, $0x3  }
0xc5: {  	v56 =	vperm.xlane v20, v1;
	v49 =	vand.u32 $0x8, v27;
	v27 =	vperm.xlane v19, v0  }
0xc6: {  	v23 =	vadd.f32 v54, v23;
	v17 =	vmul.f32 v47, v29;
	(erf) = vpow2.f32 v16  }
0xc7: {  	v16 =	vadd.f32 v51, v48;
	v50 =	vperm.xlane v15, v7;
	v19 =	vadd.f32 v27, v19  }
0xc8: {  	v57 =	vperm.xlane v23, v1;
	v20 =	vadd.f32 v56, v20;
	v55 =	vperm.xlane v17, v0  }
0xc9: {  	v28 =	vperm.xlane v16, v7;
	v15 =	vadd.f32 v50, v15;
	v29 =	vperm.xlane v19, v1  }
0xca: {  	v21 =	vadd.f32 v57, v23;
	v59 =	vperm.xlane v20, v7;
	v17 =	vadd.f32 v55, v17  }
0xcb: {  	v16 =	vadd.f32 v28, v16;
	v27 =	vperm.xlane v15, v9;
	v19 =	vadd.f32 v29, v19  }
0xcc: {  	v60 =	vperm.xlane v21, v7;
	v20 =	vadd.f32 v59, v20;
	v58 =	vperm.xlane v17, v1  }
0xcd: {  	v15 =	vadd.f32 v27, v15;
	v27 =	vperm.xlane v16, v9;
	v28 =	vperm.xlane v19, v7  }
0xce: {  	v18 =	vsub.s32 v37, v49;
	v21 =	vadd.f32 v60, v21;
	v17 =	vadd.f32 v58, v17  }
0xcf: {  	v52 =	vshra.s32 v18, $0x3;
	v16 =	vadd.f32 v27, v16;
	v19 =	vadd.f32 v28, v19  }
0xd0: {  	v62 =	vperm.xlane v20, v9;
	v15 =	vmax.f32 v15, $-5.000000000e+00;
	v61 =	vperm.xlane v17, v7  }
0xd1: {  	v15 =	vmin.f32 v15, $5.000000000e+00;
	v16 =	vmax.f32 v16, $-5.000000000e+00;
	v27 =	vperm.xlane v19, v9  }
0xd2: {  	v15 =	vmul.f32 $1.442695020e+00, v15;
	v17 =	vadd.f32 v61, v17;
	v16 =	vmin.f32 v16, $5.000000000e+00  }
0xd3: {  	v63 =	vperm.xlane v21, v9;
	v16 =	vmul.f32 $1.442695020e+00, v16;
	v19 =	vadd.f32 v27, v19  }
0xd4: {  	(erf) = vpow2.f32 v15;
	v15 =	vadd.f32 v62, v20;
	v25 =	vperm.xlane v17, v9  }
0xd5: {  	v38 =	vadd.f32 v63, v21;
	(erf) = vpow2.f32 v16;
	v32 =	vmax.f32 v19, $-5.000000000e+00  }
0xd6: {  	v15 =	vmax.f32 v15, $-5.000000000e+00;
	v17 =	vadd.f32 v25, v17;
	v16 =	vmin.f32 v32, $5.000000000e+00  }
0xd7: {  	v2 =	vld [tilespmem:$0x1FFB0];
	v15 =	vmin.f32 v15, $5.000000000e+00;
	v19 =	vmax.f32 v38, $-5.000000000e+00;
	v16 =	vmul.f32 $1.442695020e+00, v16  }
0xd8: {  	v30 =	vld [tilespmem:s21+$0x1400];
	v15 =	vmul.f32 $1.442695020e+00, v15;
	v19 =	vmin.f32 v19, $5.000000000e+00;
	v17 =	vmax.f32 v17, $-5.000000000e+00  }
0xd9: {  	v43 =	vld [tilespmem:s21+$0x2390];
	v39 =	vmul.f32 $1.442695020e+00, v19;
	v17 =	vmin.f32 v17, $5.000000000e+00;
	(erf) = vpow2.f32 v16  }
0xda: {  	v41 =	vld [tilespmem:s21+$0x2380];
	v40 =	vsub.s32 $0x0, v52;
	(erf) = vpow2.f32 v15;
	v15 =	vmul.f32 $1.442695020e+00, v17  }
0xdb: {  	v45 =	vld [tilespmem:s21+$0x23A0];
	v14 =	vadd.f32 v26, v14;
	v42 =	vmin.u32 v52, v40;
	v49 =	vpop (erf);
	(erf) = vpow2.f32 v39  }
0xdc: {  	v47 =	vld [tilespmem:s21+$0x23B0];
	v44 =	vxor.u32 $0x1, v42;
	v52 =	vpop (erf);
	(erf) = vpow2.f32 v15  }
0xdd: {  	v14 =	vperm.xlane v14, v18;
	v50 =	vld [tilespmem:s21+$0x23C0];
	v54 =	vpop (erf);
	v15 =	vcvt.s32.f32 v44  }
0xde: {  	v46 =	vshrl.u32 v22, $0x1;
	v63 =	vmul.f32 v2, v54;
	v2 =	vld [tilespmem:$0x1FFC0]  }
0xdf: {  	v53 =	vld [tilespmem:s21+$0x23D0];
	v48 =	vand.u32 $0x7, v46;
	v51 =	vmul.f32 v15, v14;
	v15 =	vmul.f32 v49, v41  }
0xe0: {  	vm0 =	veq.s32 v48, $0x0;
	vm13 =	veq.s32 v48, $0x1;
	v55 =	vld [tilespmem:s21+$0x23E0];
	v19 =	vmul.f32 v52, v43  }
0xe1: {  	vm14 =	veq.s32 v48, $0x2;
	vm15 =	veq.s32 v48, $0x3;
	v27 =	vld [tilespmem:s21+$0x23F0];
	v56 =	vpop (erf);
	[tilespmem:s21+$0x6380] =	vst v15;
	v15 =	vmul.f32 v54, v45  }
0xe2: {  	vm4 =	veq.s32 v48, $0x4;
	v29 =	vld [tilespmem:s21+$0x400];
	v16 =	vmul.f32 v34, v49;
	[tilespmem:s21+$0x6390] =	vst v19;
	v18 =	vmul.f32 v56, v47;
	v57 =	vpop (erf)  }
0xe3: {  	vm5 =	veq.s32 v48, $0x5;
	v17 =	vmul.f32 v2, v56;
	v2 =	vld [tilespmem:$0x1FFD0];
	[tilespmem:s21+$0x63A0] =	vst v15;
	v15 =	vmul.f32 v57, v50;
	v58 =	vpop (erf)  }
0xe4: {  	v20 =	vmul.f32 v35, v52;
	v16 =	vadd.f32 $0.0e+00, v16;
	[tilespmem:s21+$0x63B0] =	vst v18;
	v59 =	vmul.f32 v58, v53;
	v60 =	vpop (erf)  }
0xe5: {  	vm6 =	veq.s32 v48, $0x6;
	vm7 =	veq.s32 v48, $0x7;
	v62 =	vld [tilespmem:s21+$0x410];
	[tilespmem:s21+$0x63C0] =	vst v15;
	v26 =	vmul.f32 v60, v55;
	v61 =	vpop (erf)  }
0xe6: {  	v28 =	vsel vm13, $0x3F800000, v13;
	v16 =	vadd.f32 v20, v16;
	[tilespmem:s21+$0x63D0] =	vst v59;
	v34 =	vmul.f32 v61, v27;
	v27 =	vld [tilespmem:s21+$0x1410]  }
0xe7: {  	v29 =	vmul.f32 v30, v29;
	v52 =	vld [tilespmem:s21+$0x460];
	v18 =	vmul.f32 v28, v51;
	v28 =	vsel vm15, $0x3F800000, v13;
	[tilespmem:s21+$0x63E0] =	vst v26  }
0xe8: {  	v20 =	vadd.f32 v63, v16;
	v16 =	vmul.f32 v28, v51;
	v28 =	vmul.f32 v2, v57;
	v2 =	vld [tilespmem:$0x1FFE0];
	[tilespmem:s21+$0x63F0] =	vst v34  }
0xe9: {  	v35 =	vsel vm4, $0x3F800000, v13;
	v38 =	vsel vm5, $0x3F800000, v13;
	v14 =	vsel vm0, $0x3F800000, v13;
	v26 =	vld [tilespmem:s22+$0xA300]  }
0xea: {  	v14 =	vmul.f32 v14, v51;
	v19 =	vmul.f32 v35, v51;
	v54 =	vld [tilespmem:s21+$0x1460];
	v20 =	vadd.f32 v17, v20  }
0xeb: {  	v31 =	vsel vm14, $0x3F800000, v13;
	v17 =	vmul.f32 v38, v51;
	v39 =	vmul.f32 v27, v62  }
0xec: {  	s3 =	sadd.s32 $0xFFFFFFF1, s11;
	v15 =	vmul.f32 v31, v51;
	v20 =	vadd.f32 v28, v20;
	v27 =	vperm.xlane v29, v0  }
0xed: {  	v11 =	vmovc v33;
	v28 =	vmov s3;
	v22 =	vmul.f32 v2, v58;
	v30 =	vperm.xlane v39, v0  }
0xee: {  	v56 =	vld [tilespmem:s21+$0x470];
	v24 =	vmul.f32 v11, v60;
	v27 =	vadd.f32 v27, v29;
	v26 =	vperm.xlane v26, v28  }
0xef: {  	v32 =	vmul.f32 v54, v52;
	v57 =	vld [tilespmem:s21+$0x1470];
	v22 =	vadd.f32 v22, v20;
	v25 =	vadd.f32 v30, v39  }
0xf0: {  	v28 =	vsel vm6, $0x3F800000, v13;
	v30 =	vperm.xlane v27, v1;
	v29 =	vshll.u32 v26, $0x3  }
0xf1: {  	v46 =	vld [tilespmem:s21+$0x1430];
	v20 =	vmul.f32 v28, v51;
	v28 =	vand.u32 $0x8, v29;
	v29 =	vperm.xlane v25, v1  }
0xf2: {  	v22 =	vadd.f32 v24, v22;
	v27 =	vadd.f32 v30, v27;
	v40 =	vsub.s32 v37, v28;
	v28 =	vld [tilespmem:s21+$0x420]  }
0xf3: {  	v30 =	vmul.f32 v36, v61;
	v31 =	vshra.s32 v40, $0x3;
	v25 =	vadd.f32 v29, v25;
	v29 =	vld [tilespmem:s21+$0x1420]  }
0xf4: {  	v44 =	vld [tilespmem:s21+$0x430];
	v33 =	vmul.f32 v57, v56;
	v42 =	vperm.xlane v27, v7;
	v41 =	vsub.s32 $0x0, v31  }
0xf5: {  	v26 =	vshrl.u32 v26, $0x1;
	v22 =	vadd.f32 v30, v22;
	v21 =	vmin.u32 v31, v41  }
0xf6: {  	v30 =	vperm.xlane v25, v7;
	v27 =	vadd.f32 v42, v27;
	v21 =	vxor.u32 $0x1, v21  }
0xf7: {  	v48 =	vld [tilespmem:s21+$0x440];
	v31 =	vsel vm7, $0x3F800000, v13;
	v22 =	vperm.xlane v22, v40;
	v21 =	vcvt.s32.f32 v21  }
0xf8: {  	v49 =	vld [tilespmem:s21+$0x1440];
	v43 =	vadd.f32 v30, v25;
	v30 =	vperm.xlane v27, v9;
	v45 =	vmul.f32 v29, v28  }
0xf9: {  	v25 =	vmul.f32 v46, v44;
	v28 =	vand.u32 $0x7, v26;
	v29 =	vmul.f32 v21, v22  }
0xfa: {  	v47 =	vperm.xlane v43, v9;
	v27 =	vadd.f32 v30, v27;
	v30 =	vperm.xlane v45, v0  }
0xfb: {  	vm8 =	veq.s32 v28, $0x0;
	v22 =	vmul.f32 v31, v51;
	v31 =	vld [tilespmem:s21+$0x450];
	v55 =	vperm.xlane v25, v0  }
0xfc: {  	v24 =	vadd.f32 v47, v43;
	v51 =	vmax.f32 v27, $-5.000000000e+00;
	v27 =	vadd.f32 v30, v45;
	v30 =	vld [tilespmem:s21+$0x1450]  }
0xfd: {  	v26 =	vmul.f32 v49, v48;
	v50 =	vsel vm8, $0x3F800000, v13;
	v58 =	vadd.f32 v55, v25  }
0xfe: {  	v23 =	vmin.f32 v51, $5.000000000e+00;
	v24 =	vmax.f32 v24, $-5.000000000e+00;
	v53 =	vperm.xlane v27, v1  }
0xff: {  	v21 =	vmul.f32 v50, v29;
	v23 =	vmul.f32 $1.442695020e+00, v23;
	v24 =	vmin.f32 v24, $5.000000000e+00  }
0x100: {  	v60 =	vperm.xlane v58, v1;
	v24 =	vmul.f32 $1.442695020e+00, v24;
	v27 =	vadd.f32 v53, v27  }
0x101: {  	vm9 =	veq.s32 v28, $0x1;
	(erf) = vpow2.f32 v23;
	v30 =	vmul.f32 v30, v31  }
0x102: {  	v38 =	vsel vm9, $0x3F800000, v13;
	v31 =	vperm.xlane v26, v0;
	v59 =	vperm.xlane v27, v7  }
0x103: {  	v23 =	vmul.f32 v38, v29;
	(erf) = vpow2.f32 v24;
	v24 =	vadd.f32 v60, v58  }
0x104: {  	v26 =	vadd.f32 v31, v26;
	v25 =	vadd.f32 v59, v27;
	v27 =	vperm.xlane v30, v0  }
0x105: {  	v31 =	vperm.xlane v32, v0;
	v62 =	vperm.xlane v24, v7  }
0x106: {  	v2 =	vld [tilespmem:$0x1FF90];
	v63 =	vperm.xlane v26, v1;
	v27 =	vadd.f32 v27, v30;
	v30 =	vperm.xlane v33, v0  }
0x107: {  	v31 =	vadd.f32 v31, v32;
	v24 =	vadd.f32 v62, v24;
	v61 =	vperm.xlane v25, v9  }
0x108: {  	v26 =	vadd.f32 v63, v26;
	v38 =	vperm.xlane v27, v1;
	v30 =	vadd.f32 v30, v33  }
0x109: {  	v39 =	vperm.xlane v31, v1;
	v41 =	vperm.xlane v24, v9;
	v25 =	vadd.f32 v61, v25  }
0x10a: {  	v57 =	vpop (erf);
	v42 =	vperm.xlane v26, v7;
	v27 =	vadd.f32 v38, v27;
	v40 =	vperm.xlane v30, v1  }
0x10b: {  	v31 =	vadd.f32 v39, v31;
	v24 =	vadd.f32 v41, v24;
	v59 =	vmul.f32 v2, v57  }
0x10c: {  	v25 =	vmax.f32 v25, $-5.000000000e+00;
	v43 =	vperm.xlane v27, v7;
	v30 =	vadd.f32 v40, v30  }
0x10d: {  	v25 =	vmin.f32 v25, $5.000000000e+00;
	v26 =	vadd.f32 v42, v26;
	v44 =	vperm.xlane v31, v7  }
0x10e: {  	v24 =	vmax.f32 v24, $-5.000000000e+00;
	v27 =	vadd.f32 v43, v27;
	v45 =	vperm.xlane v30, v7  }
0x10f: {  	v25 =	vmul.f32 $1.442695020e+00, v25;
	v46 =	vperm.xlane v26, v9;
	v31 =	vadd.f32 v44, v31  }
0x110: {  	v24 =	vmin.f32 v24, $5.000000000e+00;
	v47 =	vperm.xlane v27, v9;
	v30 =	vadd.f32 v45, v30  }
0x111: {  	v24 =	vmul.f32 $1.442695020e+00, v24;
	v26 =	vadd.f32 v46, v26;
	v48 =	vperm.xlane v31, v9  }
0x112: {  	v52 =	vld [tilespmem:s21+$0x490];
	(erf) = vpow2.f32 v25;
	v49 =	vadd.f32 v47, v27;
	v27 =	vperm.xlane v30, v9  }
0x113: {  	v2 =	vld [tilespmem:$0x1FFA0];
	(erf) = vpow2.f32 v24;
	v50 =	vmax.f32 v26, $-5.000000000e+00;
	v51 =	vadd.f32 v48, v31  }
0x114: {  	v31 =	vld [tilespmem:s21+$0x1480];
	v24 =	vmin.f32 v50, $5.000000000e+00;
	v25 =	vmax.f32 v49, $-5.000000000e+00;
	v27 =	vadd.f32 v27, v30  }
0x115: {  	v24 =	vmul.f32 $1.442695020e+00, v24;
	v26 =	vmax.f32 v51, $-5.000000000e+00;
	v30 =	vld [tilespmem:s21+$0x480];
	v25 =	vmin.f32 v25, $5.000000000e+00  }
0x116: {  	v55 =	vld [tilespmem:s21+$0x2400];
	v26 =	vmin.f32 v26, $5.000000000e+00;
	v25 =	vmul.f32 $1.442695020e+00, v25;
	v27 =	vmax.f32 v27, $-5.000000000e+00  }
0x117: {  	(erf) = vpow2.f32 v24;
	v26 =	vmul.f32 $1.442695020e+00, v26;
	v53 =	vmin.f32 v27, $5.000000000e+00;
	v27 =	vld [tilespmem:s21+$0x1490]  }
0x118: {  	v58 =	vld [tilespmem:s21+$0x2410];
	(erf) = vpow2.f32 v25  }
0x119: {  	v60 =	vld [tilespmem:s21+$0x2420];
	v62 =	vpop (erf);
	v56 =	vmul.f32 $1.442695020e+00, v53;
	(erf) = vpow2.f32 v26  }
0x11a: {  	v30 =	vmul.f32 v31, v30;
	v31 =	vmul.f32 v2, v62;
	v2 =	vld [tilespmem:$0x1FFB0]  }
0x11b: {  	v63 =	vld [tilespmem:s21+$0x2430];
	(erf) = vpow2.f32 v56  }
0x11c: {  	v39 =	vld [tilespmem:s21+$0x2440];
	v26 =	vadd.f32 $0.0e+00, v59;
	v27 =	vmul.f32 v27, v52  }
0x11d: {  	v4 =	vlaneseq.u32;
	v33 =	vmul.f32 v57, v55;
	v35 =	vmul.f32 v62, v58;
	v46 =	vld [tilespmem:s21+$0x2450]  }
0x11e: {  	v47 =	vld [tilespmem:s21+$0x2460];
	v40 =	vperm.xlane v30, v0;
	v26 =	vadd.f32 v31, v26;
	v31 =	vpop (erf);
	v41 =	vperm.xlane v27, v0  }
0x11f: {  	vm10 =	veq.s32 v28, $0x2;
	v48 =	vmul.f32 v31, v60;
	v31 =	vmul.f32 v2, v31;
	v2 =	vld [tilespmem:$0x1FFC0]  }
0x120: {  	vm11 =	veq.s32 v28, $0x3;
	v54 =	vsel vm10, $0x3F800000, v13;
	[tilespmem:s21+$0x6400] =	vst v33;
	v42 =	vld [tilespmem:s21+$0x2470];
	v30 =	vadd.f32 v40, v30;
	v49 =	vpop (erf)  }
0x121: {  	[tilespmem:s21+$0x6410] =	vst v35;
	v24 =	vmul.f32 v54, v29;
	v50 =	vmul.f32 v49, v63;
	v51 =	vpop (erf);
	v27 =	vadd.f32 v41, v27  }
0x122: {  	v57 =	vld [tilespmem:s21+$0x4A0];
	v53 =	vperm.xlane v30, v1;
	[tilespmem:s21+$0x6420] =	vst v48;
	v26 =	vadd.f32 v31, v26;
	v31 =	vmul.f32 v51, v39;
	v52 =	vpop (erf)  }
0x123: {  	vm12 =	veq.s32 v28, $0x4;
	v60 =	vld [tilespmem:s21+$0x14A0];
	[tilespmem:s21+$0x6430] =	vst v50;
	v34 =	vmul.f32 v52, v46;
	v54 =	vpop (erf);
	v55 =	vperm.xlane v27, v1  }
0x124: {  	vm13 =	veq.s32 v28, $0x5;
	[tilespmem:s21+$0x6440] =	vst v31;
	v36 =	vmul.f32 v2, v49;
	v31 =	vmul.f32 v54, v47;
	v56 =	vpop (erf);
	v2 =	vld [tilespmem:$0x1FFD0]  }
0x125: {  	v45 =	vsel vm12, $0x3F800000, v13;
	v30 =	vadd.f32 v53, v30;
	v47 =	vld [tilespmem:s21+$0x14B0];
	[tilespmem:s21+$0x6450] =	vst v34;
	v58 =	vmul.f32 v56, v42  }
0x126: {  	v61 =	vsel vm11, $0x3F800000, v13;
	v59 =	vadd.f32 v55, v27;
	v27 =	vmul.f32 v45, v29;
	v45 =	vld [tilespmem:s21+$0x4B0];
	[tilespmem:s21+$0x6460] =	vst v31  }
0x127: {  	vm14 =	veq.s32 v28, $0x6;
	v25 =	vmul.f32 v61, v29;
	v31 =	vperm.xlane v30, v7;
	[tilespmem:s21+$0x6470] =	vst v58  }
0x128: {  	v61 =	vsel vm13, $0x3F800000, v13;
	v37 =	vmul.f32 v60, v57;
	v62 =	vperm.xlane v59, v7;
	v63 =	vld [tilespmem:s22+$0xA300]  }
0x129: {  	v44 =	vmul.f32 v11, v54;
	v30 =	vadd.f32 v31, v30;
	v38 =	vmul.f32 v2, v51;
	v2 =	vld [tilespmem:$0x1FFE0]  }
0x12a: {  	s3 =	sadd.s32 $0xFFFFFFF2, s11;
	v43 =	vld [tilespmem:s21+$0x14E0];
	v26 =	vadd.f32 v36, v26;
	v34 =	vadd.f32 v62, v59;
	v51 =	vperm.xlane v37, v0  }
0x12b: {  	v53 =	vmov s3;
	v57 =	vld [tilespmem:s21+$0x4E0];
	v46 =	vperm.xlane v30, v9;
	v35 =	vmul.f32 v47, v45  }
0x12c: {  	v59 =	vld [tilespmem:s21+$0x14F0];
	v38 =	vadd.f32 v38, v26;
	v26 =	vmul.f32 v61, v29;
	v49 =	vperm.xlane v34, v9  }
0x12d: {  	v55 =	vadd.f32 v51, v37;
	v30 =	vadd.f32 v46, v30;
	v45 =	vperm.xlane v35, v0;
	v46 =	vld [tilespmem:s21+$0x4F0]  }
0x12e: {  	v34 =	vadd.f32 v49, v34;
	v32 =	vperm.xlane v63, v53;
	v33 =	vmul.f32 v2, v52;
	v2 =	vld [tilespmem:$0x1FFF0]  }
0x12f: {  	v58 =	vperm.xlane v55, v1;
	v30 =	vmax.f32 v30, $-5.000000000e+00;
	v60 =	vadd.f32 v45, v35  }
0x130: {  	v50 =	vld [tilespmem:s21+$0x4C0];
	v30 =	vmin.f32 v30, $5.000000000e+00;
	v34 =	vmax.f32 v34, $-5.000000000e+00;
	v31 =	vadd.f32 v33, v38  }
0x131: {  	v52 =	vld [tilespmem:s21+$0x14C0];
	v30 =	vmul.f32 $1.442695020e+00, v30;
	v34 =	vmin.f32 v34, $5.000000000e+00;
	v45 =	vperm.xlane v60, v1  }
0x132: {  	vm15 =	veq.s32 v28, $0x7;
	v54 =	vld [tilespmem:s21+$0x4D0];
	v38 =	vmul.f32 v43, v57;
	v34 =	vmul.f32 $1.442695020e+00, v34  }
0x133: {  	v33 =	vmul.f32 v59, v46;
	v31 =	vadd.f32 v44, v31;
	v48 =	vmul.f32 v2, v56;
	v56 =	vld [tilespmem:s21+$0x14D0]  }
0x134: {  	v44 =	vshll.u32 v32, $0x3;
	(erf) = vpow2.f32 v30;
	v30 =	vadd.f32 v58, v55  }
0x135: {  	v49 =	vperm.xlane v38, v0;
	v44 =	vand.u32 $0x8, v44;
	(erf) = vpow2.f32 v34  }
0x136: {  	v40 =	vmul.f32 v52, v50;
	v34 =	vadd.f32 v45, v60;
	v51 =	vperm.xlane v33, v0  }
0x137: {  	v39 =	vsub.s32 v4, v44;
	v62 =	vperm.xlane v30, v7;
	v38 =	vadd.f32 v49, v38  }
0x138: {  	v31 =	vadd.f32 v48, v31;
	v61 =	vshra.s32 v39, $0x3;
	v36 =	vmul.f32 v56, v54  }
0x139: {  	v47 =	vperm.xlane v40, v0;
	v52 =	vperm.xlane v34, v7;
	v33 =	vadd.f32 v51, v33  }
0x13a: {  	v63 =	vsub.s32 $0x0, v61;
	v30 =	vadd.f32 v62, v30;
	v48 =	vperm.xlane v36, v0  }
0x13b: {  	v55 =	vperm.xlane v38, v1;
	v35 =	vmin.u32 v61, v63;
	v37 =	vadd.f32 v47, v40  }
0x13c: {  	v34 =	vadd.f32 v52, v34;
	v50 =	vperm.xlane v30, v9;
	v36 =	vadd.f32 v48, v36  }
0x13d: {  	v56 =	vperm.xlane v33, v1;
	v38 =	vadd.f32 v55, v38;
	v53 =	vperm.xlane v37, v1  }
0x13e: {  	v57 =	vperm.xlane v34, v9;
	v30 =	vadd.f32 v50, v30;
	v54 =	vperm.xlane v36, v1  }
0x13f: {  	v31 =	vperm.xlane v31, v39;
	v33 =	vadd.f32 v56, v33;
	v37 =	vadd.f32 v53, v37  }
0x140: {  	v60 =	vperm.xlane v38, v7;
	v34 =	vadd.f32 v57, v34;
	v36 =	vadd.f32 v54, v36  }
0x141: {  	v30 =	vmax.f32 v30, $-5.000000000e+00;
	v61 =	vperm.xlane v33, v7;
	v58 =	vperm.xlane v37, v7  }
0x142: {  	v2 =	vld [tilespmem:$0x1FF90];
	v38 =	vadd.f32 v60, v38;
	v30 =	vmin.f32 v30, $5.000000000e+00;
	v59 =	vperm.xlane v36, v7  }
0x143: {  	v49 =	vld [tilespmem:s21+$0x2480];
	v34 =	vmax.f32 v34, $-5.000000000e+00;
	v30 =	vmul.f32 $1.442695020e+00, v30;
	v37 =	vadd.f32 v58, v37  }
0x144: {  	v34 =	vmin.f32 v34, $5.000000000e+00;
	v45 =	vperm.xlane v38, v9;
	v36 =	vadd.f32 v59, v36  }
0x145: {  	v33 =	vadd.f32 v61, v33;
	v34 =	vmul.f32 $1.442695020e+00, v34;
	v62 =	vperm.xlane v37, v9  }
0x146: {  	v41 =	vsel vm14, $0x3F800000, v13;
	(erf) = vpow2.f32 v30;
	v63 =	vperm.xlane v36, v9  }
0x147: {  	v57 =	vpop (erf);
	v46 =	vperm.xlane v33, v9;
	v48 =	vadd.f32 v45, v38;
	v37 =	vadd.f32 v62, v37  }
0x148: {  	v30 =	vadd.f32 v63, v36;
	v36 =	vmul.f32 v57, v49;
	v49 =	vmul.f32 v2, v57;
	v2 =	vld [tilespmem:$0x1FFA0]  }
0x149: {  	v51 =	vld [tilespmem:s21+$0x24A0];
	(erf) = vpow2.f32 v34;
	v33 =	vadd.f32 v46, v33;
	v47 =	vmax.f32 v37, $-5.000000000e+00  }
0x14a: {  	v55 =	vld [tilespmem:s21+$0x24C0];
	v37 =	vmax.f32 v48, $-5.000000000e+00;
	v34 =	vmin.f32 v47, $5.000000000e+00;
	v30 =	vmax.f32 v30, $-5.000000000e+00  }
0x14b: {  	v50 =	vld [tilespmem:s21+$0x2490];
	v37 =	vmin.f32 v37, $5.000000000e+00;
	v34 =	vmul.f32 $1.442695020e+00, v34;
	v30 =	vmin.f32 v30, $5.000000000e+00  }
0x14c: {  	v53 =	vld [tilespmem:s21+$0x24B0];
	v58 =	vpop (erf);
	v33 =	vmax.f32 v33, $-5.000000000e+00;
	v52 =	vmul.f32 $1.442695020e+00, v37;
	v30 =	vmul.f32 $1.442695020e+00, v30  }
0x14d: {  	v33 =	vmin.f32 v33, $5.000000000e+00;
	(erf) = vpow2.f32 v34;
	v43 =	vmul.f32 v2, v58;
	v2 =	vld [tilespmem:$0x1FFB0]  }
0x14e: {  	v35 =	vxor.u32 $0x1, v35;
	v61 =	vld [tilespmem:s21+$0x1500];
	(erf) = vpow2.f32 v30;
	v30 =	vmul.f32 $1.442695020e+00, v33  }
0x14f: {  	v32 =	vshrl.u32 v32, $0x1;
	v54 =	vcvt.s32.f32 v35;
	v59 =	vld [tilespmem:s21+$0x500];
	(erf) = vpow2.f32 v52  }
0x150: {  	v39 =	vand.u32 $0x7, v32;
	v38 =	vmul.f32 v58, v50;
	v50 =	vld [tilespmem:s21+$0x1510];
	(erf) = vpow2.f32 v30  }
0x151: {  	v28 =	vmul.f32 v41, v29;
	vm5 =	veq.s32 v39, $0x1;
	v42 =	vmul.f32 v54, v31;
	v47 =	vld [tilespmem:s21+$0x510];
	v60 =	vpop (erf)  }
0x152: {  	vm6 =	veq.s32 v39, $0x2;
	v31 =	vsel vm5, $0x3F800000, v13;
	v45 =	vmul.f32 v2, v60;
	v2 =	vld [tilespmem:$0x1FFC0]  }
0x153: {  	vm4 =	veq.s32 v39, $0x0;
	v56 =	vld [tilespmem:s21+$0x24D0];
	v31 =	vmul.f32 v31, v42;
	v48 =	vsel vm6, $0x3F800000, v13  }
0x154: {  	v41 =	vld [tilespmem:s21+$0x24E0];
	vm7 =	veq.s32 v39, $0x3;
	v32 =	vmul.f32 v48, v42;
	v44 =	vmul.f32 v61, v59;
	v63 =	vpop (erf)  }
0x155: {  	vm8 =	veq.s32 v39, $0x4;
	[tilespmem:s21+$0x6490] =	vst v38;
	v62 =	vmul.f32 v60, v51;
	v37 =	vmul.f32 v63, v53;
	v33 =	vld [tilespmem:s21+$0x24F0]  }
0x156: {  	vm9 =	veq.s32 v39, $0x5;
	[tilespmem:s21+$0x6480] =	vst v36;
	v59 =	vmul.f32 v50, v47;
	v61 =	vperm.xlane v44, v0;
	v52 =	vpop (erf)  }
0x157: {  	v54 =	vadd.f32 $0.0e+00, v49;
	[tilespmem:s21+$0x64A0] =	vst v62;
	v35 =	vmul.f32 v52, v55;
	v53 =	vpop (erf);
	v40 =	vmul.f32 v2, v63;
	v2 =	vld [tilespmem:$0x1FFD0]  }
0x158: {  	v48 =	vsel vm9, $0x3F800000, v13;
	[tilespmem:s21+$0x64B0] =	vst v37;
	v47 =	vperm.xlane v59, v0;
	v34 =	vmul.f32 v53, v56;
	v55 =	vpop (erf)  }
0x159: {  	v62 =	vsel vm8, $0x3F800000, v13;
	v43 =	vadd.f32 v43, v54;
	[tilespmem:s21+$0x64C0] =	vst v35;
	v57 =	vmul.f32 v55, v41;
	v41 =	vpop (erf)  }
0x15a: {  	v49 =	vadd.f32 v47, v59;
	v30 =	vsel vm15, $0x3F800000, v13;
	[tilespmem:s21+$0x64D0] =	vst v34;
	v58 =	vmul.f32 v41, v33  }
0x15b: {  	v44 =	vadd.f32 v61, v44;
	v54 =	vld [tilespmem:s21+$0x1520];
	v29 =	vmul.f32 v30, v29;
	v60 =	vadd.f32 v45, v43;
	[tilespmem:s21+$0x64E0] =	vst v57  }
0x15c: {  	v30 =	vsel vm4, $0x3F800000, v13;
	v47 =	vperm.xlane v49, v1;
	[tilespmem:s21+$0x64F0] =	vst v58;
	v38 =	vmul.f32 v2, v52;
	v2 =	vld [tilespmem:$0x1FFE0]  }
0x15d: {  	v50 =	vperm.xlane v44, v1;
	v30 =	vmul.f32 v30, v42;
	v40 =	vadd.f32 v40, v60;
	v63 =	vld [tilespmem:s22+$0xA300]  }
0x15e: {  	v43 =	vadd.f32 v47, v49;
	v35 =	vmul.f32 v62, v42;
	v56 =	vsel vm7, $0x3F800000, v13;
	v52 =	vld [tilespmem:s21+$0x520]  }
0x15f: {  	v37 =	vmul.f32 v11, v55;
	v38 =	vadd.f32 v38, v40;
	v40 =	vadd.f32 v50, v44  }
0x160: {  	s3 =	sadd.s32 $0xFFFFFFF3, s11;
	vm10 =	veq.s32 v39, $0x6;
	v33 =	vmul.f32 v56, v42;
	v34 =	vmul.f32 v48, v42  }
0x161: {  	v51 =	vmov s3;
	v58 =	vperm.xlane v43, v7;
	v56 =	vperm.xlane v40, v7  }
0x162: {  	vm11 =	veq.s32 v39, $0x7;
	v36 =	vmul.f32 v2, v53;
	v2 =	vld [tilespmem:$0x1FFF0];
	v46 =	vperm.xlane v63, v51  }
0x163: {  	v60 =	vld [tilespmem:s21+$0x530];
	v43 =	vadd.f32 v58, v43;
	v53 =	vsel vm10, $0x3F800000, v13;
	v44 =	vmul.f32 v54, v52  }
0x164: {  	v52 =	vsel vm11, $0x3F800000, v13;
	v40 =	vadd.f32 v56, v40;
	v63 =	vld [tilespmem:s21+$0x1530];
	v55 =	vshll.u32 v46, $0x3  }
0x165: {  	v38 =	vadd.f32 v36, v38;
	v36 =	vmul.f32 v53, v42;
	v57 =	vand.u32 $0x8, v55  }
0x166: {  	v49 =	vld [tilespmem:s21+$0x540];
	v56 =	vperm.xlane v44, v0;
	v62 =	vperm.xlane v40, v9;
	v59 =	vsub.s32 v4, v57  }
0x167: {  	v51 =	vld [tilespmem:s21+$0x1540];
	v37 =	vadd.f32 v37, v38;
	v41 =	vmul.f32 v2, v41;
	v45 =	vshra.s32 v59, $0x3  }
0x168: {  	v48 =	vld [tilespmem:s21+$0x560];
	v55 =	vperm.xlane v43, v9;
	v40 =	vadd.f32 v62, v40;
	v61 =	vsub.s32 $0x0, v45  }
0x169: {  	v47 =	vmul.f32 v63, v60;
	v63 =	vld [tilespmem:s21+$0x1560];
	v37 =	vadd.f32 v41, v37;
	v54 =	vmin.u32 v45, v61  }
0x16a: {  	v57 =	vadd.f32 v55, v43;
	v58 =	vmax.f32 v40, $-5.000000000e+00;
	v41 =	vxor.u32 $0x1, v54  }
0x16b: {  	v43 =	vld [tilespmem:s21+$0x550];
	v38 =	vperm.xlane v37, v59;
	v59 =	vadd.f32 v56, v44;
	v54 =	vperm.xlane v47, v0  }
0x16c: {  	v44 =	vld [tilespmem:s21+$0x1550];
	v37 =	vmin.f32 v58, $5.000000000e+00;
	v58 =	vmul.f32 v51, v49;
	v39 =	vcvt.s32.f32 v41  }
0x16d: {  	v55 =	vld [tilespmem:s21+$0x570];
	v41 =	vmax.f32 v57, $-5.000000000e+00;
	v60 =	vmul.f32 $1.442695020e+00, v37;
	v37 =	vmul.f32 v52, v42  }
0x16e: {  	v52 =	vld [tilespmem:s21+$0x1570];
	v61 =	vmin.f32 v41, $5.000000000e+00;
	v62 =	vperm.xlane v59, v1;
	v48 =	vmul.f32 v63, v48  }
0x16f: {  	v54 =	vadd.f32 v54, v47;
	v53 =	vmul.f32 $1.442695020e+00, v61;
	(erf) = vpow2.f32 v60  }
0x170: {  	v56 =	vshrl.u32 v46, $0x1;
	v45 =	vmul.f32 v39, v38;
	v60 =	vperm.xlane v58, v0  }
0x171: {  	v40 =	vadd.f32 v62, v59;
	v59 =	vperm.xlane v54, v1;
	v43 =	vmul.f32 v44, v43  }
0x172: {  	v46 =	vand.u32 $0x7, v56;
	v63 =	vperm.xlane v48, v0;
	(erf) = vpow2.f32 v53  }
0x173: {  	v62 =	vadd.f32 v60, v58;
	v41 =	vmul.f32 v52, v55;
	v61 =	vperm.xlane v43, v0  }
0x174: {  	v57 =	vperm.xlane v40, v7;
	v38 =	vadd.f32 v59, v54;
	v44 =	vadd.f32 v63, v48  }
0x175: {  	v55 =	vperm.xlane v62, v1;
	v53 =	vperm.xlane v41, v0;
	v42 =	vadd.f32 v61, v43  }
0x176: {  	v40 =	vadd.f32 v57, v40;
	v54 =	vperm.xlane v38, v7;
	v57 =	vperm.xlane v44, v1  }
0x177: {  	v39 =	vadd.f32 v55, v62;
	v41 =	vadd.f32 v53, v41;
	v56 =	vperm.xlane v42, v1  }
0x178: {  	v52 =	vperm.xlane v40, v9;
	v38 =	vadd.f32 v54, v38;
	v43 =	vadd.f32 v57, v44  }
0x179: {  	v60 =	vperm.xlane v39, v7;
	v58 =	vperm.xlane v41, v1;
	v42 =	vadd.f32 v56, v42  }
0x17a: {  	v40 =	vadd.f32 v52, v40;
	v59 =	vperm.xlane v38, v9;
	v62 =	vperm.xlane v43, v7  }
0x17b: {  	v39 =	vadd.f32 v60, v39;
	v41 =	vadd.f32 v58, v41;
	v61 =	vperm.xlane v42, v7  }
0x17c: {  	v40 =	vmax.f32 v40, $-5.000000000e+00;
	v38 =	vadd.f32 v59, v38;
	v43 =	vadd.f32 v62, v43  }
0x17d: {  	v40 =	vmin.f32 v40, $5.000000000e+00;
	v52 =	vperm.xlane v39, v9;
	v42 =	vadd.f32 v61, v42  }
0x17e: {  	vm12 =	veq.s32 v46, $0x0;
	v40 =	vmul.f32 $1.442695020e+00, v40;
	v63 =	vperm.xlane v41, v7  }
0x17f: {  	v2 =	vld [tilespmem:$0x1FF90];
	v38 =	vmax.f32 v38, $-5.000000000e+00;
	v54 =	vperm.xlane v43, v9;
	v53 =	vperm.xlane v42, v9  }
0x180: {  	v59 =	vld [tilespmem:s21+$0x1580];
	v38 =	vmin.f32 v38, $5.000000000e+00;
	v39 =	vadd.f32 v52, v39;
	v41 =	vadd.f32 v63, v41  }
0x181: {  	v38 =	vmul.f32 $1.442695020e+00, v38;
	v58 =	vadd.f32 v54, v43;
	v55 =	vadd.f32 v53, v42;
	v42 =	vld [tilespmem:s21+$0x580]  }
0x182: {  	(erf) = vpow2.f32 v40;
	v57 =	vmax.f32 v39, $-5.000000000e+00;
	v56 =	vperm.xlane v41, v9  }
0x183: {  	v61 =	vld [tilespmem:s21+$0x2500];
	(erf) = vpow2.f32 v38;
	v38 =	vmin.f32 v57, $5.000000000e+00;
	v39 =	vmax.f32 v58, $-5.000000000e+00  }
0x184: {  	v60 =	vsel vm12, $0x3F800000, v13;
	v63 =	vld [tilespmem:s21+$0x2510];
	v38 =	vmul.f32 $1.442695020e+00, v38;
	v39 =	vmin.f32 v39, $5.000000000e+00  }
0x185: {  	v44 =	vld [tilespmem:s21+$0x590];
	v41 =	vadd.f32 v56, v41;
	v54 =	vmul.f32 $1.442695020e+00, v39;
	v58 =	vpop (erf);
	v40 =	vmax.f32 v55, $-5.000000000e+00  }
0x186: {  	v40 =	vmin.f32 v40, $5.000000000e+00;
	v42 =	vmul.f32 v59, v42;
	v59 =	vmul.f32 v2, v58;
	v2 =	vld [tilespmem:$0x1FFA0]  }
0x187: {  	v56 =	vld [tilespmem:s21+$0x1590];
	(erf) = vpow2.f32 v38;
	v40 =	vmul.f32 $1.442695020e+00, v40  }
0x188: {  	v39 =	vmul.f32 v60, v45;
	v48 =	vmul.f32 v58, v61;
	v60 =	vpop (erf);
	v41 =	vmax.f32 v41, $-5.000000000e+00  }
0x189: {  	v47 =	vmul.f32 v60, v63;
	v55 =	vmin.f32 v41, $5.000000000e+00;
	(erf) = vpow2.f32 v40  }
0x18a: {  	v49 =	vld [tilespmem:s21+$0x2520];
	v62 =	vmul.f32 $1.442695020e+00, v55;
	(erf) = vpow2.f32 v54  }
0x18b: {  	v61 =	vperm.xlane v42, v0;
	v63 =	vmul.f32 v2, v60;
	v2 =	vld [tilespmem:$0x1FFB0]  }
0x18c: {  	vm13 =	veq.s32 v46, $0x1;
	v52 =	vld [tilespmem:s21+$0x2540];
	v41 =	vmul.f32 v56, v44;
	(erf) = vpow2.f32 v62  }
0x18d: {  	v51 =	vld [tilespmem:s21+$0x2530];
	v57 =	vsel vm13, $0x3F800000, v13;
	v42 =	vadd.f32 v61, v42  }
0x18e: {  	v53 =	vld [tilespmem:s21+$0x2550];
	v38 =	vmul.f32 v57, v45;
	v57 =	vperm.xlane v41, v0;
	v62 =	vpop (erf)  }
0x18f: {  	v56 =	vld [tilespmem:s21+$0x2560];
	v43 =	vadd.f32 $0.0e+00, v59;
	v49 =	vmul.f32 v62, v49;
	v50 =	vpop (erf);
	v61 =	vperm.xlane v42, v1  }
0x190: {  	v41 =	vadd.f32 v57, v41;
	v54 =	vpop (erf);
	v59 =	vmul.f32 v2, v62;
	v2 =	vld [tilespmem:$0x1FFC0]  }
0x191: {  	[tilespmem:s21+$0x6500] =	vst v48;
	v58 =	vld [tilespmem:s21+$0x2570];
	v43 =	vadd.f32 v63, v43;
	v60 =	vmul.f32 v54, v52;
	v52 =	vadd.f32 v61, v42  }
0x192: {  	[tilespmem:s21+$0x6510] =	vst v47;
	v51 =	vmul.f32 v50, v51;
	v63 =	vperm.xlane v41, v1  }
0x193: {  	[tilespmem:s21+$0x6520] =	vst v49;
	v49 =	vpop (erf);
	v43 =	vadd.f32 v59, v43;
	v59 =	vperm.xlane v52, v7  }
0x194: {  	v57 =	vld [tilespmem:s21+$0x15A0];
	[tilespmem:s21+$0x6530] =	vst v51;
	v63 =	vadd.f32 v63, v41;
	v62 =	vmul.f32 v49, v53;
	v53 =	vpop (erf)  }
0x195: {  	[tilespmem:s21+$0x6540] =	vst v60;
	v60 =	vmul.f32 v53, v56;
	v48 =	vpop (erf);
	v47 =	vadd.f32 v59, v52;
	v61 =	vmul.f32 v2, v50;
	v2 =	vld [tilespmem:$0x1FFD0]  }
0x196: {  	vm14 =	veq.s32 v46, $0x2;
	vm4 =	veq.s32 v46, $0x4;
	v51 =	vld [tilespmem:s21+$0x5B0];
	[tilespmem:s21+$0x6550] =	vst v62;
	v62 =	vmul.f32 v48, v58  }
0x197: {  	v56 =	vld [tilespmem:s21+$0x5A0];
	v58 =	vsel vm4, $0x3F800000, v13;
	[tilespmem:s21+$0x6560] =	vst v60;
	v60 =	vperm.xlane v63, v7;
	v52 =	vperm.xlane v47, v9  }
0x198: {  	vm15 =	veq.s32 v46, $0x3;
	vm5 =	veq.s32 v46, $0x5;
	v41 =	vmul.f32 v58, v45;
	v58 =	vld [tilespmem:s21+$0x5C0]  }
0x199: {  	v40 =	vsel vm14, $0x3F800000, v13;
	v59 =	vld [tilespmem:s21+$0x15C0];
	v50 =	vadd.f32 v60, v63;
	v47 =	vadd.f32 v52, v47  }
0x19a: {  	v44 =	vsel vm15, $0x3F800000, v13;
	v43 =	vadd.f32 v61, v43;
	v54 =	vmul.f32 v2, v54;
	v2 =	vld [tilespmem:$0x1FFE0]  }
0x19b: {  	v42 =	vmul.f32 v44, v45;
	[tilespmem:s21+$0x6570] =	vst v62;
	v61 =	vld [tilespmem:s21+$0x15B0];
	v63 =	vperm.xlane v50, v9;
	v47 =	vmax.f32 v47, $-5.000000000e+00  }
0x19c: {  	v44 =	vld [tilespmem:s22+$0xA300];
	v47 =	vmin.f32 v47, $5.000000000e+00;
	v43 =	vadd.f32 v54, v43;
	v54 =	vmul.f32 v57, v56  }
0x19d: {  	v40 =	vmul.f32 v40, v45;
	v50 =	vadd.f32 v63, v50;
	v56 =	vld [tilespmem:s21+$0x5D0];
	v47 =	vmul.f32 $1.442695020e+00, v47  }
0x19e: {  	vm6 =	veq.s32 v46, $0x6;
	v53 =	vmul.f32 v11, v53;
	v57 =	vld [tilespmem:s21+$0x15E0];
	v60 =	vperm.xlane v54, v0  }
0x19f: {  	v50 =	vmax.f32 v50, $-5.000000000e+00;
	(erf) = vpow2.f32 v47;
	v47 =	vld [tilespmem:s21+$0x15F0];
	v49 =	vmul.f32 v2, v49  }
0x1a0: {  	v62 =	vsel vm5, $0x3F800000, v13;
	v51 =	vmul.f32 v61, v51;
	v50 =	vmin.f32 v50, $5.000000000e+00;
	v2 =	vld [tilespmem:$0x1FFF0]  }
0x1a1: {  	v50 =	vmul.f32 $1.442695020e+00, v50;
	v52 =	vadd.f32 v60, v54;
	v54 =	vld [tilespmem:s21+$0x5E0];
	v49 =	vadd.f32 v49, v43  }
0x1a2: {  	s3 =	sadd.s32 $0xFFFFFFF4, s11;
	vm7 =	veq.s32 v46, $0x7;
	v61 =	vperm.xlane v51, v0;
	v43 =	vmul.f32 v62, v45;
	v62 =	vld [tilespmem:s21+$0x5F0]  }
0x1a3: {  	v60 =	vmov s3;
	v55 =	vperm.xlane v52, v1;
	v49 =	vadd.f32 v53, v49;
	v53 =	vld [tilespmem:s21+$0x15D0]  }
0x1a4: {  	(erf) = vpow2.f32 v50;
	v50 =	vadd.f32 v61, v51;
	v60 =	vperm.xlane v44, v60  }
0x1a5: {  	v44 =	vadd.f32 v55, v52;
	v48 =	vmul.f32 v2, v48;
	v55 =	vmul.f32 v59, v58  }
0x1a6: {  	v61 =	vshll.u32 v60, $0x3;
	v58 =	vperm.xlane v50, v1;
	v54 =	vmul.f32 v57, v54  }
0x1a7: {  	v51 =	vand.u32 $0x8, v61;
	v52 =	vperm.xlane v44, v7;
	v63 =	vperm.xlane v55, v0  }
0x1a8: {  	v51 =	vsub.s32 v4, v51;
	v47 =	vmul.f32 v47, v62;
	v53 =	vmul.f32 v53, v56  }
0x1a9: {  	v50 =	vadd.f32 v58, v50;
	v48 =	vadd.f32 v48, v49;
	v49 =	vshrl.u32 v60, $0x1  }
0x1aa: {  	v44 =	vadd.f32 v52, v44;
	v56 =	vperm.xlane v54, v0;
	v61 =	vperm.xlane v53, v0  }
0x1ab: {  	v55 =	vadd.f32 v63, v55;
	v63 =	vperm.xlane v47, v0;
	v58 =	vperm.xlane v50, v7  }
0x1ac: {  	v62 =	vperm.xlane v44, v9;
	v54 =	vadd.f32 v56, v54;
	v52 =	vadd.f32 v61, v53  }
0x1ad: {  	v47 =	vadd.f32 v63, v47;
	v50 =	vadd.f32 v58, v50;
	v61 =	vperm.xlane v55, v1  }
0x1ae: {  	v44 =	vadd.f32 v62, v44;
	v63 =	vperm.xlane v54, v1;
	v62 =	vperm.xlane v52, v1  }
0x1af: {  	v48 =	vperm.xlane v48, v51;
	v56 =	vperm.xlane v47, v1;
	v53 =	vadd.f32 v61, v55  }
0x1b0: {  	v61 =	vperm.xlane v50, v9;
	v54 =	vadd.f32 v63, v54;
	v52 =	vadd.f32 v62, v52  }
0x1b1: {  	v44 =	vmax.f32 v44, $-5.000000000e+00;
	v47 =	vadd.f32 v56, v47;
	v62 =	vperm.xlane v53, v7  }
0x1b2: {  	v50 =	vadd.f32 v61, v50;
	v61 =	vperm.xlane v54, v7;
	v63 =	vperm.xlane v52, v7  }
0x1b3: {  	v44 =	vmin.f32 v44, $5.000000000e+00;
	v53 =	vadd.f32 v62, v53;
	v62 =	vperm.xlane v47, v7  }
0x1b4: {  	v44 =	vmul.f32 $1.442695020e+00, v44;
	v54 =	vadd.f32 v61, v54;
	v52 =	vadd.f32 v63, v52  }
0x1b5: {  	v50 =	vmax.f32 v50, $-5.000000000e+00;
	v63 =	vperm.xlane v53, v9;
	v47 =	vadd.f32 v62, v47  }
0x1b6: {  	v50 =	vmin.f32 v50, $5.000000000e+00;
	v62 =	vperm.xlane v54, v9;
	v61 =	vperm.xlane v52, v9  }
0x1b7: {  	v3 =	vld [tilespmem:$0x1FFB0];
	v50 =	vmul.f32 $1.442695020e+00, v50;
	v53 =	vadd.f32 v63, v53;
	v57 =	vperm.xlane v47, v9  }
0x1b8: {  	v2 =	vld [tilespmem:$0x1FF90];
	(erf) = vpow2.f32 v44;
	v59 =	vadd.f32 v62, v54;
	v63 =	vadd.f32 v61, v52  }
0x1b9: {  	v60 =	vld [tilespmem:s21+$0x25F0];
	(erf) = vpow2.f32 v50;
	v58 =	vmax.f32 v53, $-5.000000000e+00;
	v47 =	vadd.f32 v57, v47  }
0x1ba: {  	v55 =	vld [tilespmem:s21+$0x25A0];
	v53 =	vmax.f32 v59, $-5.000000000e+00;
	v50 =	vmin.f32 v58, $5.000000000e+00;
	v44 =	vmax.f32 v63, $-5.000000000e+00  }
0x1bb: {  	v54 =	vld [tilespmem:s21+$0x2580];
	v50 =	vmul.f32 $1.442695020e+00, v50;
	v47 =	vmax.f32 v47, $-5.000000000e+00;
	v44 =	vmin.f32 v44, $5.000000000e+00  }
0x1bc: {  	v56 =	vld [tilespmem:s21+$0x25B0];
	v53 =	vmin.f32 v53, $5.000000000e+00;
	v47 =	vmin.f32 v47, $5.000000000e+00;
	v44 =	vmul.f32 $1.442695020e+00, v44  }
0x1bd: {  	v52 =	vld [tilespmem:s21+$0x2590];
	(erf) = vpow2.f32 v50;
	v50 =	vmul.f32 $1.442695020e+00, v53;
	v53 =	vshra.s32 v51, $0x3  }
0x1be: {  	v57 =	vld [tilespmem:s21+$0x25C0];
	v61 =	vmul.f32 $1.442695020e+00, v47;
	v63 =	vsub.s32 $0x0, v53;
	(erf) = vpow2.f32 v44  }
0x1bf: {  	v62 =	vsel vm6, $0x3F800000, v13;
	v58 =	vpop (erf);
	v59 =	vmin.u32 v53, v63;
	v53 =	vld [tilespmem:s21+$0x1600];
	(erf) = vpow2.f32 v50  }
0x1c0: {  	v51 =	vmul.f32 v58, v54;
	v50 =	vld [tilespmem:s21+$0x600];
	(erf) = vpow2.f32 v61;
	v61 =	vxor.u32 $0x1, v59  }
0x1c1: {  	v47 =	vld [tilespmem:s21+$0x25D0];
	v44 =	vmul.f32 v62, v45;
	v62 =	vsel vm7, $0x3F800000, v13;
	v46 =	vcvt.s32.f32 v61  }
0x1c2: {  	v54 =	vpop (erf);
	v58 =	vmul.f32 v2, v58;
	v2 =	vld [tilespmem:$0x1FFA0];
	v45 =	vmul.f32 v62, v45  }
0x1c3: {  	v62 =	vld [tilespmem:s21+$0x610];
	v61 =	vand.u32 $0x7, v49;
	v49 =	vpop (erf);
	v46 =	vmul.f32 v46, v48;
	v48 =	vmul.f32 v54, v52  }
0x1c4: {  	v59 =	vld [tilespmem:s21+$0x25E0];
	v55 =	vmul.f32 v49, v55;
	v63 =	vpop (erf);
	v49 =	vmul.f32 v3, v49  }
0x1c5: {  	v3 =	vld [tilespmem:$0x1FFC0];
	v50 =	vmul.f32 v53, v50;
	[tilespmem:s21+$0x6590] =	vst v48;
	v48 =	vmul.f32 v63, v56  }
0x1c6: {  	v53 =	vld [tilespmem:s21+$0x1610];
	v56 =	vpop (erf)  }
0x1c7: {  	[tilespmem:s21+$0x65A0] =	vst v55;
	v55 =	vmul.f32 v56, v57;
	v57 =	vperm.xlane v50, v0  }
0x1c8: {  	[tilespmem:s21+$0x6580] =	vst v51;
	v54 =	vmul.f32 v2, v54;
	v12 =	vpop (erf)  }
0x1c9: {  	[tilespmem:s21+$0x65B0] =	vst v48;
	v47 =	vmul.f32 v12, v47;
	v2 =	vadd.f32 v57, v50;
	v50 =	vadd.f32 $0.0e+00, v58;
	v48 =	vpop (erf)  }
0x1ca: {  	v63 =	vmul.f32 v3, v63;
	v3 =	vld [tilespmem:$0x1FFD0];
	[tilespmem:s21+$0x65C0] =	vst v55;
	v55 =	vmul.f32 v48, v59;
	v59 =	vpop (erf)  }
0x1cb: {  	v58 =	vld [tilespmem:s21+$0x620];
	v53 =	vmul.f32 v53, v62;
	[tilespmem:s21+$0x65D0] =	vst v47;
	v54 =	vadd.f32 v54, v50;
	v47 =	vmul.f32 v59, v60  }
0x1cc: {  	v60 =	vld [tilespmem:s21+$0x1620];
	[tilespmem:s21+$0x65E0] =	vst v55;
	v55 =	vperm.xlane v2, v1  }
0x1cd: {  	v54 =	vadd.f32 v49, v54;
	[tilespmem:s21+$0x65F0] =	vst v47;
	v47 =	vperm.xlane v53, v0  }
0x1ce: {  	v62 =	vld [tilespmem:s22+$0xA300];
	v2 =	vadd.f32 v55, v2  }
0x1cf: {  	v54 =	vadd.f32 v63, v54;
	v63 =	vmul.f32 v3, v56;
	v3 =	vld [tilespmem:$0x1FFE0];
	v47 =	vadd.f32 v47, v53  }
0x1d0: {  	v53 =	vperm.xlane v2, v7  }
0x1d1: {  	s3 =	sadd.s32 $0xFFFFFFF5, s11;
	vm8 =	veq.s32 v61, $0x0;
	v58 =	vmul.f32 v60, v58;
	v55 =	vperm.xlane v47, v1  }
0x1d2: {  	vm9 =	veq.s32 v61, $0x1;
	vm10 =	veq.s32 v61, $0x2;
	v56 =	vmov s3;
	v60 =	vld [tilespmem:s21+$0x630]  }
0x1d3: {  	v2 =	vadd.f32 v53, v2;
	v53 =	vld [tilespmem:s21+$0x1630];
	v47 =	vadd.f32 v55, v47;
	v55 =	vperm.xlane v58, v0  }
0x1d4: {  	v54 =	vadd.f32 v63, v54;
	v56 =	vperm.xlane v62, v56;
	v12 =	vmul.f32 v3, v12  }
0x1d5: {  	v48 =	vmul.f32 v11, v48;
	v3 =	vperm.xlane v47, v7;
	v55 =	vadd.f32 v55, v58  }
0x1d6: {  	v62 =	vperm.xlane v2, v9;
	v63 =	vshll.u32 v56, $0x3;
	v12 =	vadd.f32 v12, v54  }
0x1d7: {  	v58 =	vand.u32 $0x8, v63;
	v3 =	vadd.f32 v3, v47;
	v63 =	vperm.xlane v55, v1  }
0x1d8: {  	v2 =	vadd.f32 v62, v2;
	v53 =	vmul.f32 v53, v60;
	v54 =	vsub.s32 v4, v58;
	v4 =	vld [tilespmem:$0x1FFF0]  }
0x1d9: {  	vm11 =	veq.s32 v61, $0x3;
	v60 =	vperm.xlane v3, v9;
	v47 =	vadd.f32 v63, v55  }
0x1da: {  	v12 =	vadd.f32 v48, v12;
	v2 =	vmax.f32 v2, $-5.000000000e+00;
	v62 =	vperm.xlane v53, v0  }
0x1db: {  	v2 =	vmin.f32 v2, $5.000000000e+00;
	v3 =	vadd.f32 v60, v3;
	v58 =	vperm.xlane v47, v7  }
0x1dc: {  	v48 =	vshra.s32 v54, $0x3;
	v2 =	vmul.f32 $1.442695020e+00, v2;
	v53 =	vadd.f32 v62, v53;
	v60 =	vld [tilespmem:s21+$0x640]  }
0x1dd: {  	v62 =	vld [tilespmem:s21+$0x1640];
	v55 =	vmul.f32 v4, v59;
	v3 =	vmax.f32 v3, $-5.000000000e+00;
	v47 =	vadd.f32 v58, v47  }
0x1de: {  	(erf) = vpow2.f32 v2;
	v58 =	vperm.xlane v53, v1;
	v2 =	vmin.f32 v3, $5.000000000e+00  }
0x1df: {  	v59 =	vsub.s32 $0x0, v48;
	v3 =	vld [tilespmem:s21+$0x650];
	v2 =	vmul.f32 $1.442695020e+00, v2;
	v63 =	vperm.xlane v47, v9  }
0x1e0: {  	vm12 =	veq.s32 v61, $0x4;
	v48 =	vmin.u32 v48, v59;
	v53 =	vadd.f32 v58, v53;
	v58 =	vld [tilespmem:s21+$0x1650]  }
0x1e1: {  	v12 =	vadd.f32 v55, v12;
	(erf) = vpow2.f32 v2;
	v2 =	vadd.f32 v63, v47  }
0x1e2: {  	v5 =	vld [tilespmem:$0x1FF90];
	v48 =	vxor.u32 $0x1, v48;
	v60 =	vmul.f32 v62, v60;
	v47 =	vperm.xlane v53, v7  }
0x1e3: {  	v55 =	vcvt.s32.f32 v48;
	v62 =	vld [tilespmem:s21+$0x660];
	v12 =	vperm.xlane v12, v54;
	v2 =	vmax.f32 v2, $-5.000000000e+00  }
0x1e4: {  	v54 =	vld [tilespmem:s21+$0x1660];
	v53 =	vadd.f32 v47, v53;
	v47 =	vperm.xlane v60, v0;
	v2 =	vmin.f32 v2, $5.000000000e+00  }
0x1e5: {  	vm13 =	veq.s32 v61, $0x5;
	v63 =	vld [tilespmem:s21+$0x2600];
	v3 =	vmul.f32 v58, v3;
	v2 =	vmul.f32 $1.442695020e+00, v2  }
0x1e6: {  	v6 =	vld [tilespmem:$0x1FFA0];
	vm14 =	veq.s32 v61, $0x6;
	vm15 =	veq.s32 v61, $0x7;
	v58 =	vperm.xlane v53, v9  }
0x1e7: {  	v61 =	vld [tilespmem:s21+$0x2610];
	v60 =	vadd.f32 v47, v60;
	v4 =	vperm.xlane v3, v0;
	(erf) = vpow2.f32 v2  }
0x1e8: {  	v47 =	vmul.f32 v55, v12;
	v2 =	vadd.f32 v58, v53  }
0x1e9: {  	v55 =	vpop (erf);
	v58 =	vperm.xlane v60, v1;
	v3 =	vadd.f32 v4, v3;
	v4 =	vmul.f32 v54, v62  }
0x1ea: {  	v12 =	vld [tilespmem:s21+$0x670];
	v53 =	vmul.f32 v55, v63;
	v55 =	vmul.f32 v5, v55  }
0x1eb: {  	v62 =	vld [tilespmem:s21+$0x1670];
	v58 =	vadd.f32 v58, v60;
	v63 =	vpop (erf);
	v60 =	vperm.xlane v3, v1;
	v5 =	vperm.xlane v4, v0  }
0x1ec: {  	v54 =	vmul.f32 v63, v61;
	v61 =	vmul.f32 v6, v63;
	v63 =	vld [tilespmem:s21+$0x2620]  }
0x1ed: {  	v8 =	vld [tilespmem:s21+$0x690];
	v6 =	vperm.xlane v58, v7;
	v3 =	vadd.f32 v60, v3  }
0x1ee: {  	v2 =	vmax.f32 v2, $-5.000000000e+00;
	v55 =	vadd.f32 $0.0e+00, v55;
	v4 =	vadd.f32 v5, v4;
	v5 =	vld [tilespmem:s21+$0x680]  }
0x1ef: {  	v2 =	vmin.f32 v2, $5.000000000e+00;
	v60 =	vld [tilespmem:s21+$0x1680];
	v6 =	vadd.f32 v6, v58;
	v58 =	vperm.xlane v3, v7  }
0x1f0: {  	v2 =	vmul.f32 $1.442695020e+00, v2;
	v12 =	vmul.f32 v62, v12;
	v55 =	vadd.f32 v61, v55;
	v61 =	vld [tilespmem:s21+$0x1690];
	v10 =	vpop (erf)  }
0x1f1: {  	v62 =	vperm.xlane v4, v1;
	v3 =	vadd.f32 v58, v3;
	v58 =	vmul.f32 v10, v63;
	v63 =	vld [tilespmem:$0x1FFB0]  }
0x1f2: {  	(erf) = vpow2.f32 v2;
	v2 =	vperm.xlane v12, v0  }
0x1f3: {  	v4 =	vadd.f32 v62, v4;
	v62 =	vperm.xlane v6, v9  }
0x1f4: {  	v2 =	vadd.f32 v2, v12  }
0x1f5: {  	v5 =	vmul.f32 v60, v5;
	v6 =	vadd.f32 v62, v6;
	v12 =	vperm.xlane v3, v9  }
0x1f6: {  	v8 =	vmul.f32 v61, v8;
	v10 =	vmul.f32 v63, v10  }
0x1f7: {  	v60 =	vperm.xlane v2, v1;
	v62 =	vperm.xlane v5, v0;
	v6 =	vmax.f32 v6, $-5.000000000e+00  }
0x1f8: {  	v3 =	vadd.f32 v12, v3;
	v10 =	vadd.f32 v10, v55;
	v55 =	vperm.xlane v4, v7  }
0x1f9: {  	v12 =	vld [tilespmem:s21+$0x6A0];
	v6 =	vmin.f32 v6, $5.000000000e+00;
	v2 =	vadd.f32 v60, v2;
	v5 =	vadd.f32 v62, v5  }
0x1fa: {  	v60 =	vld [tilespmem:s21+$0x16A0];
	v6 =	vmul.f32 $1.442695020e+00, v6;
	v4 =	vadd.f32 v55, v4;
	v55 =	vperm.xlane v8, v0  }
0x1fb: {  	v3 =	vmax.f32 v3, $-5.000000000e+00;
	v62 =	vperm.xlane v2, v7;
	v63 =	vperm.xlane v5, v1  }
0x1fc: {  	v3 =	vmin.f32 v3, $5.000000000e+00;
	v61 =	vperm.xlane v4, v9;
	v8 =	vadd.f32 v55, v8  }
0x1fd: {  	(erf) = vpow2.f32 v6;
	v3 =	vmul.f32 $1.442695020e+00, v3;
	v5 =	vadd.f32 v63, v5  }
0x1fe: {  	v2 =	vadd.f32 v62, v2;
	v4 =	vadd.f32 v61, v4;
	v6 =	vperm.xlane v8, v1  }
0x1ff: {  	v12 =	vmul.f32 v60, v12;
	v60 =	vperm.xlane v5, v7  }
0x200: {  	v55 =	vperm.xlane v2, v9;
	v4 =	vmax.f32 v4, $-5.000000000e+00;
	v6 =	vadd.f32 v6, v8  }
0x201: {  	(erf) = vpow2.f32 v3;
	v3 =	vmin.f32 v4, $5.000000000e+00;
	v4 =	vperm.xlane v12, v0  }
0x202: {  	v5 =	vadd.f32 v60, v5;
	v2 =	vadd.f32 v55, v2;
	v60 =	vperm.xlane v6, v7  }
0x203: {  	v61 =	vld [tilespmem:s21+$0x6B0];
	v3 =	vmul.f32 $1.442695020e+00, v3;
	v4 =	vadd.f32 v4, v12  }
0x204: {  	v63 =	vperm.xlane v5, v9;
	v2 =	vmax.f32 v2, $-5.000000000e+00;
	v12 =	vld [tilespmem:s21+$0x16B0];
	v6 =	vadd.f32 v60, v6  }
0x205: {  	v2 =	vmin.f32 v2, $5.000000000e+00;
	(erf) = vpow2.f32 v3;
	v3 =	vperm.xlane v4, v1  }
0x206: {  	v5 =	vadd.f32 v63, v5;
	v2 =	vmul.f32 $1.442695020e+00, v2;
	v60 =	vperm.xlane v6, v9  }
0x207: {  	v8 =	vld [tilespmem:s21+$0x2630];
	v3 =	vadd.f32 v3, v4  }
0x208: {  	(erf) = vpow2.f32 v2;
	v2 =	vmax.f32 v5, $-5.000000000e+00;
	v6 =	vadd.f32 v60, v6;
	v60 =	vld [tilespmem:$0x1FFC0]  }
0x209: {  	[tilespmem:s21+$0x7300] =	vst v14;
	v2 =	vmin.f32 v2, $5.000000000e+00;
	v12 =	vmul.f32 v12, v61;
	v5 =	vperm.xlane v3, v7  }
0x20a: {  	[tilespmem:s21+$0x7310] =	vst v18;
	v18 =	vld [tilespmem:s21+$0x6C0];
	v51 =	vsel vm8, $0x3F800000, v13;
	v52 =	vsel vm9, $0x3F800000, v13;
	v2 =	vmul.f32 $1.442695020e+00, v2  }
0x20b: {  	[tilespmem:s21+$0x7320] =	vst v15;
	v15 =	vld [tilespmem:s21+$0x16C0];
	v4 =	vpop (erf);
	v6 =	vmax.f32 v6, $-5.000000000e+00;
	v14 =	vperm.xlane v12, v0;
	v3 =	vadd.f32 v5, v3  }
0x20c: {  	v63 =	vld [tilespmem:s21+$0x6E0];
	v8 =	vmul.f32 v4, v8;
	(erf) = vpow2.f32 v2;
	v6 =	vmin.f32 v6, $5.000000000e+00  }
0x20d: {  	v61 =	vld [tilespmem:s21+$0x16D0];
	v12 =	vadd.f32 v14, v12;
	v4 =	vmul.f32 v60, v4;
	v2 =	vperm.xlane v3, v9  }
0x20e: {  	v49 =	vsel vm12, $0x3F800000, v13;
	v62 =	vshrl.u32 v56, $0x1;
	v5 =	vld [tilespmem:s21+$0x6D0];
	v6 =	vmul.f32 $1.442695020e+00, v6  }
0x20f: {  	[tilespmem:s21+$0x7340] =	vst v19;
	v56 =	vadd.f32 v4, v10;
	v4 =	vperm.xlane v12, v1;
	v2 =	vadd.f32 v2, v3;
	v3 =	vld [tilespmem:s21+$0x6F0]  }
0x210: {  	[tilespmem:s21+$0x7330] =	vst v16;
	v57 =	vsel vm10, $0x3F800000, v13;
	v16 =	vmul.f32 v49, v46;
	v55 =	vmul.f32 v51, v46;
	v10 =	vld [tilespmem:s21+$0x16F0]  }
0x211: {  	[tilespmem:s21+$0x7350] =	vst v17;
	(erf) = vpow2.f32 v6;
	v6 =	vld [tilespmem:s21+$0x16E0];
	v4 =	vadd.f32 v4, v12;
	v12 =	vmul.f32 v15, v18  }
0x212: {  	[tilespmem:s21+$0x7360] =	vst v20;
	v50 =	vsel vm11, $0x3F800000, v13;
	v51 =	vmul.f32 v52, v46;
	v52 =	vmul.f32 v57, v46  }
0x213: {  	[tilespmem:s21+$0x7370] =	vst v22;
	v59 =	vsel vm13, $0x3F800000, v13;
	v5 =	vmul.f32 v61, v5;
	v60 =	vperm.xlane v12, v0  }
0x214: {  	[tilespmem:s21+$0x7380] =	vst v21;
	v20 =	vand.u32 $0x7, v62;
	v15 =	vmul.f32 v59, v46;
	v59 =	vperm.xlane v4, v7  }
0x215: {  	[tilespmem:s21+$0x7390] =	vst v23;
	v3 =	vmul.f32 v10, v3;
	v10 =	vperm.xlane v5, v0;
	v12 =	vadd.f32 v60, v12  }
0x216: {  	[tilespmem:s21+$0x73A0] =	vst v24;
	v14 =	vmul.f32 v50, v46;
	v6 =	vmul.f32 v6, v63;
	v4 =	vadd.f32 v59, v4  }
0x217: {  	[tilespmem:s21+$0x73B0] =	vst v25;
	v5 =	vadd.f32 v10, v5;
	v10 =	vperm.xlane v3, v0;
	v49 =	vperm.xlane v12, v1  }
0x218: {  	[tilespmem:s21+$0x73E0] =	vst v28;
	v2 =	vmax.f32 v2, $-5.000000000e+00;
	v62 =	vperm.xlane v6, v0;
	v63 =	vperm.xlane v4, v9  }
0x219: {  	[tilespmem:s21+$0x73C0] =	vst v27;
	v61 =	vld [tilespmem:s21+$0x2640];
	v3 =	vadd.f32 v10, v3;
	v10 =	vperm.xlane v5, v1;
	v12 =	vadd.f32 v49, v12  }
0x21a: {  	[tilespmem:s21+$0x73D0] =	vst v26;
	v2 =	vmin.f32 v2, $5.000000000e+00;
	v6 =	vadd.f32 v62, v6;
	v4 =	vadd.f32 v63, v4  }
0x21b: {  	[tilespmem:s21+$0x7410] =	vst v31;
	v5 =	vadd.f32 v10, v5;
	v10 =	vperm.xlane v3, v1;
	v59 =	vperm.xlane v12, v7  }
0x21c: {  	[tilespmem:s21+$0x7420] =	vst v32;
	v2 =	vmul.f32 $1.442695020e+00, v2;
	v57 =	vperm.xlane v6, v1;
	v4 =	vmax.f32 v4, $-5.000000000e+00  }
0x21d: {  	[tilespmem:s21+$0x73F0] =	vst v29;
	v50 =	vpop (erf);
	v3 =	vadd.f32 v10, v3;
	v10 =	vperm.xlane v5, v7;
	v12 =	vadd.f32 v59, v12  }
0x21e: {  	[tilespmem:s21+$0x7400] =	vst v30;
	v24 =	vmul.f32 v50, v61;
	v6 =	vadd.f32 v57, v6;
	v4 =	vmin.f32 v4, $5.000000000e+00  }
0x21f: {  	[tilespmem:s21+$0x7440] =	vst v35;
	v61 =	vld [tilespmem:s21+$0x2650];
	v5 =	vadd.f32 v10, v5;
	v10 =	vperm.xlane v3, v7;
	v27 =	vperm.xlane v12, v9  }
0x220: {  	[tilespmem:s21+$0x7430] =	vst v33;
	v60 =	vperm.xlane v6, v7;
	v4 =	vmul.f32 $1.442695020e+00, v4  }
0x221: {  	[tilespmem:s21+$0x7450] =	vst v34;
	(erf) = vpow2.f32 v2;
	v3 =	vadd.f32 v10, v3;
	v10 =	vperm.xlane v5, v9  }
0x222: {  	[tilespmem:s21+$0x7470] =	vst v37;
	v2 =	vld [tilespmem:s21+$0x2660];
	v6 =	vadd.f32 v60, v6;
	(erf) = vpow2.f32 v4  }
0x223: {  	[tilespmem:s21+$0x6600] =	vst v53;
	v62 =	vld [tilespmem:s21+$0x2670];
	v12 =	vadd.f32 v27, v12;
	v5 =	vadd.f32 v10, v5;
	v10 =	vperm.xlane v3, v9;
	v27 =	vpop (erf)  }
0x224: {  	[tilespmem:s21+$0x6610] =	vst v54;
	v4 =	vperm.xlane v6, v9;
	v26 =	vmul.f32 v27, v61  }
0x225: {  	v37 =	vlaneseq.u32;
	[tilespmem:s21+$0x6620] =	vst v58  }
0x226: {  	v48 =	vsel vm14, $0x3F800000, v13;
	vm4 =	veq.s32 v20, $0x0;
	v4 =	vadd.f32 v4, v6;
	v6 =	vpop (erf);
	[tilespmem:s21+$0x6650] =	vst v26;
	v26 =	vld [tilespmem:$0x1FFD0]  }
0x227: {  	[tilespmem:s21+$0x6630] =	vst v8;
	v12 =	vmax.f32 v12, $-5.000000000e+00;
	v3 =	vadd.f32 v10, v3;
	v2 =	vmul.f32 v6, v2;
	v10 =	vpop (erf)  }
0x228: {  	v32 =	vld [tilespmem:$0x1FFE0];
	vm5 =	veq.s32 v20, $0x1;
	[tilespmem:s21+$0x6640] =	vst v24;
	v12 =	vmin.f32 v12, $5.000000000e+00;
	v23 =	vmul.f32 v10, v62  }
0x229: {  	vm6 =	veq.s32 v20, $0x2;
	v5 =	vmax.f32 v5, $-5.000000000e+00;
	v12 =	vmul.f32 $1.442695020e+00, v12;
	[tilespmem:s21+$0x6660] =	vst v2  }
0x22a: {  	v34 =	vld [tilespmem:$0x1FF90];
	vm7 =	veq.s32 v20, $0x3;
	vm8 =	veq.s32 v20, $0x4;
	v5 =	vmin.f32 v5, $5.000000000e+00;
	[tilespmem:s21+$0x6670] =	vst v23  }
0x22b: {  	[tilespmem:s21+$0x7460] =	vst v36;
	v4 =	vmax.f32 v4, $-5.000000000e+00;
	(erf) = vpow2.f32 v12;
	v12 =	vld [tilespmem:s22+$0xA300];
	v23 =	vmul.f32 v26, v50  }
0x22c: {  	v36 =	vld [tilespmem:$0x1FFF0];
	[tilespmem:s21+$0x7480] =	vst v39;
	vm9 =	veq.s32 v20, $0x5;
	v5 =	vmul.f32 $1.442695020e+00, v5;
	v4 =	vmin.f32 v4, $5.000000000e+00  }
0x22d: {  	[tilespmem:s21+$0x7490] =	vst v38;
	v25 =	vmul.f32 v32, v27;
	v4 =	vmul.f32 $1.442695020e+00, v4;
	v23 =	vadd.f32 v23, v56  }
0x22e: {  	v35 =	vld [tilespmem:$0x1FFA0];
	[tilespmem:s21+$0x74A0] =	vst v40;
	s3 =	sadd.s32 $0xFFFFFFF6, s11;
	v3 =	vmax.f32 v3, $-5.000000000e+00;
	(erf) = vpow2.f32 v5;
	v5 =	vmul.f32 v11, v6  }
0x22f: {  	[tilespmem:s21+$0x74B0] =	vst v42;
	v27 =	vld [tilespmem:s21+$0x2690];
	v6 =	vmov s3;
	(erf) = vpow2.f32 v4;
	v4 =	vadd.f32 v25, v23  }
0x230: {  	[tilespmem:s21+$0x74C0] =	vst v41;
	vm10 =	veq.s32 v20, $0x6;
	v3 =	vmin.f32 v3, $5.000000000e+00;
	v41 =	vpop (erf);
	v6 =	vperm.xlane v12, v6  }
0x231: {  	[tilespmem:s21+$0x74F0] =	vst v45;
	v45 =	vmul.f32 v34, v41;
	v4 =	vadd.f32 v5, v4;
	v5 =	vmul.f32 v36, v10  }
0x232: {  	[tilespmem:s21+$0x74D0] =	vst v43;
	vm11 =	veq.s32 v20, $0x7;
	v3 =	vmul.f32 $1.442695020e+00, v3;
	v10 =	vshll.u32 v6, $0x3  }
0x233: {  	v33 =	vld [tilespmem:s21+$0x2680];
	[tilespmem:s21+$0x74E0] =	vst v44;
	v29 =	vpop (erf);
	v20 =	vadd.f32 $0.0e+00, v45;
	v10 =	vand.u32 $0x8, v10;
	v4 =	vadd.f32 v5, v4  }
0x234: {  	v43 =	vld [tilespmem:s21+$0x26D0];
	[tilespmem:s21+$0x7500] =	vst v55;
	v5 =	vsub.s32 v37, v10;
	v10 =	vmul.f32 v29, v27;
	v29 =	vmul.f32 v35, v29  }
0x235: {  	[tilespmem:s21+$0x7510] =	vst v51;
	v30 =	vpop (erf);
	(erf) = vpow2.f32 v3;
	v12 =	vld [tilespmem:s21+$0x26A0]  }
0x236: {  	v21 =	vsel vm15, $0x3F800000, v13;
	[tilespmem:s21+$0x7520] =	vst v52;
	v31 =	vpop (erf);
	v20 =	vadd.f32 v29, v20;
	v29 =	vld [tilespmem:$0x1FFB0]  }
0x237: {  	v28 =	vld [tilespmem:s21+$0x26C0];
	v22 =	vsel vm4, $0x3F800000, v13;
	v17 =	vsel vm6, $0x3F800000, v13;
	[tilespmem:s21+$0x7530] =	vst v14;
	v2 =	vmul.f32 v48, v46;
	v48 =	vpop (erf)  }
0x238: {  	v40 =	vld [tilespmem:s21+$0x26B0];
	v19 =	vsel vm7, $0x3F800000, v13;
	v38 =	vmul.f32 v22, v47;
	[tilespmem:s21+$0x7550] =	vst v15;
	v42 =	vmul.f32 v41, v33;
	v49 =	vpop (erf)  }
0x239: {  	v39 =	vsel vm10, $0x3F800000, v13;
	v17 =	vmul.f32 v17, v47;
	[tilespmem:s21+$0x7560] =	vst v2;
	v50 =	vmul.f32 v49, v43;
	v27 =	vld [tilespmem:s21+$0x26E0]  }
0x23a: {  	v8 =	vsel vm8, $0x3F800000, v13;
	v3 =	vmul.f32 v21, v46;
	[tilespmem:s21+$0x6680] =	vst v42;
	v46 =	vld [tilespmem:s21+$0x26F0];
	v12 =	vmul.f32 v30, v12  }
0x23b: {  	v55 =	vsel vm11, $0x3F800000, v13;
	v8 =	vmul.f32 v8, v47;
	[tilespmem:s21+$0x66D0] =	vst v50;
	v51 =	vmul.f32 v29, v30;
	v30 =	vld [tilespmem:$0x1FFC0]  }
0x23c: {  	v15 =	vmul.f32 v39, v47;
	v32 =	vld [tilespmem:$0x1FFE0];
	v44 =	vshra.s32 v5, $0x3;
	[tilespmem:s21+$0x66A0] =	vst v12;
	v12 =	vmul.f32 v48, v28  }
0x23d: {  	v4 =	vperm.xlane v4, v5;
	v5 =	vsub.s32 $0x0, v44;
	[tilespmem:s21+$0x6690] =	vst v10;
	v10 =	vmul.f32 v31, v40;
	v28 =	vpop (erf)  }
0x23e: {  	v63 =	vsel vm9, $0x3F800000, v13;
	v5 =	vmin.u32 v44, v5;
	[tilespmem:s21+$0x66C0] =	vst v12;
	v12 =	vmul.f32 v28, v27;
	v27 =	vpop (erf)  }
0x23f: {  	v14 =	vmul.f32 v63, v47;
	[tilespmem:s21+$0x66B0] =	vst v10;
	v5 =	vxor.u32 $0x1, v5;
	v52 =	vmul.f32 v27, v46  }
0x240: {  	v18 =	vsel vm5, $0x3F800000, v13;
	v5 =	vcvt.s32.f32 v5;
	[tilespmem:s21+$0x66E0] =	vst v12;
	v53 =	vmul.f32 v30, v31;
	v31 =	vld [tilespmem:$0x1FFD0]  }
0x241: {  	v2 =	vmul.f32 v55, v47;
	v6 =	vshrl.u32 v6, $0x1;
	v61 =	vmul.f32 v32, v49;
	[tilespmem:s21+$0x66F0] =	vst v52  }
0x242: {  	v10 =	vmul.f32 v18, v47;
	v4 =	vmul.f32 v5, v4;
	v5 =	vand.u32 $0x7, v6;
	v6 =	vld [tilespmem:s22+$0xA300]  }
0x243: {  	v12 =	vmul.f32 v19, v47;
	vm12 =	veq.s32 v5, $0x0;
	v20 =	vadd.f32 v51, v20  }
0x244: {  	[tilespmem:s21+$0x7540] =	vst v16;
	vm13 =	veq.s32 v5, $0x1;
	vm14 =	veq.s32 v5, $0x2;
	vm15 =	veq.s32 v5, $0x3  }
0x245: {  	[tilespmem:s21+$0x7580] =	vst v38;
	vm4 =	veq.s32 v5, $0x4;
	s22 =	sadd.s32 $0xFFFFFFF7, s11;
	v54 =	vadd.f32 v53, v20;
	v57 =	vmul.f32 v31, v48  }
0x246: {  	[tilespmem:s21+$0x75C0] =	vst v8;
	vm5 =	veq.s32 v5, $0x5;
	vm6 =	veq.s32 v5, $0x6;
	v59 =	vmov s22  }
0x247: {  	[tilespmem:s21+$0x7570] =	vst v3;
	vm7 =	veq.s32 v5, $0x7;
	v6 =	vperm.xlane v6, v59;
	v3 =	vadd.f32 v57, v54  }
0x248: {  	[tilespmem:s21+$0x7590] =	vst v10;
	v56 =	vsel vm12, $0x3F800000, v13;
	v60 =	vsel vm13, $0x3F800000, v13;
	v10 =	vsel vm14, $0x3F800000, v13  }
0x249: {  	[tilespmem:s21+$0x75B0] =	vst v12;
	v12 =	vmul.f32 v11, v28;
	v63 =	vshll.u32 v6, $0x3;
	v3 =	vadd.f32 v61, v3  }
0x24a: {  	[tilespmem:s21+$0x75E0] =	vst v15;
	v8 =	vsel vm4, $0x3F800000, v13;
	v15 =	vsel vm5, $0x3F800000, v13;
	v19 =	vand.u32 $0x8, v63  }
0x24b: {  	[tilespmem:s21+$0x75D0] =	vst v14;
	v14 =	vsub.s32 v37, v19;
	v3 =	vadd.f32 v12, v3;
	v12 =	vmul.f32 v36, v27  }
0x24c: {  	[tilespmem:s21+$0x75F0] =	vst v2;
	v2 =	vsel vm6, $0x3F800000, v13;
	v58 =	vmul.f32 v56, v4;
	v19 =	vshra.s32 v14, $0x3  }
0x24d: {  	[tilespmem:s21+$0x75A0] =	vst v17;
	v16 =	vmul.f32 v60, v4;
	v3 =	vadd.f32 v12, v3;
	v12 =	vsub.s32 $0x0, v19  }
0x24e: {  	v10 =	vmul.f32 v10, v4;
	v8 =	vmul.f32 v8, v4;
	[tilespmem:s21+$0x7600] =	vst v58;
	v5 =	vmin.u32 v19, v12  }
0x24f: {  	v2 =	vmul.f32 v2, v4;
	[tilespmem:s21+$0x7610] =	vst v16;
	v6 =	vshrl.u32 v6, $0x1;
	v5 =	vxor.u32 $0x1, v5  }
0x250: {  	[tilespmem:s21+$0x7620] =	vst v10;
	v6 =	vand.u32 $0x7, v6;
	v3 =	vperm.xlane v3, v14;
	v5 =	vcvt.s32.f32 v5  }
0x251: {  	v62 =	vsel vm15, $0x3F800000, v13;
	v10 =	vmul.f32 v15, v4;
	[tilespmem:s21+$0x7640] =	vst v8;
	vm8 =	veq.s32 v6, $0x0  }
0x252: {  	[tilespmem:s21+$0x7660] =	vst v2;
	v12 =	vmul.f32 v62, v4;
	v3 =	vmul.f32 v5, v3;
	v5 =	vsel vm7, $0x3F800000, v13  }
0x253: {  	[tilespmem:s21+$0x7650] =	vst v10;
	vm9 =	veq.s32 v6, $0x1;
	v4 =	vmul.f32 v5, v4;
	v5 =	vsel vm8, $0x3F800000, v13  }
0x254: {  	vm10 =	veq.s32 v6, $0x2;
	[tilespmem:s21+$0x7630] =	vst v12;
	v2 =	vmul.f32 v5, v3;
	v5 =	vsel vm9, $0x3F800000, v13  }
0x255: {  	vm11 =	veq.s32 v6, $0x3;
	[tilespmem:s21+$0x7670] =	vst v4;
	v4 =	vmul.f32 v5, v3;
	v5 =	vsel vm10, $0x3F800000, v13  }
0x256: {  	vm12 =	veq.s32 v6, $0x4;
	[tilespmem:s21+$0x7680] =	vst v2;
	v2 =	vmul.f32 v5, v3;
	v5 =	vsel vm11, $0x3F800000, v13  }
0x257: {  	vm13 =	veq.s32 v6, $0x5;
	[tilespmem:s21+$0x7690] =	vst v4;
	v4 =	vmul.f32 v5, v3;
	v5 =	vsel vm12, $0x3F800000, v13  }
0x258: {  	p2 =	slt.u32 s11, $0x18;
	vm14 =	veq.s32 v6, $0x6;
	[tilespmem:s21+$0x76A0] =	vst v2;
	v2 =	vmul.f32 v5, v3;
	v5 =	vsel vm13, $0x3F800000, v13  }
.Ltmp2:
0x259: {  	vm15 =	veq.s32 v6, $0x7;
	[tilespmem:s21+$0x76B0] =	vst v4;
	v4 =	vmul.f32 v5, v3;
	v5 =	vsel vm14, $0x3F800000, v13;
	(pc) =	sbr.rel @p2 .LBB2_3-.Ltmp2, $4  }
0x25a: {  	[tilespmem:s21+$0x76C0] =	vst v2;
	v2 =	vmul.f32 v5, v3;
	v5 =	vsel vm15, $0x3F800000, v13  }
0x25b: {  	[tilespmem:s21+$0x76D0] =	vst v4;
	v3 =	vmul.f32 v5, v3  }
0x25c: {  	s22 =	sadd.s32 $0x8, s11;
	[tilespmem:s21+$0x76E0] =	vst v2  }
0x25d: {  	v33 =	vmov v11;
	s11 =	smov.u32 s22;
	[tilespmem:s21+$0x76F0] =	vst v3  }
0x25e: {  	[spmem:s2] =	stream.indirect.scatter.add.f32 [tilespmem:s13], [sflag:$0x5], $0x80, s12, s10, $0xb8;
	[tilespmem:$0x1F400] =	vst v63  }
0x25f: {  	s3 =	simm.s32 @!p0 $0x1  }
0x260: {  	_ =	swait.ge @!p0 [sflag:s3], $0x20  }
0x261: {  	[sflag:s3] =	ssyncset.done @!p0 $0x0  }
0x262: {  	[sflag:s3] =	ssyncadd.s32 @!p0 $0xFFFFFFE0  }
0x263: {  	_ =	swait.ge @!p0 [sflag:s3], $0x20  }
0x264: {  	[sflag:s3] =	ssyncset.done @!p0 $0x0  }
0x265: {  	[sflag:s3] =	ssyncadd.s32 @!p0 $0xFFFFFFE0  }
0x266: {  	_ =	swait.ge @!p0 [sflag:s3], $0x20  }
0x267: {  	s11 =	simm.s32 @!p0 $0x0;
	[sflag:s3] =	ssyncset.done @!p0 $0x0  }
0x268: {  	s21 =	simm.s32 @!p0 $0x300;
	[sflag:s3] =	ssyncadd.s32 @!p0 $0xFFFFFFE0;
	s3 =	simm.s32 @!p0 $0x20  }
0x269: {  	[tilespmem:s21], [sflag:$0x3] =	stream.indirect.gather @!p0 [hbm4b:s1+s3], $0x80, s11, s3, $0xb8;
	[tilespmem:$0x1F400] =	vst v63  }
0x26a: {  	s22 =	simm.s32 @!p0 $0x1300;
	s21 =	simm.s32 @!p0 $0x80  }
0x26b: {  	[tilespmem:s22], [sflag:$0x3] =	stream.indirect.gather @!p0 [hbm4b:s4+s3], $0x80, s21, s3, $0xb8;
	[tilespmem:$0x1F400] =	vst v63  }
0x26c: {  	s21 =	simm.s32 @!p0 $0x2300  }
0x26d: {  	[tilespmem:s21], [sflag:$0x3] =	stream.indirect.gather @!p0 [hbm4b:s5+s3], $0x80, s11, s3, $0xb8;
	[tilespmem:$0x1F400] =	vst v63  }
0x26e: {  	_ =	swait.ge [sflag:s14], $0x1000  }
0x26f: {  	[sflag:s14] =	ssyncset.done $0x0  }
0x270: {  	[sflag:s14] =	ssyncadd.s32 $0xFFFFF000  }
0x271: {  	_ =	swait.ge [sflag:s14], $0x1000  }
0x272: {  	[sflag:s14] =	ssyncset.done $0x0  }
0x273: {  	[sflag:s14] =	ssyncadd.s32 $0xFFFFF000  }
0x274: {  	_ =	swait.ge [sflag:s14], $0x1000  }
0x275: {  	[sflag:s14] =	ssyncset.done $0x0  }
0x276: {  	s3 =	simm.s32 @!p1 $0x6;
	[sflag:s14] =	ssyncadd.s32 $0xFFFFF000  }
0x277: {  	_ =	swait.ge @!p1 [sflag:s3], $0x2000  }
0x278: {  	[sflag:s3] =	ssyncset.done @!p1 $0x0  }
0x279: {  	[sflag:s3] =	ssyncadd.s32 @!p1 $0xFFFFE000  }
0x27a: {  	v2 =	vld [tilespmem:$0x200]  }
0x27b: {  	v3 =	vld [tilespmem:$0x280]  }
0x27c: {  	v4 =	vld [tilespmem:$0x210]  }
0x27d: {  	v5 =	vld [tilespmem:$0x290];
	_ =	sdelay $0x1  }
0x27e: {  	[tilespmem:$0xA380] =	vst v2  }
0x27f: {  	s3 =	sadd.s32 @!p0 s20, s19;
	[tilespmem:$0xA3A0] =	vst v3  }
0x280: {  	s3 =	sshrl.u32 @!p0 s3, $0x3;
	[tilespmem:$0xA390] =	vst v4  }
0x281: {  	s21 =	simm.s32 @!p0 $0x180;
	s20 =	sadd.s32 @!p0 s6, s3;
	[tilespmem:$0xA3B0] =	vst v5  }
0x282: {  	[tilespmem:s21], [sflag:$0x2] =	stream.linear.gather @!p0 [hbm4b:s20+s11], $0x20, $0x38;
	[tilespmem:$0x1F400] =	vst v63  }
0x283: {  	s20 =	sadd.s32 @!p0 s7, s3;
	s21 =	simm.s32 @!p0 $0x200  }
0x284: {  	[tilespmem:s21], [sflag:$0x2] =	stream.linear.gather @!p0 [hbm4b:s20+s11], $0x20, $0x38;
	[tilespmem:$0x1F400] =	vst v63  }
0x285: {  	s3 =	sadd.s32 @!p0 s9, s3;
	s20 =	simm.s32 @!p0 $0x280  }
0x286: {  	[tilespmem:s20], [sflag:$0x2] =	stream.linear.gather @!p0 [hbm4b:s3+s11], $0x20, $0x38;
	[tilespmem:$0x1F400] =	vst v63  }
0x287: {  	s11 =	simm.s32 $0x0  }
.LBB2_5:
0x288: {  	s20 =	sshll.u32 s11, $0x7  }
0x289: {  	v2 =	vld [tilespmem:s20+$0x3300]  }
0x28a: {  	v3 =	vld [tilespmem:s20+$0x4300]  }
0x28b: {  	v4 =	vld [tilespmem:s20+$0x3310]  }
0x28c: {  	v5 =	vld [tilespmem:s20+$0x4310];
	_ =	sdelay $0x3  }
0x28d: {  	v2 =	vmul.f32 v3, v2  }
0x28e: {  	v3 =	vmul.f32 v5, v4  }
0x28f: {  	v4 =	vperm.xlane v2, v0  }
0x290: {  	v5 =	vperm.xlane v3, v0  }
0x291: {  	v2 =	vadd.f32 v4, v2  }
0x292: {  	v3 =	vadd.f32 v5, v3  }
0x293: {  	v4 =	vperm.xlane v2, v1  }
0x294: {  	v5 =	vperm.xlane v3, v1  }
0x295: {  	v2 =	vadd.f32 v4, v2;
	v4 =	vld [tilespmem:s20+$0x3320]  }
0x296: {  	v3 =	vadd.f32 v5, v3;
	v5 =	vld [tilespmem:s20+$0x4320]  }
0x297: {  	v6 =	vperm.xlane v2, v7  }
0x298: {  	v8 =	vperm.xlane v3, v7  }
0x299: {  	v2 =	vadd.f32 v6, v2  }
0x29a: {  	v3 =	vadd.f32 v8, v3;
	v6 =	vld [tilespmem:s20+$0x3330]  }
0x29b: {  	v4 =	vmul.f32 v5, v4;
	v5 =	vld [tilespmem:s20+$0x4330];
	v8 =	vperm.xlane v2, v9  }
0x29c: {  	v12 =	vld [tilespmem:s20+$0x3340];
	v10 =	vperm.xlane v3, v9  }
0x29d: {  	v14 =	vld [tilespmem:s20+$0x4340];
	v2 =	vadd.f32 v8, v2;
	v8 =	vperm.xlane v4, v0  }
0x29e: {  	v16 =	vld [tilespmem:s20+$0x4360];
	v3 =	vadd.f32 v10, v3  }
0x29f: {  	v10 =	vld [tilespmem:s20+$0x3350];
	v2 =	vmax.f32 v2, $-5.000000000e+00;
	v4 =	vadd.f32 v8, v4  }
0x2a0: {  	v8 =	vld [tilespmem:s20+$0x4350];
	v3 =	vmax.f32 v3, $-5.000000000e+00;
	v5 =	vmul.f32 v5, v6;
	v2 =	vmin.f32 v2, $5.000000000e+00  }
0x2a1: {  	v18 =	vld [tilespmem:s20+$0x3370];
	v3 =	vmin.f32 v3, $5.000000000e+00;
	v2 =	vmul.f32 $1.442695020e+00, v2;
	v15 =	vperm.xlane v4, v1  }
0x2a2: {  	v6 =	vld [tilespmem:s20+$0x3360];
	v3 =	vmul.f32 $1.442695020e+00, v3  }
0x2a3: {  	v17 =	vperm.xlane v5, v0;
	(erf) = vpow2.f32 v2;
	v2 =	vadd.f32 v15, v4;
	v4 =	vld [tilespmem:s20+$0x4370]  }
0x2a4: {  	v12 =	vmul.f32 v14, v12  }
0x2a5: {  	(erf) = vpow2.f32 v3;
	v3 =	vadd.f32 v17, v5;
	v8 =	vmul.f32 v8, v10  }
0x2a6: {  	v10 =	vperm.xlane v12, v0;
	v5 =	vperm.xlane v2, v7  }
0x2a7: {  	v6 =	vmul.f32 v16, v6;
	v14 =	vperm.xlane v3, v1  }
0x2a8: {  	v2 =	vadd.f32 v5, v2;
	v5 =	vperm.xlane v8, v0;
	v4 =	vmul.f32 v4, v18  }
0x2a9: {  	v10 =	vadd.f32 v10, v12;
	v12 =	vperm.xlane v6, v0;
	v3 =	vadd.f32 v14, v3  }
0x2aa: {  	v14 =	vperm.xlane v2, v9;
	v5 =	vadd.f32 v5, v8;
	v8 =	vperm.xlane v4, v0  }
0x2ab: {  	v40 =	vperm.xlane v10, v1;
	v6 =	vadd.f32 v12, v6;
	v15 =	vperm.xlane v3, v7  }
0x2ac: {  	v2 =	vadd.f32 v14, v2;
	v12 =	vperm.xlane v5, v1;
	v4 =	vadd.f32 v8, v4  }
0x2ad: {  	v3 =	vadd.f32 v15, v3;
	v8 =	vadd.f32 v40, v10;
	v10 =	vperm.xlane v6, v1  }
0x2ae: {  	v2 =	vmax.f32 v2, $-5.000000000e+00;
	v5 =	vadd.f32 v12, v5;
	v12 =	vperm.xlane v4, v1  }
0x2af: {  	v14 =	vperm.xlane v3, v9;
	v15 =	vperm.xlane v8, v7;
	v6 =	vadd.f32 v10, v6  }
0x2b0: {  	v2 =	vmin.f32 v2, $5.000000000e+00;
	v10 =	vperm.xlane v5, v7;
	v4 =	vadd.f32 v12, v4  }
0x2b1: {  	v3 =	vadd.f32 v14, v3;
	v8 =	vadd.f32 v15, v8;
	v12 =	vperm.xlane v6, v7  }
0x2b2: {  	v2 =	vmul.f32 $1.442695020e+00, v2;
	v5 =	vadd.f32 v10, v5;
	v10 =	vperm.xlane v4, v7  }
0x2b3: {  	v3 =	vmax.f32 v3, $-5.000000000e+00;
	v14 =	vperm.xlane v8, v9;
	v6 =	vadd.f32 v12, v6  }
0x2b4: {  	v3 =	vmin.f32 v3, $5.000000000e+00;
	v12 =	vperm.xlane v5, v9;
	v4 =	vadd.f32 v10, v4  }
0x2b5: {  	v3 =	vmul.f32 $1.442695020e+00, v3;
	v8 =	vadd.f32 v14, v8  }
0x2b6: {  	(erf) = vpow2.f32 v2;
	v2 =	vadd.f32 v12, v5;
	v5 =	vperm.xlane v4, v9  }
0x2b7: {  	v10 =	vperm.xlane v6, v9;
	(erf) = vpow2.f32 v3;
	v3 =	vmax.f32 v8, $-5.000000000e+00  }
0x2b8: {  	v3 =	vmin.f32 v3, $5.000000000e+00;
	v2 =	vmax.f32 v2, $-5.000000000e+00;
	v4 =	vadd.f32 v5, v4  }
0x2b9: {  	v6 =	vadd.f32 v10, v6;
	v3 =	vmul.f32 $1.442695020e+00, v3;
	v2 =	vmin.f32 v2, $5.000000000e+00  }
0x2ba: {  	v12 =	vld [tilespmem:s20+$0x5300];
	v2 =	vmul.f32 $1.442695020e+00, v2;
	v4 =	vmax.f32 v4, $-5.000000000e+00  }
0x2bb: {  	v8 =	vld [tilespmem:s20+$0x4380];
	v6 =	vmax.f32 v6, $-5.000000000e+00;
	(erf) = vpow2.f32 v3;
	v4 =	vmin.f32 v4, $5.000000000e+00  }
0x2bc: {  	v5 =	vld [tilespmem:s20+$0x3380];
	v6 =	vmin.f32 v6, $5.000000000e+00;
	(erf) = vpow2.f32 v2;
	v2 =	vmul.f32 $1.442695020e+00, v4  }
0x2bd: {  	v10 =	vld [tilespmem:s20+$0x3390];
	v3 =	vmul.f32 $1.442695020e+00, v6  }
0x2be: {  	v6 =	vld [tilespmem:s20+$0x4390]  }
0x2bf: {  	v4 =	vld [tilespmem:s20+$0x5310];
	(erf) = vpow2.f32 v3  }
0x2c0: {  	v3 =	vld [tilespmem:s20+$0x5320];
	(erf) = vpow2.f32 v2;
	v2 =	vpop (erf)  }
0x2c1: {  	v14 =	vld [tilespmem:s20+$0x5330];
	v5 =	vmul.f32 v8, v5;
	v8 =	vmul.f32 v2, v12;
	_ =	sdelay $0x1  }
0x2c2: {  	v6 =	vmul.f32 v6, v10;
	v41 =	vperm.xlane v5, v0;
	v12 =	vld [tilespmem:s20+$0x5340];
	v10 =	vpop (erf)  }
0x2c3: {  	v15 =	vld [tilespmem:s20+$0x5350];
	v2 =	vmul.f32 v34, v2;
	v4 =	vmul.f32 v10, v4;
	v42 =	vpop (erf)  }
0x2c4: {  	v19 =	vperm.xlane v6, v0;
	v5 =	vadd.f32 v41, v5;
	[tilespmem:s20+$0x8300] =	vst v8;
	v3 =	vmul.f32 v42, v3;
	v8 =	vpop (erf)  }
0x2c5: {  	v43 =	vld [tilespmem:s20+$0x5360];
	[tilespmem:s20+$0x8310] =	vst v4;
	v4 =	vmul.f32 v35, v10;
	v10 =	vmul.f32 v8, v14  }
0x2c6: {  	v20 =	vld [tilespmem:s20+$0x5370];
	v2 =	vadd.f32 $0.0e+00, v2;
	v6 =	vadd.f32 v19, v6;
	v16 =	vperm.xlane v5, v1;
	v14 =	vpop (erf)  }
0x2c7: {  	v17 =	vmul.f32 v29, v42;
	[tilespmem:s20+$0x8320] =	vst v3;
	v3 =	vmul.f32 v14, v12;
	v12 =	vpop (erf)  }
0x2c8: {  	v2 =	vadd.f32 v4, v2;
	v4 =	vmul.f32 v12, v15;
	v15 =	vperm.xlane v6, v1  }
0x2c9: {  	v45 =	vld [tilespmem:s20+$0x33A0];
	v5 =	vadd.f32 v16, v5;
	v8 =	vmul.f32 v30, v8;
	[tilespmem:s20+$0x8330] =	vst v10;
	v10 =	vpop (erf)  }
0x2ca: {  	v2 =	vadd.f32 v17, v2;
	[tilespmem:s20+$0x8340] =	vst v3;
	v6 =	vadd.f32 v15, v6;
	v15 =	vld [tilespmem:s20+$0x43A0];
	v3 =	vmul.f32 v10, v43;
	v44 =	vpop (erf)  }
0x2cb: {  	[tilespmem:s20+$0x8350] =	vst v4;
	v4 =	vmul.f32 v44, v20  }
0x2cc: {  	v2 =	vadd.f32 v8, v2;
	v8 =	vmul.f32 v31, v14;
	[tilespmem:s20+$0x8360] =	vst v3;
	v3 =	vperm.xlane v5, v7  }
0x2cd: {  	s21 =	sand.u32 $0x10, s11;
	[tilespmem:s20+$0x8370] =	vst v4;
	v4 =	vperm.xlane v6, v7  }
0x2ce: {  	v2 =	vadd.f32 v8, v2;
	v14 =	vld [tilespmem:s21+$0xA380];
	v3 =	vadd.f32 v3, v5  }
0x2cf: {  	v5 =	vmul.f32 v32, v12;
	v12 =	vmul.f32 v15, v45;
	v15 =	vld [tilespmem:s20+$0x43B0];
	v4 =	vadd.f32 v4, v6  }
0x2d0: {  	v6 =	vld [tilespmem:s20+$0x33B0];
	v8 =	vperm.xlane v3, v9  }
0x2d1: {  	s3 =	sand.u32 $0x8, s11;
	v47 =	vld [tilespmem:s20+$0x33C0];
	v2 =	vadd.f32 v5, v2;
	v5 =	vperm.xlane v12, v0;
	v46 =	vperm.xlane v4, v9  }
0x2d2: {  	v48 =	vmov s3;
	v49 =	vld [tilespmem:s20+$0x33D0];
	v10 =	vmul.f32 v33, v10;
	v3 =	vadd.f32 v8, v3  }
0x2d3: {  	v18 =	vmul.f32 v36, v44;
	v8 =	vld [tilespmem:s20+$0x43C0];
	v5 =	vadd.f32 v5, v12;
	v4 =	vadd.f32 v46, v4  }
0x2d4: {  	v12 =	vld [tilespmem:s20+$0x43D0];
	v2 =	vadd.f32 v10, v2;
	v14 =	vperm.xlane v14, v48;
	v3 =	vmax.f32 v3, $-5.000000000e+00  }
0x2d5: {  	v51 =	vld [tilespmem:s20+$0x43E0];
	v6 =	vmul.f32 v15, v6;
	v3 =	vmin.f32 v3, $5.000000000e+00;
	v4 =	vmax.f32 v4, $-5.000000000e+00  }
0x2d6: {  	v15 =	vld [tilespmem:s20+$0x33E0];
	v50 =	vperm.xlane v5, v1;
	v3 =	vmul.f32 $1.442695020e+00, v3;
	v4 =	vmin.f32 v4, $5.000000000e+00  }
0x2d7: {  	v21 =	vld [tilespmem:s20+$0x33F0];
	v2 =	vadd.f32 v18, v2;
	v10 =	vperm.xlane v6, v0;
	v4 =	vmul.f32 $1.442695020e+00, v4  }
0x2d8: {  	v8 =	vmul.f32 v8, v47;
	(erf) = vpow2.f32 v3;
	v3 =	vadd.f32 v50, v5;
	v5 =	vld [tilespmem:s20+$0x43F0]  }
0x2d9: {  	v12 =	vmul.f32 v12, v49;
	(erf) = vpow2.f32 v4;
	v4 =	vadd.f32 v10, v6  }
0x2da: {  	v52 =	vshll.u32 v14, $0x3;
	v55 =	vperm.xlane v8, v0;
	v10 =	vperm.xlane v3, v7  }
0x2db: {  	v6 =	vand.u32 $0x8, v52;
	v15 =	vmul.f32 v51, v15;
	v53 =	vperm.xlane v4, v1  }
0x2dc: {  	v8 =	vadd.f32 v55, v8;
	v3 =	vadd.f32 v10, v3;
	v10 =	vperm.xlane v12, v0  }
0x2dd: {  	v56 =	vperm.xlane v15, v0;
	v5 =	vmul.f32 v5, v21;
	v4 =	vadd.f32 v53, v4  }
0x2de: {  	v59 =	vperm.xlane v8, v1;
	v57 =	vperm.xlane v3, v9;
	v10 =	vadd.f32 v10, v12  }
0x2df: {  	v15 =	vadd.f32 v56, v15;
	v12 =	vperm.xlane v5, v0;
	v58 =	vperm.xlane v4, v7  }
0x2e0: {  	v8 =	vadd.f32 v59, v8;
	v3 =	vadd.f32 v57, v3;
	v60 =	vperm.xlane v10, v1  }
0x2e1: {  	v6 =	vsub.s32 v37, v6;
	v5 =	vadd.f32 v12, v5;
	v4 =	vadd.f32 v58, v4  }
0x2e2: {  	v12 =	vperm.xlane v15, v1;
	v63 =	vperm.xlane v8, v7;
	v10 =	vadd.f32 v60, v10  }
0x2e3: {  	v3 =	vmax.f32 v3, $-5.000000000e+00;
	v61 =	vperm.xlane v5, v1;
	v62 =	vperm.xlane v4, v9  }
0x2e4: {  	v12 =	vadd.f32 v12, v15;
	v8 =	vadd.f32 v63, v8;
	v15 =	vperm.xlane v10, v7  }
0x2e5: {  	v3 =	vmin.f32 v3, $5.000000000e+00;
	v5 =	vadd.f32 v61, v5;
	v4 =	vadd.f32 v62, v4  }
0x2e6: {  	v3 =	vmul.f32 $1.442695020e+00, v3;
	v23 =	vperm.xlane v12, v7;
	v10 =	vadd.f32 v15, v10  }
0x2e7: {  	v24 =	vperm.xlane v8, v9;
	v15 =	vperm.xlane v5, v7;
	v4 =	vmax.f32 v4, $-5.000000000e+00  }
0x2e8: {  	v12 =	vadd.f32 v23, v12;
	v4 =	vmin.f32 v4, $5.000000000e+00;
	v25 =	vperm.xlane v10, v9  }
0x2e9: {  	v8 =	vadd.f32 v24, v8;
	v5 =	vadd.f32 v15, v5;
	v4 =	vmul.f32 $1.442695020e+00, v4  }
0x2ea: {  	(erf) = vpow2.f32 v3;
	v15 =	vperm.xlane v12, v9;
	v3 =	vadd.f32 v25, v10  }
0x2eb: {  	v10 =	vperm.xlane v5, v9;
	(erf) = vpow2.f32 v4;
	v4 =	vmax.f32 v8, $-5.000000000e+00  }
0x2ec: {  	v8 =	vadd.f32 v15, v12;
	v4 =	vmin.f32 v4, $5.000000000e+00;
	v3 =	vmax.f32 v3, $-5.000000000e+00  }
0x2ed: {  	v5 =	vadd.f32 v10, v5;
	v4 =	vmul.f32 $1.442695020e+00, v4;
	v3 =	vmin.f32 v3, $5.000000000e+00  }
0x2ee: {  	v54 =	vshra.s32 v6, $0x3;
	v8 =	vmax.f32 v8, $-5.000000000e+00;
	v3 =	vmul.f32 $1.442695020e+00, v3  }
0x2ef: {  	v8 =	vmin.f32 v8, $5.000000000e+00;
	v5 =	vmax.f32 v5, $-5.000000000e+00;
	(erf) = vpow2.f32 v4  }
0x2f0: {  	v10 =	vld [tilespmem:s20+$0x5380];
	v4 =	vmul.f32 $1.442695020e+00, v8;
	v8 =	vsub.s32 $0x0, v54;
	v5 =	vmin.f32 v5, $5.000000000e+00  }
0x2f1: {  	(erf) = vpow2.f32 v3;
	v3 =	vmul.f32 $1.442695020e+00, v5;
	v5 =	vmin.u32 v54, v8;
	v8 =	vld [tilespmem:s20+$0x5390]  }
0x2f2: {  	v2 =	vperm.xlane v2, v6;
	(erf) = vpow2.f32 v4;
	v4 =	vxor.u32 $0x1, v5  }
0x2f3: {  	(erf) = vpow2.f32 v3;
	v3 =	vcvt.s32.f32 v4  }
0x2f4: {  	v12 =	vpop (erf);
	v5 =	vld [tilespmem:s20+$0x53A0]  }
0x2f5: {  	v6 =	vld [tilespmem:s20+$0x53B0];
	v2 =	vmul.f32 v3, v2;
	v3 =	vmul.f32 v12, v10;
	v10 =	vpop (erf)  }
0x2f6: {  	v15 =	vld [tilespmem:s20+$0x53C0];
	v8 =	vmul.f32 v10, v8  }
0x2f7: {  	s22 =	sadd.s32 $0xFFFFFFF1, s11;
	v26 =	vld [tilespmem:s20+$0x53D0];
	v4 =	vshrl.u32 v14, $0x1  }
0x2f8: {  	v39 =	vld [tilespmem:s20+$0x53E0];
	v45 =	vmov s22;
	v4 =	vand.u32 $0x7, v4;
	v38 =	vpop (erf)  }
0x2f9: {  	v40 =	vld [tilespmem:s20+$0x53F0];
	vm0 =	veq.s32 v4, $0x0;
	vm13 =	veq.s32 v4, $0x1;
	[tilespmem:s20+$0x8380] =	vst v3;
	v3 =	vmul.f32 v38, v5;
	v5 =	vpop (erf)  }
0x2fa: {  	v12 =	vmul.f32 v34, v12;
	vm14 =	veq.s32 v4, $0x2;
	[tilespmem:s20+$0x8390] =	vst v8;
	v6 =	vmul.f32 v5, v6;
	v8 =	vpop (erf)  }
0x2fb: {  	v22 =	vld [tilespmem:s20+$0x3400];
	vm15 =	veq.s32 v4, $0x3;
	vm4 =	veq.s32 v4, $0x4;
	[tilespmem:s20+$0x83A0] =	vst v3;
	v3 =	vmul.f32 v8, v15;
	v42 =	vpop (erf)  }
0x2fc: {  	v43 =	vld [tilespmem:s20+$0x4410];
	v10 =	vmul.f32 v35, v10;
	v12 =	vadd.f32 $0.0e+00, v12;
	[tilespmem:s20+$0x83B0] =	vst v6;
	v6 =	vmul.f32 v42, v26;
	v23 =	vpop (erf)  }
0x2fd: {  	v24 =	vld [tilespmem:s20+$0x4400];
	vm5 =	veq.s32 v4, $0x5;
	vm6 =	veq.s32 v4, $0x6;
	[tilespmem:s20+$0x83C0] =	vst v3;
	v3 =	vmul.f32 v23, v39;
	v25 =	vpop (erf)  }
0x2fe: {  	v10 =	vadd.f32 v10, v12;
	v12 =	vmul.f32 v29, v38;
	v26 =	vld [tilespmem:s20+$0x3410];
	[tilespmem:s20+$0x83D0] =	vst v6;
	v6 =	vmul.f32 v25, v40  }
0x2ff: {  	vm7 =	veq.s32 v4, $0x7;
	v14 =	vsel vm0, $0x3F800000, v13;
	v41 =	vsel vm13, $0x3F800000, v13;
	[tilespmem:s20+$0x83E0] =	vst v3  }
0x300: {  	v44 =	vsel vm15, $0x3F800000, v13;
	v5 =	vmul.f32 v30, v5;
	v3 =	vadd.f32 v12, v10;
	[tilespmem:s20+$0x83F0] =	vst v6  }
0x301: {  	v14 =	vmul.f32 v14, v2;
	v18 =	vmul.f32 v41, v2;
	v6 =	vsel vm4, $0x3F800000, v13;
	v10 =	vld [tilespmem:s21+$0xA380]  }
0x302: {  	v3 =	vadd.f32 v5, v3;
	v5 =	vmul.f32 v31, v8;
	v8 =	vmul.f32 v24, v22  }
0x303: {  	v19 =	vmul.f32 v6, v2;
	v6 =	vsel vm5, $0x3F800000, v13;
	v12 =	vmul.f32 v43, v26  }
0x304: {  	v17 =	vmul.f32 v6, v2;
	v3 =	vadd.f32 v5, v3;
	v5 =	vperm.xlane v8, v0  }
0x305: {  	v55 =	vsel vm7, $0x3F800000, v13;
	v6 =	vmul.f32 v32, v42;
	v46 =	vperm.xlane v12, v0  }
0x306: {  	v16 =	vmul.f32 v44, v2;
	v5 =	vadd.f32 v5, v8;
	v10 =	vperm.xlane v10, v45  }
0x307: {  	v8 =	vsel vm6, $0x3F800000, v13;
	v3 =	vadd.f32 v6, v3;
	v6 =	vadd.f32 v46, v12  }
0x308: {  	v12 =	vmul.f32 v33, v23;
	v48 =	vperm.xlane v5, v1;
	v47 =	vshll.u32 v10, $0x3  }
0x309: {  	v20 =	vmul.f32 v8, v2;
	v49 =	vperm.xlane v6, v1;
	v8 =	vand.u32 $0x8, v47  }
0x30a: {  	v52 =	vld [tilespmem:s20+$0x4420];
	v50 =	vmul.f32 v36, v25;
	v5 =	vadd.f32 v48, v5;
	v8 =	vsub.s32 v37, v8  }
0x30b: {  	v3 =	vadd.f32 v12, v3;
	v12 =	vld [tilespmem:s20+$0x3420];
	v6 =	vadd.f32 v49, v6;
	v51 =	vshra.s32 v8, $0x3  }
0x30c: {  	v15 =	vsel vm14, $0x3F800000, v13;
	v53 =	vperm.xlane v5, v7;
	v4 =	vsub.s32 $0x0, v51  }
0x30d: {  	v3 =	vadd.f32 v50, v3;
	v54 =	vperm.xlane v6, v7;
	v4 =	vmin.u32 v51, v4  }
0x30e: {  	v15 =	vmul.f32 v15, v2;
	v5 =	vadd.f32 v53, v5;
	v4 =	vxor.u32 $0x1, v4  }
0x30f: {  	v57 =	vld [tilespmem:s20+$0x4430];
	v3 =	vperm.xlane v3, v8;
	v6 =	vadd.f32 v54, v6;
	v4 =	vcvt.s32.f32 v4  }
0x310: {  	v10 =	vshrl.u32 v10, $0x1;
	v8 =	vld [tilespmem:s20+$0x3430];
	v12 =	vmul.f32 v52, v12;
	v56 =	vperm.xlane v5, v9  }
0x311: {  	v58 =	vld [tilespmem:s20+$0x4440];
	v28 =	vand.u32 $0x7, v10;
	v29 =	vmul.f32 v4, v3;
	v3 =	vperm.xlane v6, v9  }
0x312: {  	vm8 =	veq.s32 v28, $0x0;
	v10 =	vperm.xlane v12, v0;
	v4 =	vld [tilespmem:s20+$0x3440];
	v5 =	vadd.f32 v56, v5  }
0x313: {  	v22 =	vmul.f32 v55, v2;
	v2 =	vsel vm8, $0x3F800000, v13;
	v3 =	vadd.f32 v3, v6;
	v6 =	vld [tilespmem:s20+$0x3450]  }
0x314: {  	v21 =	vmul.f32 v2, v29;
	v2 =	vmax.f32 v5, $-5.000000000e+00;
	v5 =	vadd.f32 v10, v12;
	v10 =	vld [tilespmem:s20+$0x4450]  }
0x315: {  	v27 =	vld [tilespmem:s20+$0x3470];
	v8 =	vmul.f32 v57, v8;
	v2 =	vmin.f32 v2, $5.000000000e+00  }
0x316: {  	v60 =	vld [tilespmem:s20+$0x4460];
	v3 =	vmax.f32 v3, $-5.000000000e+00;
	v2 =	vmul.f32 $1.442695020e+00, v2;
	v59 =	vperm.xlane v5, v1  }
0x317: {  	v61 =	vperm.xlane v8, v0;
	v12 =	vld [tilespmem:s20+$0x3460];
	v3 =	vmin.f32 v3, $5.000000000e+00;
	v4 =	vmul.f32 v58, v4  }
0x318: {  	v3 =	vmul.f32 $1.442695020e+00, v3;
	(erf) = vpow2.f32 v2;
	v2 =	vadd.f32 v59, v5;
	v5 =	vld [tilespmem:s20+$0x4470]  }
0x319: {  	v6 =	vmul.f32 v10, v6  }
0x31a: {  	v10 =	vperm.xlane v4, v0;
	(erf) = vpow2.f32 v3;
	v3 =	vadd.f32 v61, v8  }
0x31b: {  	v8 =	vperm.xlane v2, v7  }
0x31c: {  	v12 =	vmul.f32 v60, v12;
	v4 =	vadd.f32 v10, v4;
	v62 =	vperm.xlane v3, v1  }
0x31d: {  	v2 =	vadd.f32 v8, v2;
	v8 =	vperm.xlane v6, v0;
	v5 =	vmul.f32 v5, v27  }
0x31e: {  	vm9 =	veq.s32 v28, $0x1;
	v10 =	vperm.xlane v12, v0;
	v3 =	vadd.f32 v62, v3  }
0x31f: {  	v32 =	vperm.xlane v4, v1;
	v6 =	vadd.f32 v8, v6;
	v8 =	vperm.xlane v5, v0  }
0x320: {  	v10 =	vadd.f32 v10, v12;
	v63 =	vperm.xlane v2, v9;
	v25 =	vperm.xlane v3, v7  }
0x321: {  	v4 =	vadd.f32 v32, v4;
	v12 =	vperm.xlane v6, v1;
	v5 =	vadd.f32 v8, v5  }
0x322: {  	v2 =	vadd.f32 v63, v2;
	v8 =	vperm.xlane v10, v1;
	v3 =	vadd.f32 v25, v3  }
0x323: {  	v37 =	vperm.xlane v4, v7;
	v6 =	vadd.f32 v12, v6;
	v12 =	vperm.xlane v5, v1  }
0x324: {  	v2 =	vmax.f32 v2, $-5.000000000e+00;
	v8 =	vadd.f32 v8, v10;
	v33 =	vperm.xlane v3, v9  }
0x325: {  	v2 =	vmin.f32 v2, $5.000000000e+00;
	v10 =	vperm.xlane v6, v7;
	v5 =	vadd.f32 v12, v5  }
0x326: {  	v4 =	vadd.f32 v37, v4;
	v12 =	vperm.xlane v8, v7;
	v3 =	vadd.f32 v33, v3  }
0x327: {  	v2 =	vmul.f32 $1.442695020e+00, v2;
	v6 =	vadd.f32 v10, v6;
	v10 =	vperm.xlane v5, v7  }
0x328: {  	v38 =	vperm.xlane v4, v9;
	v8 =	vadd.f32 v12, v8;
	v3 =	vmax.f32 v3, $-5.000000000e+00  }
0x329: {  	v12 =	vperm.xlane v6, v9;
	v3 =	vmin.f32 v3, $5.000000000e+00;
	v5 =	vadd.f32 v10, v5  }
0x32a: {  	v4 =	vadd.f32 v38, v4;
	v10 =	vperm.xlane v8, v9;
	v3 =	vmul.f32 $1.442695020e+00, v3  }
0x32b: {  	(erf) = vpow2.f32 v2;
	v2 =	vadd.f32 v12, v6;
	v6 =	vperm.xlane v5, v9  }
0x32c: {  	(erf) = vpow2.f32 v3;
	v3 =	vmax.f32 v4, $-5.000000000e+00;
	v4 =	vadd.f32 v10, v8  }
0x32d: {  	vm10 =	veq.s32 v28, $0x2;
	v3 =	vmin.f32 v3, $5.000000000e+00;
	v5 =	vadd.f32 v6, v5  }
0x32e: {  	v2 =	vmax.f32 v2, $-5.000000000e+00;
	v8 =	vld [tilespmem:s20+$0x4480];
	v3 =	vmul.f32 $1.442695020e+00, v3;
	v4 =	vmax.f32 v4, $-5.000000000e+00  }
0x32f: {  	v6 =	vld [tilespmem:s20+$0x3480];
	v2 =	vmin.f32 v2, $5.000000000e+00;
	v4 =	vmin.f32 v4, $5.000000000e+00;
	v5 =	vmax.f32 v5, $-5.000000000e+00  }
0x330: {  	(erf) = vpow2.f32 v3;
	v3 =	vmul.f32 $1.442695020e+00, v4;
	v4 =	vmin.f32 v5, $5.000000000e+00  }
0x331: {  	v30 =	vsel vm9, $0x3F800000, v13;
	v12 =	vsel vm10, $0x3F800000, v13;
	v2 =	vmul.f32 $1.442695020e+00, v2  }
0x332: {  	v44 =	vld [tilespmem:$0x1FFB0];
	v23 =	vmul.f32 v30, v29;
	v24 =	vmul.f32 v12, v29  }
0x333: {  	v39 =	vld [tilespmem:s20+$0x5400];
	(erf) = vpow2.f32 v2;
	v2 =	vmul.f32 $1.442695020e+00, v4;
	v4 =	vpop (erf)  }
0x334: {  	v12 =	vld [tilespmem:s20+$0x5410];
	(erf) = vpow2.f32 v3;
	v6 =	vmul.f32 v8, v6;
	v27 =	vpop (erf)  }
0x335: {  	v30 =	vld [tilespmem:s20+$0x5430];
	v3 =	vmul.f32 v34, v4;
	v8 =	vmul.f32 v35, v27  }
0x336: {  	v10 =	vld [tilespmem:s20+$0x3490]  }
0x337: {  	v5 =	vld [tilespmem:s20+$0x4490];
	v3 =	vadd.f32 $0.0e+00, v3  }
0x338: {  	v40 =	vld [tilespmem:s20+$0x5420]  }
0x339: {  	v12 =	vmul.f32 v27, v12;
	v3 =	vadd.f32 v8, v3;
	v8 =	vpop (erf)  }
0x33a: {  	v41 =	vld [tilespmem:s20+$0x5450];
	(erf) = vpow2.f32 v2;
	v45 =	vpop (erf)  }
0x33b: {  	v4 =	vmul.f32 v4, v39;
	[tilespmem:s20+$0x8410] =	vst v12;
	v12 =	vmul.f32 v45, v30;
	v30 =	vld [tilespmem:$0x1FFC0]  }
0x33c: {  	v31 =	vld [tilespmem:s20+$0x5440];
	v42 =	vperm.xlane v6, v0;
	v5 =	vmul.f32 v5, v10  }
0x33d: {  	v50 =	vld [tilespmem:$0x1FFD0];
	[tilespmem:s20+$0x8400] =	vst v4;
	v4 =	vmul.f32 v8, v40;
	v8 =	vmul.f32 v44, v8  }
0x33e: {  	vm11 =	veq.s32 v28, $0x3;
	v27 =	vld [tilespmem:s20+$0x5460];
	v43 =	vperm.xlane v5, v0  }
0x33f: {  	v46 =	vld [tilespmem:s20+$0x5470];
	vm12 =	veq.s32 v28, $0x4;
	vm13 =	veq.s32 v28, $0x5;
	v6 =	vadd.f32 v42, v6  }
0x340: {  	v51 =	vld [tilespmem:$0x1FFE0];
	v5 =	vadd.f32 v43, v5;
	v3 =	vadd.f32 v8, v3;
	v26 =	vmul.f32 v30, v45;
	v30 =	vpop (erf)  }
0x341: {  	v2 =	vsel vm11, $0x3F800000, v13;
	[tilespmem:s20+$0x8420] =	vst v4;
	v4 =	vmul.f32 v30, v31;
	v8 =	vpop (erf);
	v31 =	vperm.xlane v6, v1  }
0x342: {  	v48 =	vperm.xlane v5, v1;
	[tilespmem:s20+$0x8430] =	vst v12;
	v12 =	vmul.f32 v8, v41;
	v47 =	vpop (erf);
	v3 =	vadd.f32 v26, v3  }
0x343: {  	v26 =	vmul.f32 v50, v30;
	v30 =	vld [tilespmem:s20+$0x44A0];
	[tilespmem:s20+$0x8440] =	vst v4;
	v4 =	vmul.f32 v47, v27;
	v49 =	vpop (erf);
	v6 =	vadd.f32 v31, v6  }
0x344: {  	v25 =	vmul.f32 v2, v29;
	v5 =	vadd.f32 v48, v5;
	v31 =	vld [tilespmem:s20+$0x34A0];
	[tilespmem:s20+$0x8450] =	vst v12;
	v12 =	vmul.f32 v49, v46  }
0x345: {  	v8 =	vmul.f32 v51, v8;
	v3 =	vadd.f32 v26, v3;
	[tilespmem:s20+$0x8460] =	vst v4;
	v4 =	vperm.xlane v6, v7  }
0x346: {  	v2 =	vsel vm13, $0x3F800000, v13;
	v10 =	vsel vm12, $0x3F800000, v13;
	[tilespmem:s20+$0x8470] =	vst v12;
	v12 =	vperm.xlane v5, v7  }
0x347: {  	v27 =	vmul.f32 v10, v29;
	v3 =	vadd.f32 v8, v3;
	v8 =	vld [tilespmem:s20+$0x34B0];
	v4 =	vadd.f32 v4, v6  }
0x348: {  	v26 =	vmul.f32 v2, v29;
	v2 =	vld [tilespmem:s21+$0xA380];
	v6 =	vmul.f32 v11, v47;
	v5 =	vadd.f32 v12, v5  }
0x349: {  	v12 =	vmul.f32 v30, v31;
	v30 =	vld [tilespmem:s20+$0x44B0];
	v10 =	vperm.xlane v4, v9  }
0x34a: {  	v52 =	vld [tilespmem:s20+$0x34C0];
	v3 =	vadd.f32 v6, v3;
	v6 =	vmul.f32 v36, v49;
	v31 =	vperm.xlane v5, v9  }
0x34b: {  	s22 =	sadd.s32 $0xFFFFFFF2, s11;
	v53 =	vld [tilespmem:s20+$0x44C0];
	v4 =	vadd.f32 v10, v4;
	v10 =	vperm.xlane v12, v0  }
0x34c: {  	v54 =	vld [tilespmem:s20+$0x44E0];
	v3 =	vadd.f32 v6, v3;
	v6 =	vmov s22;
	v5 =	vadd.f32 v31, v5  }
0x34d: {  	v31 =	vld [tilespmem:s20+$0x34D0];
	v2 =	vperm.xlane v2, v6;
	v4 =	vmax.f32 v4, $-5.000000000e+00;
	v6 =	vadd.f32 v10, v12  }
0x34e: {  	v10 =	vld [tilespmem:s20+$0x44D0];
	v8 =	vmul.f32 v30, v8;
	v4 =	vmin.f32 v4, $5.000000000e+00  }
0x34f: {  	v12 =	vld [tilespmem:s20+$0x34E0];
	v5 =	vmax.f32 v5, $-5.000000000e+00;
	v4 =	vmul.f32 $1.442695020e+00, v4;
	v30 =	vperm.xlane v6, v1  }
0x350: {  	v38 =	vld [tilespmem:s20+$0x34F0];
	v5 =	vmin.f32 v5, $5.000000000e+00;
	v56 =	vperm.xlane v8, v0  }
0x351: {  	v5 =	vmul.f32 $1.442695020e+00, v5;
	(erf) = vpow2.f32 v4;
	v4 =	vadd.f32 v30, v6;
	v6 =	vld [tilespmem:s20+$0x44F0]  }
0x352: {  	v32 =	vmul.f32 v53, v52  }
0x353: {  	(erf) = vpow2.f32 v5;
	v5 =	vadd.f32 v56, v8;
	v10 =	vmul.f32 v10, v31  }
0x354: {  	vm14 =	veq.s32 v28, $0x6;
	v31 =	vperm.xlane v32, v0;
	v12 =	vmul.f32 v54, v12  }
0x355: {  	vm15 =	veq.s32 v28, $0x7;
	v57 =	vperm.xlane v4, v7;
	v37 =	vperm.xlane v5, v1  }
0x356: {  	v60 =	vperm.xlane v10, v0;
	v31 =	vadd.f32 v31, v32;
	v6 =	vmul.f32 v6, v38  }
0x357: {  	v61 =	vperm.xlane v12, v0;
	v4 =	vadd.f32 v57, v4;
	v5 =	vadd.f32 v37, v5  }
0x358: {  	v10 =	vadd.f32 v60, v10;
	v41 =	vperm.xlane v31, v1;
	v63 =	vperm.xlane v6, v0  }
0x359: {  	v12 =	vadd.f32 v61, v12;
	v62 =	vperm.xlane v4, v9;
	v40 =	vperm.xlane v5, v7  }
0x35a: {  	v42 =	vperm.xlane v10, v1;
	v31 =	vadd.f32 v41, v31;
	v6 =	vadd.f32 v63, v6  }
0x35b: {  	v43 =	vperm.xlane v12, v1;
	v4 =	vadd.f32 v62, v4;
	v5 =	vadd.f32 v40, v5  }
0x35c: {  	v10 =	vadd.f32 v42, v10;
	v46 =	vperm.xlane v31, v7;
	v44 =	vperm.xlane v6, v1  }
0x35d: {  	v12 =	vadd.f32 v43, v12;
	v4 =	vmax.f32 v4, $-5.000000000e+00;
	v45 =	vperm.xlane v5, v9  }
0x35e: {  	v4 =	vmin.f32 v4, $5.000000000e+00;
	v47 =	vperm.xlane v10, v7;
	v6 =	vadd.f32 v44, v6  }
0x35f: {  	v31 =	vadd.f32 v46, v31;
	v48 =	vperm.xlane v12, v7;
	v5 =	vadd.f32 v45, v5  }
0x360: {  	v4 =	vmul.f32 $1.442695020e+00, v4;
	v10 =	vadd.f32 v47, v10;
	v49 =	vperm.xlane v6, v7  }
0x361: {  	v50 =	vperm.xlane v31, v9;
	v12 =	vadd.f32 v48, v12;
	v5 =	vmax.f32 v5, $-5.000000000e+00  }
0x362: {  	v51 =	vperm.xlane v10, v9;
	v5 =	vmin.f32 v5, $5.000000000e+00;
	v6 =	vadd.f32 v49, v6  }
0x363: {  	v31 =	vadd.f32 v50, v31;
	v52 =	vperm.xlane v12, v9;
	v5 =	vmul.f32 $1.442695020e+00, v5  }
0x364: {  	(erf) = vpow2.f32 v4;
	v4 =	vadd.f32 v51, v10;
	v10 =	vperm.xlane v6, v9  }
0x365: {  	v12 =	vadd.f32 v52, v12;
	(erf) = vpow2.f32 v5;
	v5 =	vmax.f32 v31, $-5.000000000e+00  }
0x366: {  	v4 =	vmax.f32 v4, $-5.000000000e+00;
	v5 =	vmin.f32 v5, $5.000000000e+00;
	v6 =	vadd.f32 v10, v6  }
0x367: {  	v53 =	vld [tilespmem:s20+$0x54A0];
	v12 =	vmax.f32 v12, $-5.000000000e+00;
	v4 =	vmin.f32 v4, $5.000000000e+00;
	v5 =	vmul.f32 $1.442695020e+00, v5  }
0x368: {  	v39 =	vld [tilespmem:s20+$0x4500];
	v12 =	vmin.f32 v12, $5.000000000e+00;
	v4 =	vmul.f32 $1.442695020e+00, v4;
	v6 =	vmax.f32 v6, $-5.000000000e+00  }
0x369: {  	v54 =	vld [tilespmem:s20+$0x54E0];
	(erf) = vpow2.f32 v5;
	v5 =	vmul.f32 $1.442695020e+00, v12;
	v6 =	vmin.f32 v6, $5.000000000e+00  }
0x36a: {  	v55 =	vshll.u32 v2, $0x3;
	v56 =	vld [tilespmem:s20+$0x3500];
	(erf) = vpow2.f32 v4;
	v4 =	vmul.f32 $1.442695020e+00, v6  }
0x36b: {  	v59 =	vlaneseq.u32;
	v36 =	vand.u32 $0x8, v55;
	v10 =	vld [tilespmem:s20+$0x5480];
	(erf) = vpow2.f32 v5  }
0x36c: {  	v30 =	vsub.s32 v59, v36;
	v41 =	vld [tilespmem:$0x1FF90];
	(erf) = vpow2.f32 v4;
	v4 =	vsel vm15, $0x3F800000, v13  }
0x36d: {  	v33 =	vsel vm14, $0x3F800000, v13;
	v8 =	vshra.s32 v30, $0x3;
	v31 =	vld [tilespmem:s20+$0x5490]  }
0x36e: {  	v28 =	vmul.f32 v33, v29;
	v58 =	vsub.s32 $0x0, v8;
	v12 =	vld [tilespmem:s20+$0x54B0]  }
0x36f: {  	v2 =	vshrl.u32 v2, $0x1;
	v8 =	vmin.u32 v8, v58;
	v40 =	vld [tilespmem:s20+$0x3510];
	v29 =	vmul.f32 v4, v29;
	v4 =	vpop (erf)  }
0x370: {  	v2 =	vand.u32 $0x7, v2;
	v8 =	vxor.u32 $0x1, v8;
	v42 =	vld [tilespmem:$0x1FFA0];
	v10 =	vmul.f32 v4, v10;
	v55 =	vpop (erf)  }
0x371: {  	vm4 =	veq.s32 v2, $0x0;
	v6 =	vcvt.s32.f32 v8;
	v8 =	vld [tilespmem:s20+$0x54C0];
	v60 =	vpop (erf)  }
0x372: {  	vm5 =	veq.s32 v2, $0x1;
	v3 =	vperm.xlane v3, v30;
	v5 =	vld [tilespmem:s20+$0x54D0];
	[tilespmem:s20+$0x8480] =	vst v10;
	v10 =	vmul.f32 v60, v53;
	v61 =	vpop (erf)  }
0x373: {  	vm6 =	veq.s32 v2, $0x2;
	v43 =	vld [tilespmem:$0x1FFB0];
	v58 =	vmul.f32 v55, v31;
	v12 =	vmul.f32 v61, v12  }
0x374: {  	vm7 =	veq.s32 v2, $0x3;
	v3 =	vmul.f32 v6, v3;
	v6 =	vld [tilespmem:s20+$0x54F0];
	v4 =	vmul.f32 v41, v4  }
0x375: {  	vm8 =	veq.s32 v2, $0x4;
	vm9 =	veq.s32 v2, $0x5;
	vm10 =	veq.s32 v2, $0x6;
	v48 =	vld [tilespmem:$0x1FFC0];
	[tilespmem:s20+$0x8490] =	vst v58;
	v63 =	vpop (erf)  }
0x376: {  	v45 =	vld [tilespmem:s20+$0x4510];
	v34 =	vmul.f32 v42, v55;
	v4 =	vadd.f32 $0.0e+00, v4;
	[tilespmem:s20+$0x84A0] =	vst v10;
	v8 =	vmul.f32 v63, v8;
	v10 =	vpop (erf)  }
0x377: {  	vm11 =	veq.s32 v2, $0x7;
	v30 =	vsel vm4, $0x3F800000, v13;
	v52 =	vld [tilespmem:$0x1FFD0];
	[tilespmem:s20+$0x84B0] =	vst v12;
	v5 =	vmul.f32 v10, v5;
	v12 =	vpop (erf)  }
0x378: {  	v38 =	vmul.f32 v43, v60;
	v4 =	vadd.f32 v34, v4;
	[tilespmem:s20+$0x84C0] =	vst v8;
	v8 =	vmul.f32 v12, v54;
	v47 =	vpop (erf)  }
0x379: {  	v57 =	vsel vm5, $0x3F800000, v13;
	v53 =	vld [tilespmem:$0x1FFE0];
	[tilespmem:s20+$0x84D0] =	vst v5;
	v5 =	vmul.f32 v47, v6;
	v6 =	vmul.f32 v39, v56  }
0x37a: {  	v62 =	vsel vm6, $0x3F800000, v13;
	v34 =	vmul.f32 v48, v61;
	v4 =	vadd.f32 v38, v4;
	[tilespmem:s20+$0x84E0] =	vst v8  }
0x37b: {  	v46 =	vsel vm7, $0x3F800000, v13;
	v8 =	vmul.f32 v45, v40;
	[tilespmem:s20+$0x84F0] =	vst v5;
	v5 =	vperm.xlane v6, v0  }
0x37c: {  	v30 =	vmul.f32 v30, v3;
	v37 =	vmul.f32 v52, v63;
	v4 =	vadd.f32 v34, v4;
	v50 =	vld [tilespmem:s21+$0xA380]  }
0x37d: {  	v32 =	vmul.f32 v62, v3;
	v51 =	vperm.xlane v8, v0;
	v5 =	vadd.f32 v5, v6  }
0x37e: {  	v10 =	vmul.f32 v53, v10;
	v4 =	vadd.f32 v37, v4;
	v6 =	vsel vm9, $0x3F800000, v13  }
0x37f: {  	s22 =	sadd.s32 $0xFFFFFFF3, s11;
	v8 =	vadd.f32 v51, v8;
	v34 =	vmul.f32 v6, v3;
	v6 =	vperm.xlane v5, v1  }
0x380: {  	v33 =	vmul.f32 v46, v3;
	v60 =	vld [tilespmem:$0x1FFF0];
	v54 =	vmov s22;
	v4 =	vadd.f32 v10, v4  }
0x381: {  	v10 =	vld [tilespmem:s20+$0x4520];
	v38 =	vperm.xlane v8, v1;
	v55 =	vperm.xlane v50, v54;
	v5 =	vadd.f32 v6, v5  }
0x382: {  	v49 =	vsel vm8, $0x3F800000, v13;
	v31 =	vmul.f32 v57, v3;
	v12 =	vmul.f32 v11, v12;
	v6 =	vld [tilespmem:s20+$0x3520]  }
0x383: {  	v8 =	vadd.f32 v38, v8;
	v37 =	vshll.u32 v55, $0x3;
	v57 =	vperm.xlane v5, v7  }
0x384: {  	v44 =	vld [tilespmem:s20+$0x4560];
	v35 =	vmul.f32 v49, v3;
	v4 =	vadd.f32 v12, v4;
	v37 =	vand.u32 $0x8, v37  }
0x385: {  	v52 =	vld [tilespmem:s20+$0x3560];
	v58 =	vperm.xlane v8, v7;
	v12 =	vsub.s32 v59, v37;
	v5 =	vadd.f32 v57, v5  }
0x386: {  	v62 =	vld [tilespmem:s20+$0x3530];
	v56 =	vsel vm10, $0x3F800000, v13;
	v37 =	vmul.f32 v60, v47;
	v61 =	vshra.s32 v12, $0x3  }
0x387: {  	v8 =	vadd.f32 v58, v8;
	v6 =	vmul.f32 v10, v6;
	v10 =	vld [tilespmem:s20+$0x4530];
	v45 =	vperm.xlane v5, v9  }
0x388: {  	v36 =	vmul.f32 v56, v3;
	v63 =	vsub.s32 $0x0, v61;
	v4 =	vadd.f32 v37, v4  }
0x389: {  	v46 =	vmin.u32 v61, v63;
	v47 =	vperm.xlane v8, v9;
	v5 =	vadd.f32 v45, v5  }
0x38a: {  	v48 =	vld [tilespmem:s20+$0x3540];
	v54 =	vmul.f32 v44, v52;
	v49 =	vperm.xlane v6, v0;
	v37 =	vxor.u32 $0x1, v46  }
0x38b: {  	v51 =	vld [tilespmem:s20+$0x3550];
	v4 =	vperm.xlane v4, v12;
	v8 =	vadd.f32 v47, v8;
	v5 =	vmax.f32 v5, $-5.000000000e+00  }
0x38c: {  	v50 =	vld [tilespmem:s20+$0x4540];
	v6 =	vadd.f32 v49, v6;
	v10 =	vmul.f32 v10, v62;
	v5 =	vmin.f32 v5, $5.000000000e+00  }
0x38d: {  	v12 =	vld [tilespmem:s20+$0x4550];
	v2 =	vcvt.s32.f32 v37;
	v8 =	vmax.f32 v8, $-5.000000000e+00;
	v5 =	vmul.f32 $1.442695020e+00, v5  }
0x38e: {  	v47 =	vld [tilespmem:s20+$0x3570];
	v42 =	vperm.xlane v6, v1;
	v8 =	vmin.f32 v8, $5.000000000e+00;
	v46 =	vperm.xlane v10, v0  }
0x38f: {  	v53 =	vsel vm11, $0x3F800000, v13;
	v8 =	vmul.f32 $1.442695020e+00, v8;
	(erf) = vpow2.f32 v5;
	v5 =	vld [tilespmem:s20+$0x4570]  }
0x390: {  	v37 =	vmul.f32 v53, v3;
	v45 =	vmul.f32 v2, v4;
	v3 =	vadd.f32 v42, v6  }
0x391: {  	v2 =	vadd.f32 v46, v10;
	(erf) = vpow2.f32 v8;
	v8 =	vmul.f32 v50, v48  }
0x392: {  	v4 =	vshrl.u32 v55, $0x1;
	v10 =	vmul.f32 v12, v51;
	v6 =	vperm.xlane v3, v7  }
0x393: {  	v46 =	vand.u32 $0x7, v4;
	v4 =	vperm.xlane v2, v1;
	v12 =	vperm.xlane v8, v0  }
0x394: {  	v3 =	vadd.f32 v6, v3;
	v6 =	vperm.xlane v10, v0;
	v5 =	vmul.f32 v5, v47  }
0x395: {  	v2 =	vadd.f32 v4, v2;
	v4 =	vadd.f32 v12, v8;
	v8 =	vperm.xlane v54, v0  }
0x396: {  	v12 =	vperm.xlane v3, v9;
	v6 =	vadd.f32 v6, v10;
	v10 =	vperm.xlane v5, v0  }
0x397: {  	v55 =	vperm.xlane v2, v7;
	v56 =	vperm.xlane v4, v1;
	v8 =	vadd.f32 v8, v54  }
0x398: {  	v3 =	vadd.f32 v12, v3;
	v12 =	vperm.xlane v6, v1;
	v5 =	vadd.f32 v10, v5  }
0x399: {  	v2 =	vadd.f32 v55, v2;
	v4 =	vadd.f32 v56, v4;
	v10 =	vperm.xlane v8, v1  }
0x39a: {  	v3 =	vmax.f32 v3, $-5.000000000e+00;
	v6 =	vadd.f32 v12, v6;
	v12 =	vperm.xlane v5, v1  }
0x39b: {  	v57 =	vperm.xlane v2, v9;
	v58 =	vperm.xlane v4, v7;
	v8 =	vadd.f32 v10, v8  }
0x39c: {  	v3 =	vmin.f32 v3, $5.000000000e+00;
	v10 =	vperm.xlane v6, v7;
	v5 =	vadd.f32 v12, v5  }
0x39d: {  	v2 =	vadd.f32 v57, v2;
	v4 =	vadd.f32 v58, v4;
	v12 =	vperm.xlane v8, v7  }
0x39e: {  	v3 =	vmul.f32 $1.442695020e+00, v3;
	v6 =	vadd.f32 v10, v6;
	v10 =	vperm.xlane v5, v7  }
0x39f: {  	v2 =	vmax.f32 v2, $-5.000000000e+00;
	v60 =	vperm.xlane v4, v9;
	v8 =	vadd.f32 v12, v8  }
0x3a0: {  	v2 =	vmin.f32 v2, $5.000000000e+00;
	v12 =	vperm.xlane v6, v9;
	v5 =	vadd.f32 v10, v5  }
0x3a1: {  	v2 =	vmul.f32 $1.442695020e+00, v2;
	v4 =	vadd.f32 v60, v4;
	v10 =	vperm.xlane v8, v9  }
0x3a2: {  	(erf) = vpow2.f32 v3;
	v3 =	vadd.f32 v12, v6;
	v6 =	vperm.xlane v5, v9  }
0x3a3: {  	(erf) = vpow2.f32 v2;
	v2 =	vmax.f32 v4, $-5.000000000e+00;
	v4 =	vadd.f32 v10, v8;
	v8 =	vld [tilespmem:s20+$0x4580]  }
0x3a4: {  	v3 =	vmax.f32 v3, $-5.000000000e+00;
	v2 =	vmin.f32 v2, $5.000000000e+00;
	v5 =	vadd.f32 v6, v5;
	v6 =	vld [tilespmem:s20+$0x3580]  }
0x3a5: {  	v3 =	vmin.f32 v3, $5.000000000e+00;
	v2 =	vmul.f32 $1.442695020e+00, v2  }
0x3a6: {  	v4 =	vmax.f32 v4, $-5.000000000e+00;
	v3 =	vmul.f32 $1.442695020e+00, v3  }
0x3a7: {  	v4 =	vmin.f32 v4, $5.000000000e+00;
	v5 =	vmax.f32 v5, $-5.000000000e+00;
	(erf) = vpow2.f32 v2  }
0x3a8: {  	v61 =	vld [tilespmem:s20+$0x5500];
	v2 =	vmul.f32 $1.442695020e+00, v4;
	v4 =	vmin.f32 v5, $5.000000000e+00;
	(erf) = vpow2.f32 v3  }
0x3a9: {  	v3 =	vmul.f32 $1.442695020e+00, v4;
	v6 =	vmul.f32 v8, v6;
	v8 =	vld [tilespmem:$0x1FF90]  }
0x3aa: {  	v10 =	vld [tilespmem:s20+$0x3590]  }
0x3ab: {  	vm12 =	veq.s32 v46, $0x0;
	v4 =	vld [tilespmem:s20+$0x5510]  }
0x3ac: {  	v12 =	vsel vm12, $0x3F800000, v13;
	v5 =	vld [tilespmem:s20+$0x4590];
	(erf) = vpow2.f32 v2  }
0x3ad: {  	v39 =	vmul.f32 v12, v45;
	(erf) = vpow2.f32 v3;
	v3 =	vpop (erf)  }
0x3ae: {  	v12 =	vld [tilespmem:s20+$0x5520];
	v8 =	vmul.f32 v8, v3;
	v3 =	vmul.f32 v3, v61  }
0x3af: {  	v52 =	vpop (erf)  }
0x3b0: {  	v4 =	vmul.f32 v52, v4;
	[tilespmem:s20+$0x8500] =	vst v3;
	v3 =	vld [tilespmem:$0x1FFA0]  }
0x3b1: {  	v53 =	vld [tilespmem:s20+$0x5550];
	v5 =	vmul.f32 v5, v10  }
0x3b2: {  	v54 =	vperm.xlane v6, v0;
	v55 =	vpop (erf);
	[tilespmem:s20+$0x8510] =	vst v4;
	v4 =	vld [tilespmem:$0x1FFB0]  }
0x3b3: {  	v62 =	vld [tilespmem:s20+$0x5530];
	v49 =	vperm.xlane v5, v0;
	v12 =	vmul.f32 v55, v12  }
0x3b4: {  	v48 =	vld [tilespmem:s20+$0x5560];
	v6 =	vadd.f32 v54, v6  }
0x3b5: {  	v56 =	vpop (erf);
	v8 =	vadd.f32 $0.0e+00, v8;
	v5 =	vadd.f32 v49, v5;
	v49 =	vld [tilespmem:$0x1FFC0];
	v3 =	vmul.f32 v3, v52  }
0x3b6: {  	v63 =	vld [tilespmem:s20+$0x5540];
	v58 =	vperm.xlane v6, v1;
	v57 =	vpop (erf)  }
0x3b7: {  	[tilespmem:s20+$0x8520] =	vst v12;
	v12 =	vpop (erf);
	v4 =	vmul.f32 v4, v55;
	v3 =	vadd.f32 v3, v8  }
0x3b8: {  	vm13 =	veq.s32 v46, $0x1;
	vm14 =	veq.s32 v46, $0x2;
	v50 =	vld [tilespmem:s20+$0x5570];
	v6 =	vadd.f32 v58, v6;
	v61 =	vpop (erf)  }
0x3b9: {  	v60 =	vmul.f32 v12, v53;
	v53 =	vld [tilespmem:$0x1FFD0];
	v3 =	vadd.f32 v4, v3;
	v4 =	vmul.f32 v61, v48  }
0x3ba: {  	vm15 =	veq.s32 v46, $0x3;
	v41 =	vmul.f32 v56, v62;
	v42 =	vmul.f32 v49, v56;
	v52 =	vld [tilespmem:s20+$0x45A0]  }
0x3bb: {  	vm4 =	veq.s32 v46, $0x4;
	v56 =	vld [tilespmem:s20+$0x45B0];
	v8 =	vmul.f32 v57, v63;
	[tilespmem:s20+$0x8560] =	vst v4;
	v4 =	vperm.xlane v6, v7  }
0x3bc: {  	vm5 =	veq.s32 v46, $0x5;
	v2 =	vsel vm13, $0x3F800000, v13;
	v62 =	vperm.xlane v5, v1;
	v63 =	vld [tilespmem:s20+$0x35A0]  }
0x3bd: {  	v38 =	vmul.f32 v2, v45;
	v2 =	vsel vm14, $0x3F800000, v13;
	v4 =	vadd.f32 v4, v6;
	v6 =	vld [tilespmem:$0x1FFE0]  }
0x3be: {  	v40 =	vmul.f32 v2, v45;
	v10 =	vsel vm15, $0x3F800000, v13;
	v5 =	vadd.f32 v62, v5;
	v49 =	vld [tilespmem:s20+$0x35C0]  }
0x3bf: {  	v58 =	vmul.f32 v11, v61;
	[tilespmem:s20+$0x8540] =	vst v8;
	v8 =	vpop (erf);
	v3 =	vadd.f32 v42, v3;
	v42 =	vmul.f32 v10, v45;
	v10 =	vld [tilespmem:s20+$0x35B0]  }
0x3c0: {  	vm6 =	veq.s32 v46, $0x6;
	[tilespmem:s20+$0x8530] =	vst v41;
	v44 =	vmul.f32 v53, v57;
	v61 =	vld [tilespmem:s20+$0x35E0];
	v51 =	vmul.f32 v8, v50  }
0x3c1: {  	v2 =	vsel vm4, $0x3F800000, v13;
	[tilespmem:s20+$0x8550] =	vst v60;
	v54 =	vperm.xlane v5, v7;
	v55 =	vmul.f32 v52, v63;
	v63 =	vld [tilespmem:s20+$0x45E0]  }
0x3c2: {  	v41 =	vmul.f32 v2, v45;
	v3 =	vadd.f32 v44, v3;
	[tilespmem:s20+$0x8570] =	vst v51;
	v51 =	vld [tilespmem:s20+$0x45C0];
	v6 =	vmul.f32 v6, v12  }
0x3c3: {  	v5 =	vadd.f32 v54, v5;
	v57 =	vsel vm5, $0x3F800000, v13;
	v2 =	vld [tilespmem:s21+$0xA380];
	v12 =	vperm.xlane v4, v9  }
0x3c4: {  	v43 =	vmul.f32 v57, v45;
	v10 =	vmul.f32 v56, v10;
	v3 =	vadd.f32 v6, v3  }
0x3c5: {  	s22 =	sadd.s32 $0xFFFFFFF4, s11;
	v56 =	vld [tilespmem:$0x1FFF0];
	v6 =	vperm.xlane v5, v9;
	v4 =	vadd.f32 v12, v4;
	v12 =	vperm.xlane v55, v0  }
0x3c6: {  	v60 =	vld [tilespmem:s20+$0x45D0];
	v52 =	vmov s22;
	v47 =	vmul.f32 v63, v61;
	v53 =	vperm.xlane v10, v0  }
0x3c7: {  	v5 =	vadd.f32 v6, v5;
	v6 =	vld [tilespmem:s20+$0x35D0];
	v4 =	vmax.f32 v4, $-5.000000000e+00;
	v12 =	vadd.f32 v12, v55  }
0x3c8: {  	v49 =	vmul.f32 v51, v49;
	v2 =	vperm.xlane v2, v52;
	v4 =	vmin.f32 v4, $5.000000000e+00  }
0x3c9: {  	v5 =	vmax.f32 v5, $-5.000000000e+00;
	v4 =	vmul.f32 $1.442695020e+00, v4;
	v62 =	vperm.xlane v12, v1  }
0x3ca: {  	v54 =	vld [tilespmem:s20+$0x35F0];
	v8 =	vmul.f32 v56, v8;
	v3 =	vadd.f32 v58, v3;
	v5 =	vmin.f32 v5, $5.000000000e+00  }
0x3cb: {  	v5 =	vmul.f32 $1.442695020e+00, v5;
	(erf) = vpow2.f32 v4;
	v4 =	vadd.f32 v62, v12;
	v12 =	vld [tilespmem:s20+$0x45F0]  }
0x3cc: {  	v3 =	vadd.f32 v8, v3;
	v62 =	vperm.xlane v47, v0;
	v6 =	vmul.f32 v60, v6  }
0x3cd: {  	v60 =	vperm.xlane v49, v0;
	(erf) = vpow2.f32 v5;
	v5 =	vadd.f32 v53, v10  }
0x3ce: {  	v10 =	vshll.u32 v2, $0x3;
	v57 =	vperm.xlane v4, v7;
	v47 =	vadd.f32 v62, v47  }
0x3cf: {  	v61 =	vperm.xlane v6, v0;
	v44 =	vadd.f32 v60, v49;
	v58 =	vperm.xlane v5, v1  }
0x3d0: {  	v4 =	vadd.f32 v57, v4;
	v60 =	vperm.xlane v47, v1;
	v12 =	vmul.f32 v12, v54  }
0x3d1: {  	v6 =	vadd.f32 v61, v6;
	v57 =	vperm.xlane v44, v1;
	v5 =	vadd.f32 v58, v5  }
0x3d2: {  	v63 =	vperm.xlane v4, v9;
	v47 =	vadd.f32 v60, v47;
	v56 =	vperm.xlane v12, v0  }
0x3d3: {  	v58 =	vperm.xlane v6, v1;
	v44 =	vadd.f32 v57, v44;
	v51 =	vperm.xlane v5, v7  }
0x3d4: {  	v10 =	vand.u32 $0x8, v10;
	v4 =	vadd.f32 v63, v4;
	v12 =	vadd.f32 v56, v12  }
0x3d5: {  	v55 =	vperm.xlane v47, v7;
	v6 =	vadd.f32 v58, v6;
	v5 =	vadd.f32 v51, v5  }
0x3d6: {  	v63 =	vperm.xlane v44, v7;
	v4 =	vmax.f32 v4, $-5.000000000e+00;
	v61 =	vperm.xlane v12, v1  }
0x3d7: {  	v47 =	vadd.f32 v55, v47;
	v54 =	vperm.xlane v6, v7;
	v62 =	vperm.xlane v5, v9  }
0x3d8: {  	v4 =	vmin.f32 v4, $5.000000000e+00;
	v44 =	vadd.f32 v63, v44;
	v12 =	vadd.f32 v61, v12  }
0x3d9: {  	v4 =	vmul.f32 $1.442695020e+00, v4;
	v6 =	vadd.f32 v54, v6;
	v5 =	vadd.f32 v62, v5  }
0x3da: {  	v10 =	vsub.s32 v59, v10;
	v60 =	vperm.xlane v47, v9;
	v56 =	vperm.xlane v12, v7  }
0x3db: {  	v57 =	vperm.xlane v44, v9;
	v58 =	vperm.xlane v6, v9;
	v5 =	vmax.f32 v5, $-5.000000000e+00  }
0x3dc: {  	(erf) = vpow2.f32 v4;
	v5 =	vmin.f32 v5, $5.000000000e+00;
	v12 =	vadd.f32 v56, v12  }
0x3dd: {  	v44 =	vadd.f32 v57, v44;
	v4 =	vadd.f32 v58, v6;
	v5 =	vmul.f32 $1.442695020e+00, v5  }
0x3de: {  	v61 =	vadd.f32 v60, v47;
	v58 =	vshra.s32 v10, $0x3;
	v6 =	vperm.xlane v12, v9  }
0x3df: {  	v4 =	vmax.f32 v4, $-5.000000000e+00;
	(erf) = vpow2.f32 v5;
	v5 =	vmax.f32 v44, $-5.000000000e+00  }
0x3e0: {  	v4 =	vmin.f32 v4, $5.000000000e+00;
	v5 =	vmin.f32 v5, $5.000000000e+00;
	v6 =	vadd.f32 v6, v12  }
0x3e1: {  	v44 =	vmax.f32 v61, $-5.000000000e+00;
	v61 =	vsub.s32 $0x0, v58;
	v5 =	vmul.f32 $1.442695020e+00, v5  }
0x3e2: {  	v4 =	vmul.f32 $1.442695020e+00, v4;
	v44 =	vmin.f32 v44, $5.000000000e+00;
	v6 =	vmax.f32 v6, $-5.000000000e+00  }
0x3e3: {  	v8 =	vmin.u32 v58, v61;
	(erf) = vpow2.f32 v5;
	v6 =	vmin.f32 v6, $5.000000000e+00  }
0x3e4: {  	v62 =	vld [tilespmem:s20+$0x5580];
	(erf) = vpow2.f32 v4;
	v4 =	vmul.f32 $1.442695020e+00, v6;
	v6 =	vsel vm6, $0x3F800000, v13  }
0x3e5: {  	v5 =	vmul.f32 $1.442695020e+00, v44;
	v44 =	vmul.f32 v6, v45;
	v6 =	vxor.u32 $0x1, v8  }
0x3e6: {  	v63 =	vld [tilespmem:s20+$0x55A0];
	v6 =	vcvt.s32.f32 v6  }
0x3e7: {  	v53 =	vld [tilespmem:s20+$0x55E0]  }
0x3e8: {  	vm7 =	veq.s32 v46, $0x7;
	v3 =	vperm.xlane v3, v10;
	v55 =	vld [tilespmem:s20+$0x55F0];
	v10 =	vpop (erf)  }
0x3e9: {  	v46 =	vsel vm7, $0x3F800000, v13;
	v57 =	vld [tilespmem:s20+$0x55B0];
	v54 =	vpop (erf);
	v47 =	vmul.f32 v10, v62  }
0x3ea: {  	v12 =	vld [tilespmem:s20+$0x5590];
	v45 =	vmul.f32 v46, v45;
	v46 =	vmul.f32 v6, v3;
	v6 =	vpop (erf)  }
0x3eb: {  	(erf) = vpow2.f32 v5;
	v5 =	vld [tilespmem:s20+$0x3600];
	v62 =	vmul.f32 v6, v63  }
0x3ec: {  	(erf) = vpow2.f32 v4;
	v4 =	vld [tilespmem:s20+$0x4600]  }
0x3ed: {  	[tilespmem:s20+$0x85A0] =	vst v62;
	v62 =	vld [tilespmem:$0x1FFA0]  }
0x3ee: {  	v61 =	vld [tilespmem:$0x1FF90]  }
0x3ef: {  	v60 =	vld [tilespmem:s20+$0x55C0]  }
0x3f0: {  	v8 =	vld [tilespmem:s20+$0x55D0]  }
0x3f1: {  	v3 =	vmul.f32 v54, v12;
	v12 =	vld [tilespmem:s20+$0x3610]  }
0x3f2: {  	v48 =	vpop (erf);
	v4 =	vmul.f32 v4, v5;
	v50 =	vmul.f32 v62, v54;
	v62 =	vld [tilespmem:$0x1FFB0]  }
0x3f3: {  	v10 =	vmul.f32 v61, v10;
	[tilespmem:s20+$0x8590] =	vst v3;
	v5 =	vld [tilespmem:s20+$0x4610];
	v3 =	vmul.f32 v48, v57;
	v56 =	vpop (erf)  }
0x3f4: {  	v63 =	vmul.f32 v56, v60;
	v58 =	vpop (erf);
	v60 =	vperm.xlane v4, v0  }
0x3f5: {  	v10 =	vadd.f32 $0.0e+00, v10;
	[tilespmem:s20+$0x85B0] =	vst v3;
	v3 =	vmul.f32 v58, v8;
	v8 =	vpop (erf)  }
0x3f6: {  	[tilespmem:s20+$0x85C0] =	vst v63;
	v63 =	vmul.f32 v8, v53;
	v53 =	vpop (erf);
	v4 =	vadd.f32 v60, v4  }
0x3f7: {  	[tilespmem:s20+$0x85D0] =	vst v3;
	v3 =	vmul.f32 v53, v55;
	v10 =	vadd.f32 v50, v10;
	v6 =	vmul.f32 v62, v6  }
0x3f8: {  	v5 =	vmul.f32 v5, v12;
	v60 =	vperm.xlane v4, v1  }
0x3f9: {  	v6 =	vadd.f32 v6, v10;
	v10 =	vld [tilespmem:$0x1FFC0]  }
0x3fa: {  	[tilespmem:s20+$0x85F0] =	vst v3;
	v3 =	vperm.xlane v5, v0;
	v4 =	vadd.f32 v60, v4  }
0x3fb: {  	v61 =	vld [tilespmem:s20+$0x4620]  }
0x3fc: {  	v12 =	vld [tilespmem:s20+$0x3620];
	v3 =	vadd.f32 v3, v5;
	v5 =	vperm.xlane v4, v7  }
0x3fd: {  	[tilespmem:s20+$0x8580] =	vst v47  }
0x3fe: {  	[tilespmem:s20+$0x85E0] =	vst v63;
	v54 =	vld [tilespmem:$0x1FFD0];
	v4 =	vadd.f32 v5, v4;
	v10 =	vmul.f32 v10, v48  }
0x3ff: {  	v63 =	vld [tilespmem:s21+$0xA380]  }
0x400: {  	v62 =	vperm.xlane v4, v9;
	v6 =	vadd.f32 v10, v6;
	v10 =	vperm.xlane v3, v1  }
0x401: {  	v12 =	vmul.f32 v61, v12;
	v61 =	vld [tilespmem:$0x1FFE0]  }
0x402: {  	s22 =	sadd.s32 $0xFFFFFFF5, s11;
	v4 =	vadd.f32 v62, v4;
	v3 =	vadd.f32 v10, v3  }
0x403: {  	v2 =	vshrl.u32 v2, $0x1;
	v60 =	vmov s22;
	v48 =	vmul.f32 v54, v56  }
0x404: {  	v47 =	vld [tilespmem:s20+$0x3630];
	v4 =	vmax.f32 v4, $-5.000000000e+00;
	v56 =	vperm.xlane v63, v60;
	v63 =	vperm.xlane v3, v7  }
0x405: {  	v2 =	vand.u32 $0x7, v2;
	v5 =	vld [tilespmem:s20+$0x4630];
	v4 =	vmin.f32 v4, $5.000000000e+00;
	v10 =	vperm.xlane v12, v0  }
0x406: {  	v6 =	vadd.f32 v48, v6;
	v48 =	vmul.f32 v61, v58;
	v61 =	vld [tilespmem:$0x1FFF0];
	v3 =	vadd.f32 v63, v3  }
0x407: {  	vm8 =	veq.s32 v2, $0x0;
	v4 =	vmul.f32 $1.442695020e+00, v4  }
0x408: {  	v8 =	vmul.f32 v11, v8;
	v10 =	vadd.f32 v10, v12;
	v58 =	vperm.xlane v3, v9  }
0x409: {  	v55 =	vshll.u32 v56, $0x3;
	(erf) = vpow2.f32 v4;
	v6 =	vadd.f32 v48, v6  }
0x40a: {  	v12 =	vand.u32 $0x8, v55;
	v55 =	vperm.xlane v10, v1;
	v3 =	vadd.f32 v58, v3  }
0x40b: {  	v5 =	vmul.f32 v5, v47;
	v6 =	vadd.f32 v8, v6;
	v48 =	vmul.f32 v61, v53  }
0x40c: {  	v12 =	vsub.s32 v59, v12;
	v10 =	vadd.f32 v55, v10;
	v3 =	vmax.f32 v3, $-5.000000000e+00  }
0x40d: {  	v8 =	vshra.s32 v12, $0x3;
	v6 =	vadd.f32 v48, v6;
	v3 =	vmin.f32 v3, $5.000000000e+00  }
0x40e: {  	v4 =	vld [tilespmem:s20+$0x3650];
	v62 =	vsub.s32 $0x0, v8;
	v60 =	vperm.xlane v10, v7;
	v3 =	vmul.f32 $1.442695020e+00, v3  }
0x40f: {  	v59 =	vperm.xlane v5, v0;
	v8 =	vmin.u32 v8, v62;
	v6 =	vperm.xlane v6, v12;
	v12 =	vld [tilespmem:s20+$0x5600]  }
0x410: {  	v63 =	vld [tilespmem:s20+$0x3640];
	v8 =	vxor.u32 $0x1, v8;
	v10 =	vadd.f32 v60, v10;
	(erf) = vpow2.f32 v3  }
0x411: {  	vm9 =	veq.s32 v2, $0x1;
	v5 =	vadd.f32 v59, v5;
	v8 =	vcvt.s32.f32 v8;
	v60 =	vld [tilespmem:s20+$0x4640]  }
0x412: {  	vm10 =	veq.s32 v2, $0x2;
	vm11 =	veq.s32 v2, $0x3;
	v62 =	vld [tilespmem:s20+$0x4650];
	v61 =	vperm.xlane v10, v9  }
0x413: {  	vm12 =	veq.s32 v2, $0x4;
	v59 =	vperm.xlane v5, v1;
	v47 =	vmul.f32 v8, v6;
	v6 =	vpop (erf)  }
0x414: {  	vm13 =	veq.s32 v2, $0x5;
	v3 =	vadd.f32 v61, v10;
	v53 =	vmul.f32 v6, v12;
	v12 =	vld [tilespmem:$0x1FF90]  }
0x415: {  	vm14 =	veq.s32 v2, $0x6;
	vm15 =	veq.s32 v2, $0x7;
	v2 =	vld [tilespmem:s20+$0x5610];
	v5 =	vadd.f32 v59, v5  }
0x416: {  	v63 =	vmul.f32 v60, v63;
	v3 =	vmax.f32 v3, $-5.000000000e+00  }
0x417: {  	v4 =	vmul.f32 v62, v4;
	v10 =	vperm.xlane v5, v7;
	v3 =	vmin.f32 v3, $5.000000000e+00  }
0x418: {  	v60 =	vld [tilespmem:s20+$0x3660];
	v55 =	vperm.xlane v63, v0;
	v3 =	vmul.f32 $1.442695020e+00, v3  }
0x419: {  	v62 =	vperm.xlane v4, v0;
	v5 =	vadd.f32 v10, v5;
	v10 =	vld [tilespmem:s20+$0x4660];
	v6 =	vmul.f32 v12, v6;
	v12 =	vpop (erf)  }
0x41a: {  	v55 =	vadd.f32 v55, v63;
	(erf) = vpow2.f32 v3;
	v54 =	vmul.f32 v12, v2;
	v2 =	vld [tilespmem:$0x1FFA0]  }
0x41b: {  	v61 =	vperm.xlane v5, v9  }
0x41c: {  	v58 =	vld [tilespmem:s20+$0x4670];
	v4 =	vadd.f32 v62, v4;
	v8 =	vperm.xlane v55, v1  }
0x41d: {  	v3 =	vadd.f32 v61, v5;
	v5 =	vld [tilespmem:s20+$0x3670]  }
0x41e: {  	v10 =	vmul.f32 v10, v60;
	v8 =	vadd.f32 v8, v55;
	v55 =	vperm.xlane v4, v1  }
0x41f: {  	v2 =	vmul.f32 v2, v12;
	v12 =	vld [tilespmem:s20+$0x5620]  }
0x420: {  	v3 =	vmax.f32 v3, $-5.000000000e+00;
	v60 =	vperm.xlane v10, v0;
	v4 =	vadd.f32 v55, v4  }
0x421: {  	v3 =	vmin.f32 v3, $5.000000000e+00;
	v61 =	vperm.xlane v8, v7  }
0x422: {  	v10 =	vadd.f32 v60, v10;
	v55 =	vld [tilespmem:s20+$0x3680];
	v5 =	vmul.f32 v58, v5;
	v58 =	vperm.xlane v4, v7  }
0x423: {  	v6 =	vadd.f32 $0.0e+00, v6;
	v3 =	vmul.f32 $1.442695020e+00, v3;
	v60 =	vld [tilespmem:s20+$0x4680];
	v8 =	vadd.f32 v61, v8;
	v63 =	vpop (erf)  }
0x424: {  	v61 =	vperm.xlane v10, v1;
	v4 =	vadd.f32 v58, v4;
	v58 =	vmul.f32 v63, v12;
	v12 =	vld [tilespmem:$0x1FFB0]  }
0x425: {  	v62 =	vld [tilespmem:s20+$0x3690];
	(erf) = vpow2.f32 v3;
	v3 =	vperm.xlane v5, v0  }
0x426: {  	v10 =	vadd.f32 v61, v10;
	v61 =	vperm.xlane v8, v9;
	v2 =	vadd.f32 v2, v6;
	v6 =	vld [tilespmem:s20+$0x4690];
	_ =	sdelay $0x1  }
0x427: {  	v3 =	vadd.f32 v3, v5;
	v55 =	vmul.f32 v60, v55;
	v5 =	vadd.f32 v61, v8  }
0x428: {  	v8 =	vperm.xlane v4, v9;
	v12 =	vmul.f32 v12, v63  }
0x429: {  	v60 =	vperm.xlane v3, v1;
	v61 =	vperm.xlane v55, v0;
	v5 =	vmax.f32 v5, $-5.000000000e+00  }
0x42a: {  	v6 =	vmul.f32 v6, v62;
	v2 =	vadd.f32 v12, v2;
	v12 =	vperm.xlane v10, v7  }
0x42b: {  	v4 =	vadd.f32 v8, v4;
	v3 =	vadd.f32 v60, v3;
	v60 =	vld [tilespmem:s20+$0x46A0];
	v5 =	vmin.f32 v5, $5.000000000e+00  }
0x42c: {  	v8 =	vadd.f32 v12, v10;
	v10 =	vld [tilespmem:s20+$0x36A0];
	v12 =	vadd.f32 v61, v55;
	v55 =	vperm.xlane v6, v0  }
0x42d: {  	v5 =	vmul.f32 $1.442695020e+00, v5;
	v4 =	vmax.f32 v4, $-5.000000000e+00  }
0x42e: {  	v61 =	vperm.xlane v8, v9;
	v6 =	vadd.f32 v55, v6;
	v63 =	vperm.xlane v12, v1  }
0x42f: {  	v62 =	vperm.xlane v3, v7;
	v4 =	vmin.f32 v4, $5.000000000e+00;
	(erf) = vpow2.f32 v5  }
0x430: {  	v5 =	vadd.f32 v61, v8;
	v8 =	vadd.f32 v63, v12;
	v12 =	vperm.xlane v6, v1  }
0x431: {  	v4 =	vmul.f32 $1.442695020e+00, v4;
	v3 =	vadd.f32 v62, v3;
	v10 =	vmul.f32 v60, v10  }
0x432: {  	v5 =	vmax.f32 v5, $-5.000000000e+00;
	v60 =	vperm.xlane v8, v7;
	v6 =	vadd.f32 v12, v6  }
0x433: {  	(erf) = vpow2.f32 v4;
	v55 =	vperm.xlane v3, v9;
	v4 =	vmin.f32 v5, $5.000000000e+00  }
0x434: {  	v5 =	vperm.xlane v10, v0;
	v8 =	vadd.f32 v60, v8;
	v60 =	vperm.xlane v6, v7  }
0x435: {  	v3 =	vadd.f32 v55, v3;
	v61 =	vld [tilespmem:s20+$0x36B0];
	v4 =	vmul.f32 $1.442695020e+00, v4  }
0x436: {  	v5 =	vadd.f32 v5, v10;
	v10 =	vld [tilespmem:s20+$0x46B0];
	v6 =	vadd.f32 v60, v6  }
0x437: {  	v12 =	vld [tilespmem:s20+$0x5630];
	v3 =	vmax.f32 v3, $-5.000000000e+00;
	v63 =	vperm.xlane v8, v9;
	(erf) = vpow2.f32 v4  }
0x438: {  	v3 =	vmin.f32 v3, $5.000000000e+00;
	v4 =	vperm.xlane v5, v1;
	v60 =	vperm.xlane v6, v9  }
0x439: {  	v52 =	vsel vm9, $0x3F800000, v13;
	v3 =	vmul.f32 $1.442695020e+00, v3;
	v8 =	vadd.f32 v63, v8  }
0x43a: {  	v49 =	vsel vm12, $0x3F800000, v13;
	v4 =	vadd.f32 v4, v5;
	v6 =	vadd.f32 v60, v6;
	v60 =	vld [tilespmem:$0x1FFC0]  }
0x43b: {  	[tilespmem:s20+$0x9300] =	vst v14;
	v51 =	vsel vm8, $0x3F800000, v13;
	(erf) = vpow2.f32 v3;
	v5 =	vpop (erf);
	v10 =	vmul.f32 v10, v61  }
0x43c: {  	[tilespmem:s20+$0x9310] =	vst v18;
	v18 =	vld [tilespmem:s20+$0x36C0];
	v12 =	vmul.f32 v5, v12;
	v3 =	vmax.f32 v8, $-5.000000000e+00;
	v8 =	vperm.xlane v4, v7  }
0x43d: {  	[tilespmem:s20+$0x9320] =	vst v15;
	v15 =	vld [tilespmem:s20+$0x46C0];
	v3 =	vmin.f32 v3, $5.000000000e+00;
	v6 =	vmax.f32 v6, $-5.000000000e+00;
	v14 =	vperm.xlane v10, v0  }
0x43e: {  	v63 =	vld [tilespmem:s20+$0x36E0];
	v3 =	vmul.f32 $1.442695020e+00, v3;
	v6 =	vmin.f32 v6, $5.000000000e+00;
	v4 =	vadd.f32 v8, v4  }
0x43f: {  	v61 =	vld [tilespmem:s20+$0x46D0];
	v6 =	vmul.f32 $1.442695020e+00, v6;
	v10 =	vadd.f32 v14, v10;
	v5 =	vmul.f32 v60, v5  }
0x440: {  	v62 =	vshrl.u32 v56, $0x1;
	v8 =	vld [tilespmem:s20+$0x36D0];
	(erf) = vpow2.f32 v3;
	v3 =	vperm.xlane v4, v9  }
0x441: {  	[tilespmem:s20+$0x9330] =	vst v16;
	(erf) = vpow2.f32 v6;
	v6 =	vld [tilespmem:s20+$0x46F0];
	v56 =	vadd.f32 v5, v2;
	v2 =	vperm.xlane v10, v1  }
0x442: {  	[tilespmem:s20+$0x9340] =	vst v19;
	v16 =	vmul.f32 v49, v46;
	v57 =	vsel vm10, $0x3F800000, v13;
	v3 =	vadd.f32 v3, v4;
	v4 =	vld [tilespmem:s20+$0x36F0]  }
0x443: {  	[tilespmem:s20+$0x9370] =	vst v22;
	v55 =	vmul.f32 v51, v46;
	v5 =	vld [tilespmem:s20+$0x46E0];
	v2 =	vadd.f32 v2, v10;
	v10 =	vmul.f32 v15, v18  }
0x444: {  	[tilespmem:s20+$0x9350] =	vst v17;
	v50 =	vsel vm11, $0x3F800000, v13;
	v51 =	vmul.f32 v52, v46;
	v52 =	vmul.f32 v57, v46  }
0x445: {  	[tilespmem:s20+$0x9360] =	vst v20;
	v59 =	vsel vm13, $0x3F800000, v13;
	v8 =	vmul.f32 v61, v8;
	v60 =	vperm.xlane v10, v0  }
0x446: {  	[tilespmem:s20+$0x9380] =	vst v21;
	v20 =	vand.u32 $0x7, v62;
	v15 =	vmul.f32 v59, v46;
	v59 =	vperm.xlane v2, v7  }
0x447: {  	[tilespmem:s20+$0x9390] =	vst v23;
	v4 =	vmul.f32 v6, v4;
	v6 =	vperm.xlane v8, v0;
	v10 =	vadd.f32 v60, v10  }
0x448: {  	[tilespmem:s20+$0x93E0] =	vst v28;
	v14 =	vmul.f32 v50, v46;
	v5 =	vmul.f32 v5, v63;
	v2 =	vadd.f32 v59, v2  }
0x449: {  	[tilespmem:s20+$0x93A0] =	vst v24;
	v6 =	vadd.f32 v6, v8;
	v8 =	vperm.xlane v4, v0;
	v49 =	vperm.xlane v10, v1  }
0x44a: {  	[tilespmem:s20+$0x93B0] =	vst v25;
	v3 =	vmax.f32 v3, $-5.000000000e+00;
	v62 =	vperm.xlane v5, v0;
	v63 =	vperm.xlane v2, v9  }
0x44b: {  	[tilespmem:s20+$0x93C0] =	vst v27;
	v61 =	vld [tilespmem:s20+$0x5640];
	v4 =	vadd.f32 v8, v4;
	v8 =	vperm.xlane v6, v1;
	v10 =	vadd.f32 v49, v10  }
0x44c: {  	[tilespmem:s20+$0x93D0] =	vst v26;
	v3 =	vmin.f32 v3, $5.000000000e+00;
	v5 =	vadd.f32 v62, v5;
	v2 =	vadd.f32 v63, v2  }
0x44d: {  	[tilespmem:s20+$0x93F0] =	vst v29;
	v6 =	vadd.f32 v8, v6;
	v8 =	vperm.xlane v4, v1;
	v59 =	vperm.xlane v10, v7  }
0x44e: {  	[tilespmem:s20+$0x9400] =	vst v30;
	v3 =	vmul.f32 $1.442695020e+00, v3;
	v57 =	vperm.xlane v5, v1;
	v2 =	vmax.f32 v2, $-5.000000000e+00  }
0x44f: {  	[tilespmem:s20+$0x9420] =	vst v32;
	v50 =	vpop (erf);
	v4 =	vadd.f32 v8, v4;
	v8 =	vperm.xlane v6, v7;
	v10 =	vadd.f32 v59, v10  }
0x450: {  	[tilespmem:s20+$0x9430] =	vst v33;
	v24 =	vmul.f32 v50, v61;
	v5 =	vadd.f32 v57, v5;
	v2 =	vmin.f32 v2, $5.000000000e+00  }
0x451: {  	[tilespmem:s20+$0x9440] =	vst v35;
	v61 =	vld [tilespmem:s20+$0x5650];
	v6 =	vadd.f32 v8, v6;
	v8 =	vperm.xlane v4, v7;
	v27 =	vperm.xlane v10, v9  }
0x452: {  	[tilespmem:s20+$0x9410] =	vst v31;
	v2 =	vmul.f32 $1.442695020e+00, v2;
	v60 =	vperm.xlane v5, v7  }
0x453: {  	[tilespmem:s20+$0x9460] =	vst v36;
	(erf) = vpow2.f32 v3;
	v4 =	vadd.f32 v8, v4;
	v8 =	vperm.xlane v6, v9  }
0x454: {  	[tilespmem:s20+$0x9470] =	vst v37;
	v3 =	vld [tilespmem:s20+$0x5660];
	(erf) = vpow2.f32 v2;
	v5 =	vadd.f32 v60, v5  }
0x455: {  	[tilespmem:s20+$0x8600] =	vst v53;
	v62 =	vld [tilespmem:s20+$0x5670];
	v10 =	vadd.f32 v27, v10;
	v6 =	vadd.f32 v8, v6;
	v8 =	vperm.xlane v4, v9;
	v27 =	vpop (erf)  }
0x456: {  	[tilespmem:s20+$0x8610] =	vst v54;
	v2 =	vperm.xlane v5, v9;
	v26 =	vmul.f32 v27, v61  }
0x457: {  	v37 =	vlaneseq.u32;
	[tilespmem:s20+$0x8620] =	vst v58  }
0x458: {  	v48 =	vsel vm14, $0x3F800000, v13;
	vm4 =	veq.s32 v20, $0x0;
	v2 =	vadd.f32 v2, v5;
	v5 =	vpop (erf);
	[tilespmem:s20+$0x8650] =	vst v26;
	v26 =	vld [tilespmem:$0x1FFD0]  }
0x459: {  	[tilespmem:s20+$0x8630] =	vst v12;
	v10 =	vmax.f32 v10, $-5.000000000e+00;
	v4 =	vadd.f32 v8, v4;
	v3 =	vmul.f32 v5, v3;
	v8 =	vpop (erf)  }
0x45a: {  	v32 =	vld [tilespmem:$0x1FFE0];
	vm5 =	veq.s32 v20, $0x1;
	[tilespmem:s20+$0x8640] =	vst v24;
	v10 =	vmin.f32 v10, $5.000000000e+00;
	v23 =	vmul.f32 v8, v62  }
0x45b: {  	vm6 =	veq.s32 v20, $0x2;
	v6 =	vmax.f32 v6, $-5.000000000e+00;
	v10 =	vmul.f32 $1.442695020e+00, v10;
	[tilespmem:s20+$0x8660] =	vst v3  }
0x45c: {  	v36 =	vld [tilespmem:$0x1FFF0];
	vm7 =	veq.s32 v20, $0x3;
	vm8 =	veq.s32 v20, $0x4;
	v6 =	vmin.f32 v6, $5.000000000e+00;
	[tilespmem:s20+$0x8670] =	vst v23  }
0x45d: {  	[tilespmem:s20+$0x9450] =	vst v34;
	v2 =	vmax.f32 v2, $-5.000000000e+00;
	(erf) = vpow2.f32 v10;
	v10 =	vld [tilespmem:s21+$0xA380];
	v23 =	vmul.f32 v26, v50  }
0x45e: {  	v34 =	vld [tilespmem:$0x1FF90];
	[tilespmem:s20+$0x9480] =	vst v39;
	vm9 =	veq.s32 v20, $0x5;
	v6 =	vmul.f32 $1.442695020e+00, v6;
	v2 =	vmin.f32 v2, $5.000000000e+00  }
0x45f: {  	[tilespmem:s20+$0x9490] =	vst v38;
	v25 =	vmul.f32 v32, v27;
	v2 =	vmul.f32 $1.442695020e+00, v2;
	v23 =	vadd.f32 v23, v56  }
0x460: {  	v35 =	vld [tilespmem:$0x1FFA0];
	[tilespmem:s20+$0x94A0] =	vst v40;
	s22 =	sadd.s32 $0xFFFFFFF6, s11;
	v5 =	vmul.f32 v11, v5;
	v4 =	vmax.f32 v4, $-5.000000000e+00;
	(erf) = vpow2.f32 v6  }
0x461: {  	[tilespmem:s20+$0x94C0] =	vst v41;
	v27 =	vld [tilespmem:s20+$0x5690];
	v6 =	vmov s22;
	(erf) = vpow2.f32 v2;
	v2 =	vadd.f32 v25, v23  }
0x462: {  	[tilespmem:s20+$0x94D0] =	vst v43;
	vm10 =	veq.s32 v20, $0x6;
	v4 =	vmin.f32 v4, $5.000000000e+00;
	v41 =	vpop (erf);
	v6 =	vperm.xlane v10, v6  }
0x463: {  	[tilespmem:s20+$0x94F0] =	vst v45;
	v45 =	vmul.f32 v34, v41;
	v2 =	vadd.f32 v5, v2;
	v5 =	vmul.f32 v36, v8  }
0x464: {  	[tilespmem:s20+$0x94B0] =	vst v42;
	vm11 =	veq.s32 v20, $0x7;
	v4 =	vmul.f32 $1.442695020e+00, v4;
	v8 =	vshll.u32 v6, $0x3  }
0x465: {  	v33 =	vld [tilespmem:s20+$0x5680];
	[tilespmem:s20+$0x94E0] =	vst v44;
	v29 =	vpop (erf);
	v20 =	vadd.f32 $0.0e+00, v45;
	v8 =	vand.u32 $0x8, v8;
	v2 =	vadd.f32 v5, v2  }
0x466: {  	v43 =	vld [tilespmem:s20+$0x56D0];
	[tilespmem:s20+$0x9500] =	vst v55;
	v5 =	vsub.s32 v37, v8;
	v8 =	vmul.f32 v29, v27;
	v29 =	vmul.f32 v35, v29  }
0x467: {  	[tilespmem:s20+$0x9510] =	vst v51;
	v30 =	vpop (erf);
	(erf) = vpow2.f32 v4;
	v10 =	vld [tilespmem:s20+$0x56A0]  }
0x468: {  	v21 =	vsel vm15, $0x3F800000, v13;
	[tilespmem:s20+$0x9520] =	vst v52;
	v31 =	vpop (erf);
	v20 =	vadd.f32 v29, v20;
	v29 =	vld [tilespmem:$0x1FFB0]  }
0x469: {  	v28 =	vld [tilespmem:s20+$0x56C0];
	v22 =	vsel vm4, $0x3F800000, v13;
	v17 =	vsel vm6, $0x3F800000, v13;
	[tilespmem:s20+$0x9530] =	vst v14;
	v3 =	vmul.f32 v48, v46;
	v48 =	vpop (erf)  }
0x46a: {  	v40 =	vld [tilespmem:s20+$0x56B0];
	v19 =	vsel vm7, $0x3F800000, v13;
	v38 =	vmul.f32 v22, v47;
	[tilespmem:s20+$0x9550] =	vst v15;
	v42 =	vmul.f32 v41, v33;
	v49 =	vpop (erf)  }
0x46b: {  	v39 =	vsel vm10, $0x3F800000, v13;
	v17 =	vmul.f32 v17, v47;
	[tilespmem:s20+$0x9560] =	vst v3;
	v50 =	vmul.f32 v49, v43;
	v27 =	vld [tilespmem:s20+$0x56E0]  }
0x46c: {  	v12 =	vsel vm8, $0x3F800000, v13;
	[tilespmem:s20+$0x8680] =	vst v42;
	v4 =	vmul.f32 v21, v46;
	v46 =	vld [tilespmem:s20+$0x56F0];
	v10 =	vmul.f32 v30, v10  }
0x46d: {  	v55 =	vsel vm11, $0x3F800000, v13;
	v12 =	vmul.f32 v12, v47;
	[tilespmem:s20+$0x86D0] =	vst v50;
	v51 =	vmul.f32 v29, v30;
	v30 =	vld [tilespmem:$0x1FFC0]  }
0x46e: {  	v15 =	vmul.f32 v39, v47;
	v32 =	vld [tilespmem:$0x1FFE0];
	v44 =	vshra.s32 v5, $0x3;
	[tilespmem:s20+$0x86A0] =	vst v10;
	v10 =	vmul.f32 v48, v28  }
0x46f: {  	v2 =	vperm.xlane v2, v5;
	v5 =	vsub.s32 $0x0, v44;
	[tilespmem:s20+$0x8690] =	vst v8;
	v8 =	vmul.f32 v31, v40;
	v28 =	vpop (erf)  }
0x470: {  	v63 =	vsel vm9, $0x3F800000, v13;
	v5 =	vmin.u32 v44, v5;
	[tilespmem:s20+$0x86C0] =	vst v10;
	v10 =	vmul.f32 v28, v27;
	v27 =	vpop (erf)  }
0x471: {  	v14 =	vmul.f32 v63, v47;
	[tilespmem:s20+$0x86B0] =	vst v8;
	v5 =	vxor.u32 $0x1, v5;
	v52 =	vmul.f32 v27, v46  }
0x472: {  	v18 =	vsel vm5, $0x3F800000, v13;
	v5 =	vcvt.s32.f32 v5;
	[tilespmem:s20+$0x86E0] =	vst v10;
	v53 =	vmul.f32 v30, v31;
	v31 =	vld [tilespmem:$0x1FFD0]  }
0x473: {  	v3 =	vmul.f32 v55, v47;
	v6 =	vshrl.u32 v6, $0x1;
	v61 =	vmul.f32 v32, v49;
	[tilespmem:s20+$0x86F0] =	vst v52  }
0x474: {  	v8 =	vmul.f32 v18, v47;
	v2 =	vmul.f32 v5, v2;
	v5 =	vand.u32 $0x7, v6;
	v6 =	vld [tilespmem:s21+$0xA380]  }
0x475: {  	v10 =	vmul.f32 v19, v47;
	vm12 =	veq.s32 v5, $0x0;
	v20 =	vadd.f32 v51, v20  }
0x476: {  	[tilespmem:s20+$0x9540] =	vst v16;
	vm13 =	veq.s32 v5, $0x1;
	vm14 =	veq.s32 v5, $0x2;
	vm15 =	veq.s32 v5, $0x3  }
0x477: {  	[tilespmem:s20+$0x9580] =	vst v38;
	vm4 =	veq.s32 v5, $0x4;
	s21 =	sadd.s32 $0xFFFFFFF7, s11;
	v54 =	vadd.f32 v53, v20;
	v57 =	vmul.f32 v31, v48  }
0x478: {  	[tilespmem:s20+$0x95A0] =	vst v17;
	vm5 =	veq.s32 v5, $0x5;
	vm6 =	veq.s32 v5, $0x6;
	v59 =	vmov s21  }
0x479: {  	[tilespmem:s20+$0x9570] =	vst v4;
	vm7 =	veq.s32 v5, $0x7;
	v6 =	vperm.xlane v6, v59;
	v4 =	vadd.f32 v57, v54  }
0x47a: {  	[tilespmem:s20+$0x9590] =	vst v8;
	v56 =	vsel vm12, $0x3F800000, v13;
	v60 =	vsel vm13, $0x3F800000, v13;
	v8 =	vsel vm14, $0x3F800000, v13  }
0x47b: {  	[tilespmem:s20+$0x95B0] =	vst v10;
	v10 =	vmul.f32 v11, v28;
	v63 =	vshll.u32 v6, $0x3;
	v4 =	vadd.f32 v61, v4  }
0x47c: {  	[tilespmem:s20+$0x95C0] =	vst v12;
	v62 =	vsel vm15, $0x3F800000, v13;
	v12 =	vsel vm4, $0x3F800000, v13;
	v19 =	vand.u32 $0x8, v63  }
0x47d: {  	[tilespmem:s20+$0x95D0] =	vst v14;
	v14 =	vsub.s32 v37, v19;
	v4 =	vadd.f32 v10, v4;
	v10 =	vmul.f32 v36, v27  }
0x47e: {  	[tilespmem:s20+$0x95F0] =	vst v3;
	v3 =	vsel vm6, $0x3F800000, v13;
	v58 =	vmul.f32 v56, v2;
	v19 =	vshra.s32 v14, $0x3  }
0x47f: {  	[tilespmem:s20+$0x95E0] =	vst v15;
	v16 =	vmul.f32 v60, v2;
	v4 =	vadd.f32 v10, v4;
	v10 =	vsub.s32 $0x0, v19  }
0x480: {  	v8 =	vmul.f32 v8, v2;
	v3 =	vmul.f32 v3, v2;
	[tilespmem:s20+$0x9600] =	vst v58;
	v5 =	vmin.u32 v19, v10  }
0x481: {  	[tilespmem:s20+$0x9610] =	vst v16;
	v6 =	vshrl.u32 v6, $0x1;
	v10 =	vmul.f32 v62, v2;
	v5 =	vxor.u32 $0x1, v5  }
0x482: {  	[tilespmem:s20+$0x9620] =	vst v8;
	v6 =	vand.u32 $0x7, v6;
	v4 =	vperm.xlane v4, v14;
	v5 =	vcvt.s32.f32 v5  }
0x483: {  	v15 =	vsel vm5, $0x3F800000, v13;
	v8 =	vmul.f32 v12, v2;
	[tilespmem:s20+$0x9660] =	vst v3;
	vm8 =	veq.s32 v6, $0x0  }
0x484: {  	[tilespmem:s20+$0x9630] =	vst v10;
	v10 =	vmul.f32 v15, v2;
	v4 =	vmul.f32 v5, v4;
	v5 =	vsel vm7, $0x3F800000, v13  }
0x485: {  	[tilespmem:s20+$0x9640] =	vst v8;
	vm9 =	veq.s32 v6, $0x1;
	v2 =	vmul.f32 v5, v2;
	v5 =	vsel vm8, $0x3F800000, v13  }
0x486: {  	vm10 =	veq.s32 v6, $0x2;
	[tilespmem:s20+$0x9650] =	vst v10;
	v3 =	vmul.f32 v5, v4;
	v5 =	vsel vm9, $0x3F800000, v13  }
0x487: {  	vm11 =	veq.s32 v6, $0x3;
	[tilespmem:s20+$0x9670] =	vst v2;
	v2 =	vmul.f32 v5, v4;
	v5 =	vsel vm10, $0x3F800000, v13  }
0x488: {  	vm12 =	veq.s32 v6, $0x4;
	[tilespmem:s20+$0x9680] =	vst v3;
	v3 =	vmul.f32 v5, v4;
	v5 =	vsel vm11, $0x3F800000, v13  }
0x489: {  	vm13 =	veq.s32 v6, $0x5;
	[tilespmem:s20+$0x9690] =	vst v2;
	v2 =	vmul.f32 v5, v4;
	v5 =	vsel vm12, $0x3F800000, v13  }
0x48a: {  	p1 =	slt.u32 s11, $0x18;
	vm14 =	veq.s32 v6, $0x6;
	[tilespmem:s20+$0x96A0] =	vst v3;
	v3 =	vmul.f32 v5, v4;
	v5 =	vsel vm13, $0x3F800000, v13  }
.Ltmp3:
0x48b: {  	vm15 =	veq.s32 v6, $0x7;
	[tilespmem:s20+$0x96B0] =	vst v2;
	v2 =	vmul.f32 v5, v4;
	v5 =	vsel vm14, $0x3F800000, v13;
	(pc) =	sbr.rel @p1 .LBB2_5-.Ltmp3, $4  }
0x48c: {  	[tilespmem:s20+$0x96C0] =	vst v3;
	v3 =	vmul.f32 v5, v4;
	v5 =	vsel vm15, $0x3F800000, v13  }
0x48d: {  	[tilespmem:s20+$0x96D0] =	vst v2;
	v2 =	vmul.f32 v5, v4  }
0x48e: {  	s22 =	sadd.s32 $0x8, s11;
	[tilespmem:s20+$0x96E0] =	vst v3  }
0x48f: {  	v33 =	vmov v11;
	s11 =	smov.u32 s22;
	[tilespmem:s20+$0x96F0] =	vst v2  }
.Ltmp4:
0x490: {  	(pc) =	sbr.rel @p0 .LBB2_8-.Ltmp4, $2  }
0x491: {  	_ =	sdelay $0x2  }
0x492: {  	[spmem:s2] =	stream.indirect.scatter.add.f32 [tilespmem:s16], [sflag:$0x6], $0x80, s15, s10, $0xb8;
	[tilespmem:$0x1F400] =	vst v63  }
0x493: {  	_ =	swait.ge [sflag:s29], $0x20  }
0x494: {  	[sflag:s29] =	ssyncset.done $0x0  }
0x495: {  	[sflag:s29] =	ssyncadd.s32 $0xFFFFFFE0  }
0x496: {  	_ =	swait.ge [sflag:s29], $0x20  }
0x497: {  	[sflag:s29] =	ssyncset.done $0x0  }
0x498: {  	[sflag:s29] =	ssyncadd.s32 $0xFFFFFFE0  }
0x499: {  	_ =	swait.ge [sflag:s29], $0x20  }
0x49a: {  	[sflag:s29] =	ssyncset.done $0x0  }
0x49b: {  	[sflag:s29] =	ssyncadd.s32 $0xFFFFFFE0  }
0x49c: {  	[tilespmem:s0], [sflag:$0x4] =	stream.indirect.gather [hbm4b:s1+s31], $0x80, s26, s31, $0xb8;
	[tilespmem:$0x1F400] =	vst v63  }
.Ltmp5:
0x49d: {  	_ = 	snop;
	(pc) =	sbr.rel .LBB2_2-.Ltmp5, $4  }
0x49e: {  	_ = 	snop  }
0x49f: {  	[tilespmem:s8], [sflag:$0x4] =	stream.indirect.gather [hbm4b:s4+s31], $0x80, s28, s31, $0xb8;
	[tilespmem:$0x1F400] =	vst v63  }
0x4a0: {  	s17 =	sadd.s32 $0x1, s17  }
0x4a1: {  	[tilespmem:s25], [sflag:$0x4] =	stream.indirect.gather [hbm4b:s5+s31], $0x80, s26, s31, $0xb8;
	[tilespmem:$0x1F400] =	vst v63  }
.LBB2_9:
0x4a2: {  	_ =	sfence.sel $0x180000  }
0x4a3: {  	[bflag:$0x0] =	sbarrier.arrive $0xFFFF  }
0x4a4: {  	_ =	strace $0x90000047  }
0x4a5: {  	s0 =	stileid.u32;
	[bflag:$0x2] =	sbarrier.arrive $0xFFFF  }
0x4a6: {  	p0 =	sne.s32 s0, $0x0;
	s0 =	rddreg [dreg:$0x3]  }
0x4a7: {  	s0 =	sadd.s32 @!p0 $0x100000, s0  }
0x4a8: {  	[sflag:s0] =	ssyncadd.tile.s32 @!p0 $0x1;
	_ =	shalt  }
.Lfunc_end2:
_tile_overlayer_lowered:
.L_overlay_start_2:
0x4a9: {  	(tag) =	ssettag $0x2  }
0x4aa: {  	s0 =	rddreg [dreg:$0x0];
	s2 =	stileid.u32  }
0x4ab: {  	s1 =	rddreg [dreg:$0x1];
	p0 =	sne.s32 s2, $0x0  }
0x4ac: {  	s3 =	rddreg [dreg:$0x2];
	[bflag:$0x3] =	sbarrier.arrive $0xFFFF;
	s2 =	simm.s32 @!p0 $0x1C07  }
0x4ad: {  	[timem:s3], [sflag:s2] =	dma.local @!p0 [hbm:s0], s1  }
0x4ae: {  	s0 =	simm.s32 @!p0 $0x7  }
0x4af: {  	_ =	swait.ge @!p0 [sflag:s0], s1  }
0x4b0: {  	s1 =	ssub.s32 @!p0 $0x0, s1;
	[sflag:s0] =	ssyncset.done @!p0 $0x0  }
0x4b1: {  	[sflag:s0] =	ssyncadd.s32 @!p0 s1  }
0x4b2: {  	[bflag:$0x3] =	sbarrier.arrive $0xFFFF  }
0x4b3: {  	_ =	shalt  }

</sc_bundles>
